<compile_context>
chip_gen: v7x
topology: tpu7x:2x2x1
jax: 0.10.2.dev20260603
libtpu: 0.0.44.dev20260713+nightly
codegen_flags: <defaults>
</compile_context>

<pallas_src>
import functools

import jax
import jax.numpy as jnp
from jax import lax
from jax.experimental import pallas as pl
from jax.experimental.pallas import tpu as pltpu
from jax.experimental.pallas import tpu_sc as plsc

_VOCAB = 100000
_HIDDEN = 128
_MASK_ID = 103
_K = 5
_NSLOT = 8

_TB = 128
_VC = 8192
_NEG = -1.0
_BIGI = jnp.iinfo(jnp.int32).max


def _sigmoid(x):
    e = jnp.exp(-jnp.abs(x))
    return jnp.where(x >= 0, 1.0 / (1.0 + e), e / (1.0 + e))


_BIGF = 1.0e9


def _tc_body(xt_ref, p_ref, sa_ref, sb_ref, ss_ref, gi_ref, gw_ref,
             rv, ri, ea, il):
    v = pl.program_id(1)
    nv = pl.num_programs(1)

    @pl.when(v == 0)
    def _init():
        rv[...] = jnp.full((_TB, _NSLOT), _NEG, jnp.float32)
        ri[...] = jnp.full((_TB, _NSLOT), _BIGF, jnp.float32)
        ea[...] = jnp.zeros((_TB, 1), jnp.float32)
        il[...] = lax.broadcasted_iota(jnp.int32, (1, _VC), 1).astype(
            jnp.float32)

    def extract5(cv, ci):
        vs, idxs = [], []
        for _ in range(_K):
            m = jnp.max(cv, axis=1, keepdims=True)
            pos = jnp.min(jnp.where(cv == m, ci, _BIGF), axis=1,
                          keepdims=True)
            vs.append(m)
            idxs.append(pos)
            cv = jnp.where(ci == pos, _NEG, cv)
        return vs, idxs

    def merge(vs, idxs):
        base = jnp.float32(v * _VC)
        pad_v = jnp.full((_TB, 1), _NEG, jnp.float32)
        pad_i = jnp.full((_TB, 1), _BIGF, jnp.float32)
        cat_v = jnp.concatenate([rv[...]] + vs + [pad_v] * (_NSLOT - _K),
                                axis=1)
        cat_i = jnp.concatenate([ri[...]] + [i + base for i in idxs]
                                + [pad_i] * (_NSLOT - _K), axis=1)
        return extract5(cat_v, cat_i)

    def commit(mvs, mis):
        pad_v = jnp.full((_TB, 1), _NEG, jnp.float32)
        pad_i = jnp.full((_TB, 1), _BIGF, jnp.float32)
        rv[...] = jnp.concatenate(mvs + [pad_v] * (_NSLOT - _K), axis=1)
        ri[...] = jnp.concatenate(mis + [pad_i] * (_NSLOT - _K), axis=1)

    def process(w0, lposf, edge):
        pz = jnp.maximum(w0, 0.0) if edge else w0
        lg = jnp.log(jnp.maximum(w0, 1e-30))
        ea[...] -= jnp.sum(pz * lg, axis=1, keepdims=True)

        ng = _VC // 128
        m1 = w0[:, :128]
        p1 = jnp.broadcast_to(lposf[:, :128], (_TB, 128))
        m2 = jnp.full((_TB, 128), _NEG, jnp.float32)
        p2 = jnp.full((_TB, 128), _BIGF, jnp.float32)
        for g in range(1, ng):
            s = w0[:, g * 128:(g + 1) * 128]
            sp = lposf[:, g * 128:(g + 1) * 128]
            b1 = s > m1
            b2 = s > m2
            m2n = jnp.where(b1, m1, jnp.where(b2, s, m2))
            p2n = jnp.where(b1, p1, jnp.where(b2, sp, p2))
            m1 = jnp.where(b1, s, m1)
            p1 = jnp.where(b1, sp, p1)
            m2, p2 = m2n, p2n
        cand_v = jnp.concatenate([m1, m2], axis=1)
        cand_i = jnp.concatenate([p1, p2], axis=1)
        vsf, idf = extract5(cand_v, cand_i)
        mvs, mis = merge(vsf, idf)

        tau = mvs[_K - 1]
        cnt_all = jnp.sum(jnp.where(w0 >= tau, 1.0, 0.0), axis=1,
                          keepdims=True)
        cnt_rep = jnp.sum(jnp.where(cand_v >= tau, 1.0, 0.0), axis=1,
                          keepdims=True)
        bad = jnp.max(cnt_all - cnt_rep)

        @pl.when(bad == 0.0)
        def _fast():
            commit(mvs, mis)

        @pl.when(bad != 0.0)
        def _slow():
            vs2, id2 = extract5(w0, jnp.broadcast_to(lposf, w0.shape))
            mvs2, mis2 = merge(vs2, id2)
            commit(mvs2, mis2)

    @pl.when(v < nv - 1)
    def _full_chunk():
        process(p_ref[...], il[...], False)

    @pl.when(v == nv - 1)
    def _edge_chunk():
        lposf = il[...]
        lim = jnp.float32(_VOCAB - (nv - 1) * _VC)
        process(jnp.where(lposf < lim, p_ref[...], _NEG), lposf, True)

    @pl.when(v == nv - 1)
    def _finalize():
        li = lax.broadcasted_iota(jnp.int32, (_TB, _NSLOT), 1)
        tv = rv[...]
        ti = ri[...].astype(jnp.int32)
        s = jnp.sum(jnp.where(li < _K, tv, 0.0), axis=1, keepdims=True)
        pn = tv / (s + 1e-10)
        a = sa_ref[0, 0]
        b = sb_ref[0, 0]
        sg = ss_ref[0, 0]
        lam = sg * _sigmoid(a * (-ea[...] - b))
        xt = xt_ref[...]
        ism = xt == _MASK_ID
        w_mask = jnp.where(li < _K, lam * pn,
                           jnp.where(li == _K, 1.0 - lam, 0.0))
        w_real = jnp.where(li == 0, 1.0, 0.0)
        gw_ref[...] = jnp.where(ism, w_mask, w_real)
        i_mask = jnp.where(li < _K, ti,
                           jnp.where(li == _K, _MASK_ID, 0))
        i_real = jnp.where(li == 0, xt, 0)
        gi_ref[...] = jnp.where(ism, i_mask, i_real)


def _tc_stage(xt2, p2, sa, sb, sg):
    n = xt2.shape[0]
    nt = n // _TB
    nv = pl.cdiv(_VOCAB, _VC)
    grid = (nt, nv)
    return pl.pallas_call(
        _tc_body,
        grid=grid,
        in_specs=[
            pl.BlockSpec((_TB, 1), lambda t, v: (t, 0)),
            pl.BlockSpec((_TB, _VC), lambda t, v: (t, v)),
            pl.BlockSpec(memory_space=pltpu.SMEM),
            pl.BlockSpec(memory_space=pltpu.SMEM),
            pl.BlockSpec(memory_space=pltpu.SMEM),
        ],
        out_specs=[
            pl.BlockSpec((_TB, _NSLOT), lambda t, v: (t, 0)),
            pl.BlockSpec((_TB, _NSLOT), lambda t, v: (t, 0)),
        ],
        out_shape=[
            jax.ShapeDtypeStruct((n, _NSLOT), jnp.int32),
            jax.ShapeDtypeStruct((n, _NSLOT), jnp.float32),
        ],
        scratch_shapes=[
            pltpu.VMEM((_TB, _NSLOT), jnp.float32),
            pltpu.VMEM((_TB, _NSLOT), jnp.float32),
            pltpu.VMEM((_TB, 1), jnp.float32),
            pltpu.VMEM((1, _VC), jnp.float32),
        ],
        compiler_params=pltpu.CompilerParams(
            dimension_semantics=("parallel", "arbitrary")),
    )(xt2, p2, sa, sb, sg)


def _sc_combine(table, gi_flat, w_r, n):
    info = plsc.get_sparse_core_info()
    nc, ns, nl = info.num_cores, info.num_subcores, info.num_lanes
    nw = nc * ns
    tpw = n // nw
    mesh = plsc.VectorSubcoreMesh(core_axis_name="c", subcore_axis_name="s")

    @functools.partial(
        pl.kernel,
        mesh=mesh,
        out_type=jax.ShapeDtypeStruct((n, _HIDDEN), jnp.float32),
        scratch_types=[
            pltpu.VMEM((_NSLOT * tpw,), jnp.int32),
            pltpu.VMEM((_NSLOT, tpw, _HIDDEN), jnp.float32),
            pltpu.VMEM((_NSLOT, tpw, _HIDDEN), jnp.float32),
            pltpu.VMEM((tpw, _HIDDEN), jnp.float32),
            pltpu.SemaphoreType.DMA,
        ],
    )
    def k(tab_hbm, gi_hbm, w_hbm, out_hbm, idx_v, w_v, rows_v, out_v, sem):
        wid = lax.axis_index("s") * nc + lax.axis_index("c")
        base = wid * tpw
        pltpu.sync_copy(gi_hbm.at[pl.ds(wid * _NSLOT * tpw, _NSLOT * tpw)],
                        idx_v)
        pltpu.sync_copy(w_hbm.at[wid], w_v)
        for s in range(_NSLOT):
            pltpu.async_copy(tab_hbm.at[idx_v.at[pl.ds(s * tpw, tpw)]],
                             rows_v.at[s], sem).wait()

        def body(j, carry):
            for c in range(_HIDDEN // nl):
                sl = pl.ds(c * nl, nl)
                acc = w_v[0, j, sl] * rows_v[0, j, sl]
                for s in range(1, _NSLOT):
                    acc = acc + w_v[s, j, sl] * rows_v[s, j, sl]
                out_v[j, sl] = acc
            return carry

        lax.fori_loop(0, tpw, body, 0)
        pltpu.sync_copy(out_v, out_hbm.at[pl.ds(base, tpw)])

    return k(table, gi_flat, w_r)


def kernel(x_t, probs, embedding_weight, omega_s, omega_a, omega_b):
    bsz, seq = x_t.shape
    n = bsz * seq
    p2 = probs.reshape(n, _VOCAB)
    xt2 = x_t.reshape(n, 1).astype(jnp.int32)
    sg = jax.nn.sigmoid(omega_s).astype(jnp.float32).reshape(1, 1)
    sa = jax.nn.softplus(omega_a).astype(jnp.float32).reshape(1, 1)
    sb = (-jax.nn.softplus(omega_b)).astype(jnp.float32).reshape(1, 1)
    gi, gw = _tc_stage(xt2, p2, sa, sb, sg)
    info = plsc.get_sparse_core_info()
    nw = info.num_cores * info.num_subcores
    tpw = n // nw
    gi_flat = gi.reshape(nw, tpw, _NSLOT).transpose(0, 2, 1).reshape(-1)
    gw_r = gw.reshape(nw, tpw, _NSLOT).transpose(0, 2, 1)
    w_r = jnp.broadcast_to(gw_r[..., None], (nw, _NSLOT, tpw, _HIDDEN))
    out = _sc_combine(embedding_weight, gi_flat, w_r, n)
    return out.reshape(bsz, seq, _HIDDEN)

# --- scband reference (transcript-rebuilt; emitter-appended) ---
"""Pipeline reference for scband-soft-masking-module-21689584845637 (READ-ONLY COPY).

The authoritative reference and input builder live on the scoring server;
editing this copy changes nothing except your own understanding.
"""

import jax, jax.numpy as jnp
import numpy as np

VOCAB = 100000
HIDDEN = 128
MASK_ID = 103
K = 5


def _entr(p):
    # torch.special.entr: -p*log(p) for p>0, 0 at p==0, -inf for p<0
    return jnp.where(p > 0, -p * jnp.log(jnp.where(p > 0, p, 1.0)),
                     jnp.where(p == 0, 0.0, -jnp.inf))


def setup_inputs(seed: int = 0) -> dict:
    key = jax.random.key(seed)
    k1, k2, k3 = jax.random.split(key, 3)
    x_t = jax.random.randint(k1, (32, 32), 0, VOCAB, dtype=jnp.int64) if jax.config.jax_enable_x64 else jax.random.randint(k1, (32, 32), 0, VOCAB, dtype=jnp.int32)
    probs = jax.random.uniform(k2, (32, 32, VOCAB), dtype=jnp.float32)
    embedding_weight = jax.random.normal(k3, (VOCAB, HIDDEN), dtype=jnp.float32)
    omega_s = jnp.asarray(-1.0, dtype=jnp.float32)
    omega_a = jnp.asarray(0.0, dtype=jnp.float32)
    omega_b = jnp.asarray(0.0, dtype=jnp.float32)
    return {"x_t": x_t, "probs": probs, "embedding_weight": embedding_weight,
            "omega_s": omega_s, "omega_a": omega_a, "omega_b": omega_b}


def reference(x_t, probs, embedding_weight, omega_s, omega_a, omega_b):
    # is_mask
    is_mask = (x_t == MASK_ID)[..., None]
    # real embeddings (gather)
    real_embeds = jnp.take(embedding_weight, x_t, axis=0)
    # mask token embedding
    mask_vector = embedding_weight[MASK_ID]
    # top-k feedback embeddings
    topk_probs, topk_indices = jax.lax.top_k(probs, K)
    topk_probs_norm = topk_probs / (jnp.sum(topk_probs, axis=-1, keepdims=True) + 1e-10)
    topk_embeds = jnp.take(embedding_weight, topk_indices, axis=0)  # (B,S,K,H)
    feedback_embeds = jnp.sum(topk_embeds * topk_probs_norm[..., None], axis=2)
    # lambda mixing coefficient
    entropy = jnp.sum(_entr(probs), axis=-1)
    real_omega_s = jax.nn.sigmoid(omega_s)
    real_omega_a = jax.nn.softplus(omega_a)
    real_omega_b = -jax.nn.softplus(omega_b)
    inner = real_omega_a * (-entropy - real_omega_b)
    lam = (real_omega_s * jax.nn.sigmoid(inner))[..., None]
    soft_mask_embeds = lam * feedback_embeds + (1.0 - lam) * mask_vector
    final_embeds = jnp.where(is_mask, soft_mask_embeds, real_embeds)
    return final_embeds

if __name__ == "__main__":
    import jax
    _d = setup_inputs()
    print(jax.jit(kernel)(*tuple(_d.values())))

</pallas_src>

<mosaic_0001>
#map = affine_map<(d0, d1) -> (0, 0)>
#map1 = affine_map<(d0, d1) -> (0)>
#map2 = affine_map<(d0, d1) -> (0, 0, 0, 0)>
module attributes {stable_mosaic.version = 14 : i64} {
  func.func @k(%arg0: i32, %arg1: i32, %arg2: memref<100000x128xf32, #tpu.memory_space<hbm>>, %arg3: memref<8192xi32, #tpu.memory_space<hbm>>, %arg4: memref<32x8x32x128xf32, #tpu.memory_space<hbm>>, %arg5: memref<1024x128xf32, #tpu.memory_space<hbm>>, %arg6: memref<256xi32, #tpu.memory_space<vmem>>, %arg7: memref<8x32x128xf32, #tpu.memory_space<vmem>>, %arg8: memref<8x32x128xf32, #tpu.memory_space<vmem>>, %arg9: memref<32x128xf32, #tpu.memory_space<vmem>>, %arg10: memref<!tpu.dma_semaphore, #tpu.memory_space<semaphore_mem>>) attributes {dimension_semantics = [#tpu.dimension_semantics<core_parallel>, #tpu.dimension_semantics<subcore_parallel>], iteration_bounds = array<i64: 2, 16>, scalar_prefetch = 0 : i64, scratch_operands = 5 : i64, tpu.core_type = #tpu.core_type<sc_vector_subcore>, window_params = [{transform_indices = #map}, {transform_indices = #map1}, {transform_indices = #map2}, {transform_indices = #map}]} {
    %mul3A = arith.constant 2 : i32
    %mul3A_0 = arith.muli %arg1, %mul3A : i32
    %add3A = arith.addi %mul3A_0, %arg0 : i32
    %mul3A_1 = arith.constant 32 : i32
    %mul3A_2 = arith.muli %add3A, %mul3A_1 : i32
    %mul3A_3 = arith.constant 8 : i32
    %mul3A_4 = arith.muli %add3A, %mul3A_3 : i32
    %mul3A_5 = arith.constant 32 : i32
    %mul3A_6 = arith.muli %mul3A_4, %mul3A_5 : i32
    "tpu.region"() ({
      %run_scoped3A = tpu.sem_alloc : memref<!tpu.dma_semaphore, #tpu.memory_space<semaphore_mem>>
      %dma_start3A_170 = tpu.memref_slice %arg3[%mul3A_6] : memref<8192xi32, #tpu.memory_space<hbm>> -> memref<256xi32, #tpu.memory_space<hbm>>
      %dma_start3A_171 = tpu.memref_slice %arg3[%mul3A_6] : memref<8192xi32, #tpu.memory_space<hbm>> -> memref<256xi32, #tpu.memory_space<hbm>>
      tpu.enqueue_dma source(%dma_start3A_171 : memref<256xi32, #tpu.memory_space<hbm>>) target(%arg6 : memref<256xi32, #tpu.memory_space<vmem>>) target_semaphore(%run_scoped3A : memref<!tpu.dma_semaphore, #tpu.memory_space<semaphore_mem>>)
      %dma_wait3A_172 = tpu.memref_slice %arg3[%mul3A_6] : memref<8192xi32, #tpu.memory_space<hbm>> -> memref<256xi32, #tpu.memory_space<hbm>>
      %dma_wait3A_173 = tpu.memref_slice %arg3[%mul3A_6] : memref<8192xi32, #tpu.memory_space<hbm>> -> memref<256xi32, #tpu.memory_space<hbm>>
      tpu.wait_dma2 semaphore(%run_scoped3A : memref<!tpu.dma_semaphore, #tpu.memory_space<semaphore_mem>>) src(%dma_wait3A_173 : memref<256xi32, #tpu.memory_space<hbm>>) dst(%arg6 : memref<256xi32, #tpu.memory_space<vmem>>)
      tpu.yield
    }) : () -> ()
    "tpu.region"() ({
      %run_scoped3A = tpu.sem_alloc : memref<!tpu.dma_semaphore, #tpu.memory_space<semaphore_mem>>
      %dma_start3A_170 = arith.constant 0 : i32
      %dma_start3A_171 = arith.constant 0 : i32
      %dma_start3A_172 = arith.constant 0 : i32
      %dma_start3A_173 = tpu.memref_slice %arg4[%add3A, %dma_start3A_170, %dma_start3A_171, %dma_start3A_172] : memref<32x8x32x128xf32, #tpu.memory_space<hbm>> -> memref<1x8x32x128xf32, #tpu.memory_space<hbm>>
      %dma_start3A_174 = tpu.memref_squeeze %dma_start3A_173 : memref<1x8x32x128xf32, #tpu.memory_space<hbm>> -> memref<8x32x128xf32, #tpu.memory_space<hbm>>
      %dma_start3A_175 = arith.constant 0 : i32
      %dma_start3A_176 = arith.constant 0 : i32
      %dma_start3A_177 = arith.constant 0 : i32
      %dma_start3A_178 = tpu.memref_slice %arg4[%add3A, %dma_start3A_175, %dma_start3A_176, %dma_start3A_177] : memref<32x8x32x128xf32, #tpu.memory_space<hbm>> -> memref<1x8x32x128xf32, #tpu.memory_space<hbm>>
      %dma_start3A_179 = tpu.memref_squeeze %dma_start3A_178 : memref<1x8x32x128xf32, #tpu.memory_space<hbm>> -> memref<8x32x128xf32, #tpu.memory_space<hbm>>
      tpu.enqueue_dma source(%dma_start3A_179 : memref<8x32x128xf32, #tpu.memory_space<hbm>>) target(%arg7 : memref<8x32x128xf32, #tpu.memory_space<vmem>>) target_semaphore(%run_scoped3A : memref<!tpu.dma_semaphore, #tpu.memory_space<semaphore_mem>>)
      %dma_wait3A_180 = arith.constant 0 : i32
      %dma_wait3A_181 = arith.constant 0 : i32
      %dma_wait3A_182 = arith.constant 0 : i32
      %dma_wait3A_183 = tpu.memref_slice %arg4[%add3A, %dma_wait3A_180, %dma_wait3A_181, %dma_wait3A_182] : memref<32x8x32x128xf32, #tpu.memory_space<hbm>> -> memref<1x8x32x128xf32, #tpu.memory_space<hbm>>
      %dma_wait3A_184 = tpu.memref_squeeze %dma_wait3A_183 : memref<1x8x32x128xf32, #tpu.memory_space<hbm>> -> memref<8x32x128xf32, #tpu.memory_space<hbm>>
      %dma_wait3A_185 = arith.constant 0 : i32
      %dma_wait3A_186 = arith.constant 0 : i32
      %dma_wait3A_187 = arith.constant 0 : i32
      %dma_wait3A_188 = tpu.memref_slice %arg4[%add3A, %dma_wait3A_185, %dma_wait3A_186, %dma_wait3A_187] : memref<32x8x32x128xf32, #tpu.memory_space<hbm>> -> memref<1x8x32x128xf32, #tpu.memory_space<hbm>>
      %dma_wait3A_189 = tpu.memref_squeeze %dma_wait3A_188 : memref<1x8x32x128xf32, #tpu.memory_space<hbm>> -> memref<8x32x128xf32, #tpu.memory_space<hbm>>
      tpu.wait_dma2 semaphore(%run_scoped3A : memref<!tpu.dma_semaphore, #tpu.memory_space<semaphore_mem>>) src(%dma_wait3A_189 : memref<8x32x128xf32, #tpu.memory_space<hbm>>) dst(%arg7 : memref<8x32x128xf32, #tpu.memory_space<vmem>>)
      tpu.yield
    }) : () -> ()
    %dma_start3A = arith.constant 0 : i32
    %dma_start3A_7 = arith.constant 0 : i32
    %dma_start3A_8 = arith.constant 0 : i32
    %dma_start3A_9 = tpu.memref_slice %arg8[%dma_start3A, %dma_start3A_7, %dma_start3A_8] : memref<8x32x128xf32, #tpu.memory_space<vmem>> -> memref<1x32x128xf32, #tpu.memory_space<vmem>>
    %dma_start3A_10 = tpu.memref_squeeze %dma_start3A_9 : memref<1x32x128xf32, #tpu.memory_space<vmem>> -> memref<32x128xf32, #tpu.memory_space<vmem>>
    %dma_start3A_11 = arith.constant 0 : i32
    %dma_start3A_12 = tpu.memref_slice %arg6[%dma_start3A_11] : memref<256xi32, #tpu.memory_space<vmem>> -> memref<32xi32, #tpu.memory_space<vmem>>
    %dma_start3A_13 = arith.constant 0 : i32
    %dma_start3A_14 = arith.constant 0 : i32
    %dma_start3A_15 = tpu.memref_slice %arg2[%dma_start3A_13, %dma_start3A_14] : memref<100000x128xf32, #tpu.memory_space<hbm>> -> memref<100000x128xf32, #tpu.memory_space<hbm>>
    tpu.enqueue_indirect_dma source(%dma_start3A_15 : memref<100000x128xf32, #tpu.memory_space<hbm>>) target(%dma_start3A_10 : memref<32x128xf32, #tpu.memory_space<vmem>>) offsets(%dma_start3A_12 : memref<32xi32, #tpu.memory_space<vmem>>) semaphore(%arg10 : memref<!tpu.dma_semaphore, #tpu.memory_space<semaphore_mem>>)
    %dma_wait3A = arith.constant 0 : i32
    %dma_wait3A_16 = arith.constant 0 : i32
    %dma_wait3A_17 = arith.constant 0 : i32
    %dma_wait3A_18 = tpu.memref_slice %arg8[%dma_wait3A, %dma_wait3A_16, %dma_wait3A_17] : memref<8x32x128xf32, #tpu.memory_space<vmem>> -> memref<1x32x128xf32, #tpu.memory_space<vmem>>
    %dma_wait3A_19 = tpu.memref_squeeze %dma_wait3A_18 : memref<1x32x128xf32, #tpu.memory_space<vmem>> -> memref<32x128xf32, #tpu.memory_space<vmem>>
    %dma_wait3A_20 = arith.constant 0 : i32
    %dma_wait3A_21 = tpu.memref_slice %arg6[%dma_wait3A_20] : memref<256xi32, #tpu.memory_space<vmem>> -> memref<32xi32, #tpu.memory_space<vmem>>
    %dma_wait3A_22 = arith.constant 0 : i32
    %dma_wait3A_23 = arith.constant 0 : i32
    %dma_wait3A_24 = tpu.memref_slice %arg2[%dma_wait3A_22, %dma_wait3A_23] : memref<100000x128xf32, #tpu.memory_space<hbm>> -> memref<100000x128xf32, #tpu.memory_space<hbm>>
    tpu.wait_indirect_dma semaphore(%arg10 : memref<!tpu.dma_semaphore, #tpu.memory_space<semaphore_mem>>) src(%dma_wait3A_24 : memref<100000x128xf32, #tpu.memory_space<hbm>>) dst(%dma_wait3A_19 : memref<32x128xf32, #tpu.memory_space<vmem>>)
    %dma_start3A_25 = arith.constant 1 : i32
    %dma_start3A_26 = arith.constant 0 : i32
    %dma_start3A_27 = arith.constant 0 : i32
    %dma_start3A_28 = tpu.memref_slice %arg8[%dma_start3A_25, %dma_start3A_26, %dma_start3A_27] : memref<8x32x128xf32, #tpu.memory_space<vmem>> -> memref<1x32x128xf32, #tpu.memory_space<vmem>>
    %dma_start3A_29 = tpu.memref_squeeze %dma_start3A_28 : memref<1x32x128xf32, #tpu.memory_space<vmem>> -> memref<32x128xf32, #tpu.memory_space<vmem>>
    %dma_start3A_30 = arith.constant 32 : i32
    %dma_start3A_31 = tpu.memref_slice %arg6[%dma_start3A_30] : memref<256xi32, #tpu.memory_space<vmem>> -> memref<32xi32, #tpu.memory_space<vmem>>
    %dma_start3A_32 = arith.constant 0 : i32
    %dma_start3A_33 = arith.constant 0 : i32
    %dma_start3A_34 = tpu.memref_slice %arg2[%dma_start3A_32, %dma_start3A_33] : memref<100000x128xf32, #tpu.memory_space<hbm>> -> memref<100000x128xf32, #tpu.memory_space<hbm>>
    tpu.enqueue_indirect_dma source(%dma_start3A_34 : memref<100000x128xf32, #tpu.memory_space<hbm>>) target(%dma_start3A_29 : memref<32x128xf32, #tpu.memory_space<vmem>>) offsets(%dma_start3A_31 : memref<32xi32, #tpu.memory_space<vmem>>) semaphore(%arg10 : memref<!tpu.dma_semaphore, #tpu.memory_space<semaphore_mem>>)
    %dma_wait3A_35 = arith.constant 1 : i32
    %dma_wait3A_36 = arith.constant 0 : i32
    %dma_wait3A_37 = arith.constant 0 : i32
    %dma_wait3A_38 = tpu.memref_slice %arg8[%dma_wait3A_35, %dma_wait3A_36, %dma_wait3A_37] : memref<8x32x128xf32, #tpu.memory_space<vmem>> -> memref<1x32x128xf32, #tpu.memory_space<vmem>>
    %dma_wait3A_39 = tpu.memref_squeeze %dma_wait3A_38 : memref<1x32x128xf32, #tpu.memory_space<vmem>> -> memref<32x128xf32, #tpu.memory_space<vmem>>
    %dma_wait3A_40 = arith.constant 32 : i32
    %dma_wait3A_41 = tpu.memref_slice %arg6[%dma_wait3A_40] : memref<256xi32, #tpu.memory_space<vmem>> -> memref<32xi32, #tpu.memory_space<vmem>>
    %dma_wait3A_42 = arith.constant 0 : i32
    %dma_wait3A_43 = arith.constant 0 : i32
    %dma_wait3A_44 = tpu.memref_slice %arg2[%dma_wait3A_42, %dma_wait3A_43] : memref<100000x128xf32, #tpu.memory_space<hbm>> -> memref<100000x128xf32, #tpu.memory_space<hbm>>
    tpu.wait_indirect_dma semaphore(%arg10 : memref<!tpu.dma_semaphore, #tpu.memory_space<semaphore_mem>>) src(%dma_wait3A_44 : memref<100000x128xf32, #tpu.memory_space<hbm>>) dst(%dma_wait3A_39 : memref<32x128xf32, #tpu.memory_space<vmem>>)
    %dma_start3A_45 = arith.constant 2 : i32
    %dma_start3A_46 = arith.constant 0 : i32
    %dma_start3A_47 = arith.constant 0 : i32
    %dma_start3A_48 = tpu.memref_slice %arg8[%dma_start3A_45, %dma_start3A_46, %dma_start3A_47] : memref<8x32x128xf32, #tpu.memory_space<vmem>> -> memref<1x32x128xf32, #tpu.memory_space<vmem>>
    %dma_start3A_49 = tpu.memref_squeeze %dma_start3A_48 : memref<1x32x128xf32, #tpu.memory_space<vmem>> -> memref<32x128xf32, #tpu.memory_space<vmem>>
    %dma_start3A_50 = arith.constant 64 : i32
    %dma_start3A_51 = tpu.memref_slice %arg6[%dma_start3A_50] : memref<256xi32, #tpu.memory_space<vmem>> -> memref<32xi32, #tpu.memory_space<vmem>>
    %dma_start3A_52 = arith.constant 0 : i32
    %dma_start3A_53 = arith.constant 0 : i32
    %dma_start3A_54 = tpu.memref_slice %arg2[%dma_start3A_52, %dma_start3A_53] : memref<100000x128xf32, #tpu.memory_space<hbm>> -> memref<100000x128xf32, #tpu.memory_space<hbm>>
    tpu.enqueue_indirect_dma source(%dma_start3A_54 : memref<100000x128xf32, #tpu.memory_space<hbm>>) target(%dma_start3A_49 : memref<32x128xf32, #tpu.memory_space<vmem>>) offsets(%dma_start3A_51 : memref<32xi32, #tpu.memory_space<vmem>>) semaphore(%arg10 : memref<!tpu.dma_semaphore, #tpu.memory_space<semaphore_mem>>)
    %dma_wait3A_55 = arith.constant 2 : i32
    %dma_wait3A_56 = arith.constant 0 : i32
    %dma_wait3A_57 = arith.constant 0 : i32
    %dma_wait3A_58 = tpu.memref_slice %arg8[%dma_wait3A_55, %dma_wait3A_56, %dma_wait3A_57] : memref<8x32x128xf32, #tpu.memory_space<vmem>> -> memref<1x32x128xf32, #tpu.memory_space<vmem>>
    %dma_wait3A_59 = tpu.memref_squeeze %dma_wait3A_58 : memref<1x32x128xf32, #tpu.memory_space<vmem>> -> memref<32x128xf32, #tpu.memory_space<vmem>>
    %dma_wait3A_60 = arith.constant 64 : i32
    %dma_wait3A_61 = tpu.memref_slice %arg6[%dma_wait3A_60] : memref<256xi32, #tpu.memory_space<vmem>> -> memref<32xi32, #tpu.memory_space<vmem>>
    %dma_wait3A_62 = arith.constant 0 : i32
    %dma_wait3A_63 = arith.constant 0 : i32
    %dma_wait3A_64 = tpu.memref_slice %arg2[%dma_wait3A_62, %dma_wait3A_63] : memref<100000x128xf32, #tpu.memory_space<hbm>> -> memref<100000x128xf32, #tpu.memory_space<hbm>>
    tpu.wait_indirect_dma semaphore(%arg10 : memref<!tpu.dma_semaphore, #tpu.memory_space<semaphore_mem>>) src(%dma_wait3A_64 : memref<100000x128xf32, #tpu.memory_space<hbm>>) dst(%dma_wait3A_59 : memref<32x128xf32, #tpu.memory_space<vmem>>)
    %dma_start3A_65 = arith.constant 3 : i32
    %dma_start3A_66 = arith.constant 0 : i32
    %dma_start3A_67 = arith.constant 0 : i32
    %dma_start3A_68 = tpu.memref_slice %arg8[%dma_start3A_65, %dma_start3A_66, %dma_start3A_67] : memref<8x32x128xf32, #tpu.memory_space<vmem>> -> memref<1x32x128xf32, #tpu.memory_space<vmem>>
    %dma_start3A_69 = tpu.memref_squeeze %dma_start3A_68 : memref<1x32x128xf32, #tpu.memory_space<vmem>> -> memref<32x128xf32, #tpu.memory_space<vmem>>
    %dma_start3A_70 = arith.constant 96 : i32
    %dma_start3A_71 = tpu.memref_slice %arg6[%dma_start3A_70] : memref<256xi32, #tpu.memory_space<vmem>> -> memref<32xi32, #tpu.memory_space<vmem>>
    %dma_start3A_72 = arith.constant 0 : i32
    %dma_start3A_73 = arith.constant 0 : i32
    %dma_start3A_74 = tpu.memref_slice %arg2[%dma_start3A_72, %dma_start3A_73] : memref<100000x128xf32, #tpu.memory_space<hbm>> -> memref<100000x128xf32, #tpu.memory_space<hbm>>
    tpu.enqueue_indirect_dma source(%dma_start3A_74 : memref<100000x128xf32, #tpu.memory_space<hbm>>) target(%dma_start3A_69 : memref<32x128xf32, #tpu.memory_space<vmem>>) offsets(%dma_start3A_71 : memref<32xi32, #tpu.memory_space<vmem>>) semaphore(%arg10 : memref<!tpu.dma_semaphore, #tpu.memory_space<semaphore_mem>>)
    %dma_wait3A_75 = arith.constant 3 : i32
    %dma_wait3A_76 = arith.constant 0 : i32
    %dma_wait3A_77 = arith.constant 0 : i32
    %dma_wait3A_78 = tpu.memref_slice %arg8[%dma_wait3A_75, %dma_wait3A_76, %dma_wait3A_77] : memref<8x32x128xf32, #tpu.memory_space<vmem>> -> memref<1x32x128xf32, #tpu.memory_space<vmem>>
    %dma_wait3A_79 = tpu.memref_squeeze %dma_wait3A_78 : memref<1x32x128xf32, #tpu.memory_space<vmem>> -> memref<32x128xf32, #tpu.memory_space<vmem>>
    %dma_wait3A_80 = arith.constant 96 : i32
    %dma_wait3A_81 = tpu.memref_slice %arg6[%dma_wait3A_80] : memref<256xi32, #tpu.memory_space<vmem>> -> memref<32xi32, #tpu.memory_space<vmem>>
    %dma_wait3A_82 = arith.constant 0 : i32
    %dma_wait3A_83 = arith.constant 0 : i32
    %dma_wait3A_84 = tpu.memref_slice %arg2[%dma_wait3A_82, %dma_wait3A_83] : memref<100000x128xf32, #tpu.memory_space<hbm>> -> memref<100000x128xf32, #tpu.memory_space<hbm>>
    tpu.wait_indirect_dma semaphore(%arg10 : memref<!tpu.dma_semaphore, #tpu.memory_space<semaphore_mem>>) src(%dma_wait3A_84 : memref<100000x128xf32, #tpu.memory_space<hbm>>) dst(%dma_wait3A_79 : memref<32x128xf32, #tpu.memory_space<vmem>>)
    %dma_start3A_85 = arith.constant 4 : i32
    %dma_start3A_86 = arith.constant 0 : i32
    %dma_start3A_87 = arith.constant 0 : i32
    %dma_start3A_88 = tpu.memref_slice %arg8[%dma_start3A_85, %dma_start3A_86, %dma_start3A_87] : memref<8x32x128xf32, #tpu.memory_space<vmem>> -> memref<1x32x128xf32, #tpu.memory_space<vmem>>
    %dma_start3A_89 = tpu.memref_squeeze %dma_start3A_88 : memref<1x32x128xf32, #tpu.memory_space<vmem>> -> memref<32x128xf32, #tpu.memory_space<vmem>>
    %dma_start3A_90 = arith.constant 128 : i32
    %dma_start3A_91 = tpu.memref_slice %arg6[%dma_start3A_90] : memref<256xi32, #tpu.memory_space<vmem>> -> memref<32xi32, #tpu.memory_space<vmem>>
    %dma_start3A_92 = arith.constant 0 : i32
    %dma_start3A_93 = arith.constant 0 : i32
    %dma_start3A_94 = tpu.memref_slice %arg2[%dma_start3A_92, %dma_start3A_93] : memref<100000x128xf32, #tpu.memory_space<hbm>> -> memref<100000x128xf32, #tpu.memory_space<hbm>>
    tpu.enqueue_indirect_dma source(%dma_start3A_94 : memref<100000x128xf32, #tpu.memory_space<hbm>>) target(%dma_start3A_89 : memref<32x128xf32, #tpu.memory_space<vmem>>) offsets(%dma_start3A_91 : memref<32xi32, #tpu.memory_space<vmem>>) semaphore(%arg10 : memref<!tpu.dma_semaphore, #tpu.memory_space<semaphore_mem>>)
    %dma_wait3A_95 = arith.constant 4 : i32
    %dma_wait3A_96 = arith.constant 0 : i32
    %dma_wait3A_97 = arith.constant 0 : i32
    %dma_wait3A_98 = tpu.memref_slice %arg8[%dma_wait3A_95, %dma_wait3A_96, %dma_wait3A_97] : memref<8x32x128xf32, #tpu.memory_space<vmem>> -> memref<1x32x128xf32, #tpu.memory_space<vmem>>
    %dma_wait3A_99 = tpu.memref_squeeze %dma_wait3A_98 : memref<1x32x128xf32, #tpu.memory_space<vmem>> -> memref<32x128xf32, #tpu.memory_space<vmem>>
    %dma_wait3A_100 = arith.constant 128 : i32
    %dma_wait3A_101 = tpu.memref_slice %arg6[%dma_wait3A_100] : memref<256xi32, #tpu.memory_space<vmem>> -> memref<32xi32, #tpu.memory_space<vmem>>
    %dma_wait3A_102 = arith.constant 0 : i32
    %dma_wait3A_103 = arith.constant 0 : i32
    %dma_wait3A_104 = tpu.memref_slice %arg2[%dma_wait3A_102, %dma_wait3A_103] : memref<100000x128xf32, #tpu.memory_space<hbm>> -> memref<100000x128xf32, #tpu.memory_space<hbm>>
    tpu.wait_indirect_dma semaphore(%arg10 : memref<!tpu.dma_semaphore, #tpu.memory_space<semaphore_mem>>) src(%dma_wait3A_104 : memref<100000x128xf32, #tpu.memory_space<hbm>>) dst(%dma_wait3A_99 : memref<32x128xf32, #tpu.memory_space<vmem>>)
    %dma_start3A_105 = arith.constant 5 : i32
    %dma_start3A_106 = arith.constant 0 : i32
    %dma_start3A_107 = arith.constant 0 : i32
    %dma_start3A_108 = tpu.memref_slice %arg8[%dma_start3A_105, %dma_start3A_106, %dma_start3A_107] : memref<8x32x128xf32, #tpu.memory_space<vmem>> -> memref<1x32x128xf32, #tpu.memory_space<vmem>>
    %dma_start3A_109 = tpu.memref_squeeze %dma_start3A_108 : memref<1x32x128xf32, #tpu.memory_space<vmem>> -> memref<32x128xf32, #tpu.memory_space<vmem>>
    %dma_start3A_110 = arith.constant 160 : i32
    %dma_start3A_111 = tpu.memref_slice %arg6[%dma_start3A_110] : memref<256xi32, #tpu.memory_space<vmem>> -> memref<32xi32, #tpu.memory_space<vmem>>
    %dma_start3A_112 = arith.constant 0 : i32
    %dma_start3A_113 = arith.constant 0 : i32
    %dma_start3A_114 = tpu.memref_slice %arg2[%dma_start3A_112, %dma_start3A_113] : memref<100000x128xf32, #tpu.memory_space<hbm>> -> memref<100000x128xf32, #tpu.memory_space<hbm>>
    tpu.enqueue_indirect_dma source(%dma_start3A_114 : memref<100000x128xf32, #tpu.memory_space<hbm>>) target(%dma_start3A_109 : memref<32x128xf32, #tpu.memory_space<vmem>>) offsets(%dma_start3A_111 : memref<32xi32, #tpu.memory_space<vmem>>) semaphore(%arg10 : memref<!tpu.dma_semaphore, #tpu.memory_space<semaphore_mem>>)
    %dma_wait3A_115 = arith.constant 5 : i32
    %dma_wait3A_116 = arith.constant 0 : i32
    %dma_wait3A_117 = arith.constant 0 : i32
    %dma_wait3A_118 = tpu.memref_slice %arg8[%dma_wait3A_115, %dma_wait3A_116, %dma_wait3A_117] : memref<8x32x128xf32, #tpu.memory_space<vmem>> -> memref<1x32x128xf32, #tpu.memory_space<vmem>>
    %dma_wait3A_119 = tpu.memref_squeeze %dma_wait3A_118 : memref<1x32x128xf32, #tpu.memory_space<vmem>> -> memref<32x128xf32, #tpu.memory_space<vmem>>
    %dma_wait3A_120 = arith.constant 160 : i32
    %dma_wait3A_121 = tpu.memref_slice %arg6[%dma_wait3A_120] : memref<256xi32, #tpu.memory_space<vmem>> -> memref<32xi32, #tpu.memory_space<vmem>>
    %dma_wait3A_122 = arith.constant 0 : i32
    %dma_wait3A_123 = arith.constant 0 : i32
    %dma_wait3A_124 = tpu.memref_slice %arg2[%dma_wait3A_122, %dma_wait3A_123] : memref<100000x128xf32, #tpu.memory_space<hbm>> -> memref<100000x128xf32, #tpu.memory_space<hbm>>
    tpu.wait_indirect_dma semaphore(%arg10 : memref<!tpu.dma_semaphore, #tpu.memory_space<semaphore_mem>>) src(%dma_wait3A_124 : memref<100000x128xf32, #tpu.memory_space<hbm>>) dst(%dma_wait3A_119 : memref<32x128xf32, #tpu.memory_space<vmem>>)
    %dma_start3A_125 = arith.constant 6 : i32
    %dma_start3A_126 = arith.constant 0 : i32
    %dma_start3A_127 = arith.constant 0 : i32
    %dma_start3A_128 = tpu.memref_slice %arg8[%dma_start3A_125, %dma_start3A_126, %dma_start3A_127] : memref<8x32x128xf32, #tpu.memory_space<vmem>> -> memref<1x32x128xf32, #tpu.memory_space<vmem>>
    %dma_start3A_129 = tpu.memref_squeeze %dma_start3A_128 : memref<1x32x128xf32, #tpu.memory_space<vmem>> -> memref<32x128xf32, #tpu.memory_space<vmem>>
    %dma_start3A_130 = arith.constant 192 : i32
    %dma_start3A_131 = tpu.memref_slice %arg6[%dma_start3A_130] : memref<256xi32, #tpu.memory_space<vmem>> -> memref<32xi32, #tpu.memory_space<vmem>>
    %dma_start3A_132 = arith.constant 0 : i32
    %dma_start3A_133 = arith.constant 0 : i32
    %dma_start3A_134 = tpu.memref_slice %arg2[%dma_start3A_132, %dma_start3A_133] : memref<100000x128xf32, #tpu.memory_space<hbm>> -> memref<100000x128xf32, #tpu.memory_space<hbm>>
    tpu.enqueue_indirect_dma source(%dma_start3A_134 : memref<100000x128xf32, #tpu.memory_space<hbm>>) target(%dma_start3A_129 : memref<32x128xf32, #tpu.memory_space<vmem>>) offsets(%dma_start3A_131 : memref<32xi32, #tpu.memory_space<vmem>>) semaphore(%arg10 : memref<!tpu.dma_semaphore, #tpu.memory_space<semaphore_mem>>)
    %dma_wait3A_135 = arith.constant 6 : i32
    %dma_wait3A_136 = arith.constant 0 : i32
    %dma_wait3A_137 = arith.constant 0 : i32
    %dma_wait3A_138 = tpu.memref_slice %arg8[%dma_wait3A_135, %dma_wait3A_136, %dma_wait3A_137] : memref<8x32x128xf32, #tpu.memory_space<vmem>> -> memref<1x32x128xf32, #tpu.memory_space<vmem>>
    %dma_wait3A_139 = tpu.memref_squeeze %dma_wait3A_138 : memref<1x32x128xf32, #tpu.memory_space<vmem>> -> memref<32x128xf32, #tpu.memory_space<vmem>>
    %dma_wait3A_140 = arith.constant 192 : i32
    %dma_wait3A_141 = tpu.memref_slice %arg6[%dma_wait3A_140] : memref<256xi32, #tpu.memory_space<vmem>> -> memref<32xi32, #tpu.memory_space<vmem>>
    %dma_wait3A_142 = arith.constant 0 : i32
    %dma_wait3A_143 = arith.constant 0 : i32
    %dma_wait3A_144 = tpu.memref_slice %arg2[%dma_wait3A_142, %dma_wait3A_143] : memref<100000x128xf32, #tpu.memory_space<hbm>> -> memref<100000x128xf32, #tpu.memory_space<hbm>>
    tpu.wait_indirect_dma semaphore(%arg10 : memref<!tpu.dma_semaphore, #tpu.memory_space<semaphore_mem>>) src(%dma_wait3A_144 : memref<100000x128xf32, #tpu.memory_space<hbm>>) dst(%dma_wait3A_139 : memref<32x128xf32, #tpu.memory_space<vmem>>)
    %dma_start3A_145 = arith.constant 7 : i32
    %dma_start3A_146 = arith.constant 0 : i32
    %dma_start3A_147 = arith.constant 0 : i32
    %dma_start3A_148 = tpu.memref_slice %arg8[%dma_start3A_145, %dma_start3A_146, %dma_start3A_147] : memref<8x32x128xf32, #tpu.memory_space<vmem>> -> memref<1x32x128xf32, #tpu.memory_space<vmem>>
    %dma_start3A_149 = tpu.memref_squeeze %dma_start3A_148 : memref<1x32x128xf32, #tpu.memory_space<vmem>> -> memref<32x128xf32, #tpu.memory_space<vmem>>
    %dma_start3A_150 = arith.constant 224 : i32
    %dma_start3A_151 = tpu.memref_slice %arg6[%dma_start3A_150] : memref<256xi32, #tpu.memory_space<vmem>> -> memref<32xi32, #tpu.memory_space<vmem>>
    %dma_start3A_152 = arith.constant 0 : i32
    %dma_start3A_153 = arith.constant 0 : i32
    %dma_start3A_154 = tpu.memref_slice %arg2[%dma_start3A_152, %dma_start3A_153] : memref<100000x128xf32, #tpu.memory_space<hbm>> -> memref<100000x128xf32, #tpu.memory_space<hbm>>
    tpu.enqueue_indirect_dma source(%dma_start3A_154 : memref<100000x128xf32, #tpu.memory_space<hbm>>) target(%dma_start3A_149 : memref<32x128xf32, #tpu.memory_space<vmem>>) offsets(%dma_start3A_151 : memref<32xi32, #tpu.memory_space<vmem>>) semaphore(%arg10 : memref<!tpu.dma_semaphore, #tpu.memory_space<semaphore_mem>>)
    %dma_wait3A_155 = arith.constant 7 : i32
    %dma_wait3A_156 = arith.constant 0 : i32
    %dma_wait3A_157 = arith.constant 0 : i32
    %dma_wait3A_158 = tpu.memref_slice %arg8[%dma_wait3A_155, %dma_wait3A_156, %dma_wait3A_157] : memref<8x32x128xf32, #tpu.memory_space<vmem>> -> memref<1x32x128xf32, #tpu.memory_space<vmem>>
    %dma_wait3A_159 = tpu.memref_squeeze %dma_wait3A_158 : memref<1x32x128xf32, #tpu.memory_space<vmem>> -> memref<32x128xf32, #tpu.memory_space<vmem>>
    %dma_wait3A_160 = arith.constant 224 : i32
    %dma_wait3A_161 = tpu.memref_slice %arg6[%dma_wait3A_160] : memref<256xi32, #tpu.memory_space<vmem>> -> memref<32xi32, #tpu.memory_space<vmem>>
    %dma_wait3A_162 = arith.constant 0 : i32
    %dma_wait3A_163 = arith.constant 0 : i32
    %dma_wait3A_164 = tpu.memref_slice %arg2[%dma_wait3A_162, %dma_wait3A_163] : memref<100000x128xf32, #tpu.memory_space<hbm>> -> memref<100000x128xf32, #tpu.memory_space<hbm>>
    tpu.wait_indirect_dma semaphore(%arg10 : memref<!tpu.dma_semaphore, #tpu.memory_space<semaphore_mem>>) src(%dma_wait3A_164 : memref<100000x128xf32, #tpu.memory_space<hbm>>) dst(%dma_wait3A_159 : memref<32x128xf32, #tpu.memory_space<vmem>>)
    %scan3A = arith.constant 0 : i32
    %scan3A_165 = arith.constant 0 : i32
    %scan3A_166 = arith.constant 32 : i32
    %scan3A_167 = arith.addi %scan3A_165, %scan3A_166 : i32
    %scan3A_168 = arith.constant 1 : i32
    scf.for %scan3A_170 = %scan3A_165 to %scan3A_167 step %scan3A_168  : i32 {
      %get3A = arith.constant 0 : i32
      %get3A_171 = arith.index_cast %get3A : i32 to index
      %get3A_172 = arith.index_cast %scan3A_170 : i32 to index
      %get3A_173 = arith.constant 0 : index
      %get3A_174 = tpu.vector_load %arg7[%get3A_171, %get3A_172, %get3A_173] {strides = array<i32>} : memref<8x32x128xf32, #tpu.memory_space<vmem>>, vector<1x1x16xf32>,
      %get3A_175 = vector.shape_cast %get3A_174 : vector<1x1x16xf32> to vector<16xf32>
      %get3A_176 = arith.constant 0 : i32
      %get3A_177 = arith.index_cast %get3A_176 : i32 to index
      %get3A_178 = arith.index_cast %scan3A_170 : i32 to index
      %get3A_179 = arith.constant 0 : index
      %get3A_180 = tpu.vector_load %arg8[%get3A_177, %get3A_178, %get3A_179] {strides = array<i32>} : memref<8x32x128xf32, #tpu.memory_space<vmem>>, vector<1x1x16xf32>,
      %get3A_181 = vector.shape_cast %get3A_180 : vector<1x1x16xf32> to vector<16xf32>
      %mul3A_182 = arith.mulf %get3A_175, %get3A_181 : vector<16xf32>
      %get3A_183 = arith.constant 1 : i32
      %get3A_184 = arith.index_cast %get3A_183 : i32 to index
      %get3A_185 = arith.index_cast %scan3A_170 : i32 to index
      %get3A_186 = arith.constant 0 : index
      %get3A_187 = tpu.vector_load %arg7[%get3A_184, %get3A_185, %get3A_186] {strides = array<i32>} : memref<8x32x128xf32, #tpu.memory_space<vmem>>, vector<1x1x16xf32>,
      %get3A_188 = vector.shape_cast %get3A_187 : vector<1x1x16xf32> to vector<16xf32>
      %get3A_189 = arith.constant 1 : i32
      %get3A_190 = arith.index_cast %get3A_189 : i32 to index
      %get3A_191 = arith.index_cast %scan3A_170 : i32 to index
      %get3A_192 = arith.constant 0 : index
      %get3A_193 = tpu.vector_load %arg8[%get3A_190, %get3A_191, %get3A_192] {strides = array<i32>} : memref<8x32x128xf32, #tpu.memory_space<vmem>>, vector<1x1x16xf32>,
      %get3A_194 = vector.shape_cast %get3A_193 : vector<1x1x16xf32> to vector<16xf32>
      %mul3A_195 = arith.mulf %get3A_188, %get3A_194 : vector<16xf32>
      %add3A_196 = arith.addf %mul3A_182, %mul3A_195 : vector<16xf32>
      %get3A_197 = arith.constant 2 : i32
      %get3A_198 = arith.index_cast %get3A_197 : i32 to index
      %get3A_199 = arith.index_cast %scan3A_170 : i32 to index
      %get3A_200 = arith.constant 0 : index
      %get3A_201 = tpu.vector_load %arg7[%get3A_198, %get3A_199, %get3A_200] {strides = array<i32>} : memref<8x32x128xf32, #tpu.memory_space<vmem>>, vector<1x1x16xf32>,
      %get3A_202 = vector.shape_cast %get3A_201 : vector<1x1x16xf32> to vector<16xf32>
      %get3A_203 = arith.constant 2 : i32
      %get3A_204 = arith.index_cast %get3A_203 : i32 to index
      %get3A_205 = arith.index_cast %scan3A_170 : i32 to index
      %get3A_206 = arith.constant 0 : index
      %get3A_207 = tpu.vector_load %arg8[%get3A_204, %get3A_205, %get3A_206] {strides = array<i32>} : memref<8x32x128xf32, #tpu.memory_space<vmem>>, vector<1x1x16xf32>,
      %get3A_208 = vector.shape_cast %get3A_207 : vector<1x1x16xf32> to vector<16xf32>
      %mul3A_209 = arith.mulf %get3A_202, %get3A_208 : vector<16xf32>
      %add3A_210 = arith.addf %add3A_196, %mul3A_209 : vector<16xf32>
      %get3A_211 = arith.constant 3 : i32
      %get3A_212 = arith.index_cast %get3A_211 : i32 to index
      %get3A_213 = arith.index_cast %scan3A_170 : i32 to index
      %get3A_214 = arith.constant 0 : index
      %get3A_215 = tpu.vector_load %arg7[%get3A_212, %get3A_213, %get3A_214] {strides = array<i32>} : memref<8x32x128xf32, #tpu.memory_space<vmem>>, vector<1x1x16xf32>,
      %get3A_216 = vector.shape_cast %get3A_215 : vector<1x1x16xf32> to vector<16xf32>
      %get3A_217 = arith.constant 3 : i32
      %get3A_218 = arith.index_cast %get3A_217 : i32 to index
      %get3A_219 = arith.index_cast %scan3A_170 : i32 to index
      %get3A_220 = arith.constant 0 : index
      %get3A_221 = tpu.vector_load %arg8[%get3A_218, %get3A_219, %get3A_220] {strides = array<i32>} : memref<8x32x128xf32, #tpu.memory_space<vmem>>, vector<1x1x16xf32>,
      %get3A_222 = vector.shape_cast %get3A_221 : vector<1x1x16xf32> to vector<16xf32>
      %mul3A_223 = arith.mulf %get3A_216, %get3A_222 : vector<16xf32>
      %add3A_224 = arith.addf %add3A_210, %mul3A_223 : vector<16xf32>
      %get3A_225 = arith.constant 4 : i32
      %get3A_226 = arith.index_cast %get3A_225 : i32 to index
      %get3A_227 = arith.index_cast %scan3A_170 : i32 to index
      %get3A_228 = arith.constant 0 : index
      %get3A_229 = tpu.vector_load %arg7[%get3A_226, %get3A_227, %get3A_228] {strides = array<i32>} : memref<8x32x128xf32, #tpu.memory_space<vmem>>, vector<1x1x16xf32>,
      %get3A_230 = vector.shape_cast %get3A_229 : vector<1x1x16xf32> to vector<16xf32>
      %get3A_231 = arith.constant 4 : i32
      %get3A_232 = arith.index_cast %get3A_231 : i32 to index
      %get3A_233 = arith.index_cast %scan3A_170 : i32 to index
      %get3A_234 = arith.constant 0 : index
      %get3A_235 = tpu.vector_load %arg8[%get3A_232, %get3A_233, %get3A_234] {strides = array<i32>} : memref<8x32x128xf32, #tpu.memory_space<vmem>>, vector<1x1x16xf32>,
      %get3A_236 = vector.shape_cast %get3A_235 : vector<1x1x16xf32> to vector<16xf32>
      %mul3A_237 = arith.mulf %get3A_230, %get3A_236 : vector<16xf32>
      %add3A_238 = arith.addf %add3A_224, %mul3A_237 : vector<16xf32>
      %get3A_239 = arith.constant 5 : i32
      %get3A_240 = arith.index_cast %get3A_239 : i32 to index
      %get3A_241 = arith.index_cast %scan3A_170 : i32 to index
      %get3A_242 = arith.constant 0 : index
      %get3A_243 = tpu.vector_load %arg7[%get3A_240, %get3A_241, %get3A_242] {strides = array<i32>} : memref<8x32x128xf32, #tpu.memory_space<vmem>>, vector<1x1x16xf32>,
      %get3A_244 = vector.shape_cast %get3A_243 : vector<1x1x16xf32> to vector<16xf32>
      %get3A_245 = arith.constant 5 : i32
      %get3A_246 = arith.index_cast %get3A_245 : i32 to index
      %get3A_247 = arith.index_cast %scan3A_170 : i32 to index
      %get3A_248 = arith.constant 0 : index
      %get3A_249 = tpu.vector_load %arg8[%get3A_246, %get3A_247, %get3A_248] {strides = array<i32>} : memref<8x32x128xf32, #tpu.memory_space<vmem>>, vector<1x1x16xf32>,
      %get3A_250 = vector.shape_cast %get3A_249 : vector<1x1x16xf32> to vector<16xf32>
      %mul3A_251 = arith.mulf %get3A_244, %get3A_250 : vector<16xf32>
      %add3A_252 = arith.addf %add3A_238, %mul3A_251 : vector<16xf32>
      %get3A_253 = arith.constant 6 : i32
      %get3A_254 = arith.index_cast %get3A_253 : i32 to index
      %get3A_255 = arith.index_cast %scan3A_170 : i32 to index
      %get3A_256 = arith.constant 0 : index
      %get3A_257 = tpu.vector_load %arg7[%get3A_254, %get3A_255, %get3A_256] {strides = array<i32>} : memref<8x32x128xf32, #tpu.memory_space<vmem>>, vector<1x1x16xf32>,
      %get3A_258 = vector.shape_cast %get3A_257 : vector<1x1x16xf32> to vector<16xf32>
      %get3A_259 = arith.constant 6 : i32
      %get3A_260 = arith.index_cast %get3A_259 : i32 to index
      %get3A_261 = arith.index_cast %scan3A_170 : i32 to index
      %get3A_262 = arith.constant 0 : index
      %get3A_263 = tpu.vector_load %arg8[%get3A_260, %get3A_261, %get3A_262] {strides = array<i32>} : memref<8x32x128xf32, #tpu.memory_space<vmem>>, vector<1x1x16xf32>,
      %get3A_264 = vector.shape_cast %get3A_263 : vector<1x1x16xf32> to vector<16xf32>
      %mul3A_265 = arith.mulf %get3A_258, %get3A_264 : vector<16xf32>
      %add3A_266 = arith.addf %add3A_252, %mul3A_265 : vector<16xf32>
      %get3A_267 = arith.constant 7 : i32
      %get3A_268 = arith.index_cast %get3A_267 : i32 to index
      %get3A_269 = arith.index_cast %scan3A_170 : i32 to index
      %get3A_270 = arith.constant 0 : index
      %get3A_271 = tpu.vector_load %arg7[%get3A_268, %get3A_269, %get3A_270] {strides = array<i32>} : memref<8x32x128xf32, #tpu.memory_space<vmem>>, vector<1x1x16xf32>,
      %get3A_272 = vector.shape_cast %get3A_271 : vector<1x1x16xf32> to vector<16xf32>
      %get3A_273 = arith.constant 7 : i32
      %get3A_274 = arith.index_cast %get3A_273 : i32 to index
      %get3A_275 = arith.index_cast %scan3A_170 : i32 to index
      %get3A_276 = arith.constant 0 : index
      %get3A_277 = tpu.vector_load %arg8[%get3A_274, %get3A_275, %get3A_276] {strides = array<i32>} : memref<8x32x128xf32, #tpu.memory_space<vmem>>, vector<1x1x16xf32>,
      %get3A_278 = vector.shape_cast %get3A_277 : vector<1x1x16xf32> to vector<16xf32>
      %mul3A_279 = arith.mulf %get3A_272, %get3A_278 : vector<16xf32>
      %add3A_280 = arith.addf %add3A_266, %mul3A_279 : vector<16xf32>
      %swap3A = arith.index_cast %scan3A_170 : i32 to index
      %swap3A_281 = arith.constant 0 : index
      %swap3A_282 = tpu.vector_load %arg9[%swap3A, %swap3A_281] {strides = array<i32>} : memref<32x128xf32, #tpu.memory_space<vmem>>, vector<1x16xf32>,
      %swap3A_283 = vector.shape_cast %swap3A_282 : vector<1x16xf32> to vector<16xf32>
      %swap3A_284 = vector.shape_cast %add3A_280 : vector<16xf32> to vector<1x16xf32>
      tpu.vector_store %arg9[%swap3A, %swap3A_281], %swap3A_284 {strides = array<i32>} : memref<32x128xf32, #tpu.memory_space<vmem>>, vector<1x16xf32>,
      %get3A_285 = arith.constant 0 : i32
      %get3A_286 = arith.index_cast %get3A_285 : i32 to index
      %get3A_287 = arith.index_cast %scan3A_170 : i32 to index
      %get3A_288 = arith.constant 16 : index
      %get3A_289 = tpu.vector_load %arg7[%get3A_286, %get3A_287, %get3A_288] {strides = array<i32>} : memref<8x32x128xf32, #tpu.memory_space<vmem>>, vector<1x1x16xf32>,
      %get3A_290 = vector.shape_cast %get3A_289 : vector<1x1x16xf32> to vector<16xf32>
      %get3A_291 = arith.constant 0 : i32
      %get3A_292 = arith.index_cast %get3A_291 : i32 to index
      %get3A_293 = arith.index_cast %scan3A_170 : i32 to index
      %get3A_294 = arith.constant 16 : index
      %get3A_295 = tpu.vector_load %arg8[%get3A_292, %get3A_293, %get3A_294] {strides = array<i32>} : memref<8x32x128xf32, #tpu.memory_space<vmem>>, vector<1x1x16xf32>,
      %get3A_296 = vector.shape_cast %get3A_295 : vector<1x1x16xf32> to vector<16xf32>
      %mul3A_297 = arith.mulf %get3A_290, %get3A_296 : vector<16xf32>
      %get3A_298 = arith.constant 1 : i32
      %get3A_299 = arith.index_cast %get3A_298 : i32 to index
      %get3A_300 = arith.index_cast %scan3A_170 : i32 to index
      %get3A_301 = arith.constant 16 : index
      %get3A_302 = tpu.vector_load %arg7[%get3A_299, %get3A_300, %get3A_301] {strides = array<i32>} : memref<8x32x128xf32, #tpu.memory_space<vmem>>, vector<1x1x16xf32>,
      %get3A_303 = vector.shape_cast %get3A_302 : vector<1x1x16xf32> to vector<16xf32>
      %get3A_304 = arith.constant 1 : i32
      %get3A_305 = arith.index_cast %get3A_304 : i32 to index
      %get3A_306 = arith.index_cast %scan3A_170 : i32 to index
      %get3A_307 = arith.constant 16 : index
      %get3A_308 = tpu.vector_load %arg8[%get3A_305, %get3A_306, %get3A_307] {strides = array<i32>} : memref<8x32x128xf32, #tpu.memory_space<vmem>>, vector<1x1x16xf32>,
      %get3A_309 = vector.shape_cast %get3A_308 : vector<1x1x16xf32> to vector<16xf32>
      %mul3A_310 = arith.mulf %get3A_303, %get3A_309 : vector<16xf32>
      %add3A_311 = arith.addf %mul3A_297, %mul3A_310 : vector<16xf32>
      %get3A_312 = arith.constant 2 : i32
      %get3A_313 = arith.index_cast %get3A_312 : i32 to index
      %get3A_314 = arith.index_cast %scan3A_170 : i32 to index
      %get3A_315 = arith.constant 16 : index
      %get3A_316 = tpu.vector_load %arg7[%get3A_313, %get3A_314, %get3A_315] {strides = array<i32>} : memref<8x32x128xf32, #tpu.memory_space<vmem>>, vector<1x1x16xf32>,
      %get3A_317 = vector.shape_cast %get3A_316 : vector<1x1x16xf32> to vector<16xf32>
      %get3A_318 = arith.constant 2 : i32
      %get3A_319 = arith.index_cast %get3A_318 : i32 to index
      %get3A_320 = arith.index_cast %scan3A_170 : i32 to index
      %get3A_321 = arith.constant 16 : index
      %get3A_322 = tpu.vector_load %arg8[%get3A_319, %get3A_320, %get3A_321] {strides = array<i32>} : memref<8x32x128xf32, #tpu.memory_space<vmem>>, vector<1x1x16xf32>,
      %get3A_323 = vector.shape_cast %get3A_322 : vector<1x1x16xf32> to vector<16xf32>
      %mul3A_324 = arith.mulf %get3A_317, %get3A_323 : vector<16xf32>
      %add3A_325 = arith.addf %add3A_311, %mul3A_324 : vector<16xf32>
      %get3A_326 = arith.constant 3 : i32
      %get3A_327 = arith.index_cast %get3A_326 : i32 to index
      %get3A_328 = arith.index_cast %scan3A_170 : i32 to index
      %get3A_329 = arith.constant 16 : index
      %get3A_330 = tpu.vector_load %arg7[%get3A_327, %get3A_328, %get3A_329] {strides = array<i32>} : memref<8x32x128xf32, #tpu.memory_space<vmem>>, vector<1x1x16xf32>,
      %get3A_331 = vector.shape_cast %get3A_330 : vector<1x1x16xf32> to vector<16xf32>
      %get3A_332 = arith.constant 3 : i32
      %get3A_333 = arith.index_cast %get3A_332 : i32 to index
      %get3A_334 = arith.index_cast %scan3A_170 : i32 to index
      %get3A_335 = arith.constant 16 : index
      %get3A_336 = tpu.vector_load %arg8[%get3A_333, %get3A_334, %get3A_335] {strides = array<i32>} : memref<8x32x128xf32, #tpu.memory_space<vmem>>, vector<1x1x16xf32>,
      %get3A_337 = vector.shape_cast %get3A_336 : vector<1x1x16xf32> to vector<16xf32>
      %mul3A_338 = arith.mulf %get3A_331, %get3A_337 : vector<16xf32>
      %add3A_339 = arith.addf %add3A_325, %mul3A_338 : vector<16xf32>
      %get3A_340 = arith.constant 4 : i32
      %get3A_341 = arith.index_cast %get3A_340 : i32 to index
      %get3A_342 = arith.index_cast %scan3A_170 : i32 to index
      %get3A_343 = arith.constant 16 : index
      %get3A_344 = tpu.vector_load %arg7[%get3A_341, %get3A_342, %get3A_343] {strides = array<i32>} : memref<8x32x128xf32, #tpu.memory_space<vmem>>, vector<1x1x16xf32>,
      %get3A_345 = vector.shape_cast %get3A_344 : vector<1x1x16xf32> to vector<16xf32>
      %get3A_346 = arith.constant 4 : i32
      %get3A_347 = arith.index_cast %get3A_346 : i32 to index
      %get3A_348 = arith.index_cast %scan3A_170 : i32 to index
      %get3A_349 = arith.constant 16 : index
      %get3A_350 = tpu.vector_load %arg8[%get3A_347, %get3A_348, %get3A_349] {strides = array<i32>} : memref<8x32x128xf32, #tpu.memory_space<vmem>>, vector<1x1x16xf32>,
      %get3A_351 = vector.shape_cast %get3A_350 : vector<1x1x16xf32> to vector<16xf32>
      %mul3A_352 = arith.mulf %get3A_345, %get3A_351 : vector<16xf32>
      %add3A_353 = arith.addf %add3A_339, %mul3A_352 : vector<16xf32>
      %get3A_354 = arith.constant 5 : i32
      %get3A_355 = arith.index_cast %get3A_354 : i32 to index
      %get3A_356 = arith.index_cast %scan3A_170 : i32 to index
      %get3A_357 = arith.constant 16 : index
      %get3A_358 = tpu.vector_load %arg7[%get3A_355, %get3A_356, %get3A_357] {strides = array<i32>} : memref<8x32x128xf32, #tpu.memory_space<vmem>>, vector<1x1x16xf32>,
      %get3A_359 = vector.shape_cast %get3A_358 : vector<1x1x16xf32> to vector<16xf32>
      %get3A_360 = arith.constant 5 : i32
      %get3A_361 = arith.index_cast %get3A_360 : i32 to index
      %get3A_362 = arith.index_cast %scan3A_170 : i32 to index
      %get3A_363 = arith.constant 16 : index
      %get3A_364 = tpu.vector_load %arg8[%get3A_361, %get3A_362, %get3A_363] {strides = array<i32>} : memref<8x32x128xf32, #tpu.memory_space<vmem>>, vector<1x1x16xf32>,
      %get3A_365 = vector.shape_cast %get3A_364 : vector<1x1x16xf32> to vector<16xf32>
      %mul3A_366 = arith.mulf %get3A_359, %get3A_365 : vector<16xf32>
      %add3A_367 = arith.addf %add3A_353, %mul3A_366 : vector<16xf32>
      %get3A_368 = arith.constant 6 : i32
      %get3A_369 = arith.index_cast %get3A_368 : i32 to index
      %get3A_370 = arith.index_cast %scan3A_170 : i32 to index
      %get3A_371 = arith.constant 16 : index
      %get3A_372 = tpu.vector_load %arg7[%get3A_369, %get3A_370, %get3A_371] {strides = array<i32>} : memref<8x32x128xf32, #tpu.memory_space<vmem>>, vector<1x1x16xf32>,
      %get3A_373 = vector.shape_cast %get3A_372 : vector<1x1x16xf32> to vector<16xf32>
      %get3A_374 = arith.constant 6 : i32
      %get3A_375 = arith.index_cast %get3A_374 : i32 to index
      %get3A_376 = arith.index_cast %scan3A_170 : i32 to index
      %get3A_377 = arith.constant 16 : index
      %get3A_378 = tpu.vector_load %arg8[%get3A_375, %get3A_376, %get3A_377] {strides = array<i32>} : memref<8x32x128xf32, #tpu.memory_space<vmem>>, vector<1x1x16xf32>,
      %get3A_379 = vector.shape_cast %get3A_378 : vector<1x1x16xf32> to vector<16xf32>
      %mul3A_380 = arith.mulf %get3A_373, %get3A_379 : vector<16xf32>
      %add3A_381 = arith.addf %add3A_367, %mul3A_380 : vector<16xf32>
      %get3A_382 = arith.constant 7 : i32
      %get3A_383 = arith.index_cast %get3A_382 : i32 to index
      %get3A_384 = arith.index_cast %scan3A_170 : i32 to index
      %get3A_385 = arith.constant 16 : index
      %get3A_386 = tpu.vector_load %arg7[%get3A_383, %get3A_384, %get3A_385] {strides = array<i32>} : memref<8x32x128xf32, #tpu.memory_space<vmem>>, vector<1x1x16xf32>,
      %get3A_387 = vector.shape_cast %get3A_386 : vector<1x1x16xf32> to vector<16xf32>
      %get3A_388 = arith.constant 7 : i32
      %get3A_389 = arith.index_cast %get3A_388 : i32 to index
      %get3A_390 = arith.index_cast %scan3A_170 : i32 to index
      %get3A_391 = arith.constant 16 : index
      %get3A_392 = tpu.vector_load %arg8[%get3A_389, %get3A_390, %get3A_391] {strides = array<i32>} : memref<8x32x128xf32, #tpu.memory_space<vmem>>, vector<1x1x16xf32>,
      %get3A_393 = vector.shape_cast %get3A_392 : vector<1x1x16xf32> to vector<16xf32>
      %mul3A_394 = arith.mulf %get3A_387, %get3A_393 : vector<16xf32>
      %add3A_395 = arith.addf %add3A_381, %mul3A_394 : vector<16xf32>
      %swap3A_396 = arith.index_cast %scan3A_170 : i32 to index
      %swap3A_397 = arith.constant 16 : index
      %swap3A_398 = tpu.vector_load %arg9[%swap3A_396, %swap3A_397] {strides = array<i32>} : memref<32x128xf32, #tpu.memory_space<vmem>>, vector<1x16xf32>,
      %swap3A_399 = vector.shape_cast %swap3A_398 : vector<1x16xf32> to vector<16xf32>
      %swap3A_400 = vector.shape_cast %add3A_395 : vector<16xf32> to vector<1x16xf32>
      tpu.vector_store %arg9[%swap3A_396, %swap3A_397], %swap3A_400 {strides = array<i32>} : memref<32x128xf32, #tpu.memory_space<vmem>>, vector<1x16xf32>,
      %get3A_401 = arith.constant 0 : i32
      %get3A_402 = arith.index_cast %get3A_401 : i32 to index
      %get3A_403 = arith.index_cast %scan3A_170 : i32 to index
      %get3A_404 = arith.constant 32 : index
      %get3A_405 = tpu.vector_load %arg7[%get3A_402, %get3A_403, %get3A_404] {strides = array<i32>} : memref<8x32x128xf32, #tpu.memory_space<vmem>>, vector<1x1x16xf32>,
      %get3A_406 = vector.shape_cast %get3A_405 : vector<1x1x16xf32> to vector<16xf32>
      %get3A_407 = arith.constant 0 : i32
      %get3A_408 = arith.index_cast %get3A_407 : i32 to index
      %get3A_409 = arith.index_cast %scan3A_170 : i32 to index
      %get3A_410 = arith.constant 32 : index
      %get3A_411 = tpu.vector_load %arg8[%get3A_408, %get3A_409, %get3A_410] {strides = array<i32>} : memref<8x32x128xf32, #tpu.memory_space<vmem>>, vector<1x1x16xf32>,
      %get3A_412 = vector.shape_cast %get3A_411 : vector<1x1x16xf32> to vector<16xf32>
      %mul3A_413 = arith.mulf %get3A_406, %get3A_412 : vector<16xf32>
      %get3A_414 = arith.constant 1 : i32
      %get3A_415 = arith.index_cast %get3A_414 : i32 to index
      %get3A_416 = arith.index_cast %scan3A_170 : i32 to index
      %get3A_417 = arith.constant 32 : index
      %get3A_418 = tpu.vector_load %arg7[%get3A_415, %get3A_416, %get3A_417] {strides = array<i32>} : memref<8x32x128xf32, #tpu.memory_space<vmem>>, vector<1x1x16xf32>,
      %get3A_419 = vector.shape_cast %get3A_418 : vector<1x1x16xf32> to vector<16xf32>
      %get3A_420 = arith.constant 1 : i32
      %get3A_421 = arith.index_cast %get3A_420 : i32 to index
      %get3A_422 = arith.index_cast %scan3A_170 : i32 to index
      %get3A_423 = arith.constant 32 : index
      %get3A_424 = tpu.vector_load %arg8[%get3A_421, %get3A_422, %get3A_423] {strides = array<i32>} : memref<8x32x128xf32, #tpu.memory_space<vmem>>, vector<1x1x16xf32>,
      %get3A_425 = vector.shape_cast %get3A_424 : vector<1x1x16xf32> to vector<16xf32>
      %mul3A_426 = arith.mulf %get3A_419, %get3A_425 : vector<16xf32>
      %add3A_427 = arith.addf %mul3A_413, %mul3A_426 : vector<16xf32>
      %get3A_428 = arith.constant 2 : i32
      %get3A_429 = arith.index_cast %get3A_428 : i32 to index
      %get3A_430 = arith.index_cast %scan3A_170 : i32 to index
      %get3A_431 = arith.constant 32 : index
      %get3A_432 = tpu.vector_load %arg7[%get3A_429, %get3A_430, %get3A_431] {strides = array<i32>} : memref<8x32x128xf32, #tpu.memory_space<vmem>>, vector<1x1x16xf32>,
      %get3A_433 = vector.shape_cast %get3A_432 : vector<1x1x16xf32> to vector<16xf32>
      %get3A_434 = arith.constant 2 : i32
      %get3A_435 = arith.index_cast %get3A_434 : i32 to index
      %get3A_436 = arith.index_cast %scan3A_170 : i32 to index
      %get3A_437 = arith.constant 32 : index
      %get3A_438 = tpu.vector_load %arg8[%get3A_435, %get3A_436, %get3A_437] {strides = array<i32>} : memref<8x32x128xf32, #tpu.memory_space<vmem>>, vector<1x1x16xf32>,
      %get3A_439 = vector.shape_cast %get3A_438 : vector<1x1x16xf32> to vector<16xf32>
      %mul3A_440 = arith.mulf %get3A_433, %get3A_439 : vector<16xf32>
      %add3A_441 = arith.addf %add3A_427, %mul3A_440 : vector<16xf32>
      %get3A_442 = arith.constant 3 : i32
      %get3A_443 = arith.index_cast %get3A_442 : i32 to index
      %get3A_444 = arith.index_cast %scan3A_170 : i32 to index
      %get3A_445 = arith.constant 32 : index
      %get3A_446 = tpu.vector_load %arg7[%get3A_443, %get3A_444, %get3A_445] {strides = array<i32>} : memref<8x32x128xf32, #tpu.memory_space<vmem>>, vector<1x1x16xf32>,
      %get3A_447 = vector.shape_cast %get3A_446 : vector<1x1x16xf32> to vector<16xf32>
      %get3A_448 = arith.constant 3 : i32
      %get3A_449 = arith.index_cast %get3A_448 : i32 to index
      %get3A_450 = arith.index_cast %scan3A_170 : i32 to index
      %get3A_451 = arith.constant 32 : index
      %get3A_452 = tpu.vector_load %arg8[%get3A_449, %get3A_450, %get3A_451] {strides = array<i32>} : memref<8x32x128xf32, #tpu.memory_space<vmem>>, vector<1x1x16xf32>,
      %get3A_453 = vector.shape_cast %get3A_452 : vector<1x1x16xf32> to vector<16xf32>
      %mul3A_454 = arith.mulf %get3A_447, %get3A_453 : vector<16xf32>
      %add3A_455 = arith.addf %add3A_441, %mul3A_454 : vector<16xf32>
      %get3A_456 = arith.constant 4 : i32
      %get3A_457 = arith.index_cast %get3A_456 : i32 to index
      %get3A_458 = arith.index_cast %scan3A_170 : i32 to index
      %get3A_459 = arith.constant 32 : index
      %get3A_460 = tpu.vector_load %arg7[%get3A_457, %get3A_458, %get3A_459] {strides = array<i32>} : memref<8x32x128xf32, #tpu.memory_space<vmem>>, vector<1x1x16xf32>,
      %get3A_461 = vector.shape_cast %get3A_460 : vector<1x1x16xf32> to vector<16xf32>
      %get3A_462 = arith.constant 4 : i32
      %get3A_463 = arith.index_cast %get3A_462 : i32 to index
      %get3A_464 = arith.index_cast %scan3A_170 : i32 to index
      %get3A_465 = arith.constant 32 : index
      %get3A_466 = tpu.vector_load %arg8[%get3A_463, %get3A_464, %get3A_465] {strides = array<i32>} : memref<8x32x128xf32, #tpu.memory_space<vmem>>, vector<1x1x16xf32>,
      %get3A_467 = vector.shape_cast %get3A_466 : vector<1x1x16xf32> to vector<16xf32>
      %mul3A_468 = arith.mulf %get3A_461, %get3A_467 : vector<16xf32>
      %add3A_469 = arith.addf %add3A_455, %mul3A_468 : vector<16xf32>
      %get3A_470 = arith.constant 5 : i32
      %get3A_471 = arith.index_cast %get3A_470 : i32 to index
      %get3A_472 = arith.index_cast %scan3A_170 : i32 to index
      %get3A_473 = arith.constant 32 : index
      %get3A_474 = tpu.vector_load %arg7[%get3A_471, %get3A_472, %get3A_473] {strides = array<i32>} : memref<8x32x128xf32, #tpu.memory_space<vmem>>, vector<1x1x16xf32>,
      %get3A_475 = vector.shape_cast %get3A_474 : vector<1x1x16xf32> to vector<16xf32>
      %get3A_476 = arith.constant 5 : i32
      %get3A_477 = arith.index_cast %get3A_476 : i32 to index
      %get3A_478 = arith.index_cast %scan3A_170 : i32 to index
      %get3A_479 = arith.constant 32 : index
      %get3A_480 = tpu.vector_load %arg8[%get3A_477, %get3A_478, %get3A_479] {strides = array<i32>} : memref<8x32x128xf32, #tpu.memory_space<vmem>>, vector<1x1x16xf32>,
      %get3A_481 = vector.shape_cast %get3A_480 : vector<1x1x16xf32> to vector<16xf32>
      %mul3A_482 = arith.mulf %get3A_475, %get3A_481 : vector<16xf32>
      %add3A_483 = arith.addf %add3A_469, %mul3A_482 : vector<16xf32>
      %get3A_484 = arith.constant 6 : i32
      %get3A_485 = arith.index_cast %get3A_484 : i32 to index
      %get3A_486 = arith.index_cast %scan3A_170 : i32 to index
      %get3A_487 = arith.constant 32 : index
      %get3A_488 = tpu.vector_load %arg7[%get3A_485, %get3A_486, %get3A_487] {strides = array<i32>} : memref<8x32x128xf32, #tpu.memory_space<vmem>>, vector<1x1x16xf32>,
      %get3A_489 = vector.shape_cast %get3A_488 : vector<1x1x16xf32> to vector<16xf32>
      %get3A_490 = arith.constant 6 : i32
      %get3A_491 = arith.index_cast %get3A_490 : i32 to index
      %get3A_492 = arith.index_cast %scan3A_170 : i32 to index
      %get3A_493 = arith.constant 32 : index
      %get3A_494 = tpu.vector_load %arg8[%get3A_491, %get3A_492, %get3A_493] {strides = array<i32>} : memref<8x32x128xf32, #tpu.memory_space<vmem>>, vector<1x1x16xf32>,
      %get3A_495 = vector.shape_cast %get3A_494 : vector<1x1x16xf32> to vector<16xf32>
      %mul3A_496 = arith.mulf %get3A_489, %get3A_495 : vector<16xf32>
      %add3A_497 = arith.addf %add3A_483, %mul3A_496 : vector<16xf32>
      %get3A_498 = arith.constant 7 : i32
      %get3A_499 = arith.index_cast %get3A_498 : i32 to index
      %get3A_500 = arith.index_cast %scan3A_170 : i32 to index
      %get3A_501 = arith.constant 32 : index
      %get3A_502 = tpu.vector_load %arg7[%get3A_499, %get3A_500, %get3A_501] {strides = array<i32>} : memref<8x32x128xf32, #tpu.memory_space<vmem>>, vector<1x1x16xf32>,
      %get3A_503 = vector.shape_cast %get3A_502 : vector<1x1x16xf32> to vector<16xf32>
      %get3A_504 = arith.constant 7 : i32
      %get3A_505 = arith.index_cast %get3A_504 : i32 to index
      %get3A_506 = arith.index_cast %scan3A_170 : i32 to index
      %get3A_507 = arith.constant 32 : index
      %get3A_508 = tpu.vector_load %arg8[%get3A_505, %get3A_506, %get3A_507] {strides = array<i32>} : memref<8x32x128xf32, #tpu.memory_space<vmem>>, vector<1x1x16xf32>,
      %get3A_509 = vector.shape_cast %get3A_508 : vector<1x1x16xf32> to vector<16xf32>
      %mul3A_510 = arith.mulf %get3A_503, %get3A_509 : vector<16xf32>
      %add3A_511 = arith.addf %add3A_497, %mul3A_510 : vector<16xf32>
      %swap3A_512 = arith.index_cast %scan3A_170 : i32 to index
      %swap3A_513 = arith.constant 32 : index
      %swap3A_514 = tpu.vector_load %arg9[%swap3A_512, %swap3A_513] {strides = array<i32>} : memref<32x128xf32, #tpu.memory_space<vmem>>, vector<1x16xf32>,
      %swap3A_515 = vector.shape_cast %swap3A_514 : vector<1x16xf32> to vector<16xf32>
      %swap3A_516 = vector.shape_cast %add3A_511 : vector<16xf32> to vector<1x16xf32>
      tpu.vector_store %arg9[%swap3A_512, %swap3A_513], %swap3A_516 {strides = array<i32>} : memref<32x128xf32, #tpu.memory_space<vmem>>, vector<1x16xf32>,
      %get3A_517 = arith.constant 0 : i32
      %get3A_518 = arith.index_cast %get3A_517 : i32 to index
      %get3A_519 = arith.index_cast %scan3A_170 : i32 to index
      %get3A_520 = arith.constant 48 : index
      %get3A_521 = tpu.vector_load %arg7[%get3A_518, %get3A_519, %get3A_520] {strides = array<i32>} : memref<8x32x128xf32, #tpu.memory_space<vmem>>, vector<1x1x16xf32>,
      %get3A_522 = vector.shape_cast %get3A_521 : vector<1x1x16xf32> to vector<16xf32>
      %get3A_523 = arith.constant 0 : i32
      %get3A_524 = arith.index_cast %get3A_523 : i32 to index
      %get3A_525 = arith.index_cast %scan3A_170 : i32 to index
      %get3A_526 = arith.constant 48 : index
      %get3A_527 = tpu.vector_load %arg8[%get3A_524, %get3A_525, %get3A_526] {strides = array<i32>} : memref<8x32x128xf32, #tpu.memory_space<vmem>>, vector<1x1x16xf32>,
      %get3A_528 = vector.shape_cast %get3A_527 : vector<1x1x16xf32> to vector<16xf32>
      %mul3A_529 = arith.mulf %get3A_522, %get3A_528 : vector<16xf32>
      %get3A_530 = arith.constant 1 : i32
      %get3A_531 = arith.index_cast %get3A_530 : i32 to index
      %get3A_532 = arith.index_cast %scan3A_170 : i32 to index
      %get3A_533 = arith.constant 48 : index
      %get3A_534 = tpu.vector_load %arg7[%get3A_531, %get3A_532, %get3A_533] {strides = array<i32>} : memref<8x32x128xf32, #tpu.memory_space<vmem>>, vector<1x1x16xf32>,
      %get3A_535 = vector.shape_cast %get3A_534 : vector<1x1x16xf32> to vector<16xf32>
      %get3A_536 = arith.constant 1 : i32
      %get3A_537 = arith.index_cast %get3A_536 : i32 to index
      %get3A_538 = arith.index_cast %scan3A_170 : i32 to index
      %get3A_539 = arith.constant 48 : index
      %get3A_540 = tpu.vector_load %arg8[%get3A_537, %get3A_538, %get3A_539] {strides = array<i32>} : memref<8x32x128xf32, #tpu.memory_space<vmem>>, vector<1x1x16xf32>,
      %get3A_541 = vector.shape_cast %get3A_540 : vector<1x1x16xf32> to vector<16xf32>
      %mul3A_542 = arith.mulf %get3A_535, %get3A_541 : vector<16xf32>
      %add3A_543 = arith.addf %mul3A_529, %mul3A_542 : vector<16xf32>
      %get3A_544 = arith.constant 2 : i32
      %get3A_545 = arith.index_cast %get3A_544 : i32 to index
      %get3A_546 = arith.index_cast %scan3A_170 : i32 to index
      %get3A_547 = arith.constant 48 : index
      %get3A_548 = tpu.vector_load %arg7[%get3A_545, %get3A_546, %get3A_547] {strides = array<i32>} : memref<8x32x128xf32, #tpu.memory_space<vmem>>, vector<1x1x16xf32>,
      %get3A_549 = vector.shape_cast %get3A_548 : vector<1x1x16xf32> to vector<16xf32>
      %get3A_550 = arith.constant 2 : i32
      %get3A_551 = arith.index_cast %get3A_550 : i32 to index
      %get3A_552 = arith.index_cast %scan3A_170 : i32 to index
      %get3A_553 = arith.constant 48 : index
      %get3A_554 = tpu.vector_load %arg8[%get3A_551, %get3A_552, %get3A_553] {strides = array<i32>} : memref<8x32x128xf32, #tpu.memory_space<vmem>>, vector<1x1x16xf32>,
      %get3A_555 = vector.shape_cast %get3A_554 : vector<1x1x16xf32> to vector<16xf32>
      %mul3A_556 = arith.mulf %get3A_549, %get3A_555 : vector<16xf32>
      %add3A_557 = arith.addf %add3A_543, %mul3A_556 : vector<16xf32>
      %get3A_558 = arith.constant 3 : i32
      %get3A_559 = arith.index_cast %get3A_558 : i32 to index
      %get3A_560 = arith.index_cast %scan3A_170 : i32 to index
      %get3A_561 = arith.constant 48 : index
      %get3A_562 = tpu.vector_load %arg7[%get3A_559, %get3A_560, %get3A_561] {strides = array<i32>} : memref<8x32x128xf32, #tpu.memory_space<vmem>>, vector<1x1x16xf32>,
      %get3A_563 = vector.shape_cast %get3A_562 : vector<1x1x16xf32> to vector<16xf32>
      %get3A_564 = arith.constant 3 : i32
      %get3A_565 = arith.index_cast %get3A_564 : i32 to index
      %get3A_566 = arith.index_cast %scan3A_170 : i32 to index
      %get3A_567 = arith.constant 48 : index
      %get3A_568 = tpu.vector_load %arg8[%get3A_565, %get3A_566, %get3A_567] {strides = array<i32>} : memref<8x32x128xf32, #tpu.memory_space<vmem>>, vector<1x1x16xf32>,
      %get3A_569 = vector.shape_cast %get3A_568 : vector<1x1x16xf32> to vector<16xf32>
      %mul3A_570 = arith.mulf %get3A_563, %get3A_569 : vector<16xf32>
      %add3A_571 = arith.addf %add3A_557, %mul3A_570 : vector<16xf32>
      %get3A_572 = arith.constant 4 : i32
      %get3A_573 = arith.index_cast %get3A_572 : i32 to index
      %get3A_574 = arith.index_cast %scan3A_170 : i32 to index
      %get3A_575 = arith.constant 48 : index
      %get3A_576 = tpu.vector_load %arg7[%get3A_573, %get3A_574, %get3A_575] {strides = array<i32>} : memref<8x32x128xf32, #tpu.memory_space<vmem>>, vector<1x1x16xf32>,
      %get3A_577 = vector.shape_cast %get3A_576 : vector<1x1x16xf32> to vector<16xf32>
      %get3A_578 = arith.constant 4 : i32
      %get3A_579 = arith.index_cast %get3A_578 : i32 to index
      %get3A_580 = arith.index_cast %scan3A_170 : i32 to index
      %get3A_581 = arith.constant 48 : index
      %get3A_582 = tpu.vector_load %arg8[%get3A_579, %get3A_580, %get3A_581] {strides = array<i32>} : memref<8x32x128xf32, #tpu.memory_space<vmem>>, vector<1x1x16xf32>,
      %get3A_583 = vector.shape_cast %get3A_582 : vector<1x1x16xf32> to vector<16xf32>
      %mul3A_584 = arith.mulf %get3A_577, %get3A_583 : vector<16xf32>
      %add3A_585 = arith.addf %add3A_571, %mul3A_584 : vector<16xf32>
      %get3A_586 = arith.constant 5 : i32
      %get3A_587 = arith.index_cast %get3A_586 : i32 to index
      %get3A_588 = arith.index_cast %scan3A_170 : i32 to index
      %get3A_589 = arith.constant 48 : index
      %get3A_590 = tpu.vector_load %arg7[%get3A_587, %get3A_588, %get3A_589] {strides = array<i32>} : memref<8x32x128xf32, #tpu.memory_space<vmem>>, vector<1x1x16xf32>,
      %get3A_591 = vector.shape_cast %get3A_590 : vector<1x1x16xf32> to vector<16xf32>
      %get3A_592 = arith.constant 5 : i32
      %get3A_593 = arith.index_cast %get3A_592 : i32 to index
      %get3A_594 = arith.index_cast %scan3A_170 : i32 to index
      %get3A_595 = arith.constant 48 : index
      %get3A_596 = tpu.vector_load %arg8[%get3A_593, %get3A_594, %get3A_595] {strides = array<i32>} : memref<8x32x128xf32, #tpu.memory_space<vmem>>, vector<1x1x16xf32>,
      %get3A_597 = vector.shape_cast %get3A_596 : vector<1x1x16xf32> to vector<16xf32>
      %mul3A_598 = arith.mulf %get3A_591, %get3A_597 : vector<16xf32>
      %add3A_599 = arith.addf %add3A_585, %mul3A_598 : vector<16xf32>
      %get3A_600 = arith.constant 6 : i32
      %get3A_601 = arith.index_cast %get3A_600 : i32 to index
      %get3A_602 = arith.index_cast %scan3A_170 : i32 to index
      %get3A_603 = arith.constant 48 : index
      %get3A_604 = tpu.vector_load %arg7[%get3A_601, %get3A_602, %get3A_603] {strides = array<i32>} : memref<8x32x128xf32, #tpu.memory_space<vmem>>, vector<1x1x16xf32>,
      %get3A_605 = vector.shape_cast %get3A_604 : vector<1x1x16xf32> to vector<16xf32>
      %get3A_606 = arith.constant 6 : i32
      %get3A_607 = arith.index_cast %get3A_606 : i32 to index
      %get3A_608 = arith.index_cast %scan3A_170 : i32 to index
      %get3A_609 = arith.constant 48 : index
      %get3A_610 = tpu.vector_load %arg8[%get3A_607, %get3A_608, %get3A_609] {strides = array<i32>} : memref<8x32x128xf32, #tpu.memory_space<vmem>>, vector<1x1x16xf32>,
      %get3A_611 = vector.shape_cast %get3A_610 : vector<1x1x16xf32> to vector<16xf32>
      %mul3A_612 = arith.mulf %get3A_605, %get3A_611 : vector<16xf32>
      %add3A_613 = arith.addf %add3A_599, %mul3A_612 : vector<16xf32>
      %get3A_614 = arith.constant 7 : i32
      %get3A_615 = arith.index_cast %get3A_614 : i32 to index
      %get3A_616 = arith.index_cast %scan3A_170 : i32 to index
      %get3A_617 = arith.constant 48 : index
      %get3A_618 = tpu.vector_load %arg7[%get3A_615, %get3A_616, %get3A_617] {strides = array<i32>} : memref<8x32x128xf32, #tpu.memory_space<vmem>>, vector<1x1x16xf32>,
      %get3A_619 = vector.shape_cast %get3A_618 : vector<1x1x16xf32> to vector<16xf32>
      %get3A_620 = arith.constant 7 : i32
      %get3A_621 = arith.index_cast %get3A_620 : i32 to index
      %get3A_622 = arith.index_cast %scan3A_170 : i32 to index
      %get3A_623 = arith.constant 48 : index
      %get3A_624 = tpu.vector_load %arg8[%get3A_621, %get3A_622, %get3A_623] {strides = array<i32>} : memref<8x32x128xf32, #tpu.memory_space<vmem>>, vector<1x1x16xf32>,
      %get3A_625 = vector.shape_cast %get3A_624 : vector<1x1x16xf32> to vector<16xf32>
      %mul3A_626 = arith.mulf %get3A_619, %get3A_625 : vector<16xf32>
      %add3A_627 = arith.addf %add3A_613, %mul3A_626 : vector<16xf32>
      %swap3A_628 = arith.index_cast %scan3A_170 : i32 to index
      %swap3A_629 = arith.constant 48 : index
      %swap3A_630 = tpu.vector_load %arg9[%swap3A_628, %swap3A_629] {strides = array<i32>} : memref<32x128xf32, #tpu.memory_space<vmem>>, vector<1x16xf32>,
      %swap3A_631 = vector.shape_cast %swap3A_630 : vector<1x16xf32> to vector<16xf32>
      %swap3A_632 = vector.shape_cast %add3A_627 : vector<16xf32> to vector<1x16xf32>
      tpu.vector_store %arg9[%swap3A_628, %swap3A_629], %swap3A_632 {strides = array<i32>} : memref<32x128xf32, #tpu.memory_space<vmem>>, vector<1x16xf32>,
      %get3A_633 = arith.constant 0 : i32
      %get3A_634 = arith.index_cast %get3A_633 : i32 to index
      %get3A_635 = arith.index_cast %scan3A_170 : i32 to index
      %get3A_636 = arith.constant 64 : index
      %get3A_637 = tpu.vector_load %arg7[%get3A_634, %get3A_635, %get3A_636] {strides = array<i32>} : memref<8x32x128xf32, #tpu.memory_space<vmem>>, vector<1x1x16xf32>,
      %get3A_638 = vector.shape_cast %get3A_637 : vector<1x1x16xf32> to vector<16xf32>
      %get3A_639 = arith.constant 0 : i32
      %get3A_640 = arith.index_cast %get3A_639 : i32 to index
      %get3A_641 = arith.index_cast %scan3A_170 : i32 to index
      %get3A_642 = arith.constant 64 : index
      %get3A_643 = tpu.vector_load %arg8[%get3A_640, %get3A_641, %get3A_642] {strides = array<i32>} : memref<8x32x128xf32, #tpu.memory_space<vmem>>, vector<1x1x16xf32>,
      %get3A_644 = vector.shape_cast %get3A_643 : vector<1x1x16xf32> to vector<16xf32>
      %mul3A_645 = arith.mulf %get3A_638, %get3A_644 : vector<16xf32>
      %get3A_646 = arith.constant 1 : i32
      %get3A_647 = arith.index_cast %get3A_646 : i32 to index
      %get3A_648 = arith.index_cast %scan3A_170 : i32 to index
      %get3A_649 = arith.constant 64 : index
      %get3A_650 = tpu.vector_load %arg7[%get3A_647, %get3A_648, %get3A_649] {strides = array<i32>} : memref<8x32x128xf32, #tpu.memory_space<vmem>>, vector<1x1x16xf32>,
      %get3A_651 = vector.shape_cast %get3A_650 : vector<1x1x16xf32> to vector<16xf32>
      %get3A_652 = arith.constant 1 : i32
      %get3A_653 = arith.index_cast %get3A_652 : i32 to index
      %get3A_654 = arith.index_cast %scan3A_170 : i32 to index
      %get3A_655 = arith.constant 64 : index
      %get3A_656 = tpu.vector_load %arg8[%get3A_653, %get3A_654, %get3A_655] {strides = array<i32>} : memref<8x32x128xf32, #tpu.memory_space<vmem>>, vector<1x1x16xf32>,
      %get3A_657 = vector.shape_cast %get3A_656 : vector<1x1x16xf32> to vector<16xf32>
      %mul3A_658 = arith.mulf %get3A_651, %get3A_657 : vector<16xf32>
      %add3A_659 = arith.addf %mul3A_645, %mul3A_658 : vector<16xf32>
      %get3A_660 = arith.constant 2 : i32
      %get3A_661 = arith.index_cast %get3A_660 : i32 to index
      %get3A_662 = arith.index_cast %scan3A_170 : i32 to index
      %get3A_663 = arith.constant 64 : index
      %get3A_664 = tpu.vector_load %arg7[%get3A_661, %get3A_662, %get3A_663] {strides = array<i32>} : memref<8x32x128xf32, #tpu.memory_space<vmem>>, vector<1x1x16xf32>,
      %get3A_665 = vector.shape_cast %get3A_664 : vector<1x1x16xf32> to vector<16xf32>
      %get3A_666 = arith.constant 2 : i32
      %get3A_667 = arith.index_cast %get3A_666 : i32 to index
      %get3A_668 = arith.index_cast %scan3A_170 : i32 to index
      %get3A_669 = arith.constant 64 : index
      %get3A_670 = tpu.vector_load %arg8[%get3A_667, %get3A_668, %get3A_669] {strides = array<i32>} : memref<8x32x128xf32, #tpu.memory_space<vmem>>, vector<1x1x16xf32>,
      %get3A_671 = vector.shape_cast %get3A_670 : vector<1x1x16xf32> to vector<16xf32>
      %mul3A_672 = arith.mulf %get3A_665, %get3A_671 : vector<16xf32>
      %add3A_673 = arith.addf %add3A_659, %mul3A_672 : vector<16xf32>
      %get3A_674 = arith.constant 3 : i32
      %get3A_675 = arith.index_cast %get3A_674 : i32 to index
      %get3A_676 = arith.index_cast %scan3A_170 : i32 to index
      %get3A_677 = arith.constant 64 : index
      %get3A_678 = tpu.vector_load %arg7[%get3A_675, %get3A_676, %get3A_677] {strides = array<i32>} : memref<8x32x128xf32, #tpu.memory_space<vmem>>, vector<1x1x16xf32>,
      %get3A_679 = vector.shape_cast %get3A_678 : vector<1x1x16xf32> to vector<16xf32>
      %get3A_680 = arith.constant 3 : i32
      %get3A_681 = arith.index_cast %get3A_680 : i32 to index
      %get3A_682 = arith.index_cast %scan3A_170 : i32 to index
      %get3A_683 = arith.constant 64 : index
      %get3A_684 = tpu.vector_load %arg8[%get3A_681, %get3A_682, %get3A_683] {strides = array<i32>} : memref<8x32x128xf32, #tpu.memory_space<vmem>>, vector<1x1x16xf32>,
      %get3A_685 = vector.shape_cast %get3A_684 : vector<1x1x16xf32> to vector<16xf32>
      %mul3A_686 = arith.mulf %get3A_679, %get3A_685 : vector<16xf32>
      %add3A_687 = arith.addf %add3A_673, %mul3A_686 : vector<16xf32>
      %get3A_688 = arith.constant 4 : i32
      %get3A_689 = arith.index_cast %get3A_688 : i32 to index
      %get3A_690 = arith.index_cast %scan3A_170 : i32 to index
      %get3A_691 = arith.constant 64 : index
      %get3A_692 = tpu.vector_load %arg7[%get3A_689, %get3A_690, %get3A_691] {strides = array<i32>} : memref<8x32x128xf32, #tpu.memory_space<vmem>>, vector<1x1x16xf32>,
      %get3A_693 = vector.shape_cast %get3A_692 : vector<1x1x16xf32> to vector<16xf32>
      %get3A_694 = arith.constant 4 : i32
      %get3A_695 = arith.index_cast %get3A_694 : i32 to index
      %get3A_696 = arith.index_cast %scan3A_170 : i32 to index
      %get3A_697 = arith.constant 64 : index
      %get3A_698 = tpu.vector_load %arg8[%get3A_695, %get3A_696, %get3A_697] {strides = array<i32>} : memref<8x32x128xf32, #tpu.memory_space<vmem>>, vector<1x1x16xf32>,
      %get3A_699 = vector.shape_cast %get3A_698 : vector<1x1x16xf32> to vector<16xf32>
      %mul3A_700 = arith.mulf %get3A_693, %get3A_699 : vector<16xf32>
      %add3A_701 = arith.addf %add3A_687, %mul3A_700 : vector<16xf32>
      %get3A_702 = arith.constant 5 : i32
      %get3A_703 = arith.index_cast %get3A_702 : i32 to index
      %get3A_704 = arith.index_cast %scan3A_170 : i32 to index
      %get3A_705 = arith.constant 64 : index
      %get3A_706 = tpu.vector_load %arg7[%get3A_703, %get3A_704, %get3A_705] {strides = array<i32>} : memref<8x32x128xf32, #tpu.memory_space<vmem>>, vector<1x1x16xf32>,
      %get3A_707 = vector.shape_cast %get3A_706 : vector<1x1x16xf32> to vector<16xf32>
      %get3A_708 = arith.constant 5 : i32
      %get3A_709 = arith.index_cast %get3A_708 : i32 to index
      %get3A_710 = arith.index_cast %scan3A_170 : i32 to index
      %get3A_711 = arith.constant 64 : index
      %get3A_712 = tpu.vector_load %arg8[%get3A_709, %get3A_710, %get3A_711] {strides = array<i32>} : memref<8x32x128xf32, #tpu.memory_space<vmem>>, vector<1x1x16xf32>,
      %get3A_713 = vector.shape_cast %get3A_712 : vector<1x1x16xf32> to vector<16xf32>
      %mul3A_714 = arith.mulf %get3A_707, %get3A_713 : vector<16xf32>
      %add3A_715 = arith.addf %add3A_701, %mul3A_714 : vector<16xf32>
      %get3A_716 = arith.constant 6 : i32
      %get3A_717 = arith.index_cast %get3A_716 : i32 to index
      %get3A_718 = arith.index_cast %scan3A_170 : i32 to index
      %get3A_719 = arith.constant 64 : index
      %get3A_720 = tpu.vector_load %arg7[%get3A_717, %get3A_718, %get3A_719] {strides = array<i32>} : memref<8x32x128xf32, #tpu.memory_space<vmem>>, vector<1x1x16xf32>,
      %get3A_721 = vector.shape_cast %get3A_720 : vector<1x1x16xf32> to vector<16xf32>
      %get3A_722 = arith.constant 6 : i32
      %get3A_723 = arith.index_cast %get3A_722 : i32 to index
      %get3A_724 = arith.index_cast %scan3A_170 : i32 to index
      %get3A_725 = arith.constant 64 : index
      %get3A_726 = tpu.vector_load %arg8[%get3A_723, %get3A_724, %get3A_725] {strides = array<i32>} : memref<8x32x128xf32, #tpu.memory_space<vmem>>, vector<1x1x16xf32>,
      %get3A_727 = vector.shape_cast %get3A_726 : vector<1x1x16xf32> to vector<16xf32>
      %mul3A_728 = arith.mulf %get3A_721, %get3A_727 : vector<16xf32>
      %add3A_729 = arith.addf %add3A_715, %mul3A_728 : vector<16xf32>
      %get3A_730 = arith.constant 7 : i32
      %get3A_731 = arith.index_cast %get3A_730 : i32 to index
      %get3A_732 = arith.index_cast %scan3A_170 : i32 to index
      %get3A_733 = arith.constant 64 : index
      %get3A_734 = tpu.vector_load %arg7[%get3A_731, %get3A_732, %get3A_733] {strides = array<i32>} : memref<8x32x128xf32, #tpu.memory_space<vmem>>, vector<1x1x16xf32>,
      %get3A_735 = vector.shape_cast %get3A_734 : vector<1x1x16xf32> to vector<16xf32>
      %get3A_736 = arith.constant 7 : i32
      %get3A_737 = arith.index_cast %get3A_736 : i32 to index
      %get3A_738 = arith.index_cast %scan3A_170 : i32 to index
      %get3A_739 = arith.constant 64 : index
      %get3A_740 = tpu.vector_load %arg8[%get3A_737, %get3A_738, %get3A_739] {strides = array<i32>} : memref<8x32x128xf32, #tpu.memory_space<vmem>>, vector<1x1x16xf32>,
      %get3A_741 = vector.shape_cast %get3A_740 : vector<1x1x16xf32> to vector<16xf32>
      %mul3A_742 = arith.mulf %get3A_735, %get3A_741 : vector<16xf32>
      %add3A_743 = arith.addf %add3A_729, %mul3A_742 : vector<16xf32>
      %swap3A_744 = arith.index_cast %scan3A_170 : i32 to index
      %swap3A_745 = arith.constant 64 : index
      %swap3A_746 = tpu.vector_load %arg9[%swap3A_744, %swap3A_745] {strides = array<i32>} : memref<32x128xf32, #tpu.memory_space<vmem>>, vector<1x16xf32>,
      %swap3A_747 = vector.shape_cast %swap3A_746 : vector<1x16xf32> to vector<16xf32>
      %swap3A_748 = vector.shape_cast %add3A_743 : vector<16xf32> to vector<1x16xf32>
      tpu.vector_store %arg9[%swap3A_744, %swap3A_745], %swap3A_748 {strides = array<i32>} : memref<32x128xf32, #tpu.memory_space<vmem>>, vector<1x16xf32>,
      %get3A_749 = arith.constant 0 : i32
      %get3A_750 = arith.index_cast %get3A_749 : i32 to index
      %get3A_751 = arith.index_cast %scan3A_170 : i32 to index
      %get3A_752 = arith.constant 80 : index
      %get3A_753 = tpu.vector_load %arg7[%get3A_750, %get3A_751, %get3A_752] {strides = array<i32>} : memref<8x32x128xf32, #tpu.memory_space<vmem>>, vector<1x1x16xf32>,
      %get3A_754 = vector.shape_cast %get3A_753 : vector<1x1x16xf32> to vector<16xf32>
      %get3A_755 = arith.constant 0 : i32
      %get3A_756 = arith.index_cast %get3A_755 : i32 to index
      %get3A_757 = arith.index_cast %scan3A_170 : i32 to index
      %get3A_758 = arith.constant 80 : index
      %get3A_759 = tpu.vector_load %arg8[%get3A_756, %get3A_757, %get3A_758] {strides = array<i32>} : memref<8x32x128xf32, #tpu.memory_space<vmem>>, vector<1x1x16xf32>,
      %get3A_760 = vector.shape_cast %get3A_759 : vector<1x1x16xf32> to vector<16xf32>
      %mul3A_761 = arith.mulf %get3A_754, %get3A_760 : vector<16xf32>
      %get3A_762 = arith.constant 1 : i32
      %get3A_763 = arith.index_cast %get3A_762 : i32 to index
      %get3A_764 = arith.index_cast %scan3A_170 : i32 to index
      %get3A_765 = arith.constant 80 : index
      %get3A_766 = tpu.vector_load %arg7[%get3A_763, %get3A_764, %get3A_765] {strides = array<i32>} : memref<8x32x128xf32, #tpu.memory_space<vmem>>, vector<1x1x16xf32>,
      %get3A_767 = vector.shape_cast %get3A_766 : vector<1x1x16xf32> to vector<16xf32>
      %get3A_768 = arith.constant 1 : i32
      %get3A_769 = arith.index_cast %get3A_768 : i32 to index
      %get3A_770 = arith.index_cast %scan3A_170 : i32 to index
      %get3A_771 = arith.constant 80 : index
      %get3A_772 = tpu.vector_load %arg8[%get3A_769, %get3A_770, %get3A_771] {strides = array<i32>} : memref<8x32x128xf32, #tpu.memory_space<vmem>>, vector<1x1x16xf32>,
      %get3A_773 = vector.shape_cast %get3A_772 : vector<1x1x16xf32> to vector<16xf32>
      %mul3A_774 = arith.mulf %get3A_767, %get3A_773 : vector<16xf32>
      %add3A_775 = arith.addf %mul3A_761, %mul3A_774 : vector<16xf32>
      %get3A_776 = arith.constant 2 : i32
      %get3A_777 = arith.index_cast %get3A_776 : i32 to index
      %get3A_778 = arith.index_cast %scan3A_170 : i32 to index
      %get3A_779 = arith.constant 80 : index
      %get3A_780 = tpu.vector_load %arg7[%get3A_777, %get3A_778, %get3A_779] {strides = array<i32>} : memref<8x32x128xf32, #tpu.memory_space<vmem>>, vector<1x1x16xf32>,
      %get3A_781 = vector.shape_cast %get3A_780 : vector<1x1x16xf32> to vector<16xf32>
      %get3A_782 = arith.constant 2 : i32
      %get3A_783 = arith.index_cast %get3A_782 : i32 to index
      %get3A_784 = arith.index_cast %scan3A_170 : i32 to index
      %get3A_785 = arith.constant 80 : index
      %get3A_786 = tpu.vector_load %arg8[%get3A_783, %get3A_784, %get3A_785] {strides = array<i32>} : memref<8x32x128xf32, #tpu.memory_space<vmem>>, vector<1x1x16xf32>,
      %get3A_787 = vector.shape_cast %get3A_786 : vector<1x1x16xf32> to vector<16xf32>
      %mul3A_788 = arith.mulf %get3A_781, %get3A_787 : vector<16xf32>
      %add3A_789 = arith.addf %add3A_775, %mul3A_788 : vector<16xf32>
      %get3A_790 = arith.constant 3 : i32
      %get3A_791 = arith.index_cast %get3A_790 : i32 to index
      %get3A_792 = arith.index_cast %scan3A_170 : i32 to index
      %get3A_793 = arith.constant 80 : index
      %get3A_794 = tpu.vector_load %arg7[%get3A_791, %get3A_792, %get3A_793] {strides = array<i32>} : memref<8x32x128xf32, #tpu.memory_space<vmem>>, vector<1x1x16xf32>,
      %get3A_795 = vector.shape_cast %get3A_794 : vector<1x1x16xf32> to vector<16xf32>
      %get3A_796 = arith.constant 3 : i32
      %get3A_797 = arith.index_cast %get3A_796 : i32 to index
      %get3A_798 = arith.index_cast %scan3A_170 : i32 to index
      %get3A_799 = arith.constant 80 : index
      %get3A_800 = tpu.vector_load %arg8[%get3A_797, %get3A_798, %get3A_799] {strides = array<i32>} : memref<8x32x128xf32, #tpu.memory_space<vmem>>, vector<1x1x16xf32>,
      %get3A_801 = vector.shape_cast %get3A_800 : vector<1x1x16xf32> to vector<16xf32>
      %mul3A_802 = arith.mulf %get3A_795, %get3A_801 : vector<16xf32>
      %add3A_803 = arith.addf %add3A_789, %mul3A_802 : vector<16xf32>
      %get3A_804 = arith.constant 4 : i32
      %get3A_805 = arith.index_cast %get3A_804 : i32 to index
      %get3A_806 = arith.index_cast %scan3A_170 : i32 to index
      %get3A_807 = arith.constant 80 : index
      %get3A_808 = tpu.vector_load %arg7[%get3A_805, %get3A_806, %get3A_807] {strides = array<i32>} : memref<8x32x128xf32, #tpu.memory_space<vmem>>, vector<1x1x16xf32>,
      %get3A_809 = vector.shape_cast %get3A_808 : vector<1x1x16xf32> to vector<16xf32>
      %get3A_810 = arith.constant 4 : i32
      %get3A_811 = arith.index_cast %get3A_810 : i32 to index
      %get3A_812 = arith.index_cast %scan3A_170 : i32 to index
      %get3A_813 = arith.constant 80 : index
      %get3A_814 = tpu.vector_load %arg8[%get3A_811, %get3A_812, %get3A_813] {strides = array<i32>} : memref<8x32x128xf32, #tpu.memory_space<vmem>>, vector<1x1x16xf32>,
      %get3A_815 = vector.shape_cast %get3A_814 : vector<1x1x16xf32> to vector<16xf32>
      %mul3A_816 = arith.mulf %get3A_809, %get3A_815 : vector<16xf32>
      %add3A_817 = arith.addf %add3A_803, %mul3A_816 : vector<16xf32>
      %get3A_818 = arith.constant 5 : i32
      %get3A_819 = arith.index_cast %get3A_818 : i32 to index
      %get3A_820 = arith.index_cast %scan3A_170 : i32 to index
      %get3A_821 = arith.constant 80 : index
      %get3A_822 = tpu.vector_load %arg7[%get3A_819, %get3A_820, %get3A_821] {strides = array<i32>} : memref<8x32x128xf32, #tpu.memory_space<vmem>>, vector<1x1x16xf32>,
      %get3A_823 = vector.shape_cast %get3A_822 : vector<1x1x16xf32> to vector<16xf32>
      %get3A_824 = arith.constant 5 : i32
      %get3A_825 = arith.index_cast %get3A_824 : i32 to index
      %get3A_826 = arith.index_cast %scan3A_170 : i32 to index
      %get3A_827 = arith.constant 80 : index
      %get3A_828 = tpu.vector_load %arg8[%get3A_825, %get3A_826, %get3A_827] {strides = array<i32>} : memref<8x32x128xf32, #tpu.memory_space<vmem>>, vector<1x1x16xf32>,
      %get3A_829 = vector.shape_cast %get3A_828 : vector<1x1x16xf32> to vector<16xf32>
      %mul3A_830 = arith.mulf %get3A_823, %get3A_829 : vector<16xf32>
      %add3A_831 = arith.addf %add3A_817, %mul3A_830 : vector<16xf32>
      %get3A_832 = arith.constant 6 : i32
      %get3A_833 = arith.index_cast %get3A_832 : i32 to index
      %get3A_834 = arith.index_cast %scan3A_170 : i32 to index
      %get3A_835 = arith.constant 80 : index
      %get3A_836 = tpu.vector_load %arg7[%get3A_833, %get3A_834, %get3A_835] {strides = array<i32>} : memref<8x32x128xf32, #tpu.memory_space<vmem>>, vector<1x1x16xf32>,
      %get3A_837 = vector.shape_cast %get3A_836 : vector<1x1x16xf32> to vector<16xf32>
      %get3A_838 = arith.constant 6 : i32
      %get3A_839 = arith.index_cast %get3A_838 : i32 to index
      %get3A_840 = arith.index_cast %scan3A_170 : i32 to index
      %get3A_841 = arith.constant 80 : index
      %get3A_842 = tpu.vector_load %arg8[%get3A_839, %get3A_840, %get3A_841] {strides = array<i32>} : memref<8x32x128xf32, #tpu.memory_space<vmem>>, vector<1x1x16xf32>,
      %get3A_843 = vector.shape_cast %get3A_842 : vector<1x1x16xf32> to vector<16xf32>
      %mul3A_844 = arith.mulf %get3A_837, %get3A_843 : vector<16xf32>
      %add3A_845 = arith.addf %add3A_831, %mul3A_844 : vector<16xf32>
      %get3A_846 = arith.constant 7 : i32
      %get3A_847 = arith.index_cast %get3A_846 : i32 to index
      %get3A_848 = arith.index_cast %scan3A_170 : i32 to index
      %get3A_849 = arith.constant 80 : index
      %get3A_850 = tpu.vector_load %arg7[%get3A_847, %get3A_848, %get3A_849] {strides = array<i32>} : memref<8x32x128xf32, #tpu.memory_space<vmem>>, vector<1x1x16xf32>,
      %get3A_851 = vector.shape_cast %get3A_850 : vector<1x1x16xf32> to vector<16xf32>
      %get3A_852 = arith.constant 7 : i32
      %get3A_853 = arith.index_cast %get3A_852 : i32 to index
      %get3A_854 = arith.index_cast %scan3A_170 : i32 to index
      %get3A_855 = arith.constant 80 : index
      %get3A_856 = tpu.vector_load %arg8[%get3A_853, %get3A_854, %get3A_855] {strides = array<i32>} : memref<8x32x128xf32, #tpu.memory_space<vmem>>, vector<1x1x16xf32>,
      %get3A_857 = vector.shape_cast %get3A_856 : vector<1x1x16xf32> to vector<16xf32>
      %mul3A_858 = arith.mulf %get3A_851, %get3A_857 : vector<16xf32>
      %add3A_859 = arith.addf %add3A_845, %mul3A_858 : vector<16xf32>
      %swap3A_860 = arith.index_cast %scan3A_170 : i32 to index
      %swap3A_861 = arith.constant 80 : index
      %swap3A_862 = tpu.vector_load %arg9[%swap3A_860, %swap3A_861] {strides = array<i32>} : memref<32x128xf32, #tpu.memory_space<vmem>>, vector<1x16xf32>,
      %swap3A_863 = vector.shape_cast %swap3A_862 : vector<1x16xf32> to vector<16xf32>
      %swap3A_864 = vector.shape_cast %add3A_859 : vector<16xf32> to vector<1x16xf32>
      tpu.vector_store %arg9[%swap3A_860, %swap3A_861], %swap3A_864 {strides = array<i32>} : memref<32x128xf32, #tpu.memory_space<vmem>>, vector<1x16xf32>,
      %get3A_865 = arith.constant 0 : i32
      %get3A_866 = arith.index_cast %get3A_865 : i32 to index
      %get3A_867 = arith.index_cast %scan3A_170 : i32 to index
      %get3A_868 = arith.constant 96 : index
      %get3A_869 = tpu.vector_load %arg7[%get3A_866, %get3A_867, %get3A_868] {strides = array<i32>} : memref<8x32x128xf32, #tpu.memory_space<vmem>>, vector<1x1x16xf32>,
      %get3A_870 = vector.shape_cast %get3A_869 : vector<1x1x16xf32> to vector<16xf32>
      %get3A_871 = arith.constant 0 : i32
      %get3A_872 = arith.index_cast %get3A_871 : i32 to index
      %get3A_873 = arith.index_cast %scan3A_170 : i32 to index
      %get3A_874 = arith.constant 96 : index
      %get3A_875 = tpu.vector_load %arg8[%get3A_872, %get3A_873, %get3A_874] {strides = array<i32>} : memref<8x32x128xf32, #tpu.memory_space<vmem>>, vector<1x1x16xf32>,
      %get3A_876 = vector.shape_cast %get3A_875 : vector<1x1x16xf32> to vector<16xf32>
      %mul3A_877 = arith.mulf %get3A_870, %get3A_876 : vector<16xf32>
      %get3A_878 = arith.constant 1 : i32
      %get3A_879 = arith.index_cast %get3A_878 : i32 to index
      %get3A_880 = arith.index_cast %scan3A_170 : i32 to index
      %get3A_881 = arith.constant 96 : index
      %get3A_882 = tpu.vector_load %arg7[%get3A_879, %get3A_880, %get3A_881] {strides = array<i32>} : memref<8x32x128xf32, #tpu.memory_space<vmem>>, vector<1x1x16xf32>,
      %get3A_883 = vector.shape_cast %get3A_882 : vector<1x1x16xf32> to vector<16xf32>
      %get3A_884 = arith.constant 1 : i32
      %get3A_885 = arith.index_cast %get3A_884 : i32 to index
      %get3A_886 = arith.index_cast %scan3A_170 : i32 to index
      %get3A_887 = arith.constant 96 : index
      %get3A_888 = tpu.vector_load %arg8[%get3A_885, %get3A_886, %get3A_887] {strides = array<i32>} : memref<8x32x128xf32, #tpu.memory_space<vmem>>, vector<1x1x16xf32>,
      %get3A_889 = vector.shape_cast %get3A_888 : vector<1x1x16xf32> to vector<16xf32>
      %mul3A_890 = arith.mulf %get3A_883, %get3A_889 : vector<16xf32>
      %add3A_891 = arith.addf %mul3A_877, %mul3A_890 : vector<16xf32>
      %get3A_892 = arith.constant 2 : i32
      %get3A_893 = arith.index_cast %get3A_892 : i32 to index
      %get3A_894 = arith.index_cast %scan3A_170 : i32 to index
      %get3A_895 = arith.constant 96 : index
      %get3A_896 = tpu.vector_load %arg7[%get3A_893, %get3A_894, %get3A_895] {strides = array<i32>} : memref<8x32x128xf32, #tpu.memory_space<vmem>>, vector<1x1x16xf32>,
      %get3A_897 = vector.shape_cast %get3A_896 : vector<1x1x16xf32> to vector<16xf32>
      %get3A_898 = arith.constant 2 : i32
      %get3A_899 = arith.index_cast %get3A_898 : i32 to index
      %get3A_900 = arith.index_cast %scan3A_170 : i32 to index
      %get3A_901 = arith.constant 96 : index
      %get3A_902 = tpu.vector_load %arg8[%get3A_899, %get3A_900, %get3A_901] {strides = array<i32>} : memref<8x32x128xf32, #tpu.memory_space<vmem>>, vector<1x1x16xf32>,
      %get3A_903 = vector.shape_cast %get3A_902 : vector<1x1x16xf32> to vector<16xf32>
      %mul3A_904 = arith.mulf %get3A_897, %get3A_903 : vector<16xf32>
      %add3A_905 = arith.addf %add3A_891, %mul3A_904 : vector<16xf32>
      %get3A_906 = arith.constant 3 : i32
      %get3A_907 = arith.index_cast %get3A_906 : i32 to index
      %get3A_908 = arith.index_cast %scan3A_170 : i32 to index
      %get3A_909 = arith.constant 96 : index
      %get3A_910 = tpu.vector_load %arg7[%get3A_907, %get3A_908, %get3A_909] {strides = array<i32>} : memref<8x32x128xf32, #tpu.memory_space<vmem>>, vector<1x1x16xf32>,
      %get3A_911 = vector.shape_cast %get3A_910 : vector<1x1x16xf32> to vector<16xf32>
      %get3A_912 = arith.constant 3 : i32
      %get3A_913 = arith.index_cast %get3A_912 : i32 to index
      %get3A_914 = arith.index_cast %scan3A_170 : i32 to index
      %get3A_915 = arith.constant 96 : index
      %get3A_916 = tpu.vector_load %arg8[%get3A_913, %get3A_914, %get3A_915] {strides = array<i32>} : memref<8x32x128xf32, #tpu.memory_space<vmem>>, vector<1x1x16xf32>,
      %get3A_917 = vector.shape_cast %get3A_916 : vector<1x1x16xf32> to vector<16xf32>
      %mul3A_918 = arith.mulf %get3A_911, %get3A_917 : vector<16xf32>
      %add3A_919 = arith.addf %add3A_905, %mul3A_918 : vector<16xf32>
      %get3A_920 = arith.constant 4 : i32
      %get3A_921 = arith.index_cast %get3A_920 : i32 to index
      %get3A_922 = arith.index_cast %scan3A_170 : i32 to index
      %get3A_923 = arith.constant 96 : index
      %get3A_924 = tpu.vector_load %arg7[%get3A_921, %get3A_922, %get3A_923] {strides = array<i32>} : memref<8x32x128xf32, #tpu.memory_space<vmem>>, vector<1x1x16xf32>,
      %get3A_925 = vector.shape_cast %get3A_924 : vector<1x1x16xf32> to vector<16xf32>
      %get3A_926 = arith.constant 4 : i32
      %get3A_927 = arith.index_cast %get3A_926 : i32 to index
      %get3A_928 = arith.index_cast %scan3A_170 : i32 to index
      %get3A_929 = arith.constant 96 : index
      %get3A_930 = tpu.vector_load %arg8[%get3A_927, %get3A_928, %get3A_929] {strides = array<i32>} : memref<8x32x128xf32, #tpu.memory_space<vmem>>, vector<1x1x16xf32>,
      %get3A_931 = vector.shape_cast %get3A_930 : vector<1x1x16xf32> to vector<16xf32>
      %mul3A_932 = arith.mulf %get3A_925, %get3A_931 : vector<16xf32>
      %add3A_933 = arith.addf %add3A_919, %mul3A_932 : vector<16xf32>
      %get3A_934 = arith.constant 5 : i32
      %get3A_935 = arith.index_cast %get3A_934 : i32 to index
      %get3A_936 = arith.index_cast %scan3A_170 : i32 to index
      %get3A_937 = arith.constant 96 : index
      %get3A_938 = tpu.vector_load %arg7[%get3A_935, %get3A_936, %get3A_937] {strides = array<i32>} : memref<8x32x128xf32, #tpu.memory_space<vmem>>, vector<1x1x16xf32>,
      %get3A_939 = vector.shape_cast %get3A_938 : vector<1x1x16xf32> to vector<16xf32>
      %get3A_940 = arith.constant 5 : i32
      %get3A_941 = arith.index_cast %get3A_940 : i32 to index
      %get3A_942 = arith.index_cast %scan3A_170 : i32 to index
      %get3A_943 = arith.constant 96 : index
      %get3A_944 = tpu.vector_load %arg8[%get3A_941, %get3A_942, %get3A_943] {strides = array<i32>} : memref<8x32x128xf32, #tpu.memory_space<vmem>>, vector<1x1x16xf32>,
      %get3A_945 = vector.shape_cast %get3A_944 : vector<1x1x16xf32> to vector<16xf32>
      %mul3A_946 = arith.mulf %get3A_939, %get3A_945 : vector<16xf32>
      %add3A_947 = arith.addf %add3A_933, %mul3A_946 : vector<16xf32>
      %get3A_948 = arith.constant 6 : i32
      %get3A_949 = arith.index_cast %get3A_948 : i32 to index
      %get3A_950 = arith.index_cast %scan3A_170 : i32 to index
      %get3A_951 = arith.constant 96 : index
      %get3A_952 = tpu.vector_load %arg7[%get3A_949, %get3A_950, %get3A_951] {strides = array<i32>} : memref<8x32x128xf32, #tpu.memory_space<vmem>>, vector<1x1x16xf32>,
      %get3A_953 = vector.shape_cast %get3A_952 : vector<1x1x16xf32> to vector<16xf32>
      %get3A_954 = arith.constant 6 : i32
      %get3A_955 = arith.index_cast %get3A_954 : i32 to index
      %get3A_956 = arith.index_cast %scan3A_170 : i32 to index
      %get3A_957 = arith.constant 96 : index
      %get3A_958 = tpu.vector_load %arg8[%get3A_955, %get3A_956, %get3A_957] {strides = array<i32>} : memref<8x32x128xf32, #tpu.memory_space<vmem>>, vector<1x1x16xf32>,
      %get3A_959 = vector.shape_cast %get3A_958 : vector<1x1x16xf32> to vector<16xf32>
      %mul3A_960 = arith.mulf %get3A_953, %get3A_959 : vector<16xf32>
      %add3A_961 = arith.addf %add3A_947, %mul3A_960 : vector<16xf32>
      %get3A_962 = arith.constant 7 : i32
      %get3A_963 = arith.index_cast %get3A_962 : i32 to index
      %get3A_964 = arith.index_cast %scan3A_170 : i32 to index
      %get3A_965 = arith.constant 96 : index
      %get3A_966 = tpu.vector_load %arg7[%get3A_963, %get3A_964, %get3A_965] {strides = array<i32>} : memref<8x32x128xf32, #tpu.memory_space<vmem>>, vector<1x1x16xf32>,
      %get3A_967 = vector.shape_cast %get3A_966 : vector<1x1x16xf32> to vector<16xf32>
      %get3A_968 = arith.constant 7 : i32
      %get3A_969 = arith.index_cast %get3A_968 : i32 to index
      %get3A_970 = arith.index_cast %scan3A_170 : i32 to index
      %get3A_971 = arith.constant 96 : index
      %get3A_972 = tpu.vector_load %arg8[%get3A_969, %get3A_970, %get3A_971] {strides = array<i32>} : memref<8x32x128xf32, #tpu.memory_space<vmem>>, vector<1x1x16xf32>,
      %get3A_973 = vector.shape_cast %get3A_972 : vector<1x1x16xf32> to vector<16xf32>
      %mul3A_974 = arith.mulf %get3A_967, %get3A_973 : vector<16xf32>
      %add3A_975 = arith.addf %add3A_961, %mul3A_974 : vector<16xf32>
      %swap3A_976 = arith.index_cast %scan3A_170 : i32 to index
      %swap3A_977 = arith.constant 96 : index
      %swap3A_978 = tpu.vector_load %arg9[%swap3A_976, %swap3A_977] {strides = array<i32>} : memref<32x128xf32, #tpu.memory_space<vmem>>, vector<1x16xf32>,
      %swap3A_979 = vector.shape_cast %swap3A_978 : vector<1x16xf32> to vector<16xf32>
      %swap3A_980 = vector.shape_cast %add3A_975 : vector<16xf32> to vector<1x16xf32>
      tpu.vector_store %arg9[%swap3A_976, %swap3A_977], %swap3A_980 {strides = array<i32>} : memref<32x128xf32, #tpu.memory_space<vmem>>, vector<1x16xf32>,
      %get3A_981 = arith.constant 0 : i32
      %get3A_982 = arith.index_cast %get3A_981 : i32 to index
      %get3A_983 = arith.index_cast %scan3A_170 : i32 to index
      %get3A_984 = arith.constant 112 : index
      %get3A_985 = tpu.vector_load %arg7[%get3A_982, %get3A_983, %get3A_984] {strides = array<i32>} : memref<8x32x128xf32, #tpu.memory_space<vmem>>, vector<1x1x16xf32>,
      %get3A_986 = vector.shape_cast %get3A_985 : vector<1x1x16xf32> to vector<16xf32>
      %get3A_987 = arith.constant 0 : i32
      %get3A_988 = arith.index_cast %get3A_987 : i32 to index
      %get3A_989 = arith.index_cast %scan3A_170 : i32 to index
      %get3A_990 = arith.constant 112 : index
      %get3A_991 = tpu.vector_load %arg8[%get3A_988, %get3A_989, %get3A_990] {strides = array<i32>} : memref<8x32x128xf32, #tpu.memory_space<vmem>>, vector<1x1x16xf32>,
      %get3A_992 = vector.shape_cast %get3A_991 : vector<1x1x16xf32> to vector<16xf32>
      %mul3A_993 = arith.mulf %get3A_986, %get3A_992 : vector<16xf32>
      %get3A_994 = arith.constant 1 : i32
      %get3A_995 = arith.index_cast %get3A_994 : i32 to index
      %get3A_996 = arith.index_cast %scan3A_170 : i32 to index
      %get3A_997 = arith.constant 112 : index
      %get3A_998 = tpu.vector_load %arg7[%get3A_995, %get3A_996, %get3A_997] {strides = array<i32>} : memref<8x32x128xf32, #tpu.memory_space<vmem>>, vector<1x1x16xf32>,
      %get3A_999 = vector.shape_cast %get3A_998 : vector<1x1x16xf32> to vector<16xf32>
      %get3A_1000 = arith.constant 1 : i32
      %get3A_1001 = arith.index_cast %get3A_1000 : i32 to index
      %get3A_1002 = arith.index_cast %scan3A_170 : i32 to index
      %get3A_1003 = arith.constant 112 : index
      %get3A_1004 = tpu.vector_load %arg8[%get3A_1001, %get3A_1002, %get3A_1003] {strides = array<i32>} : memref<8x32x128xf32, #tpu.memory_space<vmem>>, vector<1x1x16xf32>,
      %get3A_1005 = vector.shape_cast %get3A_1004 : vector<1x1x16xf32> to vector<16xf32>
      %mul3A_1006 = arith.mulf %get3A_999, %get3A_1005 : vector<16xf32>
      %add3A_1007 = arith.addf %mul3A_993, %mul3A_1006 : vector<16xf32>
      %get3A_1008 = arith.constant 2 : i32
      %get3A_1009 = arith.index_cast %get3A_1008 : i32 to index
      %get3A_1010 = arith.index_cast %scan3A_170 : i32 to index
      %get3A_1011 = arith.constant 112 : index
      %get3A_1012 = tpu.vector_load %arg7[%get3A_1009, %get3A_1010, %get3A_1011] {strides = array<i32>} : memref<8x32x128xf32, #tpu.memory_space<vmem>>, vector<1x1x16xf32>,
      %get3A_1013 = vector.shape_cast %get3A_1012 : vector<1x1x16xf32> to vector<16xf32>
      %get3A_1014 = arith.constant 2 : i32
      %get3A_1015 = arith.index_cast %get3A_1014 : i32 to index
      %get3A_1016 = arith.index_cast %scan3A_170 : i32 to index
      %get3A_1017 = arith.constant 112 : index
      %get3A_1018 = tpu.vector_load %arg8[%get3A_1015, %get3A_1016, %get3A_1017] {strides = array<i32>} : memref<8x32x128xf32, #tpu.memory_space<vmem>>, vector<1x1x16xf32>,
      %get3A_1019 = vector.shape_cast %get3A_1018 : vector<1x1x16xf32> to vector<16xf32>
      %mul3A_1020 = arith.mulf %get3A_1013, %get3A_1019 : vector<16xf32>
      %add3A_1021 = arith.addf %add3A_1007, %mul3A_1020 : vector<16xf32>
      %get3A_1022 = arith.constant 3 : i32
      %get3A_1023 = arith.index_cast %get3A_1022 : i32 to index
      %get3A_1024 = arith.index_cast %scan3A_170 : i32 to index
      %get3A_1025 = arith.constant 112 : index
      %get3A_1026 = tpu.vector_load %arg7[%get3A_1023, %get3A_1024, %get3A_1025] {strides = array<i32>} : memref<8x32x128xf32, #tpu.memory_space<vmem>>, vector<1x1x16xf32>,
      %get3A_1027 = vector.shape_cast %get3A_1026 : vector<1x1x16xf32> to vector<16xf32>
      %get3A_1028 = arith.constant 3 : i32
      %get3A_1029 = arith.index_cast %get3A_1028 : i32 to index
      %get3A_1030 = arith.index_cast %scan3A_170 : i32 to index
      %get3A_1031 = arith.constant 112 : index
      %get3A_1032 = tpu.vector_load %arg8[%get3A_1029, %get3A_1030, %get3A_1031] {strides = array<i32>} : memref<8x32x128xf32, #tpu.memory_space<vmem>>, vector<1x1x16xf32>,
      %get3A_1033 = vector.shape_cast %get3A_1032 : vector<1x1x16xf32> to vector<16xf32>
      %mul3A_1034 = arith.mulf %get3A_1027, %get3A_1033 : vector<16xf32>
      %add3A_1035 = arith.addf %add3A_1021, %mul3A_1034 : vector<16xf32>
      %get3A_1036 = arith.constant 4 : i32
      %get3A_1037 = arith.index_cast %get3A_1036 : i32 to index
      %get3A_1038 = arith.index_cast %scan3A_170 : i32 to index
      %get3A_1039 = arith.constant 112 : index
      %get3A_1040 = tpu.vector_load %arg7[%get3A_1037, %get3A_1038, %get3A_1039] {strides = array<i32>} : memref<8x32x128xf32, #tpu.memory_space<vmem>>, vector<1x1x16xf32>,
      %get3A_1041 = vector.shape_cast %get3A_1040 : vector<1x1x16xf32> to vector<16xf32>
      %get3A_1042 = arith.constant 4 : i32
      %get3A_1043 = arith.index_cast %get3A_1042 : i32 to index
      %get3A_1044 = arith.index_cast %scan3A_170 : i32 to index
      %get3A_1045 = arith.constant 112 : index
      %get3A_1046 = tpu.vector_load %arg8[%get3A_1043, %get3A_1044, %get3A_1045] {strides = array<i32>} : memref<8x32x128xf32, #tpu.memory_space<vmem>>, vector<1x1x16xf32>,
      %get3A_1047 = vector.shape_cast %get3A_1046 : vector<1x1x16xf32> to vector<16xf32>
      %mul3A_1048 = arith.mulf %get3A_1041, %get3A_1047 : vector<16xf32>
      %add3A_1049 = arith.addf %add3A_1035, %mul3A_1048 : vector<16xf32>
      %get3A_1050 = arith.constant 5 : i32
      %get3A_1051 = arith.index_cast %get3A_1050 : i32 to index
      %get3A_1052 = arith.index_cast %scan3A_170 : i32 to index
      %get3A_1053 = arith.constant 112 : index
      %get3A_1054 = tpu.vector_load %arg7[%get3A_1051, %get3A_1052, %get3A_1053] {strides = array<i32>} : memref<8x32x128xf32, #tpu.memory_space<vmem>>, vector<1x1x16xf32>,
      %get3A_1055 = vector.shape_cast %get3A_1054 : vector<1x1x16xf32> to vector<16xf32>
      %get3A_1056 = arith.constant 5 : i32
      %get3A_1057 = arith.index_cast %get3A_1056 : i32 to index
      %get3A_1058 = arith.index_cast %scan3A_170 : i32 to index
      %get3A_1059 = arith.constant 112 : index
      %get3A_1060 = tpu.vector_load %arg8[%get3A_1057, %get3A_1058, %get3A_1059] {strides = array<i32>} : memref<8x32x128xf32, #tpu.memory_space<vmem>>, vector<1x1x16xf32>,
      %get3A_1061 = vector.shape_cast %get3A_1060 : vector<1x1x16xf32> to vector<16xf32>
      %mul3A_1062 = arith.mulf %get3A_1055, %get3A_1061 : vector<16xf32>
      %add3A_1063 = arith.addf %add3A_1049, %mul3A_1062 : vector<16xf32>
      %get3A_1064 = arith.constant 6 : i32
      %get3A_1065 = arith.index_cast %get3A_1064 : i32 to index
      %get3A_1066 = arith.index_cast %scan3A_170 : i32 to index
      %get3A_1067 = arith.constant 112 : index
      %get3A_1068 = tpu.vector_load %arg7[%get3A_1065, %get3A_1066, %get3A_1067] {strides = array<i32>} : memref<8x32x128xf32, #tpu.memory_space<vmem>>, vector<1x1x16xf32>,
      %get3A_1069 = vector.shape_cast %get3A_1068 : vector<1x1x16xf32> to vector<16xf32>
      %get3A_1070 = arith.constant 6 : i32
      %get3A_1071 = arith.index_cast %get3A_1070 : i32 to index
      %get3A_1072 = arith.index_cast %scan3A_170 : i32 to index
      %get3A_1073 = arith.constant 112 : index
      %get3A_1074 = tpu.vector_load %arg8[%get3A_1071, %get3A_1072, %get3A_1073] {strides = array<i32>} : memref<8x32x128xf32, #tpu.memory_space<vmem>>, vector<1x1x16xf32>,
      %get3A_1075 = vector.shape_cast %get3A_1074 : vector<1x1x16xf32> to vector<16xf32>
      %mul3A_1076 = arith.mulf %get3A_1069, %get3A_1075 : vector<16xf32>
      %add3A_1077 = arith.addf %add3A_1063, %mul3A_1076 : vector<16xf32>
      %get3A_1078 = arith.constant 7 : i32
      %get3A_1079 = arith.index_cast %get3A_1078 : i32 to index
      %get3A_1080 = arith.index_cast %scan3A_170 : i32 to index
      %get3A_1081 = arith.constant 112 : index
      %get3A_1082 = tpu.vector_load %arg7[%get3A_1079, %get3A_1080, %get3A_1081] {strides = array<i32>} : memref<8x32x128xf32, #tpu.memory_space<vmem>>, vector<1x1x16xf32>,
      %get3A_1083 = vector.shape_cast %get3A_1082 : vector<1x1x16xf32> to vector<16xf32>
      %get3A_1084 = arith.constant 7 : i32
      %get3A_1085 = arith.index_cast %get3A_1084 : i32 to index
      %get3A_1086 = arith.index_cast %scan3A_170 : i32 to index
      %get3A_1087 = arith.constant 112 : index
      %get3A_1088 = tpu.vector_load %arg8[%get3A_1085, %get3A_1086, %get3A_1087] {strides = array<i32>} : memref<8x32x128xf32, #tpu.memory_space<vmem>>, vector<1x1x16xf32>,
      %get3A_1089 = vector.shape_cast %get3A_1088 : vector<1x1x16xf32> to vector<16xf32>
      %mul3A_1090 = arith.mulf %get3A_1083, %get3A_1089 : vector<16xf32>
      %add3A_1091 = arith.addf %add3A_1077, %mul3A_1090 : vector<16xf32>
      %swap3A_1092 = arith.index_cast %scan3A_170 : i32 to index
      %swap3A_1093 = arith.constant 112 : index
      %swap3A_1094 = tpu.vector_load %arg9[%swap3A_1092, %swap3A_1093] {strides = array<i32>} : memref<32x128xf32, #tpu.memory_space<vmem>>, vector<1x16xf32>,
      %swap3A_1095 = vector.shape_cast %swap3A_1094 : vector<1x16xf32> to vector<16xf32>
      %swap3A_1096 = vector.shape_cast %add3A_1091 : vector<16xf32> to vector<1x16xf32>
      tpu.vector_store %arg9[%swap3A_1092, %swap3A_1093], %swap3A_1096 {strides = array<i32>} : memref<32x128xf32, #tpu.memory_space<vmem>>, vector<1x16xf32>,
    }
    %scan3A_169 = arith.constant 32 : i32
    "tpu.region"() ({
      %run_scoped3A = tpu.sem_alloc : memref<!tpu.dma_semaphore, #tpu.memory_space<semaphore_mem>>
      %dma_start3A_170 = arith.constant 0 : i32
      %dma_start3A_171 = tpu.memref_slice %arg5[%mul3A_2, %dma_start3A_170] : memref<1024x128xf32, #tpu.memory_space<hbm>> -> memref<32x128xf32, #tpu.memory_space<hbm>>
      %dma_start3A_172 = arith.constant 0 : i32
      %dma_start3A_173 = tpu.memref_slice %arg5[%mul3A_2, %dma_start3A_172] : memref<1024x128xf32, #tpu.memory_space<hbm>> -> memref<32x128xf32, #tpu.memory_space<hbm>>
      tpu.enqueue_dma source(%arg9 : memref<32x128xf32, #tpu.memory_space<vmem>>) target(%dma_start3A_173 : memref<32x128xf32, #tpu.memory_space<hbm>>) target_semaphore(%run_scoped3A : memref<!tpu.dma_semaphore, #tpu.memory_space<semaphore_mem>>)
      %dma_wait3A_174 = arith.constant 0 : i32
      %dma_wait3A_175 = tpu.memref_slice %arg5[%mul3A_2, %dma_wait3A_174] : memref<1024x128xf32, #tpu.memory_space<hbm>> -> memref<32x128xf32, #tpu.memory_space<hbm>>
      %dma_wait3A_176 = arith.constant 0 : i32
      %dma_wait3A_177 = tpu.memref_slice %arg5[%mul3A_2, %dma_wait3A_176] : memref<1024x128xf32, #tpu.memory_space<hbm>> -> memref<32x128xf32, #tpu.memory_space<hbm>>
      tpu.wait_dma2 semaphore(%run_scoped3A : memref<!tpu.dma_semaphore, #tpu.memory_space<semaphore_mem>>) src(%arg9 : memref<32x128xf32, #tpu.memory_space<vmem>>) dst(%dma_wait3A_177 : memref<32x128xf32, #tpu.memory_space<hbm>>)
      tpu.yield
    }) : () -> ()
    return
  }
}

module attributes {stable_mosaic.version = 14 : i64} {
  func.func @_tc_body(%arg0: i32, %arg1: i32, %arg2: memref<128x1xi32, #tpu.memory_space<vmem>>, %arg3: memref<128x8192xf32, #tpu.memory_space<vmem>>, %arg4: memref<1x1xf32, #tpu.memory_space<smem>>, %arg5: memref<1x1xf32, #tpu.memory_space<smem>>, %arg6: memref<1x1xf32, #tpu.memory_space<smem>>, %arg7: memref<128x8xi32, #tpu.memory_space<vmem>>, %arg8: memref<128x8xf32, #tpu.memory_space<vmem>>, %arg9: memref<128x8xf32, #tpu.memory_space<vmem>>, %arg10: memref<128x8xf32, #tpu.memory_space<vmem>>, %arg11: memref<128x1xf32, #tpu.memory_space<vmem>>, %arg12: memref<1x8192xf32, #tpu.memory_space<vmem>>) attributes {dimension_semantics = [#tpu.dimension_semantics<parallel>, #tpu.dimension_semantics<arbitrary>], iteration_bounds = array<i64: 8, 13>, scalar_prefetch = 0 : i64, scratch_operands = 4 : i64, tpu.core_type = #tpu.core_type<tc>, window_params = [{transform_indices = @transform_0, window_bounds = array<i64: 128, 1>}, {transform_indices = @transform_1, window_bounds = array<i64: 128, 8192>}, {transform_indices = @transform_2, window_bounds = array<i64: 1, 1>}, {transform_indices = @transform_3, window_bounds = array<i64: 1, 1>}, {transform_indices = @transform_4, window_bounds = array<i64: 1, 1>}, {transform_indices = @transform_5, window_bounds = array<i64: 128, 8>}, {transform_indices = @transform_6, window_bounds = array<i64: 128, 8>}]} {
    %eq3A = arith.constant 0 : i32
    %eq3A_0 = arith.cmpi eq, %arg1, %eq3A : i32
    %convert_element_type3A = arith.extui %eq3A_0 : i1 to i32
    %cond3A = arith.constant 0 : i32
    %cond3A_1 = arith.cmpi ne, %convert_element_type3A, %cond3A : i32
    scf.if %cond3A_1 {
      %broadcast_in_dim3A = arith.constant -1.000000e+00 : f32
      %broadcast_in_dim3A_16 = vector.broadcast %broadcast_in_dim3A : f32 to vector<128x8xf32>
      %swap3A = arith.constant 0 : index
      %swap3A_17 = arith.constant 0 : index
      %swap3A_18 = vector.load %arg9[%swap3A, %swap3A_17] : memref<128x8xf32, #tpu.memory_space<vmem>>, vector<128x8xf32>
      tpu.vector_store %arg9[%swap3A, %swap3A_17], %broadcast_in_dim3A_16 {strides = array<i32>} : memref<128x8xf32, #tpu.memory_space<vmem>>, vector<128x8xf32>,
      %broadcast_in_dim3A_19 = arith.constant 1.000000e+09 : f32
      %broadcast_in_dim3A_20 = vector.broadcast %broadcast_in_dim3A_19 : f32 to vector<128x8xf32>
      %swap3A_21 = arith.constant 0 : index
      %swap3A_22 = arith.constant 0 : index
      %swap3A_23 = vector.load %arg10[%swap3A_21, %swap3A_22] : memref<128x8xf32, #tpu.memory_space<vmem>>, vector<128x8xf32>
      tpu.vector_store %arg10[%swap3A_21, %swap3A_22], %broadcast_in_dim3A_20 {strides = array<i32>} : memref<128x8xf32, #tpu.memory_space<vmem>>, vector<128x8xf32>,
      %broadcast_in_dim3A_24 = arith.constant 0.000000e+00 : f32
      %broadcast_in_dim3A_25 = vector.broadcast %broadcast_in_dim3A_24 : f32 to vector<128x1xf32>
      %swap3A_26 = arith.constant 0 : index
      %swap3A_27 = arith.constant 0 : index
      %swap3A_28 = vector.load %arg11[%swap3A_26, %swap3A_27] : memref<128x1xf32, #tpu.memory_space<vmem>>, vector<128x1xf32>
      tpu.vector_store %arg11[%swap3A_26, %swap3A_27], %broadcast_in_dim3A_25 {strides = array<i32>} : memref<128x1xf32, #tpu.memory_space<vmem>>, vector<128x1xf32>,
      %iota3A = tpu.iota {dimensions = array<i32: 1>} : vector<1x8192xi32>
      %convert_element_type3A_29 = arith.sitofp %iota3A : vector<1x8192xi32> to vector<1x8192xf32>
      %swap3A_30 = arith.constant 0 : index
      %swap3A_31 = arith.constant 0 : index
      %swap3A_32 = vector.load %arg12[%swap3A_30, %swap3A_31] : memref<1x8192xf32, #tpu.memory_space<vmem>>, vector<1x8192xf32>
      tpu.vector_store %arg12[%swap3A_30, %swap3A_31], %convert_element_type3A_29 {strides = array<i32>} : memref<1x8192xf32, #tpu.memory_space<vmem>>, vector<1x8192xf32>,
    } else {
    }
    %lt3A = arith.constant 12 : i32
    %lt3A_2 = arith.cmpi slt, %arg1, %lt3A : i32
    %convert_element_type3A_3 = arith.extui %lt3A_2 : i1 to i32
    %cond3A_4 = arith.constant 0 : i32
    %cond3A_5 = arith.cmpi ne, %convert_element_type3A_3, %cond3A_4 : i32
    scf.if %cond3A_5 {
      %get3A = arith.constant 0 : index
      %get3A_16 = arith.constant 0 : index
      %get3A_17 = vector.load %arg3[%get3A, %get3A_16] : memref<128x8192xf32, #tpu.memory_space<vmem>>, vector<128x8192xf32>
      %get3A_18 = arith.constant 0 : index
      %get3A_19 = arith.constant 0 : index
      %get3A_20 = vector.load %arg12[%get3A_18, %get3A_19] : memref<1x8192xf32, #tpu.memory_space<vmem>>, vector<1x8192xf32>
      %max3A = arith.constant 1.000000e-30 : f32
      %max3A_21 = vector.broadcast %max3A : f32 to vector<128x8192xf32>
      %max3A_22 = arith.maximumf %get3A_17, %max3A_21 : vector<128x8192xf32>
      %log3A = math.log %max3A_22 : vector<128x8192xf32>
      %get3A_23 = arith.constant 0 : index
      %get3A_24 = arith.constant 0 : index
      %get3A_25 = vector.load %arg11[%get3A_23, %get3A_24] : memref<128x1xf32, #tpu.memory_space<vmem>>, vector<128x1xf32>
      %mul3A = arith.mulf %get3A_17, %log3A : vector<128x8192xf32>
      %reduce_sum3A = arith.constant dense<0.000000e+00> : vector<128xf32>
      %reduce_sum3A_26 = vector.multi_reduction <add>, %mul3A, %reduce_sum3A [1] : vector<128x8192xf32> to vector<128xf32>
      %broadcast_in_dim3A = vector.shape_cast %reduce_sum3A_26 : vector<128xf32> to vector<128x1xf32>
      %sub3A = arith.subf %get3A_25, %broadcast_in_dim3A : vector<128x1xf32>
      %swap3A = arith.constant 0 : index
      %swap3A_27 = arith.constant 0 : index
      %swap3A_28 = vector.load %arg11[%swap3A, %swap3A_27] : memref<128x1xf32, #tpu.memory_space<vmem>>, vector<128x1xf32>
      tpu.vector_store %arg11[%swap3A, %swap3A_27], %sub3A {strides = array<i32>} : memref<128x1xf32, #tpu.memory_space<vmem>>, vector<128x1xf32>,
      %slice3A = vector.extract_strided_slice %get3A_17 {offsets = [0, 0], sizes = [128, 128], strides = [1, 1]} : vector<128x8192xf32> to vector<128x128xf32>
      %slice3A_29 = vector.extract_strided_slice %get3A_20 {offsets = [0, 0], sizes = [1, 128], strides = [1, 1]} : vector<1x8192xf32> to vector<1x128xf32>
      %broadcast_in_dim3A_30 = vector.shape_cast %slice3A_29 : vector<1x128xf32> to vector<1x128xf32>
      %broadcast_in_dim3A_31 = vector.broadcast %broadcast_in_dim3A_30 : vector<1x128xf32> to vector<128x128xf32>
      %broadcast_in_dim3A_32 = arith.constant -1.000000e+00 : f32
      %broadcast_in_dim3A_33 = vector.broadcast %broadcast_in_dim3A_32 : f32 to vector<128x128xf32>
      %broadcast_in_dim3A_34 = arith.constant 1.000000e+09 : f32
      %broadcast_in_dim3A_35 = vector.broadcast %broadcast_in_dim3A_34 : f32 to vector<128x128xf32>
      %slice3A_36 = vector.extract_strided_slice %get3A_17 {offsets = [0, 128], sizes = [128, 128], strides = [1, 1]} : vector<128x8192xf32> to vector<128x128xf32>
      %slice3A_37 = vector.extract_strided_slice %get3A_20 {offsets = [0, 128], sizes = [1, 128], strides = [1, 1]} : vector<1x8192xf32> to vector<1x128xf32>
      %gt3A = arith.cmpf ogt, %slice3A_36, %slice3A : vector<128x128xf32>
      %gt3A_38 = arith.cmpf ogt, %slice3A_36, %broadcast_in_dim3A_33 : vector<128x128xf32>
      %select_n3A = arith.select %gt3A_38, %slice3A_36, %broadcast_in_dim3A_33 : vector<128x128xi1>, vector<128x128xf32>
      %select_n3A_39 = arith.select %gt3A, %slice3A, %select_n3A : vector<128x128xi1>, vector<128x128xf32>
      %broadcast_in_dim3A_40 = vector.shape_cast %slice3A_37 : vector<1x128xf32> to vector<1x128xf32>
      %broadcast_in_dim3A_41 = vector.broadcast %broadcast_in_dim3A_40 : vector<1x128xf32> to vector<128x128xf32>
      %select_n3A_42 = arith.select %gt3A_38, %broadcast_in_dim3A_41, %broadcast_in_dim3A_35 : vector<128x128xi1>, vector<128x128xf32>
      %select_n3A_43 = arith.select %gt3A, %broadcast_in_dim3A_31, %select_n3A_42 : vector<128x128xi1>, vector<128x128xf32>
      %select_n3A_44 = arith.select %gt3A, %slice3A_36, %slice3A : vector<128x128xi1>, vector<128x128xf32>
      %broadcast_in_dim3A_45 = vector.shape_cast %slice3A_37 : vector<1x128xf32> to vector<1x128xf32>
      %broadcast_in_dim3A_46 = vector.broadcast %broadcast_in_dim3A_45 : vector<1x128xf32> to vector<128x128xf32>
      %select_n3A_47 = arith.select %gt3A, %broadcast_in_dim3A_46, %broadcast_in_dim3A_31 : vector<128x128xi1>, vector<128x128xf32>
      %slice3A_48 = vector.extract_strided_slice %get3A_17 {offsets = [0, 256], sizes = [128, 128], strides = [1, 1]} : vector<128x8192xf32> to vector<128x128xf32>
      %slice3A_49 = vector.extract_strided_slice %get3A_20 {offsets = [0, 256], sizes = [1, 128], strides = [1, 1]} : vector<1x8192xf32> to vector<1x128xf32>
      %gt3A_50 = arith.cmpf ogt, %slice3A_48, %select_n3A_44 : vector<128x128xf32>
      %gt3A_51 = arith.cmpf ogt, %slice3A_48, %select_n3A_39 : vector<128x128xf32>
      %select_n3A_52 = arith.select %gt3A_51, %slice3A_48, %select_n3A_39 : vector<128x128xi1>, vector<128x128xf32>
      %select_n3A_53 = arith.select %gt3A_50, %select_n3A_44, %select_n3A_52 : vector<128x128xi1>, vector<128x128xf32>
      %broadcast_in_dim3A_54 = vector.shape_cast %slice3A_49 : vector<1x128xf32> to vector<1x128xf32>
      %broadcast_in_dim3A_55 = vector.broadcast %broadcast_in_dim3A_54 : vector<1x128xf32> to vector<128x128xf32>
      %select_n3A_56 = arith.select %gt3A_51, %broadcast_in_dim3A_55, %select_n3A_43 : vector<128x128xi1>, vector<128x128xf32>
      %select_n3A_57 = arith.select %gt3A_50, %select_n3A_47, %select_n3A_56 : vector<128x128xi1>, vector<128x128xf32>
      %select_n3A_58 = arith.select %gt3A_50, %slice3A_48, %select_n3A_44 : vector<128x128xi1>, vector<128x128xf32>
      %broadcast_in_dim3A_59 = vector.shape_cast %slice3A_49 : vector<1x128xf32> to vector<1x128xf32>
      %broadcast_in_dim3A_60 = vector.broadcast %broadcast_in_dim3A_59 : vector<1x128xf32> to vector<128x128xf32>
      %select_n3A_61 = arith.select %gt3A_50, %broadcast_in_dim3A_60, %select_n3A_47 : vector<128x128xi1>, vector<128x128xf32>
      %slice3A_62 = vector.extract_strided_slice %get3A_17 {offsets = [0, 384], sizes = [128, 128], strides = [1, 1]} : vector<128x8192xf32> to vector<128x128xf32>
      %slice3A_63 = vector.extract_strided_slice %get3A_20 {offsets = [0, 384], sizes = [1, 128], strides = [1, 1]} : vector<1x8192xf32> to vector<1x128xf32>
      %gt3A_64 = arith.cmpf ogt, %slice3A_62, %select_n3A_58 : vector<128x128xf32>
      %gt3A_65 = arith.cmpf ogt, %slice3A_62, %select_n3A_53 : vector<128x128xf32>
      %select_n3A_66 = arith.select %gt3A_65, %slice3A_62, %select_n3A_53 : vector<128x128xi1>, vector<128x128xf32>
      %select_n3A_67 = arith.select %gt3A_64, %select_n3A_58, %select_n3A_66 : vector<128x128xi1>, vector<128x128xf32>
      %broadcast_in_dim3A_68 = vector.shape_cast %slice3A_63 : vector<1x128xf32> to vector<1x128xf32>
      %broadcast_in_dim3A_69 = vector.broadcast %broadcast_in_dim3A_68 : vector<1x128xf32> to vector<128x128xf32>
      %select_n3A_70 = arith.select %gt3A_65, %broadcast_in_dim3A_69, %select_n3A_57 : vector<128x128xi1>, vector<128x128xf32>
      %select_n3A_71 = arith.select %gt3A_64, %select_n3A_61, %select_n3A_70 : vector<128x128xi1>, vector<128x128xf32>
      %select_n3A_72 = arith.select %gt3A_64, %slice3A_62, %select_n3A_58 : vector<128x128xi1>, vector<128x128xf32>
      %broadcast_in_dim3A_73 = vector.shape_cast %slice3A_63 : vector<1x128xf32> to vector<1x128xf32>
      %broadcast_in_dim3A_74 = vector.broadcast %broadcast_in_dim3A_73 : vector<1x128xf32> to vector<128x128xf32>
      %select_n3A_75 = arith.select %gt3A_64, %broadcast_in_dim3A_74, %select_n3A_61 : vector<128x128xi1>, vector<128x128xf32>
      %slice3A_76 = vector.extract_strided_slice %get3A_17 {offsets = [0, 512], sizes = [128, 128], strides = [1, 1]} : vector<128x8192xf32> to vector<128x128xf32>
      %slice3A_77 = vector.extract_strided_slice %get3A_20 {offsets = [0, 512], sizes = [1, 128], strides = [1, 1]} : vector<1x8192xf32> to vector<1x128xf32>
      %gt3A_78 = arith.cmpf ogt, %slice3A_76, %select_n3A_72 : vector<128x128xf32>
      %gt3A_79 = arith.cmpf ogt, %slice3A_76, %select_n3A_67 : vector<128x128xf32>
      %select_n3A_80 = arith.select %gt3A_79, %slice3A_76, %select_n3A_67 : vector<128x128xi1>, vector<128x128xf32>
      %select_n3A_81 = arith.select %gt3A_78, %select_n3A_72, %select_n3A_80 : vector<128x128xi1>, vector<128x128xf32>
      %broadcast_in_dim3A_82 = vector.shape_cast %slice3A_77 : vector<1x128xf32> to vector<1x128xf32>
      %broadcast_in_dim3A_83 = vector.broadcast %broadcast_in_dim3A_82 : vector<1x128xf32> to vector<128x128xf32>
      %select_n3A_84 = arith.select %gt3A_79, %broadcast_in_dim3A_83, %select_n3A_71 : vector<128x128xi1>, vector<128x128xf32>
      %select_n3A_85 = arith.select %gt3A_78, %select_n3A_75, %select_n3A_84 : vector<128x128xi1>, vector<128x128xf32>
      %select_n3A_86 = arith.select %gt3A_78, %slice3A_76, %select_n3A_72 : vector<128x128xi1>, vector<128x128xf32>
      %broadcast_in_dim3A_87 = vector.shape_cast %slice3A_77 : vector<1x128xf32> to vector<1x128xf32>
      %broadcast_in_dim3A_88 = vector.broadcast %broadcast_in_dim3A_87 : vector<1x128xf32> to vector<128x128xf32>
      %select_n3A_89 = arith.select %gt3A_78, %broadcast_in_dim3A_88, %select_n3A_75 : vector<128x128xi1>, vector<128x128xf32>
      %slice3A_90 = vector.extract_strided_slice %get3A_17 {offsets = [0, 640], sizes = [128, 128], strides = [1, 1]} : vector<128x8192xf32> to vector<128x128xf32>
      %slice3A_91 = vector.extract_strided_slice %get3A_20 {offsets = [0, 640], sizes = [1, 128], strides = [1, 1]} : vector<1x8192xf32> to vector<1x128xf32>
      %gt3A_92 = arith.cmpf ogt, %slice3A_90, %select_n3A_86 : vector<128x128xf32>
      %gt3A_93 = arith.cmpf ogt, %slice3A_90, %select_n3A_81 : vector<128x128xf32>
      %select_n3A_94 = arith.select %gt3A_93, %slice3A_90, %select_n3A_81 : vector<128x128xi1>, vector<128x128xf32>
      %select_n3A_95 = arith.select %gt3A_92, %select_n3A_86, %select_n3A_94 : vector<128x128xi1>, vector<128x128xf32>
      %broadcast_in_dim3A_96 = vector.shape_cast %slice3A_91 : vector<1x128xf32> to vector<1x128xf32>
      %broadcast_in_dim3A_97 = vector.broadcast %broadcast_in_dim3A_96 : vector<1x128xf32> to vector<128x128xf32>
      %select_n3A_98 = arith.select %gt3A_93, %broadcast_in_dim3A_97, %select_n3A_85 : vector<128x128xi1>, vector<128x128xf32>
      %select_n3A_99 = arith.select %gt3A_92, %select_n3A_89, %select_n3A_98 : vector<128x128xi1>, vector<128x128xf32>
      %select_n3A_100 = arith.select %gt3A_92, %slice3A_90, %select_n3A_86 : vector<128x128xi1>, vector<128x128xf32>
      %broadcast_in_dim3A_101 = vector.shape_cast %slice3A_91 : vector<1x128xf32> to vector<1x128xf32>
      %broadcast_in_dim3A_102 = vector.broadcast %broadcast_in_dim3A_101 : vector<1x128xf32> to vector<128x128xf32>
      %select_n3A_103 = arith.select %gt3A_92, %broadcast_in_dim3A_102, %select_n3A_89 : vector<128x128xi1>, vector<128x128xf32>
      %slice3A_104 = vector.extract_strided_slice %get3A_17 {offsets = [0, 768], sizes = [128, 128], strides = [1, 1]} : vector<128x8192xf32> to vector<128x128xf32>
      %slice3A_105 = vector.extract_strided_slice %get3A_20 {offsets = [0, 768], sizes = [1, 128], strides = [1, 1]} : vector<1x8192xf32> to vector<1x128xf32>
      %gt3A_106 = arith.cmpf ogt, %slice3A_104, %select_n3A_100 : vector<128x128xf32>
      %gt3A_107 = arith.cmpf ogt, %slice3A_104, %select_n3A_95 : vector<128x128xf32>
      %select_n3A_108 = arith.select %gt3A_107, %slice3A_104, %select_n3A_95 : vector<128x128xi1>, vector<128x128xf32>
      %select_n3A_109 = arith.select %gt3A_106, %select_n3A_100, %select_n3A_108 : vector<128x128xi1>, vector<128x128xf32>
      %broadcast_in_dim3A_110 = vector.shape_cast %slice3A_105 : vector<1x128xf32> to vector<1x128xf32>
      %broadcast_in_dim3A_111 = vector.broadcast %broadcast_in_dim3A_110 : vector<1x128xf32> to vector<128x128xf32>
      %select_n3A_112 = arith.select %gt3A_107, %broadcast_in_dim3A_111, %select_n3A_99 : vector<128x128xi1>, vector<128x128xf32>
      %select_n3A_113 = arith.select %gt3A_106, %select_n3A_103, %select_n3A_112 : vector<128x128xi1>, vector<128x128xf32>
      %select_n3A_114 = arith.select %gt3A_106, %slice3A_104, %select_n3A_100 : vector<128x128xi1>, vector<128x128xf32>
      %broadcast_in_dim3A_115 = vector.shape_cast %slice3A_105 : vector<1x128xf32> to vector<1x128xf32>
      %broadcast_in_dim3A_116 = vector.broadcast %broadcast_in_dim3A_115 : vector<1x128xf32> to vector<128x128xf32>
      %select_n3A_117 = arith.select %gt3A_106, %broadcast_in_dim3A_116, %select_n3A_103 : vector<128x128xi1>, vector<128x128xf32>
      %slice3A_118 = vector.extract_strided_slice %get3A_17 {offsets = [0, 896], sizes = [128, 128], strides = [1, 1]} : vector<128x8192xf32> to vector<128x128xf32>
      %slice3A_119 = vector.extract_strided_slice %get3A_20 {offsets = [0, 896], sizes = [1, 128], strides = [1, 1]} : vector<1x8192xf32> to vector<1x128xf32>
      %gt3A_120 = arith.cmpf ogt, %slice3A_118, %select_n3A_114 : vector<128x128xf32>
      %gt3A_121 = arith.cmpf ogt, %slice3A_118, %select_n3A_109 : vector<128x128xf32>
      %select_n3A_122 = arith.select %gt3A_121, %slice3A_118, %select_n3A_109 : vector<128x128xi1>, vector<128x128xf32>
      %select_n3A_123 = arith.select %gt3A_120, %select_n3A_114, %select_n3A_122 : vector<128x128xi1>, vector<128x128xf32>
      %broadcast_in_dim3A_124 = vector.shape_cast %slice3A_119 : vector<1x128xf32> to vector<1x128xf32>
      %broadcast_in_dim3A_125 = vector.broadcast %broadcast_in_dim3A_124 : vector<1x128xf32> to vector<128x128xf32>
      %select_n3A_126 = arith.select %gt3A_121, %broadcast_in_dim3A_125, %select_n3A_113 : vector<128x128xi1>, vector<128x128xf32>
      %select_n3A_127 = arith.select %gt3A_120, %select_n3A_117, %select_n3A_126 : vector<128x128xi1>, vector<128x128xf32>
      %select_n3A_128 = arith.select %gt3A_120, %slice3A_118, %select_n3A_114 : vector<128x128xi1>, vector<128x128xf32>
      %broadcast_in_dim3A_129 = vector.shape_cast %slice3A_119 : vector<1x128xf32> to vector<1x128xf32>
      %broadcast_in_dim3A_130 = vector.broadcast %broadcast_in_dim3A_129 : vector<1x128xf32> to vector<128x128xf32>
      %select_n3A_131 = arith.select %gt3A_120, %broadcast_in_dim3A_130, %select_n3A_117 : vector<128x128xi1>, vector<128x128xf32>
      %slice3A_132 = vector.extract_strided_slice %get3A_17 {offsets = [0, 1024], sizes = [128, 128], strides = [1, 1]} : vector<128x8192xf32> to vector<128x128xf32>
      %slice3A_133 = vector.extract_strided_slice %get3A_20 {offsets = [0, 1024], sizes = [1, 128], strides = [1, 1]} : vector<1x8192xf32> to vector<1x128xf32>
      %gt3A_134 = arith.cmpf ogt, %slice3A_132, %select_n3A_128 : vector<128x128xf32>
      %gt3A_135 = arith.cmpf ogt, %slice3A_132, %select_n3A_123 : vector<128x128xf32>
      %select_n3A_136 = arith.select %gt3A_135, %slice3A_132, %select_n3A_123 : vector<128x128xi1>, vector<128x128xf32>
      %select_n3A_137 = arith.select %gt3A_134, %select_n3A_128, %select_n3A_136 : vector<128x128xi1>, vector<128x128xf32>
      %broadcast_in_dim3A_138 = vector.shape_cast %slice3A_133 : vector<1x128xf32> to vector<1x128xf32>
      %broadcast_in_dim3A_139 = vector.broadcast %broadcast_in_dim3A_138 : vector<1x128xf32> to vector<128x128xf32>
      %select_n3A_140 = arith.select %gt3A_135, %broadcast_in_dim3A_139, %select_n3A_127 : vector<128x128xi1>, vector<128x128xf32>
      %select_n3A_141 = arith.select %gt3A_134, %select_n3A_131, %select_n3A_140 : vector<128x128xi1>, vector<128x128xf32>
      %select_n3A_142 = arith.select %gt3A_134, %slice3A_132, %select_n3A_128 : vector<128x128xi1>, vector<128x128xf32>
      %broadcast_in_dim3A_143 = vector.shape_cast %slice3A_133 : vector<1x128xf32> to vector<1x128xf32>
      %broadcast_in_dim3A_144 = vector.broadcast %broadcast_in_dim3A_143 : vector<1x128xf32> to vector<128x128xf32>
      %select_n3A_145 = arith.select %gt3A_134, %broadcast_in_dim3A_144, %select_n3A_131 : vector<128x128xi1>, vector<128x128xf32>
      %slice3A_146 = vector.extract_strided_slice %get3A_17 {offsets = [0, 1152], sizes = [128, 128], strides = [1, 1]} : vector<128x8192xf32> to vector<128x128xf32>
      %slice3A_147 = vector.extract_strided_slice %get3A_20 {offsets = [0, 1152], sizes = [1, 128], strides = [1, 1]} : vector<1x8192xf32> to vector<1x128xf32>
      %gt3A_148 = arith.cmpf ogt, %slice3A_146, %select_n3A_142 : vector<128x128xf32>
      %gt3A_149 = arith.cmpf ogt, %slice3A_146, %select_n3A_137 : vector<128x128xf32>
      %select_n3A_150 = arith.select %gt3A_149, %slice3A_146, %select_n3A_137 : vector<128x128xi1>, vector<128x128xf32>
      %select_n3A_151 = arith.select %gt3A_148, %select_n3A_142, %select_n3A_150 : vector<128x128xi1>, vector<128x128xf32>
      %broadcast_in_dim3A_152 = vector.shape_cast %slice3A_147 : vector<1x128xf32> to vector<1x128xf32>
      %broadcast_in_dim3A_153 = vector.broadcast %broadcast_in_dim3A_152 : vector<1x128xf32> to vector<128x128xf32>
      %select_n3A_154 = arith.select %gt3A_149, %broadcast_in_dim3A_153, %select_n3A_141 : vector<128x128xi1>, vector<128x128xf32>
      %select_n3A_155 = arith.select %gt3A_148, %select_n3A_145, %select_n3A_154 : vector<128x128xi1>, vector<128x128xf32>
      %select_n3A_156 = arith.select %gt3A_148, %slice3A_146, %select_n3A_142 : vector<128x128xi1>, vector<128x128xf32>
      %broadcast_in_dim3A_157 = vector.shape_cast %slice3A_147 : vector<1x128xf32> to vector<1x128xf32>
      %broadcast_in_dim3A_158 = vector.broadcast %broadcast_in_dim3A_157 : vector<1x128xf32> to vector<128x128xf32>
      %select_n3A_159 = arith.select %gt3A_148, %broadcast_in_dim3A_158, %select_n3A_145 : vector<128x128xi1>, vector<128x128xf32>
      %slice3A_160 = vector.extract_strided_slice %get3A_17 {offsets = [0, 1280], sizes = [128, 128], strides = [1, 1]} : vector<128x8192xf32> to vector<128x128xf32>
      %slice3A_161 = vector.extract_strided_slice %get3A_20 {offsets = [0, 1280], sizes = [1, 128], strides = [1, 1]} : vector<1x8192xf32> to vector<1x128xf32>
      %gt3A_162 = arith.cmpf ogt, %slice3A_160, %select_n3A_156 : vector<128x128xf32>
      %gt3A_163 = arith.cmpf ogt, %slice3A_160, %select_n3A_151 : vector<128x128xf32>
      %select_n3A_164 = arith.select %gt3A_163, %slice3A_160, %select_n3A_151 : vector<128x128xi1>, vector<128x128xf32>
      %select_n3A_165 = arith.select %gt3A_162, %select_n3A_156, %select_n3A_164 : vector<128x128xi1>, vector<128x128xf32>
      %broadcast_in_dim3A_166 = vector.shape_cast %slice3A_161 : vector<1x128xf32> to vector<1x128xf32>
      %broadcast_in_dim3A_167 = vector.broadcast %broadcast_in_dim3A_166 : vector<1x128xf32> to vector<128x128xf32>
      %select_n3A_168 = arith.select %gt3A_163, %broadcast_in_dim3A_167, %select_n3A_155 : vector<128x128xi1>, vector<128x128xf32>
      %select_n3A_169 = arith.select %gt3A_162, %select_n3A_159, %select_n3A_168 : vector<128x128xi1>, vector<128x128xf32>
      %select_n3A_170 = arith.select %gt3A_162, %slice3A_160, %select_n3A_156 : vector<128x128xi1>, vector<128x128xf32>
      %broadcast_in_dim3A_171 = vector.shape_cast %slice3A_161 : vector<1x128xf32> to vector<1x128xf32>
      %broadcast_in_dim3A_172 = vector.broadcast %broadcast_in_dim3A_171 : vector<1x128xf32> to vector<128x128xf32>
      %select_n3A_173 = arith.select %gt3A_162, %broadcast_in_dim3A_172, %select_n3A_159 : vector<128x128xi1>, vector<128x128xf32>
      %slice3A_174 = vector.extract_strided_slice %get3A_17 {offsets = [0, 1408], sizes = [128, 128], strides = [1, 1]} : vector<128x8192xf32> to vector<128x128xf32>
      %slice3A_175 = vector.extract_strided_slice %get3A_20 {offsets = [0, 1408], sizes = [1, 128], strides = [1, 1]} : vector<1x8192xf32> to vector<1x128xf32>
      %gt3A_176 = arith.cmpf ogt, %slice3A_174, %select_n3A_170 : vector<128x128xf32>
      %gt3A_177 = arith.cmpf ogt, %slice3A_174, %select_n3A_165 : vector<128x128xf32>
      %select_n3A_178 = arith.select %gt3A_177, %slice3A_174, %select_n3A_165 : vector<128x128xi1>, vector<128x128xf32>
      %select_n3A_179 = arith.select %gt3A_176, %select_n3A_170, %select_n3A_178 : vector<128x128xi1>, vector<128x128xf32>
      %broadcast_in_dim3A_180 = vector.shape_cast %slice3A_175 : vector<1x128xf32> to vector<1x128xf32>
      %broadcast_in_dim3A_181 = vector.broadcast %broadcast_in_dim3A_180 : vector<1x128xf32> to vector<128x128xf32>
      %select_n3A_182 = arith.select %gt3A_177, %broadcast_in_dim3A_181, %select_n3A_169 : vector<128x128xi1>, vector<128x128xf32>
      %select_n3A_183 = arith.select %gt3A_176, %select_n3A_173, %select_n3A_182 : vector<128x128xi1>, vector<128x128xf32>
      %select_n3A_184 = arith.select %gt3A_176, %slice3A_174, %select_n3A_170 : vector<128x128xi1>, vector<128x128xf32>
      %broadcast_in_dim3A_185 = vector.shape_cast %slice3A_175 : vector<1x128xf32> to vector<1x128xf32>
      %broadcast_in_dim3A_186 = vector.broadcast %broadcast_in_dim3A_185 : vector<1x128xf32> to vector<128x128xf32>
      %select_n3A_187 = arith.select %gt3A_176, %broadcast_in_dim3A_186, %select_n3A_173 : vector<128x128xi1>, vector<128x128xf32>
      %slice3A_188 = vector.extract_strided_slice %get3A_17 {offsets = [0, 1536], sizes = [128, 128], strides = [1, 1]} : vector<128x8192xf32> to vector<128x128xf32>
      %slice3A_189 = vector.extract_strided_slice %get3A_20 {offsets = [0, 1536], sizes = [1, 128], strides = [1, 1]} : vector<1x8192xf32> to vector<1x128xf32>
      %gt3A_190 = arith.cmpf ogt, %slice3A_188, %select_n3A_184 : vector<128x128xf32>
      %gt3A_191 = arith.cmpf ogt, %slice3A_188, %select_n3A_179 : vector<128x128xf32>
      %select_n3A_192 = arith.select %gt3A_191, %slice3A_188, %select_n3A_179 : vector<128x128xi1>, vector<128x128xf32>
      %select_n3A_193 = arith.select %gt3A_190, %select_n3A_184, %select_n3A_192 : vector<128x128xi1>, vector<128x128xf32>
      %broadcast_in_dim3A_194 = vector.shape_cast %slice3A_189 : vector<1x128xf32> to vector<1x128xf32>
      %broadcast_in_dim3A_195 = vector.broadcast %broadcast_in_dim3A_194 : vector<1x128xf32> to vector<128x128xf32>
      %select_n3A_196 = arith.select %gt3A_191, %broadcast_in_dim3A_195, %select_n3A_183 : vector<128x128xi1>, vector<128x128xf32>
      %select_n3A_197 = arith.select %gt3A_190, %select_n3A_187, %select_n3A_196 : vector<128x128xi1>, vector<128x128xf32>
      %select_n3A_198 = arith.select %gt3A_190, %slice3A_188, %select_n3A_184 : vector<128x128xi1>, vector<128x128xf32>
      %broadcast_in_dim3A_199 = vector.shape_cast %slice3A_189 : vector<1x128xf32> to vector<1x128xf32>
      %broadcast_in_dim3A_200 = vector.broadcast %broadcast_in_dim3A_199 : vector<1x128xf32> to vector<128x128xf32>
      %select_n3A_201 = arith.select %gt3A_190, %broadcast_in_dim3A_200, %select_n3A_187 : vector<128x128xi1>, vector<128x128xf32>
      %slice3A_202 = vector.extract_strided_slice %get3A_17 {offsets = [0, 1664], sizes = [128, 128], strides = [1, 1]} : vector<128x8192xf32> to vector<128x128xf32>
      %slice3A_203 = vector.extract_strided_slice %get3A_20 {offsets = [0, 1664], sizes = [1, 128], strides = [1, 1]} : vector<1x8192xf32> to vector<1x128xf32>
      %gt3A_204 = arith.cmpf ogt, %slice3A_202, %select_n3A_198 : vector<128x128xf32>
      %gt3A_205 = arith.cmpf ogt, %slice3A_202, %select_n3A_193 : vector<128x128xf32>
      %select_n3A_206 = arith.select %gt3A_205, %slice3A_202, %select_n3A_193 : vector<128x128xi1>, vector<128x128xf32>
      %select_n3A_207 = arith.select %gt3A_204, %select_n3A_198, %select_n3A_206 : vector<128x128xi1>, vector<128x128xf32>
      %broadcast_in_dim3A_208 = vector.shape_cast %slice3A_203 : vector<1x128xf32> to vector<1x128xf32>
      %broadcast_in_dim3A_209 = vector.broadcast %broadcast_in_dim3A_208 : vector<1x128xf32> to vector<128x128xf32>
      %select_n3A_210 = arith.select %gt3A_205, %broadcast_in_dim3A_209, %select_n3A_197 : vector<128x128xi1>, vector<128x128xf32>
      %select_n3A_211 = arith.select %gt3A_204, %select_n3A_201, %select_n3A_210 : vector<128x128xi1>, vector<128x128xf32>
      %select_n3A_212 = arith.select %gt3A_204, %slice3A_202, %select_n3A_198 : vector<128x128xi1>, vector<128x128xf32>
      %broadcast_in_dim3A_213 = vector.shape_cast %slice3A_203 : vector<1x128xf32> to vector<1x128xf32>
      %broadcast_in_dim3A_214 = vector.broadcast %broadcast_in_dim3A_213 : vector<1x128xf32> to vector<128x128xf32>
      %select_n3A_215 = arith.select %gt3A_204, %broadcast_in_dim3A_214, %select_n3A_201 : vector<128x128xi1>, vector<128x128xf32>
      %slice3A_216 = vector.extract_strided_slice %get3A_17 {offsets = [0, 1792], sizes = [128, 128], strides = [1, 1]} : vector<128x8192xf32> to vector<128x128xf32>
      %slice3A_217 = vector.extract_strided_slice %get3A_20 {offsets = [0, 1792], sizes = [1, 128], strides = [1, 1]} : vector<1x8192xf32> to vector<1x128xf32>
      %gt3A_218 = arith.cmpf ogt, %slice3A_216, %select_n3A_212 : vector<128x128xf32>
      %gt3A_219 = arith.cmpf ogt, %slice3A_216, %select_n3A_207 : vector<128x128xf32>
      %select_n3A_220 = arith.select %gt3A_219, %slice3A_216, %select_n3A_207 : vector<128x128xi1>, vector<128x128xf32>
      %select_n3A_221 = arith.select %gt3A_218, %select_n3A_212, %select_n3A_220 : vector<128x128xi1>, vector<128x128xf32>
      %broadcast_in_dim3A_222 = vector.shape_cast %slice3A_217 : vector<1x128xf32> to vector<1x128xf32>
      %broadcast_in_dim3A_223 = vector.broadcast %broadcast_in_dim3A_222 : vector<1x128xf32> to vector<128x128xf32>
      %select_n3A_224 = arith.select %gt3A_219, %broadcast_in_dim3A_223, %select_n3A_211 : vector<128x128xi1>, vector<128x128xf32>
      %select_n3A_225 = arith.select %gt3A_218, %select_n3A_215, %select_n3A_224 : vector<128x128xi1>, vector<128x128xf32>
      %select_n3A_226 = arith.select %gt3A_218, %slice3A_216, %select_n3A_212 : vector<128x128xi1>, vector<128x128xf32>
      %broadcast_in_dim3A_227 = vector.shape_cast %slice3A_217 : vector<1x128xf32> to vector<1x128xf32>
      %broadcast_in_dim3A_228 = vector.broadcast %broadcast_in_dim3A_227 : vector<1x128xf32> to vector<128x128xf32>
      %select_n3A_229 = arith.select %gt3A_218, %broadcast_in_dim3A_228, %select_n3A_215 : vector<128x128xi1>, vector<128x128xf32>
      %slice3A_230 = vector.extract_strided_slice %get3A_17 {offsets = [0, 1920], sizes = [128, 128], strides = [1, 1]} : vector<128x8192xf32> to vector<128x128xf32>
      %slice3A_231 = vector.extract_strided_slice %get3A_20 {offsets = [0, 1920], sizes = [1, 128], strides = [1, 1]} : vector<1x8192xf32> to vector<1x128xf32>
      %gt3A_232 = arith.cmpf ogt, %slice3A_230, %select_n3A_226 : vector<128x128xf32>
      %gt3A_233 = arith.cmpf ogt, %slice3A_230, %select_n3A_221 : vector<128x128xf32>
      %select_n3A_234 = arith.select %gt3A_233, %slice3A_230, %select_n3A_221 : vector<128x128xi1>, vector<128x128xf32>
      %select_n3A_235 = arith.select %gt3A_232, %select_n3A_226, %select_n3A_234 : vector<128x128xi1>, vector<128x128xf32>
      %broadcast_in_dim3A_236 = vector.shape_cast %slice3A_231 : vector<1x128xf32> to vector<1x128xf32>
      %broadcast_in_dim3A_237 = vector.broadcast %broadcast_in_dim3A_236 : vector<1x128xf32> to vector<128x128xf32>
      %select_n3A_238 = arith.select %gt3A_233, %broadcast_in_dim3A_237, %select_n3A_225 : vector<128x128xi1>, vector<128x128xf32>
      %select_n3A_239 = arith.select %gt3A_232, %select_n3A_229, %select_n3A_238 : vector<128x128xi1>, vector<128x128xf32>
      %select_n3A_240 = arith.select %gt3A_232, %slice3A_230, %select_n3A_226 : vector<128x128xi1>, vector<128x128xf32>
      %broadcast_in_dim3A_241 = vector.shape_cast %slice3A_231 : vector<1x128xf32> to vector<1x128xf32>
      %broadcast_in_dim3A_242 = vector.broadcast %broadcast_in_dim3A_241 : vector<1x128xf32> to vector<128x128xf32>
      %select_n3A_243 = arith.select %gt3A_232, %broadcast_in_dim3A_242, %select_n3A_229 : vector<128x128xi1>, vector<128x128xf32>
      %slice3A_244 = vector.extract_strided_slice %get3A_17 {offsets = [0, 2048], sizes = [128, 128], strides = [1, 1]} : vector<128x8192xf32> to vector<128x128xf32>
      %slice3A_245 = vector.extract_strided_slice %get3A_20 {offsets = [0, 2048], sizes = [1, 128], strides = [1, 1]} : vector<1x8192xf32> to vector<1x128xf32>
      %gt3A_246 = arith.cmpf ogt, %slice3A_244, %select_n3A_240 : vector<128x128xf32>
      %gt3A_247 = arith.cmpf ogt, %slice3A_244, %select_n3A_235 : vector<128x128xf32>
      %select_n3A_248 = arith.select %gt3A_247, %slice3A_244, %select_n3A_235 : vector<128x128xi1>, vector<128x128xf32>
      %select_n3A_249 = arith.select %gt3A_246, %select_n3A_240, %select_n3A_248 : vector<128x128xi1>, vector<128x128xf32>
      %broadcast_in_dim3A_250 = vector.shape_cast %slice3A_245 : vector<1x128xf32> to vector<1x128xf32>
      %broadcast_in_dim3A_251 = vector.broadcast %broadcast_in_dim3A_250 : vector<1x128xf32> to vector<128x128xf32>
      %select_n3A_252 = arith.select %gt3A_247, %broadcast_in_dim3A_251, %select_n3A_239 : vector<128x128xi1>, vector<128x128xf32>
      %select_n3A_253 = arith.select %gt3A_246, %select_n3A_243, %select_n3A_252 : vector<128x128xi1>, vector<128x128xf32>
      %select_n3A_254 = arith.select %gt3A_246, %slice3A_244, %select_n3A_240 : vector<128x128xi1>, vector<128x128xf32>
      %broadcast_in_dim3A_255 = vector.shape_cast %slice3A_245 : vector<1x128xf32> to vector<1x128xf32>
      %broadcast_in_dim3A_256 = vector.broadcast %broadcast_in_dim3A_255 : vector<1x128xf32> to vector<128x128xf32>
      %select_n3A_257 = arith.select %gt3A_246, %broadcast_in_dim3A_256, %select_n3A_243 : vector<128x128xi1>, vector<128x128xf32>
      %slice3A_258 = vector.extract_strided_slice %get3A_17 {offsets = [0, 2176], sizes = [128, 128], strides = [1, 1]} : vector<128x8192xf32> to vector<128x128xf32>
      %slice3A_259 = vector.extract_strided_slice %get3A_20 {offsets = [0, 2176], sizes = [1, 128], strides = [1, 1]} : vector<1x8192xf32> to vector<1x128xf32>
      %gt3A_260 = arith.cmpf ogt, %slice3A_258, %select_n3A_254 : vector<128x128xf32>
      %gt3A_261 = arith.cmpf ogt, %slice3A_258, %select_n3A_249 : vector<128x128xf32>
      %select_n3A_262 = arith.select %gt3A_261, %slice3A_258, %select_n3A_249 : vector<128x128xi1>, vector<128x128xf32>
      %select_n3A_263 = arith.select %gt3A_260, %select_n3A_254, %select_n3A_262 : vector<128x128xi1>, vector<128x128xf32>
      %broadcast_in_dim3A_264 = vector.shape_cast %slice3A_259 : vector<1x128xf32> to vector<1x128xf32>
      %broadcast_in_dim3A_265 = vector.broadcast %broadcast_in_dim3A_264 : vector<1x128xf32> to vector<128x128xf32>
      %select_n3A_266 = arith.select %gt3A_261, %broadcast_in_dim3A_265, %select_n3A_253 : vector<128x128xi1>, vector<128x128xf32>
      %select_n3A_267 = arith.select %gt3A_260, %select_n3A_257, %select_n3A_266 : vector<128x128xi1>, vector<128x128xf32>
      %select_n3A_268 = arith.select %gt3A_260, %slice3A_258, %select_n3A_254 : vector<128x128xi1>, vector<128x128xf32>
      %broadcast_in_dim3A_269 = vector.shape_cast %slice3A_259 : vector<1x128xf32> to vector<1x128xf32>
      %broadcast_in_dim3A_270 = vector.broadcast %broadcast_in_dim3A_269 : vector<1x128xf32> to vector<128x128xf32>
      %select_n3A_271 = arith.select %gt3A_260, %broadcast_in_dim3A_270, %select_n3A_257 : vector<128x128xi1>, vector<128x128xf32>
      %slice3A_272 = vector.extract_strided_slice %get3A_17 {offsets = [0, 2304], sizes = [128, 128], strides = [1, 1]} : vector<128x8192xf32> to vector<128x128xf32>
      %slice3A_273 = vector.extract_strided_slice %get3A_20 {offsets = [0, 2304], sizes = [1, 128], strides = [1, 1]} : vector<1x8192xf32> to vector<1x128xf32>
      %gt3A_274 = arith.cmpf ogt, %slice3A_272, %select_n3A_268 : vector<128x128xf32>
      %gt3A_275 = arith.cmpf ogt, %slice3A_272, %select_n3A_263 : vector<128x128xf32>
      %select_n3A_276 = arith.select %gt3A_275, %slice3A_272, %select_n3A_263 : vector<128x128xi1>, vector<128x128xf32>
      %select_n3A_277 = arith.select %gt3A_274, %select_n3A_268, %select_n3A_276 : vector<128x128xi1>, vector<128x128xf32>
      %broadcast_in_dim3A_278 = vector.shape_cast %slice3A_273 : vector<1x128xf32> to vector<1x128xf32>
      %broadcast_in_dim3A_279 = vector.broadcast %broadcast_in_dim3A_278 : vector<1x128xf32> to vector<128x128xf32>
      %select_n3A_280 = arith.select %gt3A_275, %broadcast_in_dim3A_279, %select_n3A_267 : vector<128x128xi1>, vector<128x128xf32>
      %select_n3A_281 = arith.select %gt3A_274, %select_n3A_271, %select_n3A_280 : vector<128x128xi1>, vector<128x128xf32>
      %select_n3A_282 = arith.select %gt3A_274, %slice3A_272, %select_n3A_268 : vector<128x128xi1>, vector<128x128xf32>
      %broadcast_in_dim3A_283 = vector.shape_cast %slice3A_273 : vector<1x128xf32> to vector<1x128xf32>
      %broadcast_in_dim3A_284 = vector.broadcast %broadcast_in_dim3A_283 : vector<1x128xf32> to vector<128x128xf32>
      %select_n3A_285 = arith.select %gt3A_274, %broadcast_in_dim3A_284, %select_n3A_271 : vector<128x128xi1>, vector<128x128xf32>
      %slice3A_286 = vector.extract_strided_slice %get3A_17 {offsets = [0, 2432], sizes = [128, 128], strides = [1, 1]} : vector<128x8192xf32> to vector<128x128xf32>
      %slice3A_287 = vector.extract_strided_slice %get3A_20 {offsets = [0, 2432], sizes = [1, 128], strides = [1, 1]} : vector<1x8192xf32> to vector<1x128xf32>
      %gt3A_288 = arith.cmpf ogt, %slice3A_286, %select_n3A_282 : vector<128x128xf32>
      %gt3A_289 = arith.cmpf ogt, %slice3A_286, %select_n3A_277 : vector<128x128xf32>
      %select_n3A_290 = arith.select %gt3A_289, %slice3A_286, %select_n3A_277 : vector<128x128xi1>, vector<128x128xf32>
      %select_n3A_291 = arith.select %gt3A_288, %select_n3A_282, %select_n3A_290 : vector<128x128xi1>, vector<128x128xf32>
      %broadcast_in_dim3A_292 = vector.shape_cast %slice3A_287 : vector<1x128xf32> to vector<1x128xf32>
      %broadcast_in_dim3A_293 = vector.broadcast %broadcast_in_dim3A_292 : vector<1x128xf32> to vector<128x128xf32>
      %select_n3A_294 = arith.select %gt3A_289, %broadcast_in_dim3A_293, %select_n3A_281 : vector<128x128xi1>, vector<128x128xf32>
      %select_n3A_295 = arith.select %gt3A_288, %select_n3A_285, %select_n3A_294 : vector<128x128xi1>, vector<128x128xf32>
      %select_n3A_296 = arith.select %gt3A_288, %slice3A_286, %select_n3A_282 : vector<128x128xi1>, vector<128x128xf32>
      %broadcast_in_dim3A_297 = vector.shape_cast %slice3A_287 : vector<1x128xf32> to vector<1x128xf32>
      %broadcast_in_dim3A_298 = vector.broadcast %broadcast_in_dim3A_297 : vector<1x128xf32> to vector<128x128xf32>
      %select_n3A_299 = arith.select %gt3A_288, %broadcast_in_dim3A_298, %select_n3A_285 : vector<128x128xi1>, vector<128x128xf32>
      %slice3A_300 = vector.extract_strided_slice %get3A_17 {offsets = [0, 2560], sizes = [128, 128], strides = [1, 1]} : vector<128x8192xf32> to vector<128x128xf32>
      %slice3A_301 = vector.extract_strided_slice %get3A_20 {offsets = [0, 2560], sizes = [1, 128], strides = [1, 1]} : vector<1x8192xf32> to vector<1x128xf32>
      %gt3A_302 = arith.cmpf ogt, %slice3A_300, %select_n3A_296 : vector<128x128xf32>
      %gt3A_303 = arith.cmpf ogt, %slice3A_300, %select_n3A_291 : vector<128x128xf32>
      %select_n3A_304 = arith.select %gt3A_303, %slice3A_300, %select_n3A_291 : vector<128x128xi1>, vector<128x128xf32>
      %select_n3A_305 = arith.select %gt3A_302, %select_n3A_296, %select_n3A_304 : vector<128x128xi1>, vector<128x128xf32>
      %broadcast_in_dim3A_306 = vector.shape_cast %slice3A_301 : vector<1x128xf32> to vector<1x128xf32>
      %broadcast_in_dim3A_307 = vector.broadcast %broadcast_in_dim3A_306 : vector<1x128xf32> to vector<128x128xf32>
      %select_n3A_308 = arith.select %gt3A_303, %broadcast_in_dim3A_307, %select_n3A_295 : vector<128x128xi1>, vector<128x128xf32>
      %select_n3A_309 = arith.select %gt3A_302, %select_n3A_299, %select_n3A_308 : vector<128x128xi1>, vector<128x128xf32>
      %select_n3A_310 = arith.select %gt3A_302, %slice3A_300, %select_n3A_296 : vector<128x128xi1>, vector<128x128xf32>
      %broadcast_in_dim3A_311 = vector.shape_cast %slice3A_301 : vector<1x128xf32> to vector<1x128xf32>
      %broadcast_in_dim3A_312 = vector.broadcast %broadcast_in_dim3A_311 : vector<1x128xf32> to vector<128x128xf32>
      %select_n3A_313 = arith.select %gt3A_302, %broadcast_in_dim3A_312, %select_n3A_299 : vector<128x128xi1>, vector<128x128xf32>
      %slice3A_314 = vector.extract_strided_slice %get3A_17 {offsets = [0, 2688], sizes = [128, 128], strides = [1, 1]} : vector<128x8192xf32> to vector<128x128xf32>
      %slice3A_315 = vector.extract_strided_slice %get3A_20 {offsets = [0, 2688], sizes = [1, 128], strides = [1, 1]} : vector<1x8192xf32> to vector<1x128xf32>
      %gt3A_316 = arith.cmpf ogt, %slice3A_314, %select_n3A_310 : vector<128x128xf32>
      %gt3A_317 = arith.cmpf ogt, %slice3A_314, %select_n3A_305 : vector<128x128xf32>
      %select_n3A_318 = arith.select %gt3A_317, %slice3A_314, %select_n3A_305 : vector<128x128xi1>, vector<128x128xf32>
      %select_n3A_319 = arith.select %gt3A_316, %select_n3A_310, %select_n3A_318 : vector<128x128xi1>, vector<128x128xf32>
      %broadcast_in_dim3A_320 = vector.shape_cast %slice3A_315 : vector<1x128xf32> to vector<1x128xf32>
      %broadcast_in_dim3A_321 = vector.broadcast %broadcast_in_dim3A_320 : vector<1x128xf32> to vector<128x128xf32>
      %select_n3A_322 = arith.select %gt3A_317, %broadcast_in_dim3A_321, %select_n3A_309 : vector<128x128xi1>, vector<128x128xf32>
      %select_n3A_323 = arith.select %gt3A_316, %select_n3A_313, %select_n3A_322 : vector<128x128xi1>, vector<128x128xf32>
      %select_n3A_324 = arith.select %gt3A_316, %slice3A_314, %select_n3A_310 : vector<128x128xi1>, vector<128x128xf32>
      %broadcast_in_dim3A_325 = vector.shape_cast %slice3A_315 : vector<1x128xf32> to vector<1x128xf32>
      %broadcast_in_dim3A_326 = vector.broadcast %broadcast_in_dim3A_325 : vector<1x128xf32> to vector<128x128xf32>
      %select_n3A_327 = arith.select %gt3A_316, %broadcast_in_dim3A_326, %select_n3A_313 : vector<128x128xi1>, vector<128x128xf32>
      %slice3A_328 = vector.extract_strided_slice %get3A_17 {offsets = [0, 2816], sizes = [128, 128], strides = [1, 1]} : vector<128x8192xf32> to vector<128x128xf32>
      %slice3A_329 = vector.extract_strided_slice %get3A_20 {offsets = [0, 2816], sizes = [1, 128], strides = [1, 1]} : vector<1x8192xf32> to vector<1x128xf32>
      %gt3A_330 = arith.cmpf ogt, %slice3A_328, %select_n3A_324 : vector<128x128xf32>
      %gt3A_331 = arith.cmpf ogt, %slice3A_328, %select_n3A_319 : vector<128x128xf32>
      %select_n3A_332 = arith.select %gt3A_331, %slice3A_328, %select_n3A_319 : vector<128x128xi1>, vector<128x128xf32>
      %select_n3A_333 = arith.select %gt3A_330, %select_n3A_324, %select_n3A_332 : vector<128x128xi1>, vector<128x128xf32>
      %broadcast_in_dim3A_334 = vector.shape_cast %slice3A_329 : vector<1x128xf32> to vector<1x128xf32>
      %broadcast_in_dim3A_335 = vector.broadcast %broadcast_in_dim3A_334 : vector<1x128xf32> to vector<128x128xf32>
      %select_n3A_336 = arith.select %gt3A_331, %broadcast_in_dim3A_335, %select_n3A_323 : vector<128x128xi1>, vector<128x128xf32>
      %select_n3A_337 = arith.select %gt3A_330, %select_n3A_327, %select_n3A_336 : vector<128x128xi1>, vector<128x128xf32>
      %select_n3A_338 = arith.select %gt3A_330, %slice3A_328, %select_n3A_324 : vector<128x128xi1>, vector<128x128xf32>
      %broadcast_in_dim3A_339 = vector.shape_cast %slice3A_329 : vector<1x128xf32> to vector<1x128xf32>
      %broadcast_in_dim3A_340 = vector.broadcast %broadcast_in_dim3A_339 : vector<1x128xf32> to vector<128x128xf32>
      %select_n3A_341 = arith.select %gt3A_330, %broadcast_in_dim3A_340, %select_n3A_327 : vector<128x128xi1>, vector<128x128xf32>
      %slice3A_342 = vector.extract_strided_slice %get3A_17 {offsets = [0, 2944], sizes = [128, 128], strides = [1, 1]} : vector<128x8192xf32> to vector<128x128xf32>
      %slice3A_343 = vector.extract_strided_slice %get3A_20 {offsets = [0, 2944], sizes = [1, 128], strides = [1, 1]} : vector<1x8192xf32> to vector<1x128xf32>
      %gt3A_344 = arith.cmpf ogt, %slice3A_342, %select_n3A_338 : vector<128x128xf32>
      %gt3A_345 = arith.cmpf ogt, %slice3A_342, %select_n3A_333 : vector<128x128xf32>
      %select_n3A_346 = arith.select %gt3A_345, %slice3A_342, %select_n3A_333 : vector<128x128xi1>, vector<128x128xf32>
      %select_n3A_347 = arith.select %gt3A_344, %select_n3A_338, %select_n3A_346 : vector<128x128xi1>, vector<128x128xf32>
      %broadcast_in_dim3A_348 = vector.shape_cast %slice3A_343 : vector<1x128xf32> to vector<1x128xf32>
      %broadcast_in_dim3A_349 = vector.broadcast %broadcast_in_dim3A_348 : vector<1x128xf32> to vector<128x128xf32>
      %select_n3A_350 = arith.select %gt3A_345, %broadcast_in_dim3A_349, %select_n3A_337 : vector<128x128xi1>, vector<128x128xf32>
      %select_n3A_351 = arith.select %gt3A_344, %select_n3A_341, %select_n3A_350 : vector<128x128xi1>, vector<128x128xf32>
      %select_n3A_352 = arith.select %gt3A_344, %slice3A_342, %select_n3A_338 : vector<128x128xi1>, vector<128x128xf32>
      %broadcast_in_dim3A_353 = vector.shape_cast %slice3A_343 : vector<1x128xf32> to vector<1x128xf32>
      %broadcast_in_dim3A_354 = vector.broadcast %broadcast_in_dim3A_353 : vector<1x128xf32> to vector<128x128xf32>
      %select_n3A_355 = arith.select %gt3A_344, %broadcast_in_dim3A_354, %select_n3A_341 : vector<128x128xi1>, vector<128x128xf32>
      %slice3A_356 = vector.extract_strided_slice %get3A_17 {offsets = [0, 3072], sizes = [128, 128], strides = [1, 1]} : vector<128x8192xf32> to vector<128x128xf32>
      %slice3A_357 = vector.extract_strided_slice %get3A_20 {offsets = [0, 3072], sizes = [1, 128], strides = [1, 1]} : vector<1x8192xf32> to vector<1x128xf32>
      %gt3A_358 = arith.cmpf ogt, %slice3A_356, %select_n3A_352 : vector<128x128xf32>
      %gt3A_359 = arith.cmpf ogt, %slice3A_356, %select_n3A_347 : vector<128x128xf32>
      %select_n3A_360 = arith.select %gt3A_359, %slice3A_356, %select_n3A_347 : vector<128x128xi1>, vector<128x128xf32>
      %select_n3A_361 = arith.select %gt3A_358, %select_n3A_352, %select_n3A_360 : vector<128x128xi1>, vector<128x128xf32>
      %broadcast_in_dim3A_362 = vector.shape_cast %slice3A_357 : vector<1x128xf32> to vector<1x128xf32>
      %broadcast_in_dim3A_363 = vector.broadcast %broadcast_in_dim3A_362 : vector<1x128xf32> to vector<128x128xf32>
      %select_n3A_364 = arith.select %gt3A_359, %broadcast_in_dim3A_363, %select_n3A_351 : vector<128x128xi1>, vector<128x128xf32>
      %select_n3A_365 = arith.select %gt3A_358, %select_n3A_355, %select_n3A_364 : vector<128x128xi1>, vector<128x128xf32>
      %select_n3A_366 = arith.select %gt3A_358, %slice3A_356, %select_n3A_352 : vector<128x128xi1>, vector<128x128xf32>
      %broadcast_in_dim3A_367 = vector.shape_cast %slice3A_357 : vector<1x128xf32> to vector<1x128xf32>
      %broadcast_in_dim3A_368 = vector.broadcast %broadcast_in_dim3A_367 : vector<1x128xf32> to vector<128x128xf32>
      %select_n3A_369 = arith.select %gt3A_358, %broadcast_in_dim3A_368, %select_n3A_355 : vector<128x128xi1>, vector<128x128xf32>
      %slice3A_370 = vector.extract_strided_slice %get3A_17 {offsets = [0, 3200], sizes = [128, 128], strides = [1, 1]} : vector<128x8192xf32> to vector<128x128xf32>
      %slice3A_371 = vector.extract_strided_slice %get3A_20 {offsets = [0, 3200], sizes = [1, 128], strides = [1, 1]} : vector<1x8192xf32> to vector<1x128xf32>
      %gt3A_372 = arith.cmpf ogt, %slice3A_370, %select_n3A_366 : vector<128x128xf32>
      %gt3A_373 = arith.cmpf ogt, %slice3A_370, %select_n3A_361 : vector<128x128xf32>
      %select_n3A_374 = arith.select %gt3A_373, %slice3A_370, %select_n3A_361 : vector<128x128xi1>, vector<128x128xf32>
      %select_n3A_375 = arith.select %gt3A_372, %select_n3A_366, %select_n3A_374 : vector<128x128xi1>, vector<128x128xf32>
      %broadcast_in_dim3A_376 = vector.shape_cast %slice3A_371 : vector<1x128xf32> to vector<1x128xf32>
      %broadcast_in_dim3A_377 = vector.broadcast %broadcast_in_dim3A_376 : vector<1x128xf32> to vector<128x128xf32>
      %select_n3A_378 = arith.select %gt3A_373, %broadcast_in_dim3A_377, %select_n3A_365 : vector<128x128xi1>, vector<128x128xf32>
      %select_n3A_379 = arith.select %gt3A_372, %select_n3A_369, %select_n3A_378 : vector<128x128xi1>, vector<128x128xf32>
      %select_n3A_380 = arith.select %gt3A_372, %slice3A_370, %select_n3A_366 : vector<128x128xi1>, vector<128x128xf32>
      %broadcast_in_dim3A_381 = vector.shape_cast %slice3A_371 : vector<1x128xf32> to vector<1x128xf32>
      %broadcast_in_dim3A_382 = vector.broadcast %broadcast_in_dim3A_381 : vector<1x128xf32> to vector<128x128xf32>
      %select_n3A_383 = arith.select %gt3A_372, %broadcast_in_dim3A_382, %select_n3A_369 : vector<128x128xi1>, vector<128x128xf32>
      %slice3A_384 = vector.extract_strided_slice %get3A_17 {offsets = [0, 3328], sizes = [128, 128], strides = [1, 1]} : vector<128x8192xf32> to vector<128x128xf32>
      %slice3A_385 = vector.extract_strided_slice %get3A_20 {offsets = [0, 3328], sizes = [1, 128], strides = [1, 1]} : vector<1x8192xf32> to vector<1x128xf32>
      %gt3A_386 = arith.cmpf ogt, %slice3A_384, %select_n3A_380 : vector<128x128xf32>
      %gt3A_387 = arith.cmpf ogt, %slice3A_384, %select_n3A_375 : vector<128x128xf32>
      %select_n3A_388 = arith.select %gt3A_387, %slice3A_384, %select_n3A_375 : vector<128x128xi1>, vector<128x128xf32>
      %select_n3A_389 = arith.select %gt3A_386, %select_n3A_380, %select_n3A_388 : vector<128x128xi1>, vector<128x128xf32>
      %broadcast_in_dim3A_390 = vector.shape_cast %slice3A_385 : vector<1x128xf32> to vector<1x128xf32>
      %broadcast_in_dim3A_391 = vector.broadcast %broadcast_in_dim3A_390 : vector<1x128xf32> to vector<128x128xf32>
      %select_n3A_392 = arith.select %gt3A_387, %broadcast_in_dim3A_391, %select_n3A_379 : vector<128x128xi1>, vector<128x128xf32>
      %select_n3A_393 = arith.select %gt3A_386, %select_n3A_383, %select_n3A_392 : vector<128x128xi1>, vector<128x128xf32>
      %select_n3A_394 = arith.select %gt3A_386, %slice3A_384, %select_n3A_380 : vector<128x128xi1>, vector<128x128xf32>
      %broadcast_in_dim3A_395 = vector.shape_cast %slice3A_385 : vector<1x128xf32> to vector<1x128xf32>
      %broadcast_in_dim3A_396 = vector.broadcast %broadcast_in_dim3A_395 : vector<1x128xf32> to vector<128x128xf32>
      %select_n3A_397 = arith.select %gt3A_386, %broadcast_in_dim3A_396, %select_n3A_383 : vector<128x128xi1>, vector<128x128xf32>
      %slice3A_398 = vector.extract_strided_slice %get3A_17 {offsets = [0, 3456], sizes = [128, 128], strides = [1, 1]} : vector<128x8192xf32> to vector<128x128xf32>
      %slice3A_399 = vector.extract_strided_slice %get3A_20 {offsets = [0, 3456], sizes = [1, 128], strides = [1, 1]} : vector<1x8192xf32> to vector<1x128xf32>
      %gt3A_400 = arith.cmpf ogt, %slice3A_398, %select_n3A_394 : vector<128x128xf32>
      %gt3A_401 = arith.cmpf ogt, %slice3A_398, %select_n3A_389 : vector<128x128xf32>
      %select_n3A_402 = arith.select %gt3A_401, %slice3A_398, %select_n3A_389 : vector<128x128xi1>, vector<128x128xf32>
      %select_n3A_403 = arith.select %gt3A_400, %select_n3A_394, %select_n3A_402 : vector<128x128xi1>, vector<128x128xf32>
      %broadcast_in_dim3A_404 = vector.shape_cast %slice3A_399 : vector<1x128xf32> to vector<1x128xf32>
      %broadcast_in_dim3A_405 = vector.broadcast %broadcast_in_dim3A_404 : vector<1x128xf32> to vector<128x128xf32>
      %select_n3A_406 = arith.select %gt3A_401, %broadcast_in_dim3A_405, %select_n3A_393 : vector<128x128xi1>, vector<128x128xf32>
      %select_n3A_407 = arith.select %gt3A_400, %select_n3A_397, %select_n3A_406 : vector<128x128xi1>, vector<128x128xf32>
      %select_n3A_408 = arith.select %gt3A_400, %slice3A_398, %select_n3A_394 : vector<128x128xi1>, vector<128x128xf32>
      %broadcast_in_dim3A_409 = vector.shape_cast %slice3A_399 : vector<1x128xf32> to vector<1x128xf32>
      %broadcast_in_dim3A_410 = vector.broadcast %broadcast_in_dim3A_409 : vector<1x128xf32> to vector<128x128xf32>
      %select_n3A_411 = arith.select %gt3A_400, %broadcast_in_dim3A_410, %select_n3A_397 : vector<128x128xi1>, vector<128x128xf32>
      %slice3A_412 = vector.extract_strided_slice %get3A_17 {offsets = [0, 3584], sizes = [128, 128], strides = [1, 1]} : vector<128x8192xf32> to vector<128x128xf32>
      %slice3A_413 = vector.extract_strided_slice %get3A_20 {offsets = [0, 3584], sizes = [1, 128], strides = [1, 1]} : vector<1x8192xf32> to vector<1x128xf32>
      %gt3A_414 = arith.cmpf ogt, %slice3A_412, %select_n3A_408 : vector<128x128xf32>
      %gt3A_415 = arith.cmpf ogt, %slice3A_412, %select_n3A_403 : vector<128x128xf32>
      %select_n3A_416 = arith.select %gt3A_415, %slice3A_412, %select_n3A_403 : vector<128x128xi1>, vector<128x128xf32>
      %select_n3A_417 = arith.select %gt3A_414, %select_n3A_408, %select_n3A_416 : vector<128x128xi1>, vector<128x128xf32>
      %broadcast_in_dim3A_418 = vector.shape_cast %slice3A_413 : vector<1x128xf32> to vector<1x128xf32>
      %broadcast_in_dim3A_419 = vector.broadcast %broadcast_in_dim3A_418 : vector<1x128xf32> to vector<128x128xf32>
      %select_n3A_420 = arith.select %gt3A_415, %broadcast_in_dim3A_419, %select_n3A_407 : vector<128x128xi1>, vector<128x128xf32>
      %select_n3A_421 = arith.select %gt3A_414, %select_n3A_411, %select_n3A_420 : vector<128x128xi1>, vector<128x128xf32>
      %select_n3A_422 = arith.select %gt3A_414, %slice3A_412, %select_n3A_408 : vector<128x128xi1>, vector<128x128xf32>
      %broadcast_in_dim3A_423 = vector.shape_cast %slice3A_413 : vector<1x128xf32> to vector<1x128xf32>
      %broadcast_in_dim3A_424 = vector.broadcast %broadcast_in_dim3A_423 : vector<1x128xf32> to vector<128x128xf32>
      %select_n3A_425 = arith.select %gt3A_414, %broadcast_in_dim3A_424, %select_n3A_411 : vector<128x128xi1>, vector<128x128xf32>
      %slice3A_426 = vector.extract_strided_slice %get3A_17 {offsets = [0, 3712], sizes = [128, 128], strides = [1, 1]} : vector<128x8192xf32> to vector<128x128xf32>
      %slice3A_427 = vector.extract_strided_slice %get3A_20 {offsets = [0, 3712], sizes = [1, 128], strides = [1, 1]} : vector<1x8192xf32> to vector<1x128xf32>
      %gt3A_428 = arith.cmpf ogt, %slice3A_426, %select_n3A_422 : vector<128x128xf32>
      %gt3A_429 = arith.cmpf ogt, %slice3A_426, %select_n3A_417 : vector<128x128xf32>
      %select_n3A_430 = arith.select %gt3A_429, %slice3A_426, %select_n3A_417 : vector<128x128xi1>, vector<128x128xf32>
      %select_n3A_431 = arith.select %gt3A_428, %select_n3A_422, %select_n3A_430 : vector<128x128xi1>, vector<128x128xf32>
      %broadcast_in_dim3A_432 = vector.shape_cast %slice3A_427 : vector<1x128xf32> to vector<1x128xf32>
      %broadcast_in_dim3A_433 = vector.broadcast %broadcast_in_dim3A_432 : vector<1x128xf32> to vector<128x128xf32>
      %select_n3A_434 = arith.select %gt3A_429, %broadcast_in_dim3A_433, %select_n3A_421 : vector<128x128xi1>, vector<128x128xf32>
      %select_n3A_435 = arith.select %gt3A_428, %select_n3A_425, %select_n3A_434 : vector<128x128xi1>, vector<128x128xf32>
      %select_n3A_436 = arith.select %gt3A_428, %slice3A_426, %select_n3A_422 : vector<128x128xi1>, vector<128x128xf32>
      %broadcast_in_dim3A_437 = vector.shape_cast %slice3A_427 : vector<1x128xf32> to vector<1x128xf32>
      %broadcast_in_dim3A_438 = vector.broadcast %broadcast_in_dim3A_437 : vector<1x128xf32> to vector<128x128xf32>
      %select_n3A_439 = arith.select %gt3A_428, %broadcast_in_dim3A_438, %select_n3A_425 : vector<128x128xi1>, vector<128x128xf32>
      %slice3A_440 = vector.extract_strided_slice %get3A_17 {offsets = [0, 3840], sizes = [128, 128], strides = [1, 1]} : vector<128x8192xf32> to vector<128x128xf32>
      %slice3A_441 = vector.extract_strided_slice %get3A_20 {offsets = [0, 3840], sizes = [1, 128], strides = [1, 1]} : vector<1x8192xf32> to vector<1x128xf32>
      %gt3A_442 = arith.cmpf ogt, %slice3A_440, %select_n3A_436 : vector<128x128xf32>
      %gt3A_443 = arith.cmpf ogt, %slice3A_440, %select_n3A_431 : vector<128x128xf32>
      %select_n3A_444 = arith.select %gt3A_443, %slice3A_440, %select_n3A_431 : vector<128x128xi1>, vector<128x128xf32>
      %select_n3A_445 = arith.select %gt3A_442, %select_n3A_436, %select_n3A_444 : vector<128x128xi1>, vector<128x128xf32>
      %broadcast_in_dim3A_446 = vector.shape_cast %slice3A_441 : vector<1x128xf32> to vector<1x128xf32>
      %broadcast_in_dim3A_447 = vector.broadcast %broadcast_in_dim3A_446 : vector<1x128xf32> to vector<128x128xf32>
      %select_n3A_448 = arith.select %gt3A_443, %broadcast_in_dim3A_447, %select_n3A_435 : vector<128x128xi1>, vector<128x128xf32>
      %select_n3A_449 = arith.select %gt3A_442, %select_n3A_439, %select_n3A_448 : vector<128x128xi1>, vector<128x128xf32>
      %select_n3A_450 = arith.select %gt3A_442, %slice3A_440, %select_n3A_436 : vector<128x128xi1>, vector<128x128xf32>
      %broadcast_in_dim3A_451 = vector.shape_cast %slice3A_441 : vector<1x128xf32> to vector<1x128xf32>
      %broadcast_in_dim3A_452 = vector.broadcast %broadcast_in_dim3A_451 : vector<1x128xf32> to vector<128x128xf32>
      %select_n3A_453 = arith.select %gt3A_442, %broadcast_in_dim3A_452, %select_n3A_439 : vector<128x128xi1>, vector<128x128xf32>
      %slice3A_454 = vector.extract_strided_slice %get3A_17 {offsets = [0, 3968], sizes = [128, 128], strides = [1, 1]} : vector<128x8192xf32> to vector<128x128xf32>
      %slice3A_455 = vector.extract_strided_slice %get3A_20 {offsets = [0, 3968], sizes = [1, 128], strides = [1, 1]} : vector<1x8192xf32> to vector<1x128xf32>
      %gt3A_456 = arith.cmpf ogt, %slice3A_454, %select_n3A_450 : vector<128x128xf32>
      %gt3A_457 = arith.cmpf ogt, %slice3A_454, %select_n3A_445 : vector<128x128xf32>
      %select_n3A_458 = arith.select %gt3A_457, %slice3A_454, %select_n3A_445 : vector<128x128xi1>, vector<128x128xf32>
      %select_n3A_459 = arith.select %gt3A_456, %select_n3A_450, %select_n3A_458 : vector<128x128xi1>, vector<128x128xf32>
      %broadcast_in_dim3A_460 = vector.shape_cast %slice3A_455 : vector<1x128xf32> to vector<1x128xf32>
      %broadcast_in_dim3A_461 = vector.broadcast %broadcast_in_dim3A_460 : vector<1x128xf32> to vector<128x128xf32>
      %select_n3A_462 = arith.select %gt3A_457, %broadcast_in_dim3A_461, %select_n3A_449 : vector<128x128xi1>, vector<128x128xf32>
      %select_n3A_463 = arith.select %gt3A_456, %select_n3A_453, %select_n3A_462 : vector<128x128xi1>, vector<128x128xf32>
      %select_n3A_464 = arith.select %gt3A_456, %slice3A_454, %select_n3A_450 : vector<128x128xi1>, vector<128x128xf32>
      %broadcast_in_dim3A_465 = vector.shape_cast %slice3A_455 : vector<1x128xf32> to vector<1x128xf32>
      %broadcast_in_dim3A_466 = vector.broadcast %broadcast_in_dim3A_465 : vector<1x128xf32> to vector<128x128xf32>
      %select_n3A_467 = arith.select %gt3A_456, %broadcast_in_dim3A_466, %select_n3A_453 : vector<128x128xi1>, vector<128x128xf32>
      %slice3A_468 = vector.extract_strided_slice %get3A_17 {offsets = [0, 4096], sizes = [128, 128], strides = [1, 1]} : vector<128x8192xf32> to vector<128x128xf32>
      %slice3A_469 = vector.extract_strided_slice %get3A_20 {offsets = [0, 4096], sizes = [1, 128], strides = [1, 1]} : vector<1x8192xf32> to vector<1x128xf32>
      %gt3A_470 = arith.cmpf ogt, %slice3A_468, %select_n3A_464 : vector<128x128xf32>
      %gt3A_471 = arith.cmpf ogt, %slice3A_468, %select_n3A_459 : vector<128x128xf32>
      %select_n3A_472 = arith.select %gt3A_471, %slice3A_468, %select_n3A_459 : vector<128x128xi1>, vector<128x128xf32>
      %select_n3A_473 = arith.select %gt3A_470, %select_n3A_464, %select_n3A_472 : vector<128x128xi1>, vector<128x128xf32>
      %broadcast_in_dim3A_474 = vector.shape_cast %slice3A_469 : vector<1x128xf32> to vector<1x128xf32>
      %broadcast_in_dim3A_475 = vector.broadcast %broadcast_in_dim3A_474 : vector<1x128xf32> to vector<128x128xf32>
      %select_n3A_476 = arith.select %gt3A_471, %broadcast_in_dim3A_475, %select_n3A_463 : vector<128x128xi1>, vector<128x128xf32>
      %select_n3A_477 = arith.select %gt3A_470, %select_n3A_467, %select_n3A_476 : vector<128x128xi1>, vector<128x128xf32>
      %select_n3A_478 = arith.select %gt3A_470, %slice3A_468, %select_n3A_464 : vector<128x128xi1>, vector<128x128xf32>
      %broadcast_in_dim3A_479 = vector.shape_cast %slice3A_469 : vector<1x128xf32> to vector<1x128xf32>
      %broadcast_in_dim3A_480 = vector.broadcast %broadcast_in_dim3A_479 : vector<1x128xf32> to vector<128x128xf32>
      %select_n3A_481 = arith.select %gt3A_470, %broadcast_in_dim3A_480, %select_n3A_467 : vector<128x128xi1>, vector<128x128xf32>
      %slice3A_482 = vector.extract_strided_slice %get3A_17 {offsets = [0, 4224], sizes = [128, 128], strides = [1, 1]} : vector<128x8192xf32> to vector<128x128xf32>
      %slice3A_483 = vector.extract_strided_slice %get3A_20 {offsets = [0, 4224], sizes = [1, 128], strides = [1, 1]} : vector<1x8192xf32> to vector<1x128xf32>
      %gt3A_484 = arith.cmpf ogt, %slice3A_482, %select_n3A_478 : vector<128x128xf32>
      %gt3A_485 = arith.cmpf ogt, %slice3A_482, %select_n3A_473 : vector<128x128xf32>
      %select_n3A_486 = arith.select %gt3A_485, %slice3A_482, %select_n3A_473 : vector<128x128xi1>, vector<128x128xf32>
      %select_n3A_487 = arith.select %gt3A_484, %select_n3A_478, %select_n3A_486 : vector<128x128xi1>, vector<128x128xf32>
      %broadcast_in_dim3A_488 = vector.shape_cast %slice3A_483 : vector<1x128xf32> to vector<1x128xf32>
      %broadcast_in_dim3A_489 = vector.broadcast %broadcast_in_dim3A_488 : vector<1x128xf32> to vector<128x128xf32>
      %select_n3A_490 = arith.select %gt3A_485, %broadcast_in_dim3A_489, %select_n3A_477 : vector<128x128xi1>, vector<128x128xf32>
      %select_n3A_491 = arith.select %gt3A_484, %select_n3A_481, %select_n3A_490 : vector<128x128xi1>, vector<128x128xf32>
      %select_n3A_492 = arith.select %gt3A_484, %slice3A_482, %select_n3A_478 : vector<128x128xi1>, vector<128x128xf32>
      %broadcast_in_dim3A_493 = vector.shape_cast %slice3A_483 : vector<1x128xf32> to vector<1x128xf32>
      %broadcast_in_dim3A_494 = vector.broadcast %broadcast_in_dim3A_493 : vector<1x128xf32> to vector<128x128xf32>
      %select_n3A_495 = arith.select %gt3A_484, %broadcast_in_dim3A_494, %select_n3A_481 : vector<128x128xi1>, vector<128x128xf32>
      %slice3A_496 = vector.extract_strided_slice %get3A_17 {offsets = [0, 4352], sizes = [128, 128], strides = [1, 1]} : vector<128x8192xf32> to vector<128x128xf32>
      %slice3A_497 = vector.extract_strided_slice %get3A_20 {offsets = [0, 4352], sizes = [1, 128], strides = [1, 1]} : vector<1x8192xf32> to vector<1x128xf32>
      %gt3A_498 = arith.cmpf ogt, %slice3A_496, %select_n3A_492 : vector<128x128xf32>
      %gt3A_499 = arith.cmpf ogt, %slice3A_496, %select_n3A_487 : vector<128x128xf32>
      %select_n3A_500 = arith.select %gt3A_499, %slice3A_496, %select_n3A_487 : vector<128x128xi1>, vector<128x128xf32>
      %select_n3A_501 = arith.select %gt3A_498, %select_n3A_492, %select_n3A_500 : vector<128x128xi1>, vector<128x128xf32>
      %broadcast_in_dim3A_502 = vector.shape_cast %slice3A_497 : vector<1x128xf32> to vector<1x128xf32>
      %broadcast_in_dim3A_503 = vector.broadcast %broadcast_in_dim3A_502 : vector<1x128xf32> to vector<128x128xf32>
      %select_n3A_504 = arith.select %gt3A_499, %broadcast_in_dim3A_503, %select_n3A_491 : vector<128x128xi1>, vector<128x128xf32>
      %select_n3A_505 = arith.select %gt3A_498, %select_n3A_495, %select_n3A_504 : vector<128x128xi1>, vector<128x128xf32>
      %select_n3A_506 = arith.select %gt3A_498, %slice3A_496, %select_n3A_492 : vector<128x128xi1>, vector<128x128xf32>
      %broadcast_in_dim3A_507 = vector.shape_cast %slice3A_497 : vector<1x128xf32> to vector<1x128xf32>
      %broadcast_in_dim3A_508 = vector.broadcast %broadcast_in_dim3A_507 : vector<1x128xf32> to vector<128x128xf32>
      %select_n3A_509 = arith.select %gt3A_498, %broadcast_in_dim3A_508, %select_n3A_495 : vector<128x128xi1>, vector<128x128xf32>
      %slice3A_510 = vector.extract_strided_slice %get3A_17 {offsets = [0, 4480], sizes = [128, 128], strides = [1, 1]} : vector<128x8192xf32> to vector<128x128xf32>
      %slice3A_511 = vector.extract_strided_slice %get3A_20 {offsets = [0, 4480], sizes = [1, 128], strides = [1, 1]} : vector<1x8192xf32> to vector<1x128xf32>
      %gt3A_512 = arith.cmpf ogt, %slice3A_510, %select_n3A_506 : vector<128x128xf32>
      %gt3A_513 = arith.cmpf ogt, %slice3A_510, %select_n3A_501 : vector<128x128xf32>
      %select_n3A_514 = arith.select %gt3A_513, %slice3A_510, %select_n3A_501 : vector<128x128xi1>, vector<128x128xf32>
      %select_n3A_515 = arith.select %gt3A_512, %select_n3A_506, %select_n3A_514 : vector<128x128xi1>, vector<128x128xf32>
      %broadcast_in_dim3A_516 = vector.shape_cast %slice3A_511 : vector<1x128xf32> to vector<1x128xf32>
      %broadcast_in_dim3A_517 = vector.broadcast %broadcast_in_dim3A_516 : vector<1x128xf32> to vector<128x128xf32>
      %select_n3A_518 = arith.select %gt3A_513, %broadcast_in_dim3A_517, %select_n3A_505 : vector<128x128xi1>, vector<128x128xf32>
      %select_n3A_519 = arith.select %gt3A_512, %select_n3A_509, %select_n3A_518 : vector<128x128xi1>, vector<128x128xf32>
      %select_n3A_520 = arith.select %gt3A_512, %slice3A_510, %select_n3A_506 : vector<128x128xi1>, vector<128x128xf32>
      %broadcast_in_dim3A_521 = vector.shape_cast %slice3A_511 : vector<1x128xf32> to vector<1x128xf32>
      %broadcast_in_dim3A_522 = vector.broadcast %broadcast_in_dim3A_521 : vector<1x128xf32> to vector<128x128xf32>
      %select_n3A_523 = arith.select %gt3A_512, %broadcast_in_dim3A_522, %select_n3A_509 : vector<128x128xi1>, vector<128x128xf32>
      %slice3A_524 = vector.extract_strided_slice %get3A_17 {offsets = [0, 4608], sizes = [128, 128], strides = [1, 1]} : vector<128x8192xf32> to vector<128x128xf32>
      %slice3A_525 = vector.extract_strided_slice %get3A_20 {offsets = [0, 4608], sizes = [1, 128], strides = [1, 1]} : vector<1x8192xf32> to vector<1x128xf32>
      %gt3A_526 = arith.cmpf ogt, %slice3A_524, %select_n3A_520 : vector<128x128xf32>
      %gt3A_527 = arith.cmpf ogt, %slice3A_524, %select_n3A_515 : vector<128x128xf32>
      %select_n3A_528 = arith.select %gt3A_527, %slice3A_524, %select_n3A_515 : vector<128x128xi1>, vector<128x128xf32>
      %select_n3A_529 = arith.select %gt3A_526, %select_n3A_520, %select_n3A_528 : vector<128x128xi1>, vector<128x128xf32>
      %broadcast_in_dim3A_530 = vector.shape_cast %slice3A_525 : vector<1x128xf32> to vector<1x128xf32>
      %broadcast_in_dim3A_531 = vector.broadcast %broadcast_in_dim3A_530 : vector<1x128xf32> to vector<128x128xf32>
      %select_n3A_532 = arith.select %gt3A_527, %broadcast_in_dim3A_531, %select_n3A_519 : vector<128x128xi1>, vector<128x128xf32>
      %select_n3A_533 = arith.select %gt3A_526, %select_n3A_523, %select_n3A_532 : vector<128x128xi1>, vector<128x128xf32>
      %select_n3A_534 = arith.select %gt3A_526, %slice3A_524, %select_n3A_520 : vector<128x128xi1>, vector<128x128xf32>
      %broadcast_in_dim3A_535 = vector.shape_cast %slice3A_525 : vector<1x128xf32> to vector<1x128xf32>
      %broadcast_in_dim3A_536 = vector.broadcast %broadcast_in_dim3A_535 : vector<1x128xf32> to vector<128x128xf32>
      %select_n3A_537 = arith.select %gt3A_526, %broadcast_in_dim3A_536, %select_n3A_523 : vector<128x128xi1>, vector<128x128xf32>
      %slice3A_538 = vector.extract_strided_slice %get3A_17 {offsets = [0, 4736], sizes = [128, 128], strides = [1, 1]} : vector<128x8192xf32> to vector<128x128xf32>
      %slice3A_539 = vector.extract_strided_slice %get3A_20 {offsets = [0, 4736], sizes = [1, 128], strides = [1, 1]} : vector<1x8192xf32> to vector<1x128xf32>
      %gt3A_540 = arith.cmpf ogt, %slice3A_538, %select_n3A_534 : vector<128x128xf32>
      %gt3A_541 = arith.cmpf ogt, %slice3A_538, %select_n3A_529 : vector<128x128xf32>
      %select_n3A_542 = arith.select %gt3A_541, %slice3A_538, %select_n3A_529 : vector<128x128xi1>, vector<128x128xf32>
      %select_n3A_543 = arith.select %gt3A_540, %select_n3A_534, %select_n3A_542 : vector<128x128xi1>, vector<128x128xf32>
      %broadcast_in_dim3A_544 = vector.shape_cast %slice3A_539 : vector<1x128xf32> to vector<1x128xf32>
      %broadcast_in_dim3A_545 = vector.broadcast %broadcast_in_dim3A_544 : vector<1x128xf32> to vector<128x128xf32>
      %select_n3A_546 = arith.select %gt3A_541, %broadcast_in_dim3A_545, %select_n3A_533 : vector<128x128xi1>, vector<128x128xf32>
      %select_n3A_547 = arith.select %gt3A_540, %select_n3A_537, %select_n3A_546 : vector<128x128xi1>, vector<128x128xf32>
      %select_n3A_548 = arith.select %gt3A_540, %slice3A_538, %select_n3A_534 : vector<128x128xi1>, vector<128x128xf32>
      %broadcast_in_dim3A_549 = vector.shape_cast %slice3A_539 : vector<1x128xf32> to vector<1x128xf32>
      %broadcast_in_dim3A_550 = vector.broadcast %broadcast_in_dim3A_549 : vector<1x128xf32> to vector<128x128xf32>
      %select_n3A_551 = arith.select %gt3A_540, %broadcast_in_dim3A_550, %select_n3A_537 : vector<128x128xi1>, vector<128x128xf32>
      %slice3A_552 = vector.extract_strided_slice %get3A_17 {offsets = [0, 4864], sizes = [128, 128], strides = [1, 1]} : vector<128x8192xf32> to vector<128x128xf32>
      %slice3A_553 = vector.extract_strided_slice %get3A_20 {offsets = [0, 4864], sizes = [1, 128], strides = [1, 1]} : vector<1x8192xf32> to vector<1x128xf32>
      %gt3A_554 = arith.cmpf ogt, %slice3A_552, %select_n3A_548 : vector<128x128xf32>
      %gt3A_555 = arith.cmpf ogt, %slice3A_552, %select_n3A_543 : vector<128x128xf32>
      %select_n3A_556 = arith.select %gt3A_555, %slice3A_552, %select_n3A_543 : vector<128x128xi1>, vector<128x128xf32>
      %select_n3A_557 = arith.select %gt3A_554, %select_n3A_548, %select_n3A_556 : vector<128x128xi1>, vector<128x128xf32>
      %broadcast_in_dim3A_558 = vector.shape_cast %slice3A_553 : vector<1x128xf32> to vector<1x128xf32>
      %broadcast_in_dim3A_559 = vector.broadcast %broadcast_in_dim3A_558 : vector<1x128xf32> to vector<128x128xf32>
      %select_n3A_560 = arith.select %gt3A_555, %broadcast_in_dim3A_559, %select_n3A_547 : vector<128x128xi1>, vector<128x128xf32>
      %select_n3A_561 = arith.select %gt3A_554, %select_n3A_551, %select_n3A_560 : vector<128x128xi1>, vector<128x128xf32>
      %select_n3A_562 = arith.select %gt3A_554, %slice3A_552, %select_n3A_548 : vector<128x128xi1>, vector<128x128xf32>
      %broadcast_in_dim3A_563 = vector.shape_cast %slice3A_553 : vector<1x128xf32> to vector<1x128xf32>
      %broadcast_in_dim3A_564 = vector.broadcast %broadcast_in_dim3A_563 : vector<1x128xf32> to vector<128x128xf32>
      %select_n3A_565 = arith.select %gt3A_554, %broadcast_in_dim3A_564, %select_n3A_551 : vector<128x128xi1>, vector<128x128xf32>
      %slice3A_566 = vector.extract_strided_slice %get3A_17 {offsets = [0, 4992], sizes = [128, 128], strides = [1, 1]} : vector<128x8192xf32> to vector<128x128xf32>
      %slice3A_567 = vector.extract_strided_slice %get3A_20 {offsets = [0, 4992], sizes = [1, 128], strides = [1, 1]} : vector<1x8192xf32> to vector<1x128xf32>
      %gt3A_568 = arith.cmpf ogt, %slice3A_566, %select_n3A_562 : vector<128x128xf32>
      %gt3A_569 = arith.cmpf ogt, %slice3A_566, %select_n3A_557 : vector<128x128xf32>
      %select_n3A_570 = arith.select %gt3A_569, %slice3A_566, %select_n3A_557 : vector<128x128xi1>, vector<128x128xf32>
      %select_n3A_571 = arith.select %gt3A_568, %select_n3A_562, %select_n3A_570 : vector<128x128xi1>, vector<128x128xf32>
      %broadcast_in_dim3A_572 = vector.shape_cast %slice3A_567 : vector<1x128xf32> to vector<1x128xf32>
      %broadcast_in_dim3A_573 = vector.broadcast %broadcast_in_dim3A_572 : vector<1x128xf32> to vector<128x128xf32>
      %select_n3A_574 = arith.select %gt3A_569, %broadcast_in_dim3A_573, %select_n3A_561 : vector<128x128xi1>, vector<128x128xf32>
      %select_n3A_575 = arith.select %gt3A_568, %select_n3A_565, %select_n3A_574 : vector<128x128xi1>, vector<128x128xf32>
      %select_n3A_576 = arith.select %gt3A_568, %slice3A_566, %select_n3A_562 : vector<128x128xi1>, vector<128x128xf32>
      %broadcast_in_dim3A_577 = vector.shape_cast %slice3A_567 : vector<1x128xf32> to vector<1x128xf32>
      %broadcast_in_dim3A_578 = vector.broadcast %broadcast_in_dim3A_577 : vector<1x128xf32> to vector<128x128xf32>
      %select_n3A_579 = arith.select %gt3A_568, %broadcast_in_dim3A_578, %select_n3A_565 : vector<128x128xi1>, vector<128x128xf32>
      %slice3A_580 = vector.extract_strided_slice %get3A_17 {offsets = [0, 5120], sizes = [128, 128], strides = [1, 1]} : vector<128x8192xf32> to vector<128x128xf32>
      %slice3A_581 = vector.extract_strided_slice %get3A_20 {offsets = [0, 5120], sizes = [1, 128], strides = [1, 1]} : vector<1x8192xf32> to vector<1x128xf32>
      %gt3A_582 = arith.cmpf ogt, %slice3A_580, %select_n3A_576 : vector<128x128xf32>
      %gt3A_583 = arith.cmpf ogt, %slice3A_580, %select_n3A_571 : vector<128x128xf32>
      %select_n3A_584 = arith.select %gt3A_583, %slice3A_580, %select_n3A_571 : vector<128x128xi1>, vector<128x128xf32>
      %select_n3A_585 = arith.select %gt3A_582, %select_n3A_576, %select_n3A_584 : vector<128x128xi1>, vector<128x128xf32>
      %broadcast_in_dim3A_586 = vector.shape_cast %slice3A_581 : vector<1x128xf32> to vector<1x128xf32>
      %broadcast_in_dim3A_587 = vector.broadcast %broadcast_in_dim3A_586 : vector<1x128xf32> to vector<128x128xf32>
      %select_n3A_588 = arith.select %gt3A_583, %broadcast_in_dim3A_587, %select_n3A_575 : vector<128x128xi1>, vector<128x128xf32>
      %select_n3A_589 = arith.select %gt3A_582, %select_n3A_579, %select_n3A_588 : vector<128x128xi1>, vector<128x128xf32>
      %select_n3A_590 = arith.select %gt3A_582, %slice3A_580, %select_n3A_576 : vector<128x128xi1>, vector<128x128xf32>
      %broadcast_in_dim3A_591 = vector.shape_cast %slice3A_581 : vector<1x128xf32> to vector<1x128xf32>
      %broadcast_in_dim3A_592 = vector.broadcast %broadcast_in_dim3A_591 : vector<1x128xf32> to vector<128x128xf32>
      %select_n3A_593 = arith.select %gt3A_582, %broadcast_in_dim3A_592, %select_n3A_579 : vector<128x128xi1>, vector<128x128xf32>
      %slice3A_594 = vector.extract_strided_slice %get3A_17 {offsets = [0, 5248], sizes = [128, 128], strides = [1, 1]} : vector<128x8192xf32> to vector<128x128xf32>
      %slice3A_595 = vector.extract_strided_slice %get3A_20 {offsets = [0, 5248], sizes = [1, 128], strides = [1, 1]} : vector<1x8192xf32> to vector<1x128xf32>
      %gt3A_596 = arith.cmpf ogt, %slice3A_594, %select_n3A_590 : vector<128x128xf32>
      %gt3A_597 = arith.cmpf ogt, %slice3A_594, %select_n3A_585 : vector<128x128xf32>
      %select_n3A_598 = arith.select %gt3A_597, %slice3A_594, %select_n3A_585 : vector<128x128xi1>, vector<128x128xf32>
      %select_n3A_599 = arith.select %gt3A_596, %select_n3A_590, %select_n3A_598 : vector<128x128xi1>, vector<128x128xf32>
      %broadcast_in_dim3A_600 = vector.shape_cast %slice3A_595 : vector<1x128xf32> to vector<1x128xf32>
      %broadcast_in_dim3A_601 = vector.broadcast %broadcast_in_dim3A_600 : vector<1x128xf32> to vector<128x128xf32>
      %select_n3A_602 = arith.select %gt3A_597, %broadcast_in_dim3A_601, %select_n3A_589 : vector<128x128xi1>, vector<128x128xf32>
      %select_n3A_603 = arith.select %gt3A_596, %select_n3A_593, %select_n3A_602 : vector<128x128xi1>, vector<128x128xf32>
      %select_n3A_604 = arith.select %gt3A_596, %slice3A_594, %select_n3A_590 : vector<128x128xi1>, vector<128x128xf32>
      %broadcast_in_dim3A_605 = vector.shape_cast %slice3A_595 : vector<1x128xf32> to vector<1x128xf32>
      %broadcast_in_dim3A_606 = vector.broadcast %broadcast_in_dim3A_605 : vector<1x128xf32> to vector<128x128xf32>
      %select_n3A_607 = arith.select %gt3A_596, %broadcast_in_dim3A_606, %select_n3A_593 : vector<128x128xi1>, vector<128x128xf32>
      %slice3A_608 = vector.extract_strided_slice %get3A_17 {offsets = [0, 5376], sizes = [128, 128], strides = [1, 1]} : vector<128x8192xf32> to vector<128x128xf32>
      %slice3A_609 = vector.extract_strided_slice %get3A_20 {offsets = [0, 5376], sizes = [1, 128], strides = [1, 1]} : vector<1x8192xf32> to vector<1x128xf32>
      %gt3A_610 = arith.cmpf ogt, %slice3A_608, %select_n3A_604 : vector<128x128xf32>
      %gt3A_611 = arith.cmpf ogt, %slice3A_608, %select_n3A_599 : vector<128x128xf32>
      %select_n3A_612 = arith.select %gt3A_611, %slice3A_608, %select_n3A_599 : vector<128x128xi1>, vector<128x128xf32>
      %select_n3A_613 = arith.select %gt3A_610, %select_n3A_604, %select_n3A_612 : vector<128x128xi1>, vector<128x128xf32>
      %broadcast_in_dim3A_614 = vector.shape_cast %slice3A_609 : vector<1x128xf32> to vector<1x128xf32>
      %broadcast_in_dim3A_615 = vector.broadcast %broadcast_in_dim3A_614 : vector<1x128xf32> to vector<128x128xf32>
      %select_n3A_616 = arith.select %gt3A_611, %broadcast_in_dim3A_615, %select_n3A_603 : vector<128x128xi1>, vector<128x128xf32>
      %select_n3A_617 = arith.select %gt3A_610, %select_n3A_607, %select_n3A_616 : vector<128x128xi1>, vector<128x128xf32>
      %select_n3A_618 = arith.select %gt3A_610, %slice3A_608, %select_n3A_604 : vector<128x128xi1>, vector<128x128xf32>
      %broadcast_in_dim3A_619 = vector.shape_cast %slice3A_609 : vector<1x128xf32> to vector<1x128xf32>
      %broadcast_in_dim3A_620 = vector.broadcast %broadcast_in_dim3A_619 : vector<1x128xf32> to vector<128x128xf32>
      %select_n3A_621 = arith.select %gt3A_610, %broadcast_in_dim3A_620, %select_n3A_607 : vector<128x128xi1>, vector<128x128xf32>
      %slice3A_622 = vector.extract_strided_slice %get3A_17 {offsets = [0, 5504], sizes = [128, 128], strides = [1, 1]} : vector<128x8192xf32> to vector<128x128xf32>
      %slice3A_623 = vector.extract_strided_slice %get3A_20 {offsets = [0, 5504], sizes = [1, 128], strides = [1, 1]} : vector<1x8192xf32> to vector<1x128xf32>
      %gt3A_624 = arith.cmpf ogt, %slice3A_622, %select_n3A_618 : vector<128x128xf32>
      %gt3A_625 = arith.cmpf ogt, %slice3A_622, %select_n3A_613 : vector<128x128xf32>
      %select_n3A_626 = arith.select %gt3A_625, %slice3A_622, %select_n3A_613 : vector<128x128xi1>, vector<128x128xf32>
      %select_n3A_627 = arith.select %gt3A_624, %select_n3A_618, %select_n3A_626 : vector<128x128xi1>, vector<128x128xf32>
      %broadcast_in_dim3A_628 = vector.shape_cast %slice3A_623 : vector<1x128xf32> to vector<1x128xf32>
      %broadcast_in_dim3A_629 = vector.broadcast %broadcast_in_dim3A_628 : vector<1x128xf32> to vector<128x128xf32>
      %select_n3A_630 = arith.select %gt3A_625, %broadcast_in_dim3A_629, %select_n3A_617 : vector<128x128xi1>, vector<128x128xf32>
      %select_n3A_631 = arith.select %gt3A_624, %select_n3A_621, %select_n3A_630 : vector<128x128xi1>, vector<128x128xf32>
      %select_n3A_632 = arith.select %gt3A_624, %slice3A_622, %select_n3A_618 : vector<128x128xi1>, vector<128x128xf32>
      %broadcast_in_dim3A_633 = vector.shape_cast %slice3A_623 : vector<1x128xf32> to vector<1x128xf32>
      %broadcast_in_dim3A_634 = vector.broadcast %broadcast_in_dim3A_633 : vector<1x128xf32> to vector<128x128xf32>
      %select_n3A_635 = arith.select %gt3A_624, %broadcast_in_dim3A_634, %select_n3A_621 : vector<128x128xi1>, vector<128x128xf32>
      %slice3A_636 = vector.extract_strided_slice %get3A_17 {offsets = [0, 5632], sizes = [128, 128], strides = [1, 1]} : vector<128x8192xf32> to vector<128x128xf32>
      %slice3A_637 = vector.extract_strided_slice %get3A_20 {offsets = [0, 5632], sizes = [1, 128], strides = [1, 1]} : vector<1x8192xf32> to vector<1x128xf32>
      %gt3A_638 = arith.cmpf ogt, %slice3A_636, %select_n3A_632 : vector<128x128xf32>
      %gt3A_639 = arith.cmpf ogt, %slice3A_636, %select_n3A_627 : vector<128x128xf32>
      %select_n3A_640 = arith.select %gt3A_639, %slice3A_636, %select_n3A_627 : vector<128x128xi1>, vector<128x128xf32>
      %select_n3A_641 = arith.select %gt3A_638, %select_n3A_632, %select_n3A_640 : vector<128x128xi1>, vector<128x128xf32>
      %broadcast_in_dim3A_642 = vector.shape_cast %slice3A_637 : vector<1x128xf32> to vector<1x128xf32>
      %broadcast_in_dim3A_643 = vector.broadcast %broadcast_in_dim3A_642 : vector<1x128xf32> to vector<128x128xf32>
      %select_n3A_644 = arith.select %gt3A_639, %broadcast_in_dim3A_643, %select_n3A_631 : vector<128x128xi1>, vector<128x128xf32>
      %select_n3A_645 = arith.select %gt3A_638, %select_n3A_635, %select_n3A_644 : vector<128x128xi1>, vector<128x128xf32>
      %select_n3A_646 = arith.select %gt3A_638, %slice3A_636, %select_n3A_632 : vector<128x128xi1>, vector<128x128xf32>
      %broadcast_in_dim3A_647 = vector.shape_cast %slice3A_637 : vector<1x128xf32> to vector<1x128xf32>
      %broadcast_in_dim3A_648 = vector.broadcast %broadcast_in_dim3A_647 : vector<1x128xf32> to vector<128x128xf32>
      %select_n3A_649 = arith.select %gt3A_638, %broadcast_in_dim3A_648, %select_n3A_635 : vector<128x128xi1>, vector<128x128xf32>
      %slice3A_650 = vector.extract_strided_slice %get3A_17 {offsets = [0, 5760], sizes = [128, 128], strides = [1, 1]} : vector<128x8192xf32> to vector<128x128xf32>
      %slice3A_651 = vector.extract_strided_slice %get3A_20 {offsets = [0, 5760], sizes = [1, 128], strides = [1, 1]} : vector<1x8192xf32> to vector<1x128xf32>
      %gt3A_652 = arith.cmpf ogt, %slice3A_650, %select_n3A_646 : vector<128x128xf32>
      %gt3A_653 = arith.cmpf ogt, %slice3A_650, %select_n3A_641 : vector<128x128xf32>
      %select_n3A_654 = arith.select %gt3A_653, %slice3A_650, %select_n3A_641 : vector<128x128xi1>, vector<128x128xf32>
      %select_n3A_655 = arith.select %gt3A_652, %select_n3A_646, %select_n3A_654 : vector<128x128xi1>, vector<128x128xf32>
      %broadcast_in_dim3A_656 = vector.shape_cast %slice3A_651 : vector<1x128xf32> to vector<1x128xf32>
      %broadcast_in_dim3A_657 = vector.broadcast %broadcast_in_dim3A_656 : vector<1x128xf32> to vector<128x128xf32>
      %select_n3A_658 = arith.select %gt3A_653, %broadcast_in_dim3A_657, %select_n3A_645 : vector<128x128xi1>, vector<128x128xf32>
      %select_n3A_659 = arith.select %gt3A_652, %select_n3A_649, %select_n3A_658 : vector<128x128xi1>, vector<128x128xf32>
      %select_n3A_660 = arith.select %gt3A_652, %slice3A_650, %select_n3A_646 : vector<128x128xi1>, vector<128x128xf32>
      %broadcast_in_dim3A_661 = vector.shape_cast %slice3A_651 : vector<1x128xf32> to vector<1x128xf32>
      %broadcast_in_dim3A_662 = vector.broadcast %broadcast_in_dim3A_661 : vector<1x128xf32> to vector<128x128xf32>
      %select_n3A_663 = arith.select %gt3A_652, %broadcast_in_dim3A_662, %select_n3A_649 : vector<128x128xi1>, vector<128x128xf32>
      %slice3A_664 = vector.extract_strided_slice %get3A_17 {offsets = [0, 5888], sizes = [128, 128], strides = [1, 1]} : vector<128x8192xf32> to vector<128x128xf32>
      %slice3A_665 = vector.extract_strided_slice %get3A_20 {offsets = [0, 5888], sizes = [1, 128], strides = [1, 1]} : vector<1x8192xf32> to vector<1x128xf32>
      %gt3A_666 = arith.cmpf ogt, %slice3A_664, %select_n3A_660 : vector<128x128xf32>
      %gt3A_667 = arith.cmpf ogt, %slice3A_664, %select_n3A_655 : vector<128x128xf32>
      %select_n3A_668 = arith.select %gt3A_667, %slice3A_664, %select_n3A_655 : vector<128x128xi1>, vector<128x128xf32>
      %select_n3A_669 = arith.select %gt3A_666, %select_n3A_660, %select_n3A_668 : vector<128x128xi1>, vector<128x128xf32>
      %broadcast_in_dim3A_670 = vector.shape_cast %slice3A_665 : vector<1x128xf32> to vector<1x128xf32>
      %broadcast_in_dim3A_671 = vector.broadcast %broadcast_in_dim3A_670 : vector<1x128xf32> to vector<128x128xf32>
      %select_n3A_672 = arith.select %gt3A_667, %broadcast_in_dim3A_671, %select_n3A_659 : vector<128x128xi1>, vector<128x128xf32>
      %select_n3A_673 = arith.select %gt3A_666, %select_n3A_663, %select_n3A_672 : vector<128x128xi1>, vector<128x128xf32>
      %select_n3A_674 = arith.select %gt3A_666, %slice3A_664, %select_n3A_660 : vector<128x128xi1>, vector<128x128xf32>
      %broadcast_in_dim3A_675 = vector.shape_cast %slice3A_665 : vector<1x128xf32> to vector<1x128xf32>
      %broadcast_in_dim3A_676 = vector.broadcast %broadcast_in_dim3A_675 : vector<1x128xf32> to vector<128x128xf32>
      %select_n3A_677 = arith.select %gt3A_666, %broadcast_in_dim3A_676, %select_n3A_663 : vector<128x128xi1>, vector<128x128xf32>
      %slice3A_678 = vector.extract_strided_slice %get3A_17 {offsets = [0, 6016], sizes = [128, 128], strides = [1, 1]} : vector<128x8192xf32> to vector<128x128xf32>
      %slice3A_679 = vector.extract_strided_slice %get3A_20 {offsets = [0, 6016], sizes = [1, 128], strides = [1, 1]} : vector<1x8192xf32> to vector<1x128xf32>
      %gt3A_680 = arith.cmpf ogt, %slice3A_678, %select_n3A_674 : vector<128x128xf32>
      %gt3A_681 = arith.cmpf ogt, %slice3A_678, %select_n3A_669 : vector<128x128xf32>
      %select_n3A_682 = arith.select %gt3A_681, %slice3A_678, %select_n3A_669 : vector<128x128xi1>, vector<128x128xf32>
      %select_n3A_683 = arith.select %gt3A_680, %select_n3A_674, %select_n3A_682 : vector<128x128xi1>, vector<128x128xf32>
      %broadcast_in_dim3A_684 = vector.shape_cast %slice3A_679 : vector<1x128xf32> to vector<1x128xf32>
      %broadcast_in_dim3A_685 = vector.broadcast %broadcast_in_dim3A_684 : vector<1x128xf32> to vector<128x128xf32>
      %select_n3A_686 = arith.select %gt3A_681, %broadcast_in_dim3A_685, %select_n3A_673 : vector<128x128xi1>, vector<128x128xf32>
      %select_n3A_687 = arith.select %gt3A_680, %select_n3A_677, %select_n3A_686 : vector<128x128xi1>, vector<128x128xf32>
      %select_n3A_688 = arith.select %gt3A_680, %slice3A_678, %select_n3A_674 : vector<128x128xi1>, vector<128x128xf32>
      %broadcast_in_dim3A_689 = vector.shape_cast %slice3A_679 : vector<1x128xf32> to vector<1x128xf32>
      %broadcast_in_dim3A_690 = vector.broadcast %broadcast_in_dim3A_689 : vector<1x128xf32> to vector<128x128xf32>
      %select_n3A_691 = arith.select %gt3A_680, %broadcast_in_dim3A_690, %select_n3A_677 : vector<128x128xi1>, vector<128x128xf32>
      %slice3A_692 = vector.extract_strided_slice %get3A_17 {offsets = [0, 6144], sizes = [128, 128], strides = [1, 1]} : vector<128x8192xf32> to vector<128x128xf32>
      %slice3A_693 = vector.extract_strided_slice %get3A_20 {offsets = [0, 6144], sizes = [1, 128], strides = [1, 1]} : vector<1x8192xf32> to vector<1x128xf32>
      %gt3A_694 = arith.cmpf ogt, %slice3A_692, %select_n3A_688 : vector<128x128xf32>
      %gt3A_695 = arith.cmpf ogt, %slice3A_692, %select_n3A_683 : vector<128x128xf32>
      %select_n3A_696 = arith.select %gt3A_695, %slice3A_692, %select_n3A_683 : vector<128x128xi1>, vector<128x128xf32>
      %select_n3A_697 = arith.select %gt3A_694, %select_n3A_688, %select_n3A_696 : vector<128x128xi1>, vector<128x128xf32>
      %broadcast_in_dim3A_698 = vector.shape_cast %slice3A_693 : vector<1x128xf32> to vector<1x128xf32>
      %broadcast_in_dim3A_699 = vector.broadcast %broadcast_in_dim3A_698 : vector<1x128xf32> to vector<128x128xf32>
      %select_n3A_700 = arith.select %gt3A_695, %broadcast_in_dim3A_699, %select_n3A_687 : vector<128x128xi1>, vector<128x128xf32>
      %select_n3A_701 = arith.select %gt3A_694, %select_n3A_691, %select_n3A_700 : vector<128x128xi1>, vector<128x128xf32>
      %select_n3A_702 = arith.select %gt3A_694, %slice3A_692, %select_n3A_688 : vector<128x128xi1>, vector<128x128xf32>
      %broadcast_in_dim3A_703 = vector.shape_cast %slice3A_693 : vector<1x128xf32> to vector<1x128xf32>
      %broadcast_in_dim3A_704 = vector.broadcast %broadcast_in_dim3A_703 : vector<1x128xf32> to vector<128x128xf32>
      %select_n3A_705 = arith.select %gt3A_694, %broadcast_in_dim3A_704, %select_n3A_691 : vector<128x128xi1>, vector<128x128xf32>
      %slice3A_706 = vector.extract_strided_slice %get3A_17 {offsets = [0, 6272], sizes = [128, 128], strides = [1, 1]} : vector<128x8192xf32> to vector<128x128xf32>
      %slice3A_707 = vector.extract_strided_slice %get3A_20 {offsets = [0, 6272], sizes = [1, 128], strides = [1, 1]} : vector<1x8192xf32> to vector<1x128xf32>
      %gt3A_708 = arith.cmpf ogt, %slice3A_706, %select_n3A_702 : vector<128x128xf32>
      %gt3A_709 = arith.cmpf ogt, %slice3A_706, %select_n3A_697 : vector<128x128xf32>
      %select_n3A_710 = arith.select %gt3A_709, %slice3A_706, %select_n3A_697 : vector<128x128xi1>, vector<128x128xf32>
      %select_n3A_711 = arith.select %gt3A_708, %select_n3A_702, %select_n3A_710 : vector<128x128xi1>, vector<128x128xf32>
      %broadcast_in_dim3A_712 = vector.shape_cast %slice3A_707 : vector<1x128xf32> to vector<1x128xf32>
      %broadcast_in_dim3A_713 = vector.broadcast %broadcast_in_dim3A_712 : vector<1x128xf32> to vector<128x128xf32>
      %select_n3A_714 = arith.select %gt3A_709, %broadcast_in_dim3A_713, %select_n3A_701 : vector<128x128xi1>, vector<128x128xf32>
      %select_n3A_715 = arith.select %gt3A_708, %select_n3A_705, %select_n3A_714 : vector<128x128xi1>, vector<128x128xf32>
      %select_n3A_716 = arith.select %gt3A_708, %slice3A_706, %select_n3A_702 : vector<128x128xi1>, vector<128x128xf32>
      %broadcast_in_dim3A_717 = vector.shape_cast %slice3A_707 : vector<1x128xf32> to vector<1x128xf32>
      %broadcast_in_dim3A_718 = vector.broadcast %broadcast_in_dim3A_717 : vector<1x128xf32> to vector<128x128xf32>
      %select_n3A_719 = arith.select %gt3A_708, %broadcast_in_dim3A_718, %select_n3A_705 : vector<128x128xi1>, vector<128x128xf32>
      %slice3A_720 = vector.extract_strided_slice %get3A_17 {offsets = [0, 6400], sizes = [128, 128], strides = [1, 1]} : vector<128x8192xf32> to vector<128x128xf32>
      %slice3A_721 = vector.extract_strided_slice %get3A_20 {offsets = [0, 6400], sizes = [1, 128], strides = [1, 1]} : vector<1x8192xf32> to vector<1x128xf32>
      %gt3A_722 = arith.cmpf ogt, %slice3A_720, %select_n3A_716 : vector<128x128xf32>
      %gt3A_723 = arith.cmpf ogt, %slice3A_720, %select_n3A_711 : vector<128x128xf32>
      %select_n3A_724 = arith.select %gt3A_723, %slice3A_720, %select_n3A_711 : vector<128x128xi1>, vector<128x128xf32>
      %select_n3A_725 = arith.select %gt3A_722, %select_n3A_716, %select_n3A_724 : vector<128x128xi1>, vector<128x128xf32>
      %broadcast_in_dim3A_726 = vector.shape_cast %slice3A_721 : vector<1x128xf32> to vector<1x128xf32>
      %broadcast_in_dim3A_727 = vector.broadcast %broadcast_in_dim3A_726 : vector<1x128xf32> to vector<128x128xf32>
      %select_n3A_728 = arith.select %gt3A_723, %broadcast_in_dim3A_727, %select_n3A_715 : vector<128x128xi1>, vector<128x128xf32>
      %select_n3A_729 = arith.select %gt3A_722, %select_n3A_719, %select_n3A_728 : vector<128x128xi1>, vector<128x128xf32>
      %select_n3A_730 = arith.select %gt3A_722, %slice3A_720, %select_n3A_716 : vector<128x128xi1>, vector<128x128xf32>
      %broadcast_in_dim3A_731 = vector.shape_cast %slice3A_721 : vector<1x128xf32> to vector<1x128xf32>
      %broadcast_in_dim3A_732 = vector.broadcast %broadcast_in_dim3A_731 : vector<1x128xf32> to vector<128x128xf32>
      %select_n3A_733 = arith.select %gt3A_722, %broadcast_in_dim3A_732, %select_n3A_719 : vector<128x128xi1>, vector<128x128xf32>
      %slice3A_734 = vector.extract_strided_slice %get3A_17 {offsets = [0, 6528], sizes = [128, 128], strides = [1, 1]} : vector<128x8192xf32> to vector<128x128xf32>
      %slice3A_735 = vector.extract_strided_slice %get3A_20 {offsets = [0, 6528], sizes = [1, 128], strides = [1, 1]} : vector<1x8192xf32> to vector<1x128xf32>
      %gt3A_736 = arith.cmpf ogt, %slice3A_734, %select_n3A_730 : vector<128x128xf32>
      %gt3A_737 = arith.cmpf ogt, %slice3A_734, %select_n3A_725 : vector<128x128xf32>
      %select_n3A_738 = arith.select %gt3A_737, %slice3A_734, %select_n3A_725 : vector<128x128xi1>, vector<128x128xf32>
      %select_n3A_739 = arith.select %gt3A_736, %select_n3A_730, %select_n3A_738 : vector<128x128xi1>, vector<128x128xf32>
      %broadcast_in_dim3A_740 = vector.shape_cast %slice3A_735 : vector<1x128xf32> to vector<1x128xf32>
      %broadcast_in_dim3A_741 = vector.broadcast %broadcast_in_dim3A_740 : vector<1x128xf32> to vector<128x128xf32>
      %select_n3A_742 = arith.select %gt3A_737, %broadcast_in_dim3A_741, %select_n3A_729 : vector<128x128xi1>, vector<128x128xf32>
      %select_n3A_743 = arith.select %gt3A_736, %select_n3A_733, %select_n3A_742 : vector<128x128xi1>, vector<128x128xf32>
      %select_n3A_744 = arith.select %gt3A_736, %slice3A_734, %select_n3A_730 : vector<128x128xi1>, vector<128x128xf32>
      %broadcast_in_dim3A_745 = vector.shape_cast %slice3A_735 : vector<1x128xf32> to vector<1x128xf32>
      %broadcast_in_dim3A_746 = vector.broadcast %broadcast_in_dim3A_745 : vector<1x128xf32> to vector<128x128xf32>
      %select_n3A_747 = arith.select %gt3A_736, %broadcast_in_dim3A_746, %select_n3A_733 : vector<128x128xi1>, vector<128x128xf32>
      %slice3A_748 = vector.extract_strided_slice %get3A_17 {offsets = [0, 6656], sizes = [128, 128], strides = [1, 1]} : vector<128x8192xf32> to vector<128x128xf32>
      %slice3A_749 = vector.extract_strided_slice %get3A_20 {offsets = [0, 6656], sizes = [1, 128], strides = [1, 1]} : vector<1x8192xf32> to vector<1x128xf32>
      %gt3A_750 = arith.cmpf ogt, %slice3A_748, %select_n3A_744 : vector<128x128xf32>
      %gt3A_751 = arith.cmpf ogt, %slice3A_748, %select_n3A_739 : vector<128x128xf32>
      %select_n3A_752 = arith.select %gt3A_751, %slice3A_748, %select_n3A_739 : vector<128x128xi1>, vector<128x128xf32>
      %select_n3A_753 = arith.select %gt3A_750, %select_n3A_744, %select_n3A_752 : vector<128x128xi1>, vector<128x128xf32>
      %broadcast_in_dim3A_754 = vector.shape_cast %slice3A_749 : vector<1x128xf32> to vector<1x128xf32>
      %broadcast_in_dim3A_755 = vector.broadcast %broadcast_in_dim3A_754 : vector<1x128xf32> to vector<128x128xf32>
      %select_n3A_756 = arith.select %gt3A_751, %broadcast_in_dim3A_755, %select_n3A_743 : vector<128x128xi1>, vector<128x128xf32>
      %select_n3A_757 = arith.select %gt3A_750, %select_n3A_747, %select_n3A_756 : vector<128x128xi1>, vector<128x128xf32>
      %select_n3A_758 = arith.select %gt3A_750, %slice3A_748, %select_n3A_744 : vector<128x128xi1>, vector<128x128xf32>
      %broadcast_in_dim3A_759 = vector.shape_cast %slice3A_749 : vector<1x128xf32> to vector<1x128xf32>
      %broadcast_in_dim3A_760 = vector.broadcast %broadcast_in_dim3A_759 : vector<1x128xf32> to vector<128x128xf32>
      %select_n3A_761 = arith.select %gt3A_750, %broadcast_in_dim3A_760, %select_n3A_747 : vector<128x128xi1>, vector<128x128xf32>
      %slice3A_762 = vector.extract_strided_slice %get3A_17 {offsets = [0, 6784], sizes = [128, 128], strides = [1, 1]} : vector<128x8192xf32> to vector<128x128xf32>
      %slice3A_763 = vector.extract_strided_slice %get3A_20 {offsets = [0, 6784], sizes = [1, 128], strides = [1, 1]} : vector<1x8192xf32> to vector<1x128xf32>
      %gt3A_764 = arith.cmpf ogt, %slice3A_762, %select_n3A_758 : vector<128x128xf32>
      %gt3A_765 = arith.cmpf ogt, %slice3A_762, %select_n3A_753 : vector<128x128xf32>
      %select_n3A_766 = arith.select %gt3A_765, %slice3A_762, %select_n3A_753 : vector<128x128xi1>, vector<128x128xf32>
      %select_n3A_767 = arith.select %gt3A_764, %select_n3A_758, %select_n3A_766 : vector<128x128xi1>, vector<128x128xf32>
      %broadcast_in_dim3A_768 = vector.shape_cast %slice3A_763 : vector<1x128xf32> to vector<1x128xf32>
      %broadcast_in_dim3A_769 = vector.broadcast %broadcast_in_dim3A_768 : vector<1x128xf32> to vector<128x128xf32>
      %select_n3A_770 = arith.select %gt3A_765, %broadcast_in_dim3A_769, %select_n3A_757 : vector<128x128xi1>, vector<128x128xf32>
      %select_n3A_771 = arith.select %gt3A_764, %select_n3A_761, %select_n3A_770 : vector<128x128xi1>, vector<128x128xf32>
      %select_n3A_772 = arith.select %gt3A_764, %slice3A_762, %select_n3A_758 : vector<128x128xi1>, vector<128x128xf32>
      %broadcast_in_dim3A_773 = vector.shape_cast %slice3A_763 : vector<1x128xf32> to vector<1x128xf32>
      %broadcast_in_dim3A_774 = vector.broadcast %broadcast_in_dim3A_773 : vector<1x128xf32> to vector<128x128xf32>
      %select_n3A_775 = arith.select %gt3A_764, %broadcast_in_dim3A_774, %select_n3A_761 : vector<128x128xi1>, vector<128x128xf32>
      %slice3A_776 = vector.extract_strided_slice %get3A_17 {offsets = [0, 6912], sizes = [128, 128], strides = [1, 1]} : vector<128x8192xf32> to vector<128x128xf32>
      %slice3A_777 = vector.extract_strided_slice %get3A_20 {offsets = [0, 6912], sizes = [1, 128], strides = [1, 1]} : vector<1x8192xf32> to vector<1x128xf32>
      %gt3A_778 = arith.cmpf ogt, %slice3A_776, %select_n3A_772 : vector<128x128xf32>
      %gt3A_779 = arith.cmpf ogt, %slice3A_776, %select_n3A_767 : vector<128x128xf32>
      %select_n3A_780 = arith.select %gt3A_779, %slice3A_776, %select_n3A_767 : vector<128x128xi1>, vector<128x128xf32>
      %select_n3A_781 = arith.select %gt3A_778, %select_n3A_772, %select_n3A_780 : vector<128x128xi1>, vector<128x128xf32>
      %broadcast_in_dim3A_782 = vector.shape_cast %slice3A_777 : vector<1x128xf32> to vector<1x128xf32>
      %broadcast_in_dim3A_783 = vector.broadcast %broadcast_in_dim3A_782 : vector<1x128xf32> to vector<128x128xf32>
      %select_n3A_784 = arith.select %gt3A_779, %broadcast_in_dim3A_783, %select_n3A_771 : vector<128x128xi1>, vector<128x128xf32>
      %select_n3A_785 = arith.select %gt3A_778, %select_n3A_775, %select_n3A_784 : vector<128x128xi1>, vector<128x128xf32>
      %select_n3A_786 = arith.select %gt3A_778, %slice3A_776, %select_n3A_772 : vector<128x128xi1>, vector<128x128xf32>
      %broadcast_in_dim3A_787 = vector.shape_cast %slice3A_777 : vector<1x128xf32> to vector<1x128xf32>
      %broadcast_in_dim3A_788 = vector.broadcast %broadcast_in_dim3A_787 : vector<1x128xf32> to vector<128x128xf32>
      %select_n3A_789 = arith.select %gt3A_778, %broadcast_in_dim3A_788, %select_n3A_775 : vector<128x128xi1>, vector<128x128xf32>
      %slice3A_790 = vector.extract_strided_slice %get3A_17 {offsets = [0, 7040], sizes = [128, 128], strides = [1, 1]} : vector<128x8192xf32> to vector<128x128xf32>
      %slice3A_791 = vector.extract_strided_slice %get3A_20 {offsets = [0, 7040], sizes = [1, 128], strides = [1, 1]} : vector<1x8192xf32> to vector<1x128xf32>
      %gt3A_792 = arith.cmpf ogt, %slice3A_790, %select_n3A_786 : vector<128x128xf32>
      %gt3A_793 = arith.cmpf ogt, %slice3A_790, %select_n3A_781 : vector<128x128xf32>
      %select_n3A_794 = arith.select %gt3A_793, %slice3A_790, %select_n3A_781 : vector<128x128xi1>, vector<128x128xf32>
      %select_n3A_795 = arith.select %gt3A_792, %select_n3A_786, %select_n3A_794 : vector<128x128xi1>, vector<128x128xf32>
      %broadcast_in_dim3A_796 = vector.shape_cast %slice3A_791 : vector<1x128xf32> to vector<1x128xf32>
      %broadcast_in_dim3A_797 = vector.broadcast %broadcast_in_dim3A_796 : vector<1x128xf32> to vector<128x128xf32>
      %select_n3A_798 = arith.select %gt3A_793, %broadcast_in_dim3A_797, %select_n3A_785 : vector<128x128xi1>, vector<128x128xf32>
      %select_n3A_799 = arith.select %gt3A_792, %select_n3A_789, %select_n3A_798 : vector<128x128xi1>, vector<128x128xf32>
      %select_n3A_800 = arith.select %gt3A_792, %slice3A_790, %select_n3A_786 : vector<128x128xi1>, vector<128x128xf32>
      %broadcast_in_dim3A_801 = vector.shape_cast %slice3A_791 : vector<1x128xf32> to vector<1x128xf32>
      %broadcast_in_dim3A_802 = vector.broadcast %broadcast_in_dim3A_801 : vector<1x128xf32> to vector<128x128xf32>
      %select_n3A_803 = arith.select %gt3A_792, %broadcast_in_dim3A_802, %select_n3A_789 : vector<128x128xi1>, vector<128x128xf32>
      %slice3A_804 = vector.extract_strided_slice %get3A_17 {offsets = [0, 7168], sizes = [128, 128], strides = [1, 1]} : vector<128x8192xf32> to vector<128x128xf32>
      %slice3A_805 = vector.extract_strided_slice %get3A_20 {offsets = [0, 7168], sizes = [1, 128], strides = [1, 1]} : vector<1x8192xf32> to vector<1x128xf32>
      %gt3A_806 = arith.cmpf ogt, %slice3A_804, %select_n3A_800 : vector<128x128xf32>
      %gt3A_807 = arith.cmpf ogt, %slice3A_804, %select_n3A_795 : vector<128x128xf32>
      %select_n3A_808 = arith.select %gt3A_807, %slice3A_804, %select_n3A_795 : vector<128x128xi1>, vector<128x128xf32>
      %select_n3A_809 = arith.select %gt3A_806, %select_n3A_800, %select_n3A_808 : vector<128x128xi1>, vector<128x128xf32>
      %broadcast_in_dim3A_810 = vector.shape_cast %slice3A_805 : vector<1x128xf32> to vector<1x128xf32>
      %broadcast_in_dim3A_811 = vector.broadcast %broadcast_in_dim3A_810 : vector<1x128xf32> to vector<128x128xf32>
      %select_n3A_812 = arith.select %gt3A_807, %broadcast_in_dim3A_811, %select_n3A_799 : vector<128x128xi1>, vector<128x128xf32>
      %select_n3A_813 = arith.select %gt3A_806, %select_n3A_803, %select_n3A_812 : vector<128x128xi1>, vector<128x128xf32>
      %select_n3A_814 = arith.select %gt3A_806, %slice3A_804, %select_n3A_800 : vector<128x128xi1>, vector<128x128xf32>
      %broadcast_in_dim3A_815 = vector.shape_cast %slice3A_805 : vector<1x128xf32> to vector<1x128xf32>
      %broadcast_in_dim3A_816 = vector.broadcast %broadcast_in_dim3A_815 : vector<1x128xf32> to vector<128x128xf32>
      %select_n3A_817 = arith.select %gt3A_806, %broadcast_in_dim3A_816, %select_n3A_803 : vector<128x128xi1>, vector<128x128xf32>
      %slice3A_818 = vector.extract_strided_slice %get3A_17 {offsets = [0, 7296], sizes = [128, 128], strides = [1, 1]} : vector<128x8192xf32> to vector<128x128xf32>
      %slice3A_819 = vector.extract_strided_slice %get3A_20 {offsets = [0, 7296], sizes = [1, 128], strides = [1, 1]} : vector<1x8192xf32> to vector<1x128xf32>
      %gt3A_820 = arith.cmpf ogt, %slice3A_818, %select_n3A_814 : vector<128x128xf32>
      %gt3A_821 = arith.cmpf ogt, %slice3A_818, %select_n3A_809 : vector<128x128xf32>
      %select_n3A_822 = arith.select %gt3A_821, %slice3A_818, %select_n3A_809 : vector<128x128xi1>, vector<128x128xf32>
      %select_n3A_823 = arith.select %gt3A_820, %select_n3A_814, %select_n3A_822 : vector<128x128xi1>, vector<128x128xf32>
      %broadcast_in_dim3A_824 = vector.shape_cast %slice3A_819 : vector<1x128xf32> to vector<1x128xf32>
      %broadcast_in_dim3A_825 = vector.broadcast %broadcast_in_dim3A_824 : vector<1x128xf32> to vector<128x128xf32>
      %select_n3A_826 = arith.select %gt3A_821, %broadcast_in_dim3A_825, %select_n3A_813 : vector<128x128xi1>, vector<128x128xf32>
      %select_n3A_827 = arith.select %gt3A_820, %select_n3A_817, %select_n3A_826 : vector<128x128xi1>, vector<128x128xf32>
      %select_n3A_828 = arith.select %gt3A_820, %slice3A_818, %select_n3A_814 : vector<128x128xi1>, vector<128x128xf32>
      %broadcast_in_dim3A_829 = vector.shape_cast %slice3A_819 : vector<1x128xf32> to vector<1x128xf32>
      %broadcast_in_dim3A_830 = vector.broadcast %broadcast_in_dim3A_829 : vector<1x128xf32> to vector<128x128xf32>
      %select_n3A_831 = arith.select %gt3A_820, %broadcast_in_dim3A_830, %select_n3A_817 : vector<128x128xi1>, vector<128x128xf32>
      %slice3A_832 = vector.extract_strided_slice %get3A_17 {offsets = [0, 7424], sizes = [128, 128], strides = [1, 1]} : vector<128x8192xf32> to vector<128x128xf32>
      %slice3A_833 = vector.extract_strided_slice %get3A_20 {offsets = [0, 7424], sizes = [1, 128], strides = [1, 1]} : vector<1x8192xf32> to vector<1x128xf32>
      %gt3A_834 = arith.cmpf ogt, %slice3A_832, %select_n3A_828 : vector<128x128xf32>
      %gt3A_835 = arith.cmpf ogt, %slice3A_832, %select_n3A_823 : vector<128x128xf32>
      %select_n3A_836 = arith.select %gt3A_835, %slice3A_832, %select_n3A_823 : vector<128x128xi1>, vector<128x128xf32>
      %select_n3A_837 = arith.select %gt3A_834, %select_n3A_828, %select_n3A_836 : vector<128x128xi1>, vector<128x128xf32>
      %broadcast_in_dim3A_838 = vector.shape_cast %slice3A_833 : vector<1x128xf32> to vector<1x128xf32>
      %broadcast_in_dim3A_839 = vector.broadcast %broadcast_in_dim3A_838 : vector<1x128xf32> to vector<128x128xf32>
      %select_n3A_840 = arith.select %gt3A_835, %broadcast_in_dim3A_839, %select_n3A_827 : vector<128x128xi1>, vector<128x128xf32>
      %select_n3A_841 = arith.select %gt3A_834, %select_n3A_831, %select_n3A_840 : vector<128x128xi1>, vector<128x128xf32>
      %select_n3A_842 = arith.select %gt3A_834, %slice3A_832, %select_n3A_828 : vector<128x128xi1>, vector<128x128xf32>
      %broadcast_in_dim3A_843 = vector.shape_cast %slice3A_833 : vector<1x128xf32> to vector<1x128xf32>
      %broadcast_in_dim3A_844 = vector.broadcast %broadcast_in_dim3A_843 : vector<1x128xf32> to vector<128x128xf32>
      %select_n3A_845 = arith.select %gt3A_834, %broadcast_in_dim3A_844, %select_n3A_831 : vector<128x128xi1>, vector<128x128xf32>
      %slice3A_846 = vector.extract_strided_slice %get3A_17 {offsets = [0, 7552], sizes = [128, 128], strides = [1, 1]} : vector<128x8192xf32> to vector<128x128xf32>
      %slice3A_847 = vector.extract_strided_slice %get3A_20 {offsets = [0, 7552], sizes = [1, 128], strides = [1, 1]} : vector<1x8192xf32> to vector<1x128xf32>
      %gt3A_848 = arith.cmpf ogt, %slice3A_846, %select_n3A_842 : vector<128x128xf32>
      %gt3A_849 = arith.cmpf ogt, %slice3A_846, %select_n3A_837 : vector<128x128xf32>
      %select_n3A_850 = arith.select %gt3A_849, %slice3A_846, %select_n3A_837 : vector<128x128xi1>, vector<128x128xf32>
      %select_n3A_851 = arith.select %gt3A_848, %select_n3A_842, %select_n3A_850 : vector<128x128xi1>, vector<128x128xf32>
      %broadcast_in_dim3A_852 = vector.shape_cast %slice3A_847 : vector<1x128xf32> to vector<1x128xf32>
      %broadcast_in_dim3A_853 = vector.broadcast %broadcast_in_dim3A_852 : vector<1x128xf32> to vector<128x128xf32>
      %select_n3A_854 = arith.select %gt3A_849, %broadcast_in_dim3A_853, %select_n3A_841 : vector<128x128xi1>, vector<128x128xf32>
      %select_n3A_855 = arith.select %gt3A_848, %select_n3A_845, %select_n3A_854 : vector<128x128xi1>, vector<128x128xf32>
      %select_n3A_856 = arith.select %gt3A_848, %slice3A_846, %select_n3A_842 : vector<128x128xi1>, vector<128x128xf32>
      %broadcast_in_dim3A_857 = vector.shape_cast %slice3A_847 : vector<1x128xf32> to vector<1x128xf32>
      %broadcast_in_dim3A_858 = vector.broadcast %broadcast_in_dim3A_857 : vector<1x128xf32> to vector<128x128xf32>
      %select_n3A_859 = arith.select %gt3A_848, %broadcast_in_dim3A_858, %select_n3A_845 : vector<128x128xi1>, vector<128x128xf32>
      %slice3A_860 = vector.extract_strided_slice %get3A_17 {offsets = [0, 7680], sizes = [128, 128], strides = [1, 1]} : vector<128x8192xf32> to vector<128x128xf32>
      %slice3A_861 = vector.extract_strided_slice %get3A_20 {offsets = [0, 7680], sizes = [1, 128], strides = [1, 1]} : vector<1x8192xf32> to vector<1x128xf32>
      %gt3A_862 = arith.cmpf ogt, %slice3A_860, %select_n3A_856 : vector<128x128xf32>
      %gt3A_863 = arith.cmpf ogt, %slice3A_860, %select_n3A_851 : vector<128x128xf32>
      %select_n3A_864 = arith.select %gt3A_863, %slice3A_860, %select_n3A_851 : vector<128x128xi1>, vector<128x128xf32>
      %select_n3A_865 = arith.select %gt3A_862, %select_n3A_856, %select_n3A_864 : vector<128x128xi1>, vector<128x128xf32>
      %broadcast_in_dim3A_866 = vector.shape_cast %slice3A_861 : vector<1x128xf32> to vector<1x128xf32>
      %broadcast_in_dim3A_867 = vector.broadcast %broadcast_in_dim3A_866 : vector<1x128xf32> to vector<128x128xf32>
      %select_n3A_868 = arith.select %gt3A_863, %broadcast_in_dim3A_867, %select_n3A_855 : vector<128x128xi1>, vector<128x128xf32>
      %select_n3A_869 = arith.select %gt3A_862, %select_n3A_859, %select_n3A_868 : vector<128x128xi1>, vector<128x128xf32>
      %select_n3A_870 = arith.select %gt3A_862, %slice3A_860, %select_n3A_856 : vector<128x128xi1>, vector<128x128xf32>
      %broadcast_in_dim3A_871 = vector.shape_cast %slice3A_861 : vector<1x128xf32> to vector<1x128xf32>
      %broadcast_in_dim3A_872 = vector.broadcast %broadcast_in_dim3A_871 : vector<1x128xf32> to vector<128x128xf32>
      %select_n3A_873 = arith.select %gt3A_862, %broadcast_in_dim3A_872, %select_n3A_859 : vector<128x128xi1>, vector<128x128xf32>
      %slice3A_874 = vector.extract_strided_slice %get3A_17 {offsets = [0, 7808], sizes = [128, 128], strides = [1, 1]} : vector<128x8192xf32> to vector<128x128xf32>
      %slice3A_875 = vector.extract_strided_slice %get3A_20 {offsets = [0, 7808], sizes = [1, 128], strides = [1, 1]} : vector<1x8192xf32> to vector<1x128xf32>
      %gt3A_876 = arith.cmpf ogt, %slice3A_874, %select_n3A_870 : vector<128x128xf32>
      %gt3A_877 = arith.cmpf ogt, %slice3A_874, %select_n3A_865 : vector<128x128xf32>
      %select_n3A_878 = arith.select %gt3A_877, %slice3A_874, %select_n3A_865 : vector<128x128xi1>, vector<128x128xf32>
      %select_n3A_879 = arith.select %gt3A_876, %select_n3A_870, %select_n3A_878 : vector<128x128xi1>, vector<128x128xf32>
      %broadcast_in_dim3A_880 = vector.shape_cast %slice3A_875 : vector<1x128xf32> to vector<1x128xf32>
      %broadcast_in_dim3A_881 = vector.broadcast %broadcast_in_dim3A_880 : vector<1x128xf32> to vector<128x128xf32>
      %select_n3A_882 = arith.select %gt3A_877, %broadcast_in_dim3A_881, %select_n3A_869 : vector<128x128xi1>, vector<128x128xf32>
      %select_n3A_883 = arith.select %gt3A_876, %select_n3A_873, %select_n3A_882 : vector<128x128xi1>, vector<128x128xf32>
      %select_n3A_884 = arith.select %gt3A_876, %slice3A_874, %select_n3A_870 : vector<128x128xi1>, vector<128x128xf32>
      %broadcast_in_dim3A_885 = vector.shape_cast %slice3A_875 : vector<1x128xf32> to vector<1x128xf32>
      %broadcast_in_dim3A_886 = vector.broadcast %broadcast_in_dim3A_885 : vector<1x128xf32> to vector<128x128xf32>
      %select_n3A_887 = arith.select %gt3A_876, %broadcast_in_dim3A_886, %select_n3A_873 : vector<128x128xi1>, vector<128x128xf32>
      %slice3A_888 = vector.extract_strided_slice %get3A_17 {offsets = [0, 7936], sizes = [128, 128], strides = [1, 1]} : vector<128x8192xf32> to vector<128x128xf32>
      %slice3A_889 = vector.extract_strided_slice %get3A_20 {offsets = [0, 7936], sizes = [1, 128], strides = [1, 1]} : vector<1x8192xf32> to vector<1x128xf32>
      %gt3A_890 = arith.cmpf ogt, %slice3A_888, %select_n3A_884 : vector<128x128xf32>
      %gt3A_891 = arith.cmpf ogt, %slice3A_888, %select_n3A_879 : vector<128x128xf32>
      %select_n3A_892 = arith.select %gt3A_891, %slice3A_888, %select_n3A_879 : vector<128x128xi1>, vector<128x128xf32>
      %select_n3A_893 = arith.select %gt3A_890, %select_n3A_884, %select_n3A_892 : vector<128x128xi1>, vector<128x128xf32>
      %broadcast_in_dim3A_894 = vector.shape_cast %slice3A_889 : vector<1x128xf32> to vector<1x128xf32>
      %broadcast_in_dim3A_895 = vector.broadcast %broadcast_in_dim3A_894 : vector<1x128xf32> to vector<128x128xf32>
      %select_n3A_896 = arith.select %gt3A_891, %broadcast_in_dim3A_895, %select_n3A_883 : vector<128x128xi1>, vector<128x128xf32>
      %select_n3A_897 = arith.select %gt3A_890, %select_n3A_887, %select_n3A_896 : vector<128x128xi1>, vector<128x128xf32>
      %select_n3A_898 = arith.select %gt3A_890, %slice3A_888, %select_n3A_884 : vector<128x128xi1>, vector<128x128xf32>
      %broadcast_in_dim3A_899 = vector.shape_cast %slice3A_889 : vector<1x128xf32> to vector<1x128xf32>
      %broadcast_in_dim3A_900 = vector.broadcast %broadcast_in_dim3A_899 : vector<1x128xf32> to vector<128x128xf32>
      %select_n3A_901 = arith.select %gt3A_890, %broadcast_in_dim3A_900, %select_n3A_887 : vector<128x128xi1>, vector<128x128xf32>
      %slice3A_902 = vector.extract_strided_slice %get3A_17 {offsets = [0, 8064], sizes = [128, 128], strides = [1, 1]} : vector<128x8192xf32> to vector<128x128xf32>
      %slice3A_903 = vector.extract_strided_slice %get3A_20 {offsets = [0, 8064], sizes = [1, 128], strides = [1, 1]} : vector<1x8192xf32> to vector<1x128xf32>
      %gt3A_904 = arith.cmpf ogt, %slice3A_902, %select_n3A_898 : vector<128x128xf32>
      %gt3A_905 = arith.cmpf ogt, %slice3A_902, %select_n3A_893 : vector<128x128xf32>
      %select_n3A_906 = arith.select %gt3A_905, %slice3A_902, %select_n3A_893 : vector<128x128xi1>, vector<128x128xf32>
      %select_n3A_907 = arith.select %gt3A_904, %select_n3A_898, %select_n3A_906 : vector<128x128xi1>, vector<128x128xf32>
      %broadcast_in_dim3A_908 = vector.shape_cast %slice3A_903 : vector<1x128xf32> to vector<1x128xf32>
      %broadcast_in_dim3A_909 = vector.broadcast %broadcast_in_dim3A_908 : vector<1x128xf32> to vector<128x128xf32>
      %select_n3A_910 = arith.select %gt3A_905, %broadcast_in_dim3A_909, %select_n3A_897 : vector<128x128xi1>, vector<128x128xf32>
      %select_n3A_911 = arith.select %gt3A_904, %select_n3A_901, %select_n3A_910 : vector<128x128xi1>, vector<128x128xf32>
      %select_n3A_912 = arith.select %gt3A_904, %slice3A_902, %select_n3A_898 : vector<128x128xi1>, vector<128x128xf32>
      %broadcast_in_dim3A_913 = vector.shape_cast %slice3A_903 : vector<1x128xf32> to vector<1x128xf32>
      %broadcast_in_dim3A_914 = vector.broadcast %broadcast_in_dim3A_913 : vector<1x128xf32> to vector<128x128xf32>
      %select_n3A_915 = arith.select %gt3A_904, %broadcast_in_dim3A_914, %select_n3A_901 : vector<128x128xi1>, vector<128x128xf32>
      %concatenate3A = tpu.concatenate %select_n3A_912, %select_n3A_907 in 1 : vector<128x128xf32>, vector<128x128xf32> -> vector<128x256xf32>
      %concatenate3A_916 = tpu.concatenate %select_n3A_915, %select_n3A_911 in 1 : vector<128x128xf32>, vector<128x128xf32> -> vector<128x256xf32>
      %reduce_max3A = arith.constant dense<0xFF800000> : vector<128xf32>
      %reduce_max3A_917 = vector.multi_reduction <maximumf>, %concatenate3A, %reduce_max3A [1] : vector<128x256xf32> to vector<128xf32>
      %broadcast_in_dim3A_918 = vector.shape_cast %reduce_max3A_917 : vector<128xf32> to vector<128x1xf32>
      %eq3A_919 = vector.broadcast %broadcast_in_dim3A_918 : vector<128x1xf32> to vector<128x256xf32>
      %eq3A_920 = arith.cmpf oeq, %concatenate3A, %eq3A_919 : vector<128x256xf32>
      %jit3A = arith.constant 1.000000e+09 : f32
      %broadcast_in_dim3A_921 = vector.broadcast %jit3A : f32 to vector<128x256xf32>
      %select_n3A_922 = arith.select %eq3A_920, %concatenate3A_916, %broadcast_in_dim3A_921 : vector<128x256xi1>, vector<128x256xf32>
      %reduce_min3A = arith.constant dense<0x7F800000> : vector<128xf32>
      %reduce_min3A_923 = vector.multi_reduction <minimumf>, %select_n3A_922, %reduce_min3A [1] : vector<128x256xf32> to vector<128xf32>
      %broadcast_in_dim3A_924 = vector.shape_cast %reduce_min3A_923 : vector<128xf32> to vector<128x1xf32>
      %eq3A_925 = vector.broadcast %broadcast_in_dim3A_924 : vector<128x1xf32> to vector<128x256xf32>
      %eq3A_926 = arith.cmpf oeq, %concatenate3A_916, %eq3A_925 : vector<128x256xf32>
      %jit3A_927 = arith.constant -1.000000e+00 : f32
      %broadcast_in_dim3A_928 = vector.broadcast %jit3A_927 : f32 to vector<128x256xf32>
      %select_n3A_929 = arith.select %eq3A_926, %broadcast_in_dim3A_928, %concatenate3A : vector<128x256xi1>, vector<128x256xf32>
      %reduce_max3A_930 = arith.constant dense<0xFF800000> : vector<128xf32>
      %reduce_max3A_931 = vector.multi_reduction <maximumf>, %select_n3A_929, %reduce_max3A_930 [1] : vector<128x256xf32> to vector<128xf32>
      %broadcast_in_dim3A_932 = vector.shape_cast %reduce_max3A_931 : vector<128xf32> to vector<128x1xf32>
      %eq3A_933 = vector.broadcast %broadcast_in_dim3A_932 : vector<128x1xf32> to vector<128x256xf32>
      %eq3A_934 = arith.cmpf oeq, %select_n3A_929, %eq3A_933 : vector<128x256xf32>
      %jit3A_935 = arith.constant 1.000000e+09 : f32
      %broadcast_in_dim3A_936 = vector.broadcast %jit3A_935 : f32 to vector<128x256xf32>
      %select_n3A_937 = arith.select %eq3A_934, %concatenate3A_916, %broadcast_in_dim3A_936 : vector<128x256xi1>, vector<128x256xf32>
      %reduce_min3A_938 = arith.constant dense<0x7F800000> : vector<128xf32>
      %reduce_min3A_939 = vector.multi_reduction <minimumf>, %select_n3A_937, %reduce_min3A_938 [1] : vector<128x256xf32> to vector<128xf32>
      %broadcast_in_dim3A_940 = vector.shape_cast %reduce_min3A_939 : vector<128xf32> to vector<128x1xf32>
      %eq3A_941 = vector.broadcast %broadcast_in_dim3A_940 : vector<128x1xf32> to vector<128x256xf32>
      %eq3A_942 = arith.cmpf oeq, %concatenate3A_916, %eq3A_941 : vector<128x256xf32>
      %jit3A_943 = arith.constant -1.000000e+00 : f32
      %broadcast_in_dim3A_944 = vector.broadcast %jit3A_943 : f32 to vector<128x256xf32>
      %select_n3A_945 = arith.select %eq3A_942, %broadcast_in_dim3A_944, %select_n3A_929 : vector<128x256xi1>, vector<128x256xf32>
      %reduce_max3A_946 = arith.constant dense<0xFF800000> : vector<128xf32>
      %reduce_max3A_947 = vector.multi_reduction <maximumf>, %select_n3A_945, %reduce_max3A_946 [1] : vector<128x256xf32> to vector<128xf32>
      %broadcast_in_dim3A_948 = vector.shape_cast %reduce_max3A_947 : vector<128xf32> to vector<128x1xf32>
      %eq3A_949 = vector.broadcast %broadcast_in_dim3A_948 : vector<128x1xf32> to vector<128x256xf32>
      %eq3A_950 = arith.cmpf oeq, %select_n3A_945, %eq3A_949 : vector<128x256xf32>
      %jit3A_951 = arith.constant 1.000000e+09 : f32
      %broadcast_in_dim3A_952 = vector.broadcast %jit3A_951 : f32 to vector<128x256xf32>
      %select_n3A_953 = arith.select %eq3A_950, %concatenate3A_916, %broadcast_in_dim3A_952 : vector<128x256xi1>, vector<128x256xf32>
      %reduce_min3A_954 = arith.constant dense<0x7F800000> : vector<128xf32>
      %reduce_min3A_955 = vector.multi_reduction <minimumf>, %select_n3A_953, %reduce_min3A_954 [1] : vector<128x256xf32> to vector<128xf32>
      %broadcast_in_dim3A_956 = vector.shape_cast %reduce_min3A_955 : vector<128xf32> to vector<128x1xf32>
      %eq3A_957 = vector.broadcast %broadcast_in_dim3A_956 : vector<128x1xf32> to vector<128x256xf32>
      %eq3A_958 = arith.cmpf oeq, %concatenate3A_916, %eq3A_957 : vector<128x256xf32>
      %jit3A_959 = arith.constant -1.000000e+00 : f32
      %broadcast_in_dim3A_960 = vector.broadcast %jit3A_959 : f32 to vector<128x256xf32>
      %select_n3A_961 = arith.select %eq3A_958, %broadcast_in_dim3A_960, %select_n3A_945 : vector<128x256xi1>, vector<128x256xf32>
      %reduce_max3A_962 = arith.constant dense<0xFF800000> : vector<128xf32>
      %reduce_max3A_963 = vector.multi_reduction <maximumf>, %select_n3A_961, %reduce_max3A_962 [1] : vector<128x256xf32> to vector<128xf32>
      %broadcast_in_dim3A_964 = vector.shape_cast %reduce_max3A_963 : vector<128xf32> to vector<128x1xf32>
      %eq3A_965 = vector.broadcast %broadcast_in_dim3A_964 : vector<128x1xf32> to vector<128x256xf32>
      %eq3A_966 = arith.cmpf oeq, %select_n3A_961, %eq3A_965 : vector<128x256xf32>
      %jit3A_967 = arith.constant 1.000000e+09 : f32
      %broadcast_in_dim3A_968 = vector.broadcast %jit3A_967 : f32 to vector<128x256xf32>
      %select_n3A_969 = arith.select %eq3A_966, %concatenate3A_916, %broadcast_in_dim3A_968 : vector<128x256xi1>, vector<128x256xf32>
      %reduce_min3A_970 = arith.constant dense<0x7F800000> : vector<128xf32>
      %reduce_min3A_971 = vector.multi_reduction <minimumf>, %select_n3A_969, %reduce_min3A_970 [1] : vector<128x256xf32> to vector<128xf32>
      %broadcast_in_dim3A_972 = vector.shape_cast %reduce_min3A_971 : vector<128xf32> to vector<128x1xf32>
      %eq3A_973 = vector.broadcast %broadcast_in_dim3A_972 : vector<128x1xf32> to vector<128x256xf32>
      %eq3A_974 = arith.cmpf oeq, %concatenate3A_916, %eq3A_973 : vector<128x256xf32>
      %jit3A_975 = arith.constant -1.000000e+00 : f32
      %broadcast_in_dim3A_976 = vector.broadcast %jit3A_975 : f32 to vector<128x256xf32>
      %select_n3A_977 = arith.select %eq3A_974, %broadcast_in_dim3A_976, %select_n3A_961 : vector<128x256xi1>, vector<128x256xf32>
      %reduce_max3A_978 = arith.constant dense<0xFF800000> : vector<128xf32>
      %reduce_max3A_979 = vector.multi_reduction <maximumf>, %select_n3A_977, %reduce_max3A_978 [1] : vector<128x256xf32> to vector<128xf32>
      %broadcast_in_dim3A_980 = vector.shape_cast %reduce_max3A_979 : vector<128xf32> to vector<128x1xf32>
      %eq3A_981 = vector.broadcast %broadcast_in_dim3A_980 : vector<128x1xf32> to vector<128x256xf32>
      %eq3A_982 = arith.cmpf oeq, %select_n3A_977, %eq3A_981 : vector<128x256xf32>
      %jit3A_983 = arith.constant 1.000000e+09 : f32
      %broadcast_in_dim3A_984 = vector.broadcast %jit3A_983 : f32 to vector<128x256xf32>
      %select_n3A_985 = arith.select %eq3A_982, %concatenate3A_916, %broadcast_in_dim3A_984 : vector<128x256xi1>, vector<128x256xf32>
      %reduce_min3A_986 = arith.constant dense<0x7F800000> : vector<128xf32>
      %reduce_min3A_987 = vector.multi_reduction <minimumf>, %select_n3A_985, %reduce_min3A_986 [1] : vector<128x256xf32> to vector<128xf32>
      %broadcast_in_dim3A_988 = vector.shape_cast %reduce_min3A_987 : vector<128xf32> to vector<128x1xf32>
      %mul3A_989 = arith.constant 8192 : i32
      %mul3A_990 = arith.muli %arg1, %mul3A_989 : i32
      %convert_element_type3A_991 = arith.sitofp %mul3A_990 : i32 to f32
      %broadcast_in_dim3A_992 = arith.constant -1.000000e+00 : f32
      %broadcast_in_dim3A_993 = vector.broadcast %broadcast_in_dim3A_992 : f32 to vector<128x1xf32>
      %broadcast_in_dim3A_994 = arith.constant 1.000000e+09 : f32
      %broadcast_in_dim3A_995 = vector.broadcast %broadcast_in_dim3A_994 : f32 to vector<128x1xf32>
      %get3A_996 = arith.constant 0 : index
      %get3A_997 = arith.constant 0 : index
      %get3A_998 = vector.load %arg9[%get3A_996, %get3A_997] : memref<128x8xf32, #tpu.memory_space<vmem>>, vector<128x8xf32>
      %concatenate3A_999 = tpu.concatenate %get3A_998, %broadcast_in_dim3A_918, %broadcast_in_dim3A_932, %broadcast_in_dim3A_948, %broadcast_in_dim3A_964, %broadcast_in_dim3A_980, %broadcast_in_dim3A_993, %broadcast_in_dim3A_993, %broadcast_in_dim3A_993 in 1 : vector<128x8xf32>, vector<128x1xf32>, vector<128x1xf32>, vector<128x1xf32>, vector<128x1xf32>, vector<128x1xf32>, vector<128x1xf32>, vector<128x1xf32>, vector<128x1xf32> -> vector<128x16xf32>
      %get3A_1000 = arith.constant 0 : index
      %get3A_1001 = arith.constant 0 : index
      %get3A_1002 = vector.load %arg10[%get3A_1000, %get3A_1001] : memref<128x8xf32, #tpu.memory_space<vmem>>, vector<128x8xf32>
      %add3A = vector.broadcast %convert_element_type3A_991 : f32 to vector<128x1xf32>
      %add3A_1003 = arith.addf %broadcast_in_dim3A_924, %add3A : vector<128x1xf32>
      %add3A_1004 = vector.broadcast %convert_element_type3A_991 : f32 to vector<128x1xf32>
      %add3A_1005 = arith.addf %broadcast_in_dim3A_940, %add3A_1004 : vector<128x1xf32>
      %add3A_1006 = vector.broadcast %convert_element_type3A_991 : f32 to vector<128x1xf32>
      %add3A_1007 = arith.addf %broadcast_in_dim3A_956, %add3A_1006 : vector<128x1xf32>
      %add3A_1008 = vector.broadcast %convert_element_type3A_991 : f32 to vector<128x1xf32>
      %add3A_1009 = arith.addf %broadcast_in_dim3A_972, %add3A_1008 : vector<128x1xf32>
      %add3A_1010 = vector.broadcast %convert_element_type3A_991 : f32 to vector<128x1xf32>
      %add3A_1011 = arith.addf %broadcast_in_dim3A_988, %add3A_1010 : vector<128x1xf32>
      %concatenate3A_1012 = tpu.concatenate %get3A_1002, %add3A_1003, %add3A_1005, %add3A_1007, %add3A_1009, %add3A_1011, %broadcast_in_dim3A_995, %broadcast_in_dim3A_995, %broadcast_in_dim3A_995 in 1 : vector<128x8xf32>, vector<128x1xf32>, vector<128x1xf32>, vector<128x1xf32>, vector<128x1xf32>, vector<128x1xf32>, vector<128x1xf32>, vector<128x1xf32>, vector<128x1xf32> -> vector<128x16xf32>
      %reduce_max3A_1013 = arith.constant dense<0xFF800000> : vector<128xf32>
      %reduce_max3A_1014 = vector.multi_reduction <maximumf>, %concatenate3A_999, %reduce_max3A_1013 [1] : vector<128x16xf32> to vector<128xf32>
      %broadcast_in_dim3A_1015 = vector.shape_cast %reduce_max3A_1014 : vector<128xf32> to vector<128x1xf32>
      %eq3A_1016 = vector.broadcast %broadcast_in_dim3A_1015 : vector<128x1xf32> to vector<128x16xf32>
      %eq3A_1017 = arith.cmpf oeq, %concatenate3A_999, %eq3A_1016 : vector<128x16xf32>
      %jit3A_1018 = arith.constant 1.000000e+09 : f32
      %broadcast_in_dim3A_1019 = vector.broadcast %jit3A_1018 : f32 to vector<128x16xf32>
      %select_n3A_1020 = arith.select %eq3A_1017, %concatenate3A_1012, %broadcast_in_dim3A_1019 : vector<128x16xi1>, vector<128x16xf32>
      %reduce_min3A_1021 = arith.constant dense<0x7F800000> : vector<128xf32>
      %reduce_min3A_1022 = vector.multi_reduction <minimumf>, %select_n3A_1020, %reduce_min3A_1021 [1] : vector<128x16xf32> to vector<128xf32>
      %broadcast_in_dim3A_1023 = vector.shape_cast %reduce_min3A_1022 : vector<128xf32> to vector<128x1xf32>
      %eq3A_1024 = vector.broadcast %broadcast_in_dim3A_1023 : vector<128x1xf32> to vector<128x16xf32>
      %eq3A_1025 = arith.cmpf oeq, %concatenate3A_1012, %eq3A_1024 : vector<128x16xf32>
      %jit3A_1026 = arith.constant -1.000000e+00 : f32
      %broadcast_in_dim3A_1027 = vector.broadcast %jit3A_1026 : f32 to vector<128x16xf32>
      %select_n3A_1028 = arith.select %eq3A_1025, %broadcast_in_dim3A_1027, %concatenate3A_999 : vector<128x16xi1>, vector<128x16xf32>
      %reduce_max3A_1029 = arith.constant dense<0xFF800000> : vector<128xf32>
      %reduce_max3A_1030 = vector.multi_reduction <maximumf>, %select_n3A_1028, %reduce_max3A_1029 [1] : vector<128x16xf32> to vector<128xf32>
      %broadcast_in_dim3A_1031 = vector.shape_cast %reduce_max3A_1030 : vector<128xf32> to vector<128x1xf32>
      %eq3A_1032 = vector.broadcast %broadcast_in_dim3A_1031 : vector<128x1xf32> to vector<128x16xf32>
      %eq3A_1033 = arith.cmpf oeq, %select_n3A_1028, %eq3A_1032 : vector<128x16xf32>
      %jit3A_1034 = arith.constant 1.000000e+09 : f32
      %broadcast_in_dim3A_1035 = vector.broadcast %jit3A_1034 : f32 to vector<128x16xf32>
      %select_n3A_1036 = arith.select %eq3A_1033, %concatenate3A_1012, %broadcast_in_dim3A_1035 : vector<128x16xi1>, vector<128x16xf32>
      %reduce_min3A_1037 = arith.constant dense<0x7F800000> : vector<128xf32>
      %reduce_min3A_1038 = vector.multi_reduction <minimumf>, %select_n3A_1036, %reduce_min3A_1037 [1] : vector<128x16xf32> to vector<128xf32>
      %broadcast_in_dim3A_1039 = vector.shape_cast %reduce_min3A_1038 : vector<128xf32> to vector<128x1xf32>
      %eq3A_1040 = vector.broadcast %broadcast_in_dim3A_1039 : vector<128x1xf32> to vector<128x16xf32>
      %eq3A_1041 = arith.cmpf oeq, %concatenate3A_1012, %eq3A_1040 : vector<128x16xf32>
      %jit3A_1042 = arith.constant -1.000000e+00 : f32
      %broadcast_in_dim3A_1043 = vector.broadcast %jit3A_1042 : f32 to vector<128x16xf32>
      %select_n3A_1044 = arith.select %eq3A_1041, %broadcast_in_dim3A_1043, %select_n3A_1028 : vector<128x16xi1>, vector<128x16xf32>
      %reduce_max3A_1045 = arith.constant dense<0xFF800000> : vector<128xf32>
      %reduce_max3A_1046 = vector.multi_reduction <maximumf>, %select_n3A_1044, %reduce_max3A_1045 [1] : vector<128x16xf32> to vector<128xf32>
      %broadcast_in_dim3A_1047 = vector.shape_cast %reduce_max3A_1046 : vector<128xf32> to vector<128x1xf32>
      %eq3A_1048 = vector.broadcast %broadcast_in_dim3A_1047 : vector<128x1xf32> to vector<128x16xf32>
      %eq3A_1049 = arith.cmpf oeq, %select_n3A_1044, %eq3A_1048 : vector<128x16xf32>
      %jit3A_1050 = arith.constant 1.000000e+09 : f32
      %broadcast_in_dim3A_1051 = vector.broadcast %jit3A_1050 : f32 to vector<128x16xf32>
      %select_n3A_1052 = arith.select %eq3A_1049, %concatenate3A_1012, %broadcast_in_dim3A_1051 : vector<128x16xi1>, vector<128x16xf32>
      %reduce_min3A_1053 = arith.constant dense<0x7F800000> : vector<128xf32>
      %reduce_min3A_1054 = vector.multi_reduction <minimumf>, %select_n3A_1052, %reduce_min3A_1053 [1] : vector<128x16xf32> to vector<128xf32>
      %broadcast_in_dim3A_1055 = vector.shape_cast %reduce_min3A_1054 : vector<128xf32> to vector<128x1xf32>
      %eq3A_1056 = vector.broadcast %broadcast_in_dim3A_1055 : vector<128x1xf32> to vector<128x16xf32>
      %eq3A_1057 = arith.cmpf oeq, %concatenate3A_1012, %eq3A_1056 : vector<128x16xf32>
      %jit3A_1058 = arith.constant -1.000000e+00 : f32
      %broadcast_in_dim3A_1059 = vector.broadcast %jit3A_1058 : f32 to vector<128x16xf32>
      %select_n3A_1060 = arith.select %eq3A_1057, %broadcast_in_dim3A_1059, %select_n3A_1044 : vector<128x16xi1>, vector<128x16xf32>
      %reduce_max3A_1061 = arith.constant dense<0xFF800000> : vector<128xf32>
      %reduce_max3A_1062 = vector.multi_reduction <maximumf>, %select_n3A_1060, %reduce_max3A_1061 [1] : vector<128x16xf32> to vector<128xf32>
      %broadcast_in_dim3A_1063 = vector.shape_cast %reduce_max3A_1062 : vector<128xf32> to vector<128x1xf32>
      %eq3A_1064 = vector.broadcast %broadcast_in_dim3A_1063 : vector<128x1xf32> to vector<128x16xf32>
      %eq3A_1065 = arith.cmpf oeq, %select_n3A_1060, %eq3A_1064 : vector<128x16xf32>
      %jit3A_1066 = arith.constant 1.000000e+09 : f32
      %broadcast_in_dim3A_1067 = vector.broadcast %jit3A_1066 : f32 to vector<128x16xf32>
      %select_n3A_1068 = arith.select %eq3A_1065, %concatenate3A_1012, %broadcast_in_dim3A_1067 : vector<128x16xi1>, vector<128x16xf32>
      %reduce_min3A_1069 = arith.constant dense<0x7F800000> : vector<128xf32>
      %reduce_min3A_1070 = vector.multi_reduction <minimumf>, %select_n3A_1068, %reduce_min3A_1069 [1] : vector<128x16xf32> to vector<128xf32>
      %broadcast_in_dim3A_1071 = vector.shape_cast %reduce_min3A_1070 : vector<128xf32> to vector<128x1xf32>
      %eq3A_1072 = vector.broadcast %broadcast_in_dim3A_1071 : vector<128x1xf32> to vector<128x16xf32>
      %eq3A_1073 = arith.cmpf oeq, %concatenate3A_1012, %eq3A_1072 : vector<128x16xf32>
      %jit3A_1074 = arith.constant -1.000000e+00 : f32
      %broadcast_in_dim3A_1075 = vector.broadcast %jit3A_1074 : f32 to vector<128x16xf32>
      %select_n3A_1076 = arith.select %eq3A_1073, %broadcast_in_dim3A_1075, %select_n3A_1060 : vector<128x16xi1>, vector<128x16xf32>
      %reduce_max3A_1077 = arith.constant dense<0xFF800000> : vector<128xf32>
      %reduce_max3A_1078 = vector.multi_reduction <maximumf>, %select_n3A_1076, %reduce_max3A_1077 [1] : vector<128x16xf32> to vector<128xf32>
      %broadcast_in_dim3A_1079 = vector.shape_cast %reduce_max3A_1078 : vector<128xf32> to vector<128x1xf32>
      %eq3A_1080 = vector.broadcast %broadcast_in_dim3A_1079 : vector<128x1xf32> to vector<128x16xf32>
      %eq3A_1081 = arith.cmpf oeq, %select_n3A_1076, %eq3A_1080 : vector<128x16xf32>
      %jit3A_1082 = arith.constant 1.000000e+09 : f32
      %broadcast_in_dim3A_1083 = vector.broadcast %jit3A_1082 : f32 to vector<128x16xf32>
      %select_n3A_1084 = arith.select %eq3A_1081, %concatenate3A_1012, %broadcast_in_dim3A_1083 : vector<128x16xi1>, vector<128x16xf32>
      %reduce_min3A_1085 = arith.constant dense<0x7F800000> : vector<128xf32>
      %reduce_min3A_1086 = vector.multi_reduction <minimumf>, %select_n3A_1084, %reduce_min3A_1085 [1] : vector<128x16xf32> to vector<128xf32>
      %broadcast_in_dim3A_1087 = vector.shape_cast %reduce_min3A_1086 : vector<128xf32> to vector<128x1xf32>
      %ge3A = vector.broadcast %broadcast_in_dim3A_1079 : vector<128x1xf32> to vector<128x8192xf32>
      %ge3A_1088 = arith.cmpf oge, %get3A_17, %ge3A : vector<128x8192xf32>
      %jit3A_1089 = arith.constant 1.000000e+00 : f32
      %jit3A_1090 = arith.constant 0.000000e+00 : f32
      %broadcast_in_dim3A_1091 = vector.broadcast %jit3A_1089 : f32 to vector<128x8192xf32>
      %broadcast_in_dim3A_1092 = vector.broadcast %jit3A_1090 : f32 to vector<128x8192xf32>
      %select_n3A_1093 = arith.select %ge3A_1088, %broadcast_in_dim3A_1091, %broadcast_in_dim3A_1092 : vector<128x8192xi1>, vector<128x8192xf32>
      %reduce_sum3A_1094 = arith.constant dense<0.000000e+00> : vector<128xf32>
      %reduce_sum3A_1095 = vector.multi_reduction <add>, %select_n3A_1093, %reduce_sum3A_1094 [1] : vector<128x8192xf32> to vector<128xf32>
      %broadcast_in_dim3A_1096 = vector.shape_cast %reduce_sum3A_1095 : vector<128xf32> to vector<128x1xf32>
      %ge3A_1097 = vector.broadcast %broadcast_in_dim3A_1079 : vector<128x1xf32> to vector<128x256xf32>
      %ge3A_1098 = arith.cmpf oge, %concatenate3A, %ge3A_1097 : vector<128x256xf32>
      %jit3A_1099 = arith.constant 1.000000e+00 : f32
      %jit3A_1100 = arith.constant 0.000000e+00 : f32
      %broadcast_in_dim3A_1101 = vector.broadcast %jit3A_1099 : f32 to vector<128x256xf32>
      %broadcast_in_dim3A_1102 = vector.broadcast %jit3A_1100 : f32 to vector<128x256xf32>
      %select_n3A_1103 = arith.select %ge3A_1098, %broadcast_in_dim3A_1101, %broadcast_in_dim3A_1102 : vector<128x256xi1>, vector<128x256xf32>
      %reduce_sum3A_1104 = arith.constant dense<0.000000e+00> : vector<128xf32>
      %reduce_sum3A_1105 = vector.multi_reduction <add>, %select_n3A_1103, %reduce_sum3A_1104 [1] : vector<128x256xf32> to vector<128xf32>
      %broadcast_in_dim3A_1106 = vector.shape_cast %reduce_sum3A_1105 : vector<128xf32> to vector<128x1xf32>
      %sub3A_1107 = arith.subf %broadcast_in_dim3A_1096, %broadcast_in_dim3A_1106 : vector<128x1xf32>
      %reduce_max3A_1108 = vector.shape_cast %sub3A_1107 : vector<128x1xf32> to vector<1x128x1xf32>
      %reduce_max3A_1109 = arith.constant dense<0xFF800000> : vector<1xf32>
      %reduce_max3A_1110 = vector.multi_reduction <maximumf>, %reduce_max3A_1108, %reduce_max3A_1109 [1, 2] : vector<1x128x1xf32> to vector<1xf32>
      %reduce_max3A_1111 = vector.shape_cast %reduce_max3A_1110 : vector<1xf32> to vector<1x1x1xf32>
      %reduce_max3A_1112 = vector.extract %reduce_max3A_1111[0, 0, 0] : f32 from vector<1x1x1xf32>
      %eq3A_1113 = arith.constant 0.000000e+00 : f32
      %eq3A_1114 = arith.cmpf oeq, %reduce_max3A_1112, %eq3A_1113 : f32
      %convert_element_type3A_1115 = arith.extui %eq3A_1114 : i1 to i32
      %cond3A_1116 = arith.constant 0 : i32
      %cond3A_1117 = arith.cmpi ne, %convert_element_type3A_1115, %cond3A_1116 : i32
      scf.if %cond3A_1117 {
        %broadcast_in_dim3A_1122 = arith.constant -1.000000e+00 : f32
        %broadcast_in_dim3A_1123 = vector.broadcast %broadcast_in_dim3A_1122 : f32 to vector<128x1xf32>
        %broadcast_in_dim3A_1124 = arith.constant 1.000000e+09 : f32
        %broadcast_in_dim3A_1125 = vector.broadcast %broadcast_in_dim3A_1124 : f32 to vector<128x1xf32>
        %concatenate3A_1126 = tpu.concatenate %broadcast_in_dim3A_1015, %broadcast_in_dim3A_1031, %broadcast_in_dim3A_1047, %broadcast_in_dim3A_1063, %broadcast_in_dim3A_1079, %broadcast_in_dim3A_1123, %broadcast_in_dim3A_1123, %broadcast_in_dim3A_1123 in 1 : vector<128x1xf32>, vector<128x1xf32>, vector<128x1xf32>, vector<128x1xf32>, vector<128x1xf32>, vector<128x1xf32>, vector<128x1xf32>, vector<128x1xf32> -> vector<128x8xf32>
        %swap3A_1127 = arith.constant 0 : index
        %swap3A_1128 = arith.constant 0 : index
        %swap3A_1129 = vector.load %arg9[%swap3A_1127, %swap3A_1128] : memref<128x8xf32, #tpu.memory_space<vmem>>, vector<128x8xf32>
        tpu.vector_store %arg9[%swap3A_1127, %swap3A_1128], %concatenate3A_1126 {strides = array<i32>} : memref<128x8xf32, #tpu.memory_space<vmem>>, vector<128x8xf32>,
        %concatenate3A_1130 = tpu.concatenate %broadcast_in_dim3A_1023, %broadcast_in_dim3A_1039, %broadcast_in_dim3A_1055, %broadcast_in_dim3A_1071, %broadcast_in_dim3A_1087, %broadcast_in_dim3A_1125, %broadcast_in_dim3A_1125, %broadcast_in_dim3A_1125 in 1 : vector<128x1xf32>, vector<128x1xf32>, vector<128x1xf32>, vector<128x1xf32>, vector<128x1xf32>, vector<128x1xf32>, vector<128x1xf32>, vector<128x1xf32> -> vector<128x8xf32>
        %swap3A_1131 = arith.constant 0 : index
        %swap3A_1132 = arith.constant 0 : index
        %swap3A_1133 = vector.load %arg10[%swap3A_1131, %swap3A_1132] : memref<128x8xf32, #tpu.memory_space<vmem>>, vector<128x8xf32>
        tpu.vector_store %arg10[%swap3A_1131, %swap3A_1132], %concatenate3A_1130 {strides = array<i32>} : memref<128x8xf32, #tpu.memory_space<vmem>>, vector<128x8xf32>,
      } else {
      }
      %ne3A = arith.constant 0.000000e+00 : f32
      %ne3A_1118 = arith.cmpf one, %reduce_max3A_1112, %ne3A : f32
      %convert_element_type3A_1119 = arith.extui %ne3A_1118 : i1 to i32
      %cond3A_1120 = arith.constant 0 : i32
      %cond3A_1121 = arith.cmpi ne, %convert_element_type3A_1119, %cond3A_1120 : i32
      scf.if %cond3A_1121 {
        %broadcast_in_dim3A_1122 = vector.shape_cast %get3A_20 : vector<1x8192xf32> to vector<1x8192xf32>
        %broadcast_in_dim3A_1123 = vector.broadcast %broadcast_in_dim3A_1122 : vector<1x8192xf32> to vector<128x8192xf32>
        %reduce_max3A_1124 = arith.constant dense<0xFF800000> : vector<128xf32>
        %reduce_max3A_1125 = vector.multi_reduction <maximumf>, %get3A_17, %reduce_max3A_1124 [1] : vector<128x8192xf32> to vector<128xf32>
        %broadcast_in_dim3A_1126 = vector.shape_cast %reduce_max3A_1125 : vector<128xf32> to vector<128x1xf32>
        %eq3A_1127 = vector.broadcast %broadcast_in_dim3A_1126 : vector<128x1xf32> to vector<128x8192xf32>
        %eq3A_1128 = arith.cmpf oeq, %get3A_17, %eq3A_1127 : vector<128x8192xf32>
        %jit3A_1129 = arith.constant 1.000000e+09 : f32
        %broadcast_in_dim3A_1130 = vector.broadcast %jit3A_1129 : f32 to vector<128x8192xf32>
        %select_n3A_1131 = arith.select %eq3A_1128, %broadcast_in_dim3A_1123, %broadcast_in_dim3A_1130 : vector<128x8192xi1>, vector<128x8192xf32>
        %reduce_min3A_1132 = arith.constant dense<0x7F800000> : vector<128xf32>
        %reduce_min3A_1133 = vector.multi_reduction <minimumf>, %select_n3A_1131, %reduce_min3A_1132 [1] : vector<128x8192xf32> to vector<128xf32>
        %broadcast_in_dim3A_1134 = vector.shape_cast %reduce_min3A_1133 : vector<128xf32> to vector<128x1xf32>
        %eq3A_1135 = vector.broadcast %broadcast_in_dim3A_1134 : vector<128x1xf32> to vector<128x8192xf32>
        %eq3A_1136 = arith.cmpf oeq, %broadcast_in_dim3A_1123, %eq3A_1135 : vector<128x8192xf32>
        %jit3A_1137 = arith.constant -1.000000e+00 : f32
        %broadcast_in_dim3A_1138 = vector.broadcast %jit3A_1137 : f32 to vector<128x8192xf32>
        %select_n3A_1139 = arith.select %eq3A_1136, %broadcast_in_dim3A_1138, %get3A_17 : vector<128x8192xi1>, vector<128x8192xf32>
        %reduce_max3A_1140 = arith.constant dense<0xFF800000> : vector<128xf32>
        %reduce_max3A_1141 = vector.multi_reduction <maximumf>, %select_n3A_1139, %reduce_max3A_1140 [1] : vector<128x8192xf32> to vector<128xf32>
        %broadcast_in_dim3A_1142 = vector.shape_cast %reduce_max3A_1141 : vector<128xf32> to vector<128x1xf32>
        %eq3A_1143 = vector.broadcast %broadcast_in_dim3A_1142 : vector<128x1xf32> to vector<128x8192xf32>
        %eq3A_1144 = arith.cmpf oeq, %select_n3A_1139, %eq3A_1143 : vector<128x8192xf32>
        %jit3A_1145 = arith.constant 1.000000e+09 : f32
        %broadcast_in_dim3A_1146 = vector.broadcast %jit3A_1145 : f32 to vector<128x8192xf32>
        %select_n3A_1147 = arith.select %eq3A_1144, %broadcast_in_dim3A_1123, %broadcast_in_dim3A_1146 : vector<128x8192xi1>, vector<128x8192xf32>
        %reduce_min3A_1148 = arith.constant dense<0x7F800000> : vector<128xf32>
        %reduce_min3A_1149 = vector.multi_reduction <minimumf>, %select_n3A_1147, %reduce_min3A_1148 [1] : vector<128x8192xf32> to vector<128xf32>
        %broadcast_in_dim3A_1150 = vector.shape_cast %reduce_min3A_1149 : vector<128xf32> to vector<128x1xf32>
        %eq3A_1151 = vector.broadcast %broadcast_in_dim3A_1150 : vector<128x1xf32> to vector<128x8192xf32>
        %eq3A_1152 = arith.cmpf oeq, %broadcast_in_dim3A_1123, %eq3A_1151 : vector<128x8192xf32>
        %jit3A_1153 = arith.constant -1.000000e+00 : f32
        %broadcast_in_dim3A_1154 = vector.broadcast %jit3A_1153 : f32 to vector<128x8192xf32>
        %select_n3A_1155 = arith.select %eq3A_1152, %broadcast_in_dim3A_1154, %select_n3A_1139 : vector<128x8192xi1>, vector<128x8192xf32>
        %reduce_max3A_1156 = arith.constant dense<0xFF800000> : vector<128xf32>
        %reduce_max3A_1157 = vector.multi_reduction <maximumf>, %select_n3A_1155, %reduce_max3A_1156 [1] : vector<128x8192xf32> to vector<128xf32>
        %broadcast_in_dim3A_1158 = vector.shape_cast %reduce_max3A_1157 : vector<128xf32> to vector<128x1xf32>
        %eq3A_1159 = vector.broadcast %broadcast_in_dim3A_1158 : vector<128x1xf32> to vector<128x8192xf32>
        %eq3A_1160 = arith.cmpf oeq, %select_n3A_1155, %eq3A_1159 : vector<128x8192xf32>
        %jit3A_1161 = arith.constant 1.000000e+09 : f32
        %broadcast_in_dim3A_1162 = vector.broadcast %jit3A_1161 : f32 to vector<128x8192xf32>
        %select_n3A_1163 = arith.select %eq3A_1160, %broadcast_in_dim3A_1123, %broadcast_in_dim3A_1162 : vector<128x8192xi1>, vector<128x8192xf32>
        %reduce_min3A_1164 = arith.constant dense<0x7F800000> : vector<128xf32>
        %reduce_min3A_1165 = vector.multi_reduction <minimumf>, %select_n3A_1163, %reduce_min3A_1164 [1] : vector<128x8192xf32> to vector<128xf32>
        %broadcast_in_dim3A_1166 = vector.shape_cast %reduce_min3A_1165 : vector<128xf32> to vector<128x1xf32>
        %eq3A_1167 = vector.broadcast %broadcast_in_dim3A_1166 : vector<128x1xf32> to vector<128x8192xf32>
        %eq3A_1168 = arith.cmpf oeq, %broadcast_in_dim3A_1123, %eq3A_1167 : vector<128x8192xf32>
        %jit3A_1169 = arith.constant -1.000000e+00 : f32
        %broadcast_in_dim3A_1170 = vector.broadcast %jit3A_1169 : f32 to vector<128x8192xf32>
        %select_n3A_1171 = arith.select %eq3A_1168, %broadcast_in_dim3A_1170, %select_n3A_1155 : vector<128x8192xi1>, vector<128x8192xf32>
        %reduce_max3A_1172 = arith.constant dense<0xFF800000> : vector<128xf32>
        %reduce_max3A_1173 = vector.multi_reduction <maximumf>, %select_n3A_1171, %reduce_max3A_1172 [1] : vector<128x8192xf32> to vector<128xf32>
        %broadcast_in_dim3A_1174 = vector.shape_cast %reduce_max3A_1173 : vector<128xf32> to vector<128x1xf32>
        %eq3A_1175 = vector.broadcast %broadcast_in_dim3A_1174 : vector<128x1xf32> to vector<128x8192xf32>
        %eq3A_1176 = arith.cmpf oeq, %select_n3A_1171, %eq3A_1175 : vector<128x8192xf32>
        %jit3A_1177 = arith.constant 1.000000e+09 : f32
        %broadcast_in_dim3A_1178 = vector.broadcast %jit3A_1177 : f32 to vector<128x8192xf32>
        %select_n3A_1179 = arith.select %eq3A_1176, %broadcast_in_dim3A_1123, %broadcast_in_dim3A_1178 : vector<128x8192xi1>, vector<128x8192xf32>
        %reduce_min3A_1180 = arith.constant dense<0x7F800000> : vector<128xf32>
        %reduce_min3A_1181 = vector.multi_reduction <minimumf>, %select_n3A_1179, %reduce_min3A_1180 [1] : vector<128x8192xf32> to vector<128xf32>
        %broadcast_in_dim3A_1182 = vector.shape_cast %reduce_min3A_1181 : vector<128xf32> to vector<128x1xf32>
        %eq3A_1183 = vector.broadcast %broadcast_in_dim3A_1182 : vector<128x1xf32> to vector<128x8192xf32>
        %eq3A_1184 = arith.cmpf oeq, %broadcast_in_dim3A_1123, %eq3A_1183 : vector<128x8192xf32>
        %jit3A_1185 = arith.constant -1.000000e+00 : f32
        %broadcast_in_dim3A_1186 = vector.broadcast %jit3A_1185 : f32 to vector<128x8192xf32>
        %select_n3A_1187 = arith.select %eq3A_1184, %broadcast_in_dim3A_1186, %select_n3A_1171 : vector<128x8192xi1>, vector<128x8192xf32>
        %reduce_max3A_1188 = arith.constant dense<0xFF800000> : vector<128xf32>
        %reduce_max3A_1189 = vector.multi_reduction <maximumf>, %select_n3A_1187, %reduce_max3A_1188 [1] : vector<128x8192xf32> to vector<128xf32>
        %broadcast_in_dim3A_1190 = vector.shape_cast %reduce_max3A_1189 : vector<128xf32> to vector<128x1xf32>
        %eq3A_1191 = vector.broadcast %broadcast_in_dim3A_1190 : vector<128x1xf32> to vector<128x8192xf32>
        %eq3A_1192 = arith.cmpf oeq, %select_n3A_1187, %eq3A_1191 : vector<128x8192xf32>
        %jit3A_1193 = arith.constant 1.000000e+09 : f32
        %broadcast_in_dim3A_1194 = vector.broadcast %jit3A_1193 : f32 to vector<128x8192xf32>
        %select_n3A_1195 = arith.select %eq3A_1192, %broadcast_in_dim3A_1123, %broadcast_in_dim3A_1194 : vector<128x8192xi1>, vector<128x8192xf32>
        %reduce_min3A_1196 = arith.constant dense<0x7F800000> : vector<128xf32>
        %reduce_min3A_1197 = vector.multi_reduction <minimumf>, %select_n3A_1195, %reduce_min3A_1196 [1] : vector<128x8192xf32> to vector<128xf32>
        %broadcast_in_dim3A_1198 = vector.shape_cast %reduce_min3A_1197 : vector<128xf32> to vector<128x1xf32>
        %mul3A_1199 = arith.constant 8192 : i32
        %mul3A_1200 = arith.muli %arg1, %mul3A_1199 : i32
        %convert_element_type3A_1201 = arith.sitofp %mul3A_1200 : i32 to f32
        %broadcast_in_dim3A_1202 = arith.constant -1.000000e+00 : f32
        %broadcast_in_dim3A_1203 = vector.broadcast %broadcast_in_dim3A_1202 : f32 to vector<128x1xf32>
        %broadcast_in_dim3A_1204 = arith.constant 1.000000e+09 : f32
        %broadcast_in_dim3A_1205 = vector.broadcast %broadcast_in_dim3A_1204 : f32 to vector<128x1xf32>
        %get3A_1206 = arith.constant 0 : index
        %get3A_1207 = arith.constant 0 : index
        %get3A_1208 = vector.load %arg9[%get3A_1206, %get3A_1207] : memref<128x8xf32, #tpu.memory_space<vmem>>, vector<128x8xf32>
        %concatenate3A_1209 = tpu.concatenate %get3A_1208, %broadcast_in_dim3A_1126, %broadcast_in_dim3A_1142, %broadcast_in_dim3A_1158, %broadcast_in_dim3A_1174, %broadcast_in_dim3A_1190, %broadcast_in_dim3A_1203, %broadcast_in_dim3A_1203, %broadcast_in_dim3A_1203 in 1 : vector<128x8xf32>, vector<128x1xf32>, vector<128x1xf32>, vector<128x1xf32>, vector<128x1xf32>, vector<128x1xf32>, vector<128x1xf32>, vector<128x1xf32>, vector<128x1xf32> -> vector<128x16xf32>
        %get3A_1210 = arith.constant 0 : index
        %get3A_1211 = arith.constant 0 : index
        %get3A_1212 = vector.load %arg10[%get3A_1210, %get3A_1211] : memref<128x8xf32, #tpu.memory_space<vmem>>, vector<128x8xf32>
        %add3A_1213 = vector.broadcast %convert_element_type3A_1201 : f32 to vector<128x1xf32>
        %add3A_1214 = arith.addf %broadcast_in_dim3A_1134, %add3A_1213 : vector<128x1xf32>
        %add3A_1215 = vector.broadcast %convert_element_type3A_1201 : f32 to vector<128x1xf32>
        %add3A_1216 = arith.addf %broadcast_in_dim3A_1150, %add3A_1215 : vector<128x1xf32>
        %add3A_1217 = vector.broadcast %convert_element_type3A_1201 : f32 to vector<128x1xf32>
        %add3A_1218 = arith.addf %broadcast_in_dim3A_1166, %add3A_1217 : vector<128x1xf32>
        %add3A_1219 = vector.broadcast %convert_element_type3A_1201 : f32 to vector<128x1xf32>
        %add3A_1220 = arith.addf %broadcast_in_dim3A_1182, %add3A_1219 : vector<128x1xf32>
        %add3A_1221 = vector.broadcast %convert_element_type3A_1201 : f32 to vector<128x1xf32>
        %add3A_1222 = arith.addf %broadcast_in_dim3A_1198, %add3A_1221 : vector<128x1xf32>
        %concatenate3A_1223 = tpu.concatenate %get3A_1212, %add3A_1214, %add3A_1216, %add3A_1218, %add3A_1220, %add3A_1222, %broadcast_in_dim3A_1205, %broadcast_in_dim3A_1205, %broadcast_in_dim3A_1205 in 1 : vector<128x8xf32>, vector<128x1xf32>, vector<128x1xf32>, vector<128x1xf32>, vector<128x1xf32>, vector<128x1xf32>, vector<128x1xf32>, vector<128x1xf32>, vector<128x1xf32> -> vector<128x16xf32>
        %reduce_max3A_1224 = arith.constant dense<0xFF800000> : vector<128xf32>
        %reduce_max3A_1225 = vector.multi_reduction <maximumf>, %concatenate3A_1209, %reduce_max3A_1224 [1] : vector<128x16xf32> to vector<128xf32>
        %broadcast_in_dim3A_1226 = vector.shape_cast %reduce_max3A_1225 : vector<128xf32> to vector<128x1xf32>
        %eq3A_1227 = vector.broadcast %broadcast_in_dim3A_1226 : vector<128x1xf32> to vector<128x16xf32>
        %eq3A_1228 = arith.cmpf oeq, %concatenate3A_1209, %eq3A_1227 : vector<128x16xf32>
        %jit3A_1229 = arith.constant 1.000000e+09 : f32
        %broadcast_in_dim3A_1230 = vector.broadcast %jit3A_1229 : f32 to vector<128x16xf32>
        %select_n3A_1231 = arith.select %eq3A_1228, %concatenate3A_1223, %broadcast_in_dim3A_1230 : vector<128x16xi1>, vector<128x16xf32>
        %reduce_min3A_1232 = arith.constant dense<0x7F800000> : vector<128xf32>
        %reduce_min3A_1233 = vector.multi_reduction <minimumf>, %select_n3A_1231, %reduce_min3A_1232 [1] : vector<128x16xf32> to vector<128xf32>
        %broadcast_in_dim3A_1234 = vector.shape_cast %reduce_min3A_1233 : vector<128xf32> to vector<128x1xf32>
        %eq3A_1235 = vector.broadcast %broadcast_in_dim3A_1234 : vector<128x1xf32> to vector<128x16xf32>
        %eq3A_1236 = arith.cmpf oeq, %concatenate3A_1223, %eq3A_1235 : vector<128x16xf32>
        %jit3A_1237 = arith.constant -1.000000e+00 : f32
        %broadcast_in_dim3A_1238 = vector.broadcast %jit3A_1237 : f32 to vector<128x16xf32>
        %select_n3A_1239 = arith.select %eq3A_1236, %broadcast_in_dim3A_1238, %concatenate3A_1209 : vector<128x16xi1>, vector<128x16xf32>
        %reduce_max3A_1240 = arith.constant dense<0xFF800000> : vector<128xf32>
        %reduce_max3A_1241 = vector.multi_reduction <maximumf>, %select_n3A_1239, %reduce_max3A_1240 [1] : vector<128x16xf32> to vector<128xf32>
        %broadcast_in_dim3A_1242 = vector.shape_cast %reduce_max3A_1241 : vector<128xf32> to vector<128x1xf32>
        %eq3A_1243 = vector.broadcast %broadcast_in_dim3A_1242 : vector<128x1xf32> to vector<128x16xf32>
        %eq3A_1244 = arith.cmpf oeq, %select_n3A_1239, %eq3A_1243 : vector<128x16xf32>
        %jit3A_1245 = arith.constant 1.000000e+09 : f32
        %broadcast_in_dim3A_1246 = vector.broadcast %jit3A_1245 : f32 to vector<128x16xf32>
        %select_n3A_1247 = arith.select %eq3A_1244, %concatenate3A_1223, %broadcast_in_dim3A_1246 : vector<128x16xi1>, vector<128x16xf32>
        %reduce_min3A_1248 = arith.constant dense<0x7F800000> : vector<128xf32>
        %reduce_min3A_1249 = vector.multi_reduction <minimumf>, %select_n3A_1247, %reduce_min3A_1248 [1] : vector<128x16xf32> to vector<128xf32>
        %broadcast_in_dim3A_1250 = vector.shape_cast %reduce_min3A_1249 : vector<128xf32> to vector<128x1xf32>
        %eq3A_1251 = vector.broadcast %broadcast_in_dim3A_1250 : vector<128x1xf32> to vector<128x16xf32>
        %eq3A_1252 = arith.cmpf oeq, %concatenate3A_1223, %eq3A_1251 : vector<128x16xf32>
        %jit3A_1253 = arith.constant -1.000000e+00 : f32
        %broadcast_in_dim3A_1254 = vector.broadcast %jit3A_1253 : f32 to vector<128x16xf32>
        %select_n3A_1255 = arith.select %eq3A_1252, %broadcast_in_dim3A_1254, %select_n3A_1239 : vector<128x16xi1>, vector<128x16xf32>
        %reduce_max3A_1256 = arith.constant dense<0xFF800000> : vector<128xf32>
        %reduce_max3A_1257 = vector.multi_reduction <maximumf>, %select_n3A_1255, %reduce_max3A_1256 [1] : vector<128x16xf32> to vector<128xf32>
        %broadcast_in_dim3A_1258 = vector.shape_cast %reduce_max3A_1257 : vector<128xf32> to vector<128x1xf32>
        %eq3A_1259 = vector.broadcast %broadcast_in_dim3A_1258 : vector<128x1xf32> to vector<128x16xf32>
        %eq3A_1260 = arith.cmpf oeq, %select_n3A_1255, %eq3A_1259 : vector<128x16xf32>
        %jit3A_1261 = arith.constant 1.000000e+09 : f32
        %broadcast_in_dim3A_1262 = vector.broadcast %jit3A_1261 : f32 to vector<128x16xf32>
        %select_n3A_1263 = arith.select %eq3A_1260, %concatenate3A_1223, %broadcast_in_dim3A_1262 : vector<128x16xi1>, vector<128x16xf32>
        %reduce_min3A_1264 = arith.constant dense<0x7F800000> : vector<128xf32>
        %reduce_min3A_1265 = vector.multi_reduction <minimumf>, %select_n3A_1263, %reduce_min3A_1264 [1] : vector<128x16xf32> to vector<128xf32>
        %broadcast_in_dim3A_1266 = vector.shape_cast %reduce_min3A_1265 : vector<128xf32> to vector<128x1xf32>
        %eq3A_1267 = vector.broadcast %broadcast_in_dim3A_1266 : vector<128x1xf32> to vector<128x16xf32>
        %eq3A_1268 = arith.cmpf oeq, %concatenate3A_1223, %eq3A_1267 : vector<128x16xf32>
        %jit3A_1269 = arith.constant -1.000000e+00 : f32
        %broadcast_in_dim3A_1270 = vector.broadcast %jit3A_1269 : f32 to vector<128x16xf32>
        %select_n3A_1271 = arith.select %eq3A_1268, %broadcast_in_dim3A_1270, %select_n3A_1255 : vector<128x16xi1>, vector<128x16xf32>
        %reduce_max3A_1272 = arith.constant dense<0xFF800000> : vector<128xf32>
        %reduce_max3A_1273 = vector.multi_reduction <maximumf>, %select_n3A_1271, %reduce_max3A_1272 [1] : vector<128x16xf32> to vector<128xf32>
        %broadcast_in_dim3A_1274 = vector.shape_cast %reduce_max3A_1273 : vector<128xf32> to vector<128x1xf32>
        %eq3A_1275 = vector.broadcast %broadcast_in_dim3A_1274 : vector<128x1xf32> to vector<128x16xf32>
        %eq3A_1276 = arith.cmpf oeq, %select_n3A_1271, %eq3A_1275 : vector<128x16xf32>
        %jit3A_1277 = arith.constant 1.000000e+09 : f32
        %broadcast_in_dim3A_1278 = vector.broadcast %jit3A_1277 : f32 to vector<128x16xf32>
        %select_n3A_1279 = arith.select %eq3A_1276, %concatenate3A_1223, %broadcast_in_dim3A_1278 : vector<128x16xi1>, vector<128x16xf32>
        %reduce_min3A_1280 = arith.constant dense<0x7F800000> : vector<128xf32>
        %reduce_min3A_1281 = vector.multi_reduction <minimumf>, %select_n3A_1279, %reduce_min3A_1280 [1] : vector<128x16xf32> to vector<128xf32>
        %broadcast_in_dim3A_1282 = vector.shape_cast %reduce_min3A_1281 : vector<128xf32> to vector<128x1xf32>
        %eq3A_1283 = vector.broadcast %broadcast_in_dim3A_1282 : vector<128x1xf32> to vector<128x16xf32>
        %eq3A_1284 = arith.cmpf oeq, %concatenate3A_1223, %eq3A_1283 : vector<128x16xf32>
        %jit3A_1285 = arith.constant -1.000000e+00 : f32
        %broadcast_in_dim3A_1286 = vector.broadcast %jit3A_1285 : f32 to vector<128x16xf32>
        %select_n3A_1287 = arith.select %eq3A_1284, %broadcast_in_dim3A_1286, %select_n3A_1271 : vector<128x16xi1>, vector<128x16xf32>
        %reduce_max3A_1288 = arith.constant dense<0xFF800000> : vector<128xf32>
        %reduce_max3A_1289 = vector.multi_reduction <maximumf>, %select_n3A_1287, %reduce_max3A_1288 [1] : vector<128x16xf32> to vector<128xf32>
        %broadcast_in_dim3A_1290 = vector.shape_cast %reduce_max3A_1289 : vector<128xf32> to vector<128x1xf32>
        %eq3A_1291 = vector.broadcast %broadcast_in_dim3A_1290 : vector<128x1xf32> to vector<128x16xf32>
        %eq3A_1292 = arith.cmpf oeq, %select_n3A_1287, %eq3A_1291 : vector<128x16xf32>
        %jit3A_1293 = arith.constant 1.000000e+09 : f32
        %broadcast_in_dim3A_1294 = vector.broadcast %jit3A_1293 : f32 to vector<128x16xf32>
        %select_n3A_1295 = arith.select %eq3A_1292, %concatenate3A_1223, %broadcast_in_dim3A_1294 : vector<128x16xi1>, vector<128x16xf32>
        %reduce_min3A_1296 = arith.constant dense<0x7F800000> : vector<128xf32>
        %reduce_min3A_1297 = vector.multi_reduction <minimumf>, %select_n3A_1295, %reduce_min3A_1296 [1] : vector<128x16xf32> to vector<128xf32>
        %broadcast_in_dim3A_1298 = vector.shape_cast %reduce_min3A_1297 : vector<128xf32> to vector<128x1xf32>
        %broadcast_in_dim3A_1299 = arith.constant -1.000000e+00 : f32
        %broadcast_in_dim3A_1300 = vector.broadcast %broadcast_in_dim3A_1299 : f32 to vector<128x1xf32>
        %broadcast_in_dim3A_1301 = arith.constant 1.000000e+09 : f32
        %broadcast_in_dim3A_1302 = vector.broadcast %broadcast_in_dim3A_1301 : f32 to vector<128x1xf32>
        %concatenate3A_1303 = tpu.concatenate %broadcast_in_dim3A_1226, %broadcast_in_dim3A_1242, %broadcast_in_dim3A_1258, %broadcast_in_dim3A_1274, %broadcast_in_dim3A_1290, %broadcast_in_dim3A_1300, %broadcast_in_dim3A_1300, %broadcast_in_dim3A_1300 in 1 : vector<128x1xf32>, vector<128x1xf32>, vector<128x1xf32>, vector<128x1xf32>, vector<128x1xf32>, vector<128x1xf32>, vector<128x1xf32>, vector<128x1xf32> -> vector<128x8xf32>
        %swap3A_1304 = arith.constant 0 : index
        %swap3A_1305 = arith.constant 0 : index
        %swap3A_1306 = vector.load %arg9[%swap3A_1304, %swap3A_1305] : memref<128x8xf32, #tpu.memory_space<vmem>>, vector<128x8xf32>
        tpu.vector_store %arg9[%swap3A_1304, %swap3A_1305], %concatenate3A_1303 {strides = array<i32>} : memref<128x8xf32, #tpu.memory_space<vmem>>, vector<128x8xf32>,
        %concatenate3A_1307 = tpu.concatenate %broadcast_in_dim3A_1234, %broadcast_in_dim3A_1250, %broadcast_in_dim3A_1266, %broadcast_in_dim3A_1282, %broadcast_in_dim3A_1298, %broadcast_in_dim3A_1302, %broadcast_in_dim3A_1302, %broadcast_in_dim3A_1302 in 1 : vector<128x1xf32>, vector<128x1xf32>, vector<128x1xf32>, vector<128x1xf32>, vector<128x1xf32>, vector<128x1xf32>, vector<128x1xf32>, vector<128x1xf32> -> vector<128x8xf32>
        %swap3A_1308 = arith.constant 0 : index
        %swap3A_1309 = arith.constant 0 : index
        %swap3A_1310 = vector.load %arg10[%swap3A_1308, %swap3A_1309] : memref<128x8xf32, #tpu.memory_space<vmem>>, vector<128x8xf32>
        tpu.vector_store %arg10[%swap3A_1308, %swap3A_1309], %concatenate3A_1307 {strides = array<i32>} : memref<128x8xf32, #tpu.memory_space<vmem>>, vector<128x8xf32>,
      } else {
      }
    } else {
    }
    %eq3A_6 = arith.constant 12 : i32
    %eq3A_7 = arith.cmpi eq, %arg1, %eq3A_6 : i32
    %convert_element_type3A_8 = arith.extui %eq3A_7 : i1 to i32
    %cond3A_9 = arith.constant 0 : i32
    %cond3A_10 = arith.cmpi ne, %convert_element_type3A_8, %cond3A_9 : i32
    scf.if %cond3A_10 {
      %get3A = arith.constant 0 : index
      %get3A_16 = arith.constant 0 : index
      %get3A_17 = vector.load %arg12[%get3A, %get3A_16] : memref<1x8192xf32, #tpu.memory_space<vmem>>, vector<1x8192xf32>
      %lt3A_18 = arith.constant 1.696000e+03 : f32
      %lt3A_19 = vector.broadcast %lt3A_18 : f32 to vector<1x8192xf32>
      %lt3A_20 = arith.cmpf olt, %get3A_17, %lt3A_19 : vector<1x8192xf32>
      %get3A_21 = arith.constant 0 : index
      %get3A_22 = arith.constant 0 : index
      %get3A_23 = vector.load %arg3[%get3A_21, %get3A_22] : memref<128x8192xf32, #tpu.memory_space<vmem>>, vector<128x8192xf32>
      %jit3A = arith.constant -1.000000e+00 : f32
      %broadcast_in_dim3A = vector.shape_cast %lt3A_20 : vector<1x8192xi1> to vector<1x8192xi1>
      %broadcast_in_dim3A_24 = vector.broadcast %broadcast_in_dim3A : vector<1x8192xi1> to vector<128x8192xi1>
      %broadcast_in_dim3A_25 = vector.broadcast %jit3A : f32 to vector<128x8192xf32>
      %select_n3A = arith.select %broadcast_in_dim3A_24, %get3A_23, %broadcast_in_dim3A_25 : vector<128x8192xi1>, vector<128x8192xf32>
      %max3A = arith.constant 0.000000e+00 : f32
      %max3A_26 = vector.broadcast %max3A : f32 to vector<128x8192xf32>
      %max3A_27 = arith.maximumf %select_n3A, %max3A_26 : vector<128x8192xf32>
      %max3A_28 = arith.constant 1.000000e-30 : f32
      %max3A_29 = vector.broadcast %max3A_28 : f32 to vector<128x8192xf32>
      %max3A_30 = arith.maximumf %select_n3A, %max3A_29 : vector<128x8192xf32>
      %log3A = math.log %max3A_30 : vector<128x8192xf32>
      %get3A_31 = arith.constant 0 : index
      %get3A_32 = arith.constant 0 : index
      %get3A_33 = vector.load %arg11[%get3A_31, %get3A_32] : memref<128x1xf32, #tpu.memory_space<vmem>>, vector<128x1xf32>
      %mul3A = arith.mulf %max3A_27, %log3A : vector<128x8192xf32>
      %reduce_sum3A = arith.constant dense<0.000000e+00> : vector<128xf32>
      %reduce_sum3A_34 = vector.multi_reduction <add>, %mul3A, %reduce_sum3A [1] : vector<128x8192xf32> to vector<128xf32>
      %broadcast_in_dim3A_35 = vector.shape_cast %reduce_sum3A_34 : vector<128xf32> to vector<128x1xf32>
      %sub3A = arith.subf %get3A_33, %broadcast_in_dim3A_35 : vector<128x1xf32>
      %swap3A = arith.constant 0 : index
      %swap3A_36 = arith.constant 0 : index
      %swap3A_37 = vector.load %arg11[%swap3A, %swap3A_36] : memref<128x1xf32, #tpu.memory_space<vmem>>, vector<128x1xf32>
      tpu.vector_store %arg11[%swap3A, %swap3A_36], %sub3A {strides = array<i32>} : memref<128x1xf32, #tpu.memory_space<vmem>>, vector<128x1xf32>,
      %slice3A = vector.extract_strided_slice %select_n3A {offsets = [0, 0], sizes = [128, 128], strides = [1, 1]} : vector<128x8192xf32> to vector<128x128xf32>
      %slice3A_38 = vector.extract_strided_slice %get3A_17 {offsets = [0, 0], sizes = [1, 128], strides = [1, 1]} : vector<1x8192xf32> to vector<1x128xf32>
      %broadcast_in_dim3A_39 = vector.shape_cast %slice3A_38 : vector<1x128xf32> to vector<1x128xf32>
      %broadcast_in_dim3A_40 = vector.broadcast %broadcast_in_dim3A_39 : vector<1x128xf32> to vector<128x128xf32>
      %broadcast_in_dim3A_41 = arith.constant -1.000000e+00 : f32
      %broadcast_in_dim3A_42 = vector.broadcast %broadcast_in_dim3A_41 : f32 to vector<128x128xf32>
      %broadcast_in_dim3A_43 = arith.constant 1.000000e+09 : f32
      %broadcast_in_dim3A_44 = vector.broadcast %broadcast_in_dim3A_43 : f32 to vector<128x128xf32>
      %slice3A_45 = vector.extract_strided_slice %select_n3A {offsets = [0, 128], sizes = [128, 128], strides = [1, 1]} : vector<128x8192xf32> to vector<128x128xf32>
      %slice3A_46 = vector.extract_strided_slice %get3A_17 {offsets = [0, 128], sizes = [1, 128], strides = [1, 1]} : vector<1x8192xf32> to vector<1x128xf32>
      %gt3A = arith.cmpf ogt, %slice3A_45, %slice3A : vector<128x128xf32>
      %gt3A_47 = arith.cmpf ogt, %slice3A_45, %broadcast_in_dim3A_42 : vector<128x128xf32>
      %select_n3A_48 = arith.select %gt3A_47, %slice3A_45, %broadcast_in_dim3A_42 : vector<128x128xi1>, vector<128x128xf32>
      %select_n3A_49 = arith.select %gt3A, %slice3A, %select_n3A_48 : vector<128x128xi1>, vector<128x128xf32>
      %broadcast_in_dim3A_50 = vector.shape_cast %slice3A_46 : vector<1x128xf32> to vector<1x128xf32>
      %broadcast_in_dim3A_51 = vector.broadcast %broadcast_in_dim3A_50 : vector<1x128xf32> to vector<128x128xf32>
      %select_n3A_52 = arith.select %gt3A_47, %broadcast_in_dim3A_51, %broadcast_in_dim3A_44 : vector<128x128xi1>, vector<128x128xf32>
      %select_n3A_53 = arith.select %gt3A, %broadcast_in_dim3A_40, %select_n3A_52 : vector<128x128xi1>, vector<128x128xf32>
      %select_n3A_54 = arith.select %gt3A, %slice3A_45, %slice3A : vector<128x128xi1>, vector<128x128xf32>
      %broadcast_in_dim3A_55 = vector.shape_cast %slice3A_46 : vector<1x128xf32> to vector<1x128xf32>
      %broadcast_in_dim3A_56 = vector.broadcast %broadcast_in_dim3A_55 : vector<1x128xf32> to vector<128x128xf32>
      %select_n3A_57 = arith.select %gt3A, %broadcast_in_dim3A_56, %broadcast_in_dim3A_40 : vector<128x128xi1>, vector<128x128xf32>
      %slice3A_58 = vector.extract_strided_slice %select_n3A {offsets = [0, 256], sizes = [128, 128], strides = [1, 1]} : vector<128x8192xf32> to vector<128x128xf32>
      %slice3A_59 = vector.extract_strided_slice %get3A_17 {offsets = [0, 256], sizes = [1, 128], strides = [1, 1]} : vector<1x8192xf32> to vector<1x128xf32>
      %gt3A_60 = arith.cmpf ogt, %slice3A_58, %select_n3A_54 : vector<128x128xf32>
      %gt3A_61 = arith.cmpf ogt, %slice3A_58, %select_n3A_49 : vector<128x128xf32>
      %select_n3A_62 = arith.select %gt3A_61, %slice3A_58, %select_n3A_49 : vector<128x128xi1>, vector<128x128xf32>
      %select_n3A_63 = arith.select %gt3A_60, %select_n3A_54, %select_n3A_62 : vector<128x128xi1>, vector<128x128xf32>
      %broadcast_in_dim3A_64 = vector.shape_cast %slice3A_59 : vector<1x128xf32> to vector<1x128xf32>
      %broadcast_in_dim3A_65 = vector.broadcast %broadcast_in_dim3A_64 : vector<1x128xf32> to vector<128x128xf32>
      %select_n3A_66 = arith.select %gt3A_61, %broadcast_in_dim3A_65, %select_n3A_53 : vector<128x128xi1>, vector<128x128xf32>
      %select_n3A_67 = arith.select %gt3A_60, %select_n3A_57, %select_n3A_66 : vector<128x128xi1>, vector<128x128xf32>
      %select_n3A_68 = arith.select %gt3A_60, %slice3A_58, %select_n3A_54 : vector<128x128xi1>, vector<128x128xf32>
      %broadcast_in_dim3A_69 = vector.shape_cast %slice3A_59 : vector<1x128xf32> to vector<1x128xf32>
      %broadcast_in_dim3A_70 = vector.broadcast %broadcast_in_dim3A_69 : vector<1x128xf32> to vector<128x128xf32>
      %select_n3A_71 = arith.select %gt3A_60, %broadcast_in_dim3A_70, %select_n3A_57 : vector<128x128xi1>, vector<128x128xf32>
      %slice3A_72 = vector.extract_strided_slice %select_n3A {offsets = [0, 384], sizes = [128, 128], strides = [1, 1]} : vector<128x8192xf32> to vector<128x128xf32>
      %slice3A_73 = vector.extract_strided_slice %get3A_17 {offsets = [0, 384], sizes = [1, 128], strides = [1, 1]} : vector<1x8192xf32> to vector<1x128xf32>
      %gt3A_74 = arith.cmpf ogt, %slice3A_72, %select_n3A_68 : vector<128x128xf32>
      %gt3A_75 = arith.cmpf ogt, %slice3A_72, %select_n3A_63 : vector<128x128xf32>
      %select_n3A_76 = arith.select %gt3A_75, %slice3A_72, %select_n3A_63 : vector<128x128xi1>, vector<128x128xf32>
      %select_n3A_77 = arith.select %gt3A_74, %select_n3A_68, %select_n3A_76 : vector<128x128xi1>, vector<128x128xf32>
      %broadcast_in_dim3A_78 = vector.shape_cast %slice3A_73 : vector<1x128xf32> to vector<1x128xf32>
      %broadcast_in_dim3A_79 = vector.broadcast %broadcast_in_dim3A_78 : vector<1x128xf32> to vector<128x128xf32>
      %select_n3A_80 = arith.select %gt3A_75, %broadcast_in_dim3A_79, %select_n3A_67 : vector<128x128xi1>, vector<128x128xf32>
      %select_n3A_81 = arith.select %gt3A_74, %select_n3A_71, %select_n3A_80 : vector<128x128xi1>, vector<128x128xf32>
      %select_n3A_82 = arith.select %gt3A_74, %slice3A_72, %select_n3A_68 : vector<128x128xi1>, vector<128x128xf32>
      %broadcast_in_dim3A_83 = vector.shape_cast %slice3A_73 : vector<1x128xf32> to vector<1x128xf32>
      %broadcast_in_dim3A_84 = vector.broadcast %broadcast_in_dim3A_83 : vector<1x128xf32> to vector<128x128xf32>
      %select_n3A_85 = arith.select %gt3A_74, %broadcast_in_dim3A_84, %select_n3A_71 : vector<128x128xi1>, vector<128x128xf32>
      %slice3A_86 = vector.extract_strided_slice %select_n3A {offsets = [0, 512], sizes = [128, 128], strides = [1, 1]} : vector<128x8192xf32> to vector<128x128xf32>
      %slice3A_87 = vector.extract_strided_slice %get3A_17 {offsets = [0, 512], sizes = [1, 128], strides = [1, 1]} : vector<1x8192xf32> to vector<1x128xf32>
      %gt3A_88 = arith.cmpf ogt, %slice3A_86, %select_n3A_82 : vector<128x128xf32>
      %gt3A_89 = arith.cmpf ogt, %slice3A_86, %select_n3A_77 : vector<128x128xf32>
      %select_n3A_90 = arith.select %gt3A_89, %slice3A_86, %select_n3A_77 : vector<128x128xi1>, vector<128x128xf32>
      %select_n3A_91 = arith.select %gt3A_88, %select_n3A_82, %select_n3A_90 : vector<128x128xi1>, vector<128x128xf32>
      %broadcast_in_dim3A_92 = vector.shape_cast %slice3A_87 : vector<1x128xf32> to vector<1x128xf32>
      %broadcast_in_dim3A_93 = vector.broadcast %broadcast_in_dim3A_92 : vector<1x128xf32> to vector<128x128xf32>
      %select_n3A_94 = arith.select %gt3A_89, %broadcast_in_dim3A_93, %select_n3A_81 : vector<128x128xi1>, vector<128x128xf32>
      %select_n3A_95 = arith.select %gt3A_88, %select_n3A_85, %select_n3A_94 : vector<128x128xi1>, vector<128x128xf32>
      %select_n3A_96 = arith.select %gt3A_88, %slice3A_86, %select_n3A_82 : vector<128x128xi1>, vector<128x128xf32>
      %broadcast_in_dim3A_97 = vector.shape_cast %slice3A_87 : vector<1x128xf32> to vector<1x128xf32>
      %broadcast_in_dim3A_98 = vector.broadcast %broadcast_in_dim3A_97 : vector<1x128xf32> to vector<128x128xf32>
      %select_n3A_99 = arith.select %gt3A_88, %broadcast_in_dim3A_98, %select_n3A_85 : vector<128x128xi1>, vector<128x128xf32>
      %slice3A_100 = vector.extract_strided_slice %select_n3A {offsets = [0, 640], sizes = [128, 128], strides = [1, 1]} : vector<128x8192xf32> to vector<128x128xf32>
      %slice3A_101 = vector.extract_strided_slice %get3A_17 {offsets = [0, 640], sizes = [1, 128], strides = [1, 1]} : vector<1x8192xf32> to vector<1x128xf32>
      %gt3A_102 = arith.cmpf ogt, %slice3A_100, %select_n3A_96 : vector<128x128xf32>
      %gt3A_103 = arith.cmpf ogt, %slice3A_100, %select_n3A_91 : vector<128x128xf32>
      %select_n3A_104 = arith.select %gt3A_103, %slice3A_100, %select_n3A_91 : vector<128x128xi1>, vector<128x128xf32>
      %select_n3A_105 = arith.select %gt3A_102, %select_n3A_96, %select_n3A_104 : vector<128x128xi1>, vector<128x128xf32>
      %broadcast_in_dim3A_106 = vector.shape_cast %slice3A_101 : vector<1x128xf32> to vector<1x128xf32>
      %broadcast_in_dim3A_107 = vector.broadcast %broadcast_in_dim3A_106 : vector<1x128xf32> to vector<128x128xf32>
      %select_n3A_108 = arith.select %gt3A_103, %broadcast_in_dim3A_107, %select_n3A_95 : vector<128x128xi1>, vector<128x128xf32>
      %select_n3A_109 = arith.select %gt3A_102, %select_n3A_99, %select_n3A_108 : vector<128x128xi1>, vector<128x128xf32>
      %select_n3A_110 = arith.select %gt3A_102, %slice3A_100, %select_n3A_96 : vector<128x128xi1>, vector<128x128xf32>
      %broadcast_in_dim3A_111 = vector.shape_cast %slice3A_101 : vector<1x128xf32> to vector<1x128xf32>
      %broadcast_in_dim3A_112 = vector.broadcast %broadcast_in_dim3A_111 : vector<1x128xf32> to vector<128x128xf32>
      %select_n3A_113 = arith.select %gt3A_102, %broadcast_in_dim3A_112, %select_n3A_99 : vector<128x128xi1>, vector<128x128xf32>
      %slice3A_114 = vector.extract_strided_slice %select_n3A {offsets = [0, 768], sizes = [128, 128], strides = [1, 1]} : vector<128x8192xf32> to vector<128x128xf32>
      %slice3A_115 = vector.extract_strided_slice %get3A_17 {offsets = [0, 768], sizes = [1, 128], strides = [1, 1]} : vector<1x8192xf32> to vector<1x128xf32>
      %gt3A_116 = arith.cmpf ogt, %slice3A_114, %select_n3A_110 : vector<128x128xf32>
      %gt3A_117 = arith.cmpf ogt, %slice3A_114, %select_n3A_105 : vector<128x128xf32>
      %select_n3A_118 = arith.select %gt3A_117, %slice3A_114, %select_n3A_105 : vector<128x128xi1>, vector<128x128xf32>
      %select_n3A_119 = arith.select %gt3A_116, %select_n3A_110, %select_n3A_118 : vector<128x128xi1>, vector<128x128xf32>
      %broadcast_in_dim3A_120 = vector.shape_cast %slice3A_115 : vector<1x128xf32> to vector<1x128xf32>
      %broadcast_in_dim3A_121 = vector.broadcast %broadcast_in_dim3A_120 : vector<1x128xf32> to vector<128x128xf32>
      %select_n3A_122 = arith.select %gt3A_117, %broadcast_in_dim3A_121, %select_n3A_109 : vector<128x128xi1>, vector<128x128xf32>
      %select_n3A_123 = arith.select %gt3A_116, %select_n3A_113, %select_n3A_122 : vector<128x128xi1>, vector<128x128xf32>
      %select_n3A_124 = arith.select %gt3A_116, %slice3A_114, %select_n3A_110 : vector<128x128xi1>, vector<128x128xf32>
      %broadcast_in_dim3A_125 = vector.shape_cast %slice3A_115 : vector<1x128xf32> to vector<1x128xf32>
      %broadcast_in_dim3A_126 = vector.broadcast %broadcast_in_dim3A_125 : vector<1x128xf32> to vector<128x128xf32>
      %select_n3A_127 = arith.select %gt3A_116, %broadcast_in_dim3A_126, %select_n3A_113 : vector<128x128xi1>, vector<128x128xf32>
      %slice3A_128 = vector.extract_strided_slice %select_n3A {offsets = [0, 896], sizes = [128, 128], strides = [1, 1]} : vector<128x8192xf32> to vector<128x128xf32>
      %slice3A_129 = vector.extract_strided_slice %get3A_17 {offsets = [0, 896], sizes = [1, 128], strides = [1, 1]} : vector<1x8192xf32> to vector<1x128xf32>
      %gt3A_130 = arith.cmpf ogt, %slice3A_128, %select_n3A_124 : vector<128x128xf32>
      %gt3A_131 = arith.cmpf ogt, %slice3A_128, %select_n3A_119 : vector<128x128xf32>
      %select_n3A_132 = arith.select %gt3A_131, %slice3A_128, %select_n3A_119 : vector<128x128xi1>, vector<128x128xf32>
      %select_n3A_133 = arith.select %gt3A_130, %select_n3A_124, %select_n3A_132 : vector<128x128xi1>, vector<128x128xf32>
      %broadcast_in_dim3A_134 = vector.shape_cast %slice3A_129 : vector<1x128xf32> to vector<1x128xf32>
      %broadcast_in_dim3A_135 = vector.broadcast %broadcast_in_dim3A_134 : vector<1x128xf32> to vector<128x128xf32>
      %select_n3A_136 = arith.select %gt3A_131, %broadcast_in_dim3A_135, %select_n3A_123 : vector<128x128xi1>, vector<128x128xf32>
      %select_n3A_137 = arith.select %gt3A_130, %select_n3A_127, %select_n3A_136 : vector<128x128xi1>, vector<128x128xf32>
      %select_n3A_138 = arith.select %gt3A_130, %slice3A_128, %select_n3A_124 : vector<128x128xi1>, vector<128x128xf32>
      %broadcast_in_dim3A_139 = vector.shape_cast %slice3A_129 : vector<1x128xf32> to vector<1x128xf32>
      %broadcast_in_dim3A_140 = vector.broadcast %broadcast_in_dim3A_139 : vector<1x128xf32> to vector<128x128xf32>
      %select_n3A_141 = arith.select %gt3A_130, %broadcast_in_dim3A_140, %select_n3A_127 : vector<128x128xi1>, vector<128x128xf32>
      %slice3A_142 = vector.extract_strided_slice %select_n3A {offsets = [0, 1024], sizes = [128, 128], strides = [1, 1]} : vector<128x8192xf32> to vector<128x128xf32>
      %slice3A_143 = vector.extract_strided_slice %get3A_17 {offsets = [0, 1024], sizes = [1, 128], strides = [1, 1]} : vector<1x8192xf32> to vector<1x128xf32>
      %gt3A_144 = arith.cmpf ogt, %slice3A_142, %select_n3A_138 : vector<128x128xf32>
      %gt3A_145 = arith.cmpf ogt, %slice3A_142, %select_n3A_133 : vector<128x128xf32>
      %select_n3A_146 = arith.select %gt3A_145, %slice3A_142, %select_n3A_133 : vector<128x128xi1>, vector<128x128xf32>
      %select_n3A_147 = arith.select %gt3A_144, %select_n3A_138, %select_n3A_146 : vector<128x128xi1>, vector<128x128xf32>
      %broadcast_in_dim3A_148 = vector.shape_cast %slice3A_143 : vector<1x128xf32> to vector<1x128xf32>
      %broadcast_in_dim3A_149 = vector.broadcast %broadcast_in_dim3A_148 : vector<1x128xf32> to vector<128x128xf32>
      %select_n3A_150 = arith.select %gt3A_145, %broadcast_in_dim3A_149, %select_n3A_137 : vector<128x128xi1>, vector<128x128xf32>
      %select_n3A_151 = arith.select %gt3A_144, %select_n3A_141, %select_n3A_150 : vector<128x128xi1>, vector<128x128xf32>
      %select_n3A_152 = arith.select %gt3A_144, %slice3A_142, %select_n3A_138 : vector<128x128xi1>, vector<128x128xf32>
      %broadcast_in_dim3A_153 = vector.shape_cast %slice3A_143 : vector<1x128xf32> to vector<1x128xf32>
      %broadcast_in_dim3A_154 = vector.broadcast %broadcast_in_dim3A_153 : vector<1x128xf32> to vector<128x128xf32>
      %select_n3A_155 = arith.select %gt3A_144, %broadcast_in_dim3A_154, %select_n3A_141 : vector<128x128xi1>, vector<128x128xf32>
      %slice3A_156 = vector.extract_strided_slice %select_n3A {offsets = [0, 1152], sizes = [128, 128], strides = [1, 1]} : vector<128x8192xf32> to vector<128x128xf32>
      %slice3A_157 = vector.extract_strided_slice %get3A_17 {offsets = [0, 1152], sizes = [1, 128], strides = [1, 1]} : vector<1x8192xf32> to vector<1x128xf32>
      %gt3A_158 = arith.cmpf ogt, %slice3A_156, %select_n3A_152 : vector<128x128xf32>
      %gt3A_159 = arith.cmpf ogt, %slice3A_156, %select_n3A_147 : vector<128x128xf32>
      %select_n3A_160 = arith.select %gt3A_159, %slice3A_156, %select_n3A_147 : vector<128x128xi1>, vector<128x128xf32>
      %select_n3A_161 = arith.select %gt3A_158, %select_n3A_152, %select_n3A_160 : vector<128x128xi1>, vector<128x128xf32>
      %broadcast_in_dim3A_162 = vector.shape_cast %slice3A_157 : vector<1x128xf32> to vector<1x128xf32>
      %broadcast_in_dim3A_163 = vector.broadcast %broadcast_in_dim3A_162 : vector<1x128xf32> to vector<128x128xf32>
      %select_n3A_164 = arith.select %gt3A_159, %broadcast_in_dim3A_163, %select_n3A_151 : vector<128x128xi1>, vector<128x128xf32>
      %select_n3A_165 = arith.select %gt3A_158, %select_n3A_155, %select_n3A_164 : vector<128x128xi1>, vector<128x128xf32>
      %select_n3A_166 = arith.select %gt3A_158, %slice3A_156, %select_n3A_152 : vector<128x128xi1>, vector<128x128xf32>
      %broadcast_in_dim3A_167 = vector.shape_cast %slice3A_157 : vector<1x128xf32> to vector<1x128xf32>
      %broadcast_in_dim3A_168 = vector.broadcast %broadcast_in_dim3A_167 : vector<1x128xf32> to vector<128x128xf32>
      %select_n3A_169 = arith.select %gt3A_158, %broadcast_in_dim3A_168, %select_n3A_155 : vector<128x128xi1>, vector<128x128xf32>
      %slice3A_170 = vector.extract_strided_slice %select_n3A {offsets = [0, 1280], sizes = [128, 128], strides = [1, 1]} : vector<128x8192xf32> to vector<128x128xf32>
      %slice3A_171 = vector.extract_strided_slice %get3A_17 {offsets = [0, 1280], sizes = [1, 128], strides = [1, 1]} : vector<1x8192xf32> to vector<1x128xf32>
      %gt3A_172 = arith.cmpf ogt, %slice3A_170, %select_n3A_166 : vector<128x128xf32>
      %gt3A_173 = arith.cmpf ogt, %slice3A_170, %select_n3A_161 : vector<128x128xf32>
      %select_n3A_174 = arith.select %gt3A_173, %slice3A_170, %select_n3A_161 : vector<128x128xi1>, vector<128x128xf32>
      %select_n3A_175 = arith.select %gt3A_172, %select_n3A_166, %select_n3A_174 : vector<128x128xi1>, vector<128x128xf32>
      %broadcast_in_dim3A_176 = vector.shape_cast %slice3A_171 : vector<1x128xf32> to vector<1x128xf32>
      %broadcast_in_dim3A_177 = vector.broadcast %broadcast_in_dim3A_176 : vector<1x128xf32> to vector<128x128xf32>
      %select_n3A_178 = arith.select %gt3A_173, %broadcast_in_dim3A_177, %select_n3A_165 : vector<128x128xi1>, vector<128x128xf32>
      %select_n3A_179 = arith.select %gt3A_172, %select_n3A_169, %select_n3A_178 : vector<128x128xi1>, vector<128x128xf32>
      %select_n3A_180 = arith.select %gt3A_172, %slice3A_170, %select_n3A_166 : vector<128x128xi1>, vector<128x128xf32>
      %broadcast_in_dim3A_181 = vector.shape_cast %slice3A_171 : vector<1x128xf32> to vector<1x128xf32>
      %broadcast_in_dim3A_182 = vector.broadcast %broadcast_in_dim3A_181 : vector<1x128xf32> to vector<128x128xf32>
      %select_n3A_183 = arith.select %gt3A_172, %broadcast_in_dim3A_182, %select_n3A_169 : vector<128x128xi1>, vector<128x128xf32>
      %slice3A_184 = vector.extract_strided_slice %select_n3A {offsets = [0, 1408], sizes = [128, 128], strides = [1, 1]} : vector<128x8192xf32> to vector<128x128xf32>
      %slice3A_185 = vector.extract_strided_slice %get3A_17 {offsets = [0, 1408], sizes = [1, 128], strides = [1, 1]} : vector<1x8192xf32> to vector<1x128xf32>
      %gt3A_186 = arith.cmpf ogt, %slice3A_184, %select_n3A_180 : vector<128x128xf32>
      %gt3A_187 = arith.cmpf ogt, %slice3A_184, %select_n3A_175 : vector<128x128xf32>
      %select_n3A_188 = arith.select %gt3A_187, %slice3A_184, %select_n3A_175 : vector<128x128xi1>, vector<128x128xf32>
      %select_n3A_189 = arith.select %gt3A_186, %select_n3A_180, %select_n3A_188 : vector<128x128xi1>, vector<128x128xf32>
      %broadcast_in_dim3A_190 = vector.shape_cast %slice3A_185 : vector<1x128xf32> to vector<1x128xf32>
      %broadcast_in_dim3A_191 = vector.broadcast %broadcast_in_dim3A_190 : vector<1x128xf32> to vector<128x128xf32>
      %select_n3A_192 = arith.select %gt3A_187, %broadcast_in_dim3A_191, %select_n3A_179 : vector<128x128xi1>, vector<128x128xf32>
      %select_n3A_193 = arith.select %gt3A_186, %select_n3A_183, %select_n3A_192 : vector<128x128xi1>, vector<128x128xf32>
      %select_n3A_194 = arith.select %gt3A_186, %slice3A_184, %select_n3A_180 : vector<128x128xi1>, vector<128x128xf32>
      %broadcast_in_dim3A_195 = vector.shape_cast %slice3A_185 : vector<1x128xf32> to vector<1x128xf32>
      %broadcast_in_dim3A_196 = vector.broadcast %broadcast_in_dim3A_195 : vector<1x128xf32> to vector<128x128xf32>
      %select_n3A_197 = arith.select %gt3A_186, %broadcast_in_dim3A_196, %select_n3A_183 : vector<128x128xi1>, vector<128x128xf32>
      %slice3A_198 = vector.extract_strided_slice %select_n3A {offsets = [0, 1536], sizes = [128, 128], strides = [1, 1]} : vector<128x8192xf32> to vector<128x128xf32>
      %slice3A_199 = vector.extract_strided_slice %get3A_17 {offsets = [0, 1536], sizes = [1, 128], strides = [1, 1]} : vector<1x8192xf32> to vector<1x128xf32>
      %gt3A_200 = arith.cmpf ogt, %slice3A_198, %select_n3A_194 : vector<128x128xf32>
      %gt3A_201 = arith.cmpf ogt, %slice3A_198, %select_n3A_189 : vector<128x128xf32>
      %select_n3A_202 = arith.select %gt3A_201, %slice3A_198, %select_n3A_189 : vector<128x128xi1>, vector<128x128xf32>
      %select_n3A_203 = arith.select %gt3A_200, %select_n3A_194, %select_n3A_202 : vector<128x128xi1>, vector<128x128xf32>
      %broadcast_in_dim3A_204 = vector.shape_cast %slice3A_199 : vector<1x128xf32> to vector<1x128xf32>
      %broadcast_in_dim3A_205 = vector.broadcast %broadcast_in_dim3A_204 : vector<1x128xf32> to vector<128x128xf32>
      %select_n3A_206 = arith.select %gt3A_201, %broadcast_in_dim3A_205, %select_n3A_193 : vector<128x128xi1>, vector<128x128xf32>
      %select_n3A_207 = arith.select %gt3A_200, %select_n3A_197, %select_n3A_206 : vector<128x128xi1>, vector<128x128xf32>
      %select_n3A_208 = arith.select %gt3A_200, %slice3A_198, %select_n3A_194 : vector<128x128xi1>, vector<128x128xf32>
      %broadcast_in_dim3A_209 = vector.shape_cast %slice3A_199 : vector<1x128xf32> to vector<1x128xf32>
      %broadcast_in_dim3A_210 = vector.broadcast %broadcast_in_dim3A_209 : vector<1x128xf32> to vector<128x128xf32>
      %select_n3A_211 = arith.select %gt3A_200, %broadcast_in_dim3A_210, %select_n3A_197 : vector<128x128xi1>, vector<128x128xf32>
      %slice3A_212 = vector.extract_strided_slice %select_n3A {offsets = [0, 1664], sizes = [128, 128], strides = [1, 1]} : vector<128x8192xf32> to vector<128x128xf32>
      %slice3A_213 = vector.extract_strided_slice %get3A_17 {offsets = [0, 1664], sizes = [1, 128], strides = [1, 1]} : vector<1x8192xf32> to vector<1x128xf32>
      %gt3A_214 = arith.cmpf ogt, %slice3A_212, %select_n3A_208 : vector<128x128xf32>
      %gt3A_215 = arith.cmpf ogt, %slice3A_212, %select_n3A_203 : vector<128x128xf32>
      %select_n3A_216 = arith.select %gt3A_215, %slice3A_212, %select_n3A_203 : vector<128x128xi1>, vector<128x128xf32>
      %select_n3A_217 = arith.select %gt3A_214, %select_n3A_208, %select_n3A_216 : vector<128x128xi1>, vector<128x128xf32>
      %broadcast_in_dim3A_218 = vector.shape_cast %slice3A_213 : vector<1x128xf32> to vector<1x128xf32>
      %broadcast_in_dim3A_219 = vector.broadcast %broadcast_in_dim3A_218 : vector<1x128xf32> to vector<128x128xf32>
      %select_n3A_220 = arith.select %gt3A_215, %broadcast_in_dim3A_219, %select_n3A_207 : vector<128x128xi1>, vector<128x128xf32>
      %select_n3A_221 = arith.select %gt3A_214, %select_n3A_211, %select_n3A_220 : vector<128x128xi1>, vector<128x128xf32>
      %select_n3A_222 = arith.select %gt3A_214, %slice3A_212, %select_n3A_208 : vector<128x128xi1>, vector<128x128xf32>
      %broadcast_in_dim3A_223 = vector.shape_cast %slice3A_213 : vector<1x128xf32> to vector<1x128xf32>
      %broadcast_in_dim3A_224 = vector.broadcast %broadcast_in_dim3A_223 : vector<1x128xf32> to vector<128x128xf32>
      %select_n3A_225 = arith.select %gt3A_214, %broadcast_in_dim3A_224, %select_n3A_211 : vector<128x128xi1>, vector<128x128xf32>
      %slice3A_226 = vector.extract_strided_slice %select_n3A {offsets = [0, 1792], sizes = [128, 128], strides = [1, 1]} : vector<128x8192xf32> to vector<128x128xf32>
      %slice3A_227 = vector.extract_strided_slice %get3A_17 {offsets = [0, 1792], sizes = [1, 128], strides = [1, 1]} : vector<1x8192xf32> to vector<1x128xf32>
      %gt3A_228 = arith.cmpf ogt, %slice3A_226, %select_n3A_222 : vector<128x128xf32>
      %gt3A_229 = arith.cmpf ogt, %slice3A_226, %select_n3A_217 : vector<128x128xf32>
      %select_n3A_230 = arith.select %gt3A_229, %slice3A_226, %select_n3A_217 : vector<128x128xi1>, vector<128x128xf32>
      %select_n3A_231 = arith.select %gt3A_228, %select_n3A_222, %select_n3A_230 : vector<128x128xi1>, vector<128x128xf32>
      %broadcast_in_dim3A_232 = vector.shape_cast %slice3A_227 : vector<1x128xf32> to vector<1x128xf32>
      %broadcast_in_dim3A_233 = vector.broadcast %broadcast_in_dim3A_232 : vector<1x128xf32> to vector<128x128xf32>
      %select_n3A_234 = arith.select %gt3A_229, %broadcast_in_dim3A_233, %select_n3A_221 : vector<128x128xi1>, vector<128x128xf32>
      %select_n3A_235 = arith.select %gt3A_228, %select_n3A_225, %select_n3A_234 : vector<128x128xi1>, vector<128x128xf32>
      %select_n3A_236 = arith.select %gt3A_228, %slice3A_226, %select_n3A_222 : vector<128x128xi1>, vector<128x128xf32>
      %broadcast_in_dim3A_237 = vector.shape_cast %slice3A_227 : vector<1x128xf32> to vector<1x128xf32>
      %broadcast_in_dim3A_238 = vector.broadcast %broadcast_in_dim3A_237 : vector<1x128xf32> to vector<128x128xf32>
      %select_n3A_239 = arith.select %gt3A_228, %broadcast_in_dim3A_238, %select_n3A_225 : vector<128x128xi1>, vector<128x128xf32>
      %slice3A_240 = vector.extract_strided_slice %select_n3A {offsets = [0, 1920], sizes = [128, 128], strides = [1, 1]} : vector<128x8192xf32> to vector<128x128xf32>
      %slice3A_241 = vector.extract_strided_slice %get3A_17 {offsets = [0, 1920], sizes = [1, 128], strides = [1, 1]} : vector<1x8192xf32> to vector<1x128xf32>
      %gt3A_242 = arith.cmpf ogt, %slice3A_240, %select_n3A_236 : vector<128x128xf32>
      %gt3A_243 = arith.cmpf ogt, %slice3A_240, %select_n3A_231 : vector<128x128xf32>
      %select_n3A_244 = arith.select %gt3A_243, %slice3A_240, %select_n3A_231 : vector<128x128xi1>, vector<128x128xf32>
      %select_n3A_245 = arith.select %gt3A_242, %select_n3A_236, %select_n3A_244 : vector<128x128xi1>, vector<128x128xf32>
      %broadcast_in_dim3A_246 = vector.shape_cast %slice3A_241 : vector<1x128xf32> to vector<1x128xf32>
      %broadcast_in_dim3A_247 = vector.broadcast %broadcast_in_dim3A_246 : vector<1x128xf32> to vector<128x128xf32>
      %select_n3A_248 = arith.select %gt3A_243, %broadcast_in_dim3A_247, %select_n3A_235 : vector<128x128xi1>, vector<128x128xf32>
      %select_n3A_249 = arith.select %gt3A_242, %select_n3A_239, %select_n3A_248 : vector<128x128xi1>, vector<128x128xf32>
      %select_n3A_250 = arith.select %gt3A_242, %slice3A_240, %select_n3A_236 : vector<128x128xi1>, vector<128x128xf32>
      %broadcast_in_dim3A_251 = vector.shape_cast %slice3A_241 : vector<1x128xf32> to vector<1x128xf32>
      %broadcast_in_dim3A_252 = vector.broadcast %broadcast_in_dim3A_251 : vector<1x128xf32> to vector<128x128xf32>
      %select_n3A_253 = arith.select %gt3A_242, %broadcast_in_dim3A_252, %select_n3A_239 : vector<128x128xi1>, vector<128x128xf32>
      %slice3A_254 = vector.extract_strided_slice %select_n3A {offsets = [0, 2048], sizes = [128, 128], strides = [1, 1]} : vector<128x8192xf32> to vector<128x128xf32>
      %slice3A_255 = vector.extract_strided_slice %get3A_17 {offsets = [0, 2048], sizes = [1, 128], strides = [1, 1]} : vector<1x8192xf32> to vector<1x128xf32>
      %gt3A_256 = arith.cmpf ogt, %slice3A_254, %select_n3A_250 : vector<128x128xf32>
      %gt3A_257 = arith.cmpf ogt, %slice3A_254, %select_n3A_245 : vector<128x128xf32>
      %select_n3A_258 = arith.select %gt3A_257, %slice3A_254, %select_n3A_245 : vector<128x128xi1>, vector<128x128xf32>
      %select_n3A_259 = arith.select %gt3A_256, %select_n3A_250, %select_n3A_258 : vector<128x128xi1>, vector<128x128xf32>
      %broadcast_in_dim3A_260 = vector.shape_cast %slice3A_255 : vector<1x128xf32> to vector<1x128xf32>
      %broadcast_in_dim3A_261 = vector.broadcast %broadcast_in_dim3A_260 : vector<1x128xf32> to vector<128x128xf32>
      %select_n3A_262 = arith.select %gt3A_257, %broadcast_in_dim3A_261, %select_n3A_249 : vector<128x128xi1>, vector<128x128xf32>
      %select_n3A_263 = arith.select %gt3A_256, %select_n3A_253, %select_n3A_262 : vector<128x128xi1>, vector<128x128xf32>
      %select_n3A_264 = arith.select %gt3A_256, %slice3A_254, %select_n3A_250 : vector<128x128xi1>, vector<128x128xf32>
      %broadcast_in_dim3A_265 = vector.shape_cast %slice3A_255 : vector<1x128xf32> to vector<1x128xf32>
      %broadcast_in_dim3A_266 = vector.broadcast %broadcast_in_dim3A_265 : vector<1x128xf32> to vector<128x128xf32>
      %select_n3A_267 = arith.select %gt3A_256, %broadcast_in_dim3A_266, %select_n3A_253 : vector<128x128xi1>, vector<128x128xf32>
      %slice3A_268 = vector.extract_strided_slice %select_n3A {offsets = [0, 2176], sizes = [128, 128], strides = [1, 1]} : vector<128x8192xf32> to vector<128x128xf32>
      %slice3A_269 = vector.extract_strided_slice %get3A_17 {offsets = [0, 2176], sizes = [1, 128], strides = [1, 1]} : vector<1x8192xf32> to vector<1x128xf32>
      %gt3A_270 = arith.cmpf ogt, %slice3A_268, %select_n3A_264 : vector<128x128xf32>
      %gt3A_271 = arith.cmpf ogt, %slice3A_268, %select_n3A_259 : vector<128x128xf32>
      %select_n3A_272 = arith.select %gt3A_271, %slice3A_268, %select_n3A_259 : vector<128x128xi1>, vector<128x128xf32>
      %select_n3A_273 = arith.select %gt3A_270, %select_n3A_264, %select_n3A_272 : vector<128x128xi1>, vector<128x128xf32>
      %broadcast_in_dim3A_274 = vector.shape_cast %slice3A_269 : vector<1x128xf32> to vector<1x128xf32>
      %broadcast_in_dim3A_275 = vector.broadcast %broadcast_in_dim3A_274 : vector<1x128xf32> to vector<128x128xf32>
      %select_n3A_276 = arith.select %gt3A_271, %broadcast_in_dim3A_275, %select_n3A_263 : vector<128x128xi1>, vector<128x128xf32>
      %select_n3A_277 = arith.select %gt3A_270, %select_n3A_267, %select_n3A_276 : vector<128x128xi1>, vector<128x128xf32>
      %select_n3A_278 = arith.select %gt3A_270, %slice3A_268, %select_n3A_264 : vector<128x128xi1>, vector<128x128xf32>
      %broadcast_in_dim3A_279 = vector.shape_cast %slice3A_269 : vector<1x128xf32> to vector<1x128xf32>
      %broadcast_in_dim3A_280 = vector.broadcast %broadcast_in_dim3A_279 : vector<1x128xf32> to vector<128x128xf32>
      %select_n3A_281 = arith.select %gt3A_270, %broadcast_in_dim3A_280, %select_n3A_267 : vector<128x128xi1>, vector<128x128xf32>
      %slice3A_282 = vector.extract_strided_slice %select_n3A {offsets = [0, 2304], sizes = [128, 128], strides = [1, 1]} : vector<128x8192xf32> to vector<128x128xf32>
      %slice3A_283 = vector.extract_strided_slice %get3A_17 {offsets = [0, 2304], sizes = [1, 128], strides = [1, 1]} : vector<1x8192xf32> to vector<1x128xf32>
      %gt3A_284 = arith.cmpf ogt, %slice3A_282, %select_n3A_278 : vector<128x128xf32>
      %gt3A_285 = arith.cmpf ogt, %slice3A_282, %select_n3A_273 : vector<128x128xf32>
      %select_n3A_286 = arith.select %gt3A_285, %slice3A_282, %select_n3A_273 : vector<128x128xi1>, vector<128x128xf32>
      %select_n3A_287 = arith.select %gt3A_284, %select_n3A_278, %select_n3A_286 : vector<128x128xi1>, vector<128x128xf32>
      %broadcast_in_dim3A_288 = vector.shape_cast %slice3A_283 : vector<1x128xf32> to vector<1x128xf32>
      %broadcast_in_dim3A_289 = vector.broadcast %broadcast_in_dim3A_288 : vector<1x128xf32> to vector<128x128xf32>
      %select_n3A_290 = arith.select %gt3A_285, %broadcast_in_dim3A_289, %select_n3A_277 : vector<128x128xi1>, vector<128x128xf32>
      %select_n3A_291 = arith.select %gt3A_284, %select_n3A_281, %select_n3A_290 : vector<128x128xi1>, vector<128x128xf32>
      %select_n3A_292 = arith.select %gt3A_284, %slice3A_282, %select_n3A_278 : vector<128x128xi1>, vector<128x128xf32>
      %broadcast_in_dim3A_293 = vector.shape_cast %slice3A_283 : vector<1x128xf32> to vector<1x128xf32>
      %broadcast_in_dim3A_294 = vector.broadcast %broadcast_in_dim3A_293 : vector<1x128xf32> to vector<128x128xf32>
      %select_n3A_295 = arith.select %gt3A_284, %broadcast_in_dim3A_294, %select_n3A_281 : vector<128x128xi1>, vector<128x128xf32>
      %slice3A_296 = vector.extract_strided_slice %select_n3A {offsets = [0, 2432], sizes = [128, 128], strides = [1, 1]} : vector<128x8192xf32> to vector<128x128xf32>
      %slice3A_297 = vector.extract_strided_slice %get3A_17 {offsets = [0, 2432], sizes = [1, 128], strides = [1, 1]} : vector<1x8192xf32> to vector<1x128xf32>
      %gt3A_298 = arith.cmpf ogt, %slice3A_296, %select_n3A_292 : vector<128x128xf32>
      %gt3A_299 = arith.cmpf ogt, %slice3A_296, %select_n3A_287 : vector<128x128xf32>
      %select_n3A_300 = arith.select %gt3A_299, %slice3A_296, %select_n3A_287 : vector<128x128xi1>, vector<128x128xf32>
      %select_n3A_301 = arith.select %gt3A_298, %select_n3A_292, %select_n3A_300 : vector<128x128xi1>, vector<128x128xf32>
      %broadcast_in_dim3A_302 = vector.shape_cast %slice3A_297 : vector<1x128xf32> to vector<1x128xf32>
      %broadcast_in_dim3A_303 = vector.broadcast %broadcast_in_dim3A_302 : vector<1x128xf32> to vector<128x128xf32>
      %select_n3A_304 = arith.select %gt3A_299, %broadcast_in_dim3A_303, %select_n3A_291 : vector<128x128xi1>, vector<128x128xf32>
      %select_n3A_305 = arith.select %gt3A_298, %select_n3A_295, %select_n3A_304 : vector<128x128xi1>, vector<128x128xf32>
      %select_n3A_306 = arith.select %gt3A_298, %slice3A_296, %select_n3A_292 : vector<128x128xi1>, vector<128x128xf32>
      %broadcast_in_dim3A_307 = vector.shape_cast %slice3A_297 : vector<1x128xf32> to vector<1x128xf32>
      %broadcast_in_dim3A_308 = vector.broadcast %broadcast_in_dim3A_307 : vector<1x128xf32> to vector<128x128xf32>
      %select_n3A_309 = arith.select %gt3A_298, %broadcast_in_dim3A_308, %select_n3A_295 : vector<128x128xi1>, vector<128x128xf32>
      %slice3A_310 = vector.extract_strided_slice %select_n3A {offsets = [0, 2560], sizes = [128, 128], strides = [1, 1]} : vector<128x8192xf32> to vector<128x128xf32>
      %slice3A_311 = vector.extract_strided_slice %get3A_17 {offsets = [0, 2560], sizes = [1, 128], strides = [1, 1]} : vector<1x8192xf32> to vector<1x128xf32>
      %gt3A_312 = arith.cmpf ogt, %slice3A_310, %select_n3A_306 : vector<128x128xf32>
      %gt3A_313 = arith.cmpf ogt, %slice3A_310, %select_n3A_301 : vector<128x128xf32>
      %select_n3A_314 = arith.select %gt3A_313, %slice3A_310, %select_n3A_301 : vector<128x128xi1>, vector<128x128xf32>
      %select_n3A_315 = arith.select %gt3A_312, %select_n3A_306, %select_n3A_314 : vector<128x128xi1>, vector<128x128xf32>
      %broadcast_in_dim3A_316 = vector.shape_cast %slice3A_311 : vector<1x128xf32> to vector<1x128xf32>
      %broadcast_in_dim3A_317 = vector.broadcast %broadcast_in_dim3A_316 : vector<1x128xf32> to vector<128x128xf32>
      %select_n3A_318 = arith.select %gt3A_313, %broadcast_in_dim3A_317, %select_n3A_305 : vector<128x128xi1>, vector<128x128xf32>
      %select_n3A_319 = arith.select %gt3A_312, %select_n3A_309, %select_n3A_318 : vector<128x128xi1>, vector<128x128xf32>
      %select_n3A_320 = arith.select %gt3A_312, %slice3A_310, %select_n3A_306 : vector<128x128xi1>, vector<128x128xf32>
      %broadcast_in_dim3A_321 = vector.shape_cast %slice3A_311 : vector<1x128xf32> to vector<1x128xf32>
      %broadcast_in_dim3A_322 = vector.broadcast %broadcast_in_dim3A_321 : vector<1x128xf32> to vector<128x128xf32>
      %select_n3A_323 = arith.select %gt3A_312, %broadcast_in_dim3A_322, %select_n3A_309 : vector<128x128xi1>, vector<128x128xf32>
      %slice3A_324 = vector.extract_strided_slice %select_n3A {offsets = [0, 2688], sizes = [128, 128], strides = [1, 1]} : vector<128x8192xf32> to vector<128x128xf32>
      %slice3A_325 = vector.extract_strided_slice %get3A_17 {offsets = [0, 2688], sizes = [1, 128], strides = [1, 1]} : vector<1x8192xf32> to vector<1x128xf32>
      %gt3A_326 = arith.cmpf ogt, %slice3A_324, %select_n3A_320 : vector<128x128xf32>
      %gt3A_327 = arith.cmpf ogt, %slice3A_324, %select_n3A_315 : vector<128x128xf32>
      %select_n3A_328 = arith.select %gt3A_327, %slice3A_324, %select_n3A_315 : vector<128x128xi1>, vector<128x128xf32>
      %select_n3A_329 = arith.select %gt3A_326, %select_n3A_320, %select_n3A_328 : vector<128x128xi1>, vector<128x128xf32>
      %broadcast_in_dim3A_330 = vector.shape_cast %slice3A_325 : vector<1x128xf32> to vector<1x128xf32>
      %broadcast_in_dim3A_331 = vector.broadcast %broadcast_in_dim3A_330 : vector<1x128xf32> to vector<128x128xf32>
      %select_n3A_332 = arith.select %gt3A_327, %broadcast_in_dim3A_331, %select_n3A_319 : vector<128x128xi1>, vector<128x128xf32>
      %select_n3A_333 = arith.select %gt3A_326, %select_n3A_323, %select_n3A_332 : vector<128x128xi1>, vector<128x128xf32>
      %select_n3A_334 = arith.select %gt3A_326, %slice3A_324, %select_n3A_320 : vector<128x128xi1>, vector<128x128xf32>
      %broadcast_in_dim3A_335 = vector.shape_cast %slice3A_325 : vector<1x128xf32> to vector<1x128xf32>
      %broadcast_in_dim3A_336 = vector.broadcast %broadcast_in_dim3A_335 : vector<1x128xf32> to vector<128x128xf32>
      %select_n3A_337 = arith.select %gt3A_326, %broadcast_in_dim3A_336, %select_n3A_323 : vector<128x128xi1>, vector<128x128xf32>
      %slice3A_338 = vector.extract_strided_slice %select_n3A {offsets = [0, 2816], sizes = [128, 128], strides = [1, 1]} : vector<128x8192xf32> to vector<128x128xf32>
      %slice3A_339 = vector.extract_strided_slice %get3A_17 {offsets = [0, 2816], sizes = [1, 128], strides = [1, 1]} : vector<1x8192xf32> to vector<1x128xf32>
      %gt3A_340 = arith.cmpf ogt, %slice3A_338, %select_n3A_334 : vector<128x128xf32>
      %gt3A_341 = arith.cmpf ogt, %slice3A_338, %select_n3A_329 : vector<128x128xf32>
      %select_n3A_342 = arith.select %gt3A_341, %slice3A_338, %select_n3A_329 : vector<128x128xi1>, vector<128x128xf32>
      %select_n3A_343 = arith.select %gt3A_340, %select_n3A_334, %select_n3A_342 : vector<128x128xi1>, vector<128x128xf32>
      %broadcast_in_dim3A_344 = vector.shape_cast %slice3A_339 : vector<1x128xf32> to vector<1x128xf32>
      %broadcast_in_dim3A_345 = vector.broadcast %broadcast_in_dim3A_344 : vector<1x128xf32> to vector<128x128xf32>
      %select_n3A_346 = arith.select %gt3A_341, %broadcast_in_dim3A_345, %select_n3A_333 : vector<128x128xi1>, vector<128x128xf32>
      %select_n3A_347 = arith.select %gt3A_340, %select_n3A_337, %select_n3A_346 : vector<128x128xi1>, vector<128x128xf32>
      %select_n3A_348 = arith.select %gt3A_340, %slice3A_338, %select_n3A_334 : vector<128x128xi1>, vector<128x128xf32>
      %broadcast_in_dim3A_349 = vector.shape_cast %slice3A_339 : vector<1x128xf32> to vector<1x128xf32>
      %broadcast_in_dim3A_350 = vector.broadcast %broadcast_in_dim3A_349 : vector<1x128xf32> to vector<128x128xf32>
      %select_n3A_351 = arith.select %gt3A_340, %broadcast_in_dim3A_350, %select_n3A_337 : vector<128x128xi1>, vector<128x128xf32>
      %slice3A_352 = vector.extract_strided_slice %select_n3A {offsets = [0, 2944], sizes = [128, 128], strides = [1, 1]} : vector<128x8192xf32> to vector<128x128xf32>
      %slice3A_353 = vector.extract_strided_slice %get3A_17 {offsets = [0, 2944], sizes = [1, 128], strides = [1, 1]} : vector<1x8192xf32> to vector<1x128xf32>
      %gt3A_354 = arith.cmpf ogt, %slice3A_352, %select_n3A_348 : vector<128x128xf32>
      %gt3A_355 = arith.cmpf ogt, %slice3A_352, %select_n3A_343 : vector<128x128xf32>
      %select_n3A_356 = arith.select %gt3A_355, %slice3A_352, %select_n3A_343 : vector<128x128xi1>, vector<128x128xf32>
      %select_n3A_357 = arith.select %gt3A_354, %select_n3A_348, %select_n3A_356 : vector<128x128xi1>, vector<128x128xf32>
      %broadcast_in_dim3A_358 = vector.shape_cast %slice3A_353 : vector<1x128xf32> to vector<1x128xf32>
      %broadcast_in_dim3A_359 = vector.broadcast %broadcast_in_dim3A_358 : vector<1x128xf32> to vector<128x128xf32>
      %select_n3A_360 = arith.select %gt3A_355, %broadcast_in_dim3A_359, %select_n3A_347 : vector<128x128xi1>, vector<128x128xf32>
      %select_n3A_361 = arith.select %gt3A_354, %select_n3A_351, %select_n3A_360 : vector<128x128xi1>, vector<128x128xf32>
      %select_n3A_362 = arith.select %gt3A_354, %slice3A_352, %select_n3A_348 : vector<128x128xi1>, vector<128x128xf32>
      %broadcast_in_dim3A_363 = vector.shape_cast %slice3A_353 : vector<1x128xf32> to vector<1x128xf32>
      %broadcast_in_dim3A_364 = vector.broadcast %broadcast_in_dim3A_363 : vector<1x128xf32> to vector<128x128xf32>
      %select_n3A_365 = arith.select %gt3A_354, %broadcast_in_dim3A_364, %select_n3A_351 : vector<128x128xi1>, vector<128x128xf32>
      %slice3A_366 = vector.extract_strided_slice %select_n3A {offsets = [0, 3072], sizes = [128, 128], strides = [1, 1]} : vector<128x8192xf32> to vector<128x128xf32>
      %slice3A_367 = vector.extract_strided_slice %get3A_17 {offsets = [0, 3072], sizes = [1, 128], strides = [1, 1]} : vector<1x8192xf32> to vector<1x128xf32>
      %gt3A_368 = arith.cmpf ogt, %slice3A_366, %select_n3A_362 : vector<128x128xf32>
      %gt3A_369 = arith.cmpf ogt, %slice3A_366, %select_n3A_357 : vector<128x128xf32>
      %select_n3A_370 = arith.select %gt3A_369, %slice3A_366, %select_n3A_357 : vector<128x128xi1>, vector<128x128xf32>
      %select_n3A_371 = arith.select %gt3A_368, %select_n3A_362, %select_n3A_370 : vector<128x128xi1>, vector<128x128xf32>
      %broadcast_in_dim3A_372 = vector.shape_cast %slice3A_367 : vector<1x128xf32> to vector<1x128xf32>
      %broadcast_in_dim3A_373 = vector.broadcast %broadcast_in_dim3A_372 : vector<1x128xf32> to vector<128x128xf32>
      %select_n3A_374 = arith.select %gt3A_369, %broadcast_in_dim3A_373, %select_n3A_361 : vector<128x128xi1>, vector<128x128xf32>
      %select_n3A_375 = arith.select %gt3A_368, %select_n3A_365, %select_n3A_374 : vector<128x128xi1>, vector<128x128xf32>
      %select_n3A_376 = arith.select %gt3A_368, %slice3A_366, %select_n3A_362 : vector<128x128xi1>, vector<128x128xf32>
      %broadcast_in_dim3A_377 = vector.shape_cast %slice3A_367 : vector<1x128xf32> to vector<1x128xf32>
      %broadcast_in_dim3A_378 = vector.broadcast %broadcast_in_dim3A_377 : vector<1x128xf32> to vector<128x128xf32>
      %select_n3A_379 = arith.select %gt3A_368, %broadcast_in_dim3A_378, %select_n3A_365 : vector<128x128xi1>, vector<128x128xf32>
      %slice3A_380 = vector.extract_strided_slice %select_n3A {offsets = [0, 3200], sizes = [128, 128], strides = [1, 1]} : vector<128x8192xf32> to vector<128x128xf32>
      %slice3A_381 = vector.extract_strided_slice %get3A_17 {offsets = [0, 3200], sizes = [1, 128], strides = [1, 1]} : vector<1x8192xf32> to vector<1x128xf32>
      %gt3A_382 = arith.cmpf ogt, %slice3A_380, %select_n3A_376 : vector<128x128xf32>
      %gt3A_383 = arith.cmpf ogt, %slice3A_380, %select_n3A_371 : vector<128x128xf32>
      %select_n3A_384 = arith.select %gt3A_383, %slice3A_380, %select_n3A_371 : vector<128x128xi1>, vector<128x128xf32>
      %select_n3A_385 = arith.select %gt3A_382, %select_n3A_376, %select_n3A_384 : vector<128x128xi1>, vector<128x128xf32>
      %broadcast_in_dim3A_386 = vector.shape_cast %slice3A_381 : vector<1x128xf32> to vector<1x128xf32>
      %broadcast_in_dim3A_387 = vector.broadcast %broadcast_in_dim3A_386 : vector<1x128xf32> to vector<128x128xf32>
      %select_n3A_388 = arith.select %gt3A_383, %broadcast_in_dim3A_387, %select_n3A_375 : vector<128x128xi1>, vector<128x128xf32>
      %select_n3A_389 = arith.select %gt3A_382, %select_n3A_379, %select_n3A_388 : vector<128x128xi1>, vector<128x128xf32>
      %select_n3A_390 = arith.select %gt3A_382, %slice3A_380, %select_n3A_376 : vector<128x128xi1>, vector<128x128xf32>
      %broadcast_in_dim3A_391 = vector.shape_cast %slice3A_381 : vector<1x128xf32> to vector<1x128xf32>
      %broadcast_in_dim3A_392 = vector.broadcast %broadcast_in_dim3A_391 : vector<1x128xf32> to vector<128x128xf32>
      %select_n3A_393 = arith.select %gt3A_382, %broadcast_in_dim3A_392, %select_n3A_379 : vector<128x128xi1>, vector<128x128xf32>
      %slice3A_394 = vector.extract_strided_slice %select_n3A {offsets = [0, 3328], sizes = [128, 128], strides = [1, 1]} : vector<128x8192xf32> to vector<128x128xf32>
      %slice3A_395 = vector.extract_strided_slice %get3A_17 {offsets = [0, 3328], sizes = [1, 128], strides = [1, 1]} : vector<1x8192xf32> to vector<1x128xf32>
      %gt3A_396 = arith.cmpf ogt, %slice3A_394, %select_n3A_390 : vector<128x128xf32>
      %gt3A_397 = arith.cmpf ogt, %slice3A_394, %select_n3A_385 : vector<128x128xf32>
      %select_n3A_398 = arith.select %gt3A_397, %slice3A_394, %select_n3A_385 : vector<128x128xi1>, vector<128x128xf32>
      %select_n3A_399 = arith.select %gt3A_396, %select_n3A_390, %select_n3A_398 : vector<128x128xi1>, vector<128x128xf32>
      %broadcast_in_dim3A_400 = vector.shape_cast %slice3A_395 : vector<1x128xf32> to vector<1x128xf32>
      %broadcast_in_dim3A_401 = vector.broadcast %broadcast_in_dim3A_400 : vector<1x128xf32> to vector<128x128xf32>
      %select_n3A_402 = arith.select %gt3A_397, %broadcast_in_dim3A_401, %select_n3A_389 : vector<128x128xi1>, vector<128x128xf32>
      %select_n3A_403 = arith.select %gt3A_396, %select_n3A_393, %select_n3A_402 : vector<128x128xi1>, vector<128x128xf32>
      %select_n3A_404 = arith.select %gt3A_396, %slice3A_394, %select_n3A_390 : vector<128x128xi1>, vector<128x128xf32>
      %broadcast_in_dim3A_405 = vector.shape_cast %slice3A_395 : vector<1x128xf32> to vector<1x128xf32>
      %broadcast_in_dim3A_406 = vector.broadcast %broadcast_in_dim3A_405 : vector<1x128xf32> to vector<128x128xf32>
      %select_n3A_407 = arith.select %gt3A_396, %broadcast_in_dim3A_406, %select_n3A_393 : vector<128x128xi1>, vector<128x128xf32>
      %slice3A_408 = vector.extract_strided_slice %select_n3A {offsets = [0, 3456], sizes = [128, 128], strides = [1, 1]} : vector<128x8192xf32> to vector<128x128xf32>
      %slice3A_409 = vector.extract_strided_slice %get3A_17 {offsets = [0, 3456], sizes = [1, 128], strides = [1, 1]} : vector<1x8192xf32> to vector<1x128xf32>
      %gt3A_410 = arith.cmpf ogt, %slice3A_408, %select_n3A_404 : vector<128x128xf32>
      %gt3A_411 = arith.cmpf ogt, %slice3A_408, %select_n3A_399 : vector<128x128xf32>
      %select_n3A_412 = arith.select %gt3A_411, %slice3A_408, %select_n3A_399 : vector<128x128xi1>, vector<128x128xf32>
      %select_n3A_413 = arith.select %gt3A_410, %select_n3A_404, %select_n3A_412 : vector<128x128xi1>, vector<128x128xf32>
      %broadcast_in_dim3A_414 = vector.shape_cast %slice3A_409 : vector<1x128xf32> to vector<1x128xf32>
      %broadcast_in_dim3A_415 = vector.broadcast %broadcast_in_dim3A_414 : vector<1x128xf32> to vector<128x128xf32>
      %select_n3A_416 = arith.select %gt3A_411, %broadcast_in_dim3A_415, %select_n3A_403 : vector<128x128xi1>, vector<128x128xf32>
      %select_n3A_417 = arith.select %gt3A_410, %select_n3A_407, %select_n3A_416 : vector<128x128xi1>, vector<128x128xf32>
      %select_n3A_418 = arith.select %gt3A_410, %slice3A_408, %select_n3A_404 : vector<128x128xi1>, vector<128x128xf32>
      %broadcast_in_dim3A_419 = vector.shape_cast %slice3A_409 : vector<1x128xf32> to vector<1x128xf32>
      %broadcast_in_dim3A_420 = vector.broadcast %broadcast_in_dim3A_419 : vector<1x128xf32> to vector<128x128xf32>
      %select_n3A_421 = arith.select %gt3A_410, %broadcast_in_dim3A_420, %select_n3A_407 : vector<128x128xi1>, vector<128x128xf32>
      %slice3A_422 = vector.extract_strided_slice %select_n3A {offsets = [0, 3584], sizes = [128, 128], strides = [1, 1]} : vector<128x8192xf32> to vector<128x128xf32>
      %slice3A_423 = vector.extract_strided_slice %get3A_17 {offsets = [0, 3584], sizes = [1, 128], strides = [1, 1]} : vector<1x8192xf32> to vector<1x128xf32>
      %gt3A_424 = arith.cmpf ogt, %slice3A_422, %select_n3A_418 : vector<128x128xf32>
      %gt3A_425 = arith.cmpf ogt, %slice3A_422, %select_n3A_413 : vector<128x128xf32>
      %select_n3A_426 = arith.select %gt3A_425, %slice3A_422, %select_n3A_413 : vector<128x128xi1>, vector<128x128xf32>
      %select_n3A_427 = arith.select %gt3A_424, %select_n3A_418, %select_n3A_426 : vector<128x128xi1>, vector<128x128xf32>
      %broadcast_in_dim3A_428 = vector.shape_cast %slice3A_423 : vector<1x128xf32> to vector<1x128xf32>
      %broadcast_in_dim3A_429 = vector.broadcast %broadcast_in_dim3A_428 : vector<1x128xf32> to vector<128x128xf32>
      %select_n3A_430 = arith.select %gt3A_425, %broadcast_in_dim3A_429, %select_n3A_417 : vector<128x128xi1>, vector<128x128xf32>
      %select_n3A_431 = arith.select %gt3A_424, %select_n3A_421, %select_n3A_430 : vector<128x128xi1>, vector<128x128xf32>
      %select_n3A_432 = arith.select %gt3A_424, %slice3A_422, %select_n3A_418 : vector<128x128xi1>, vector<128x128xf32>
      %broadcast_in_dim3A_433 = vector.shape_cast %slice3A_423 : vector<1x128xf32> to vector<1x128xf32>
      %broadcast_in_dim3A_434 = vector.broadcast %broadcast_in_dim3A_433 : vector<1x128xf32> to vector<128x128xf32>
      %select_n3A_435 = arith.select %gt3A_424, %broadcast_in_dim3A_434, %select_n3A_421 : vector<128x128xi1>, vector<128x128xf32>
      %slice3A_436 = vector.extract_strided_slice %select_n3A {offsets = [0, 3712], sizes = [128, 128], strides = [1, 1]} : vector<128x8192xf32> to vector<128x128xf32>
      %slice3A_437 = vector.extract_strided_slice %get3A_17 {offsets = [0, 3712], sizes = [1, 128], strides = [1, 1]} : vector<1x8192xf32> to vector<1x128xf32>
      %gt3A_438 = arith.cmpf ogt, %slice3A_436, %select_n3A_432 : vector<128x128xf32>
      %gt3A_439 = arith.cmpf ogt, %slice3A_436, %select_n3A_427 : vector<128x128xf32>
      %select_n3A_440 = arith.select %gt3A_439, %slice3A_436, %select_n3A_427 : vector<128x128xi1>, vector<128x128xf32>
      %select_n3A_441 = arith.select %gt3A_438, %select_n3A_432, %select_n3A_440 : vector<128x128xi1>, vector<128x128xf32>
      %broadcast_in_dim3A_442 = vector.shape_cast %slice3A_437 : vector<1x128xf32> to vector<1x128xf32>
      %broadcast_in_dim3A_443 = vector.broadcast %broadcast_in_dim3A_442 : vector<1x128xf32> to vector<128x128xf32>
      %select_n3A_444 = arith.select %gt3A_439, %broadcast_in_dim3A_443, %select_n3A_431 : vector<128x128xi1>, vector<128x128xf32>
      %select_n3A_445 = arith.select %gt3A_438, %select_n3A_435, %select_n3A_444 : vector<128x128xi1>, vector<128x128xf32>
      %select_n3A_446 = arith.select %gt3A_438, %slice3A_436, %select_n3A_432 : vector<128x128xi1>, vector<128x128xf32>
      %broadcast_in_dim3A_447 = vector.shape_cast %slice3A_437 : vector<1x128xf32> to vector<1x128xf32>
      %broadcast_in_dim3A_448 = vector.broadcast %broadcast_in_dim3A_447 : vector<1x128xf32> to vector<128x128xf32>
      %select_n3A_449 = arith.select %gt3A_438, %broadcast_in_dim3A_448, %select_n3A_435 : vector<128x128xi1>, vector<128x128xf32>
      %slice3A_450 = vector.extract_strided_slice %select_n3A {offsets = [0, 3840], sizes = [128, 128], strides = [1, 1]} : vector<128x8192xf32> to vector<128x128xf32>
      %slice3A_451 = vector.extract_strided_slice %get3A_17 {offsets = [0, 3840], sizes = [1, 128], strides = [1, 1]} : vector<1x8192xf32> to vector<1x128xf32>
      %gt3A_452 = arith.cmpf ogt, %slice3A_450, %select_n3A_446 : vector<128x128xf32>
      %gt3A_453 = arith.cmpf ogt, %slice3A_450, %select_n3A_441 : vector<128x128xf32>
      %select_n3A_454 = arith.select %gt3A_453, %slice3A_450, %select_n3A_441 : vector<128x128xi1>, vector<128x128xf32>
      %select_n3A_455 = arith.select %gt3A_452, %select_n3A_446, %select_n3A_454 : vector<128x128xi1>, vector<128x128xf32>
      %broadcast_in_dim3A_456 = vector.shape_cast %slice3A_451 : vector<1x128xf32> to vector<1x128xf32>
      %broadcast_in_dim3A_457 = vector.broadcast %broadcast_in_dim3A_456 : vector<1x128xf32> to vector<128x128xf32>
      %select_n3A_458 = arith.select %gt3A_453, %broadcast_in_dim3A_457, %select_n3A_445 : vector<128x128xi1>, vector<128x128xf32>
      %select_n3A_459 = arith.select %gt3A_452, %select_n3A_449, %select_n3A_458 : vector<128x128xi1>, vector<128x128xf32>
      %select_n3A_460 = arith.select %gt3A_452, %slice3A_450, %select_n3A_446 : vector<128x128xi1>, vector<128x128xf32>
      %broadcast_in_dim3A_461 = vector.shape_cast %slice3A_451 : vector<1x128xf32> to vector<1x128xf32>
      %broadcast_in_dim3A_462 = vector.broadcast %broadcast_in_dim3A_461 : vector<1x128xf32> to vector<128x128xf32>
      %select_n3A_463 = arith.select %gt3A_452, %broadcast_in_dim3A_462, %select_n3A_449 : vector<128x128xi1>, vector<128x128xf32>
      %slice3A_464 = vector.extract_strided_slice %select_n3A {offsets = [0, 3968], sizes = [128, 128], strides = [1, 1]} : vector<128x8192xf32> to vector<128x128xf32>
      %slice3A_465 = vector.extract_strided_slice %get3A_17 {offsets = [0, 3968], sizes = [1, 128], strides = [1, 1]} : vector<1x8192xf32> to vector<1x128xf32>
      %gt3A_466 = arith.cmpf ogt, %slice3A_464, %select_n3A_460 : vector<128x128xf32>
      %gt3A_467 = arith.cmpf ogt, %slice3A_464, %select_n3A_455 : vector<128x128xf32>
      %select_n3A_468 = arith.select %gt3A_467, %slice3A_464, %select_n3A_455 : vector<128x128xi1>, vector<128x128xf32>
      %select_n3A_469 = arith.select %gt3A_466, %select_n3A_460, %select_n3A_468 : vector<128x128xi1>, vector<128x128xf32>
      %broadcast_in_dim3A_470 = vector.shape_cast %slice3A_465 : vector<1x128xf32> to vector<1x128xf32>
      %broadcast_in_dim3A_471 = vector.broadcast %broadcast_in_dim3A_470 : vector<1x128xf32> to vector<128x128xf32>
      %select_n3A_472 = arith.select %gt3A_467, %broadcast_in_dim3A_471, %select_n3A_459 : vector<128x128xi1>, vector<128x128xf32>
      %select_n3A_473 = arith.select %gt3A_466, %select_n3A_463, %select_n3A_472 : vector<128x128xi1>, vector<128x128xf32>
      %select_n3A_474 = arith.select %gt3A_466, %slice3A_464, %select_n3A_460 : vector<128x128xi1>, vector<128x128xf32>
      %broadcast_in_dim3A_475 = vector.shape_cast %slice3A_465 : vector<1x128xf32> to vector<1x128xf32>
      %broadcast_in_dim3A_476 = vector.broadcast %broadcast_in_dim3A_475 : vector<1x128xf32> to vector<128x128xf32>
      %select_n3A_477 = arith.select %gt3A_466, %broadcast_in_dim3A_476, %select_n3A_463 : vector<128x128xi1>, vector<128x128xf32>
      %slice3A_478 = vector.extract_strided_slice %select_n3A {offsets = [0, 4096], sizes = [128, 128], strides = [1, 1]} : vector<128x8192xf32> to vector<128x128xf32>
      %slice3A_479 = vector.extract_strided_slice %get3A_17 {offsets = [0, 4096], sizes = [1, 128], strides = [1, 1]} : vector<1x8192xf32> to vector<1x128xf32>
      %gt3A_480 = arith.cmpf ogt, %slice3A_478, %select_n3A_474 : vector<128x128xf32>
      %gt3A_481 = arith.cmpf ogt, %slice3A_478, %select_n3A_469 : vector<128x128xf32>
      %select_n3A_482 = arith.select %gt3A_481, %slice3A_478, %select_n3A_469 : vector<128x128xi1>, vector<128x128xf32>
      %select_n3A_483 = arith.select %gt3A_480, %select_n3A_474, %select_n3A_482 : vector<128x128xi1>, vector<128x128xf32>
      %broadcast_in_dim3A_484 = vector.shape_cast %slice3A_479 : vector<1x128xf32> to vector<1x128xf32>
      %broadcast_in_dim3A_485 = vector.broadcast %broadcast_in_dim3A_484 : vector<1x128xf32> to vector<128x128xf32>
      %select_n3A_486 = arith.select %gt3A_481, %broadcast_in_dim3A_485, %select_n3A_473 : vector<128x128xi1>, vector<128x128xf32>
      %select_n3A_487 = arith.select %gt3A_480, %select_n3A_477, %select_n3A_486 : vector<128x128xi1>, vector<128x128xf32>
      %select_n3A_488 = arith.select %gt3A_480, %slice3A_478, %select_n3A_474 : vector<128x128xi1>, vector<128x128xf32>
      %broadcast_in_dim3A_489 = vector.shape_cast %slice3A_479 : vector<1x128xf32> to vector<1x128xf32>
      %broadcast_in_dim3A_490 = vector.broadcast %broadcast_in_dim3A_489 : vector<1x128xf32> to vector<128x128xf32>
      %select_n3A_491 = arith.select %gt3A_480, %broadcast_in_dim3A_490, %select_n3A_477 : vector<128x128xi1>, vector<128x128xf32>
      %slice3A_492 = vector.extract_strided_slice %select_n3A {offsets = [0, 4224], sizes = [128, 128], strides = [1, 1]} : vector<128x8192xf32> to vector<128x128xf32>
      %slice3A_493 = vector.extract_strided_slice %get3A_17 {offsets = [0, 4224], sizes = [1, 128], strides = [1, 1]} : vector<1x8192xf32> to vector<1x128xf32>
      %gt3A_494 = arith.cmpf ogt, %slice3A_492, %select_n3A_488 : vector<128x128xf32>
      %gt3A_495 = arith.cmpf ogt, %slice3A_492, %select_n3A_483 : vector<128x128xf32>
      %select_n3A_496 = arith.select %gt3A_495, %slice3A_492, %select_n3A_483 : vector<128x128xi1>, vector<128x128xf32>
      %select_n3A_497 = arith.select %gt3A_494, %select_n3A_488, %select_n3A_496 : vector<128x128xi1>, vector<128x128xf32>
      %broadcast_in_dim3A_498 = vector.shape_cast %slice3A_493 : vector<1x128xf32> to vector<1x128xf32>
      %broadcast_in_dim3A_499 = vector.broadcast %broadcast_in_dim3A_498 : vector<1x128xf32> to vector<128x128xf32>
      %select_n3A_500 = arith.select %gt3A_495, %broadcast_in_dim3A_499, %select_n3A_487 : vector<128x128xi1>, vector<128x128xf32>
      %select_n3A_501 = arith.select %gt3A_494, %select_n3A_491, %select_n3A_500 : vector<128x128xi1>, vector<128x128xf32>
      %select_n3A_502 = arith.select %gt3A_494, %slice3A_492, %select_n3A_488 : vector<128x128xi1>, vector<128x128xf32>
      %broadcast_in_dim3A_503 = vector.shape_cast %slice3A_493 : vector<1x128xf32> to vector<1x128xf32>
      %broadcast_in_dim3A_504 = vector.broadcast %broadcast_in_dim3A_503 : vector<1x128xf32> to vector<128x128xf32>
      %select_n3A_505 = arith.select %gt3A_494, %broadcast_in_dim3A_504, %select_n3A_491 : vector<128x128xi1>, vector<128x128xf32>
      %slice3A_506 = vector.extract_strided_slice %select_n3A {offsets = [0, 4352], sizes = [128, 128], strides = [1, 1]} : vector<128x8192xf32> to vector<128x128xf32>
      %slice3A_507 = vector.extract_strided_slice %get3A_17 {offsets = [0, 4352], sizes = [1, 128], strides = [1, 1]} : vector<1x8192xf32> to vector<1x128xf32>
      %gt3A_508 = arith.cmpf ogt, %slice3A_506, %select_n3A_502 : vector<128x128xf32>
      %gt3A_509 = arith.cmpf ogt, %slice3A_506, %select_n3A_497 : vector<128x128xf32>
      %select_n3A_510 = arith.select %gt3A_509, %slice3A_506, %select_n3A_497 : vector<128x128xi1>, vector<128x128xf32>
      %select_n3A_511 = arith.select %gt3A_508, %select_n3A_502, %select_n3A_510 : vector<128x128xi1>, vector<128x128xf32>
      %broadcast_in_dim3A_512 = vector.shape_cast %slice3A_507 : vector<1x128xf32> to vector<1x128xf32>
      %broadcast_in_dim3A_513 = vector.broadcast %broadcast_in_dim3A_512 : vector<1x128xf32> to vector<128x128xf32>
      %select_n3A_514 = arith.select %gt3A_509, %broadcast_in_dim3A_513, %select_n3A_501 : vector<128x128xi1>, vector<128x128xf32>
      %select_n3A_515 = arith.select %gt3A_508, %select_n3A_505, %select_n3A_514 : vector<128x128xi1>, vector<128x128xf32>
      %select_n3A_516 = arith.select %gt3A_508, %slice3A_506, %select_n3A_502 : vector<128x128xi1>, vector<128x128xf32>
      %broadcast_in_dim3A_517 = vector.shape_cast %slice3A_507 : vector<1x128xf32> to vector<1x128xf32>
      %broadcast_in_dim3A_518 = vector.broadcast %broadcast_in_dim3A_517 : vector<1x128xf32> to vector<128x128xf32>
      %select_n3A_519 = arith.select %gt3A_508, %broadcast_in_dim3A_518, %select_n3A_505 : vector<128x128xi1>, vector<128x128xf32>
      %slice3A_520 = vector.extract_strided_slice %select_n3A {offsets = [0, 4480], sizes = [128, 128], strides = [1, 1]} : vector<128x8192xf32> to vector<128x128xf32>
      %slice3A_521 = vector.extract_strided_slice %get3A_17 {offsets = [0, 4480], sizes = [1, 128], strides = [1, 1]} : vector<1x8192xf32> to vector<1x128xf32>
      %gt3A_522 = arith.cmpf ogt, %slice3A_520, %select_n3A_516 : vector<128x128xf32>
      %gt3A_523 = arith.cmpf ogt, %slice3A_520, %select_n3A_511 : vector<128x128xf32>
      %select_n3A_524 = arith.select %gt3A_523, %slice3A_520, %select_n3A_511 : vector<128x128xi1>, vector<128x128xf32>
      %select_n3A_525 = arith.select %gt3A_522, %select_n3A_516, %select_n3A_524 : vector<128x128xi1>, vector<128x128xf32>
      %broadcast_in_dim3A_526 = vector.shape_cast %slice3A_521 : vector<1x128xf32> to vector<1x128xf32>
      %broadcast_in_dim3A_527 = vector.broadcast %broadcast_in_dim3A_526 : vector<1x128xf32> to vector<128x128xf32>
      %select_n3A_528 = arith.select %gt3A_523, %broadcast_in_dim3A_527, %select_n3A_515 : vector<128x128xi1>, vector<128x128xf32>
      %select_n3A_529 = arith.select %gt3A_522, %select_n3A_519, %select_n3A_528 : vector<128x128xi1>, vector<128x128xf32>
      %select_n3A_530 = arith.select %gt3A_522, %slice3A_520, %select_n3A_516 : vector<128x128xi1>, vector<128x128xf32>
      %broadcast_in_dim3A_531 = vector.shape_cast %slice3A_521 : vector<1x128xf32> to vector<1x128xf32>
      %broadcast_in_dim3A_532 = vector.broadcast %broadcast_in_dim3A_531 : vector<1x128xf32> to vector<128x128xf32>
      %select_n3A_533 = arith.select %gt3A_522, %broadcast_in_dim3A_532, %select_n3A_519 : vector<128x128xi1>, vector<128x128xf32>
      %slice3A_534 = vector.extract_strided_slice %select_n3A {offsets = [0, 4608], sizes = [128, 128], strides = [1, 1]} : vector<128x8192xf32> to vector<128x128xf32>
      %slice3A_535 = vector.extract_strided_slice %get3A_17 {offsets = [0, 4608], sizes = [1, 128], strides = [1, 1]} : vector<1x8192xf32> to vector<1x128xf32>
      %gt3A_536 = arith.cmpf ogt, %slice3A_534, %select_n3A_530 : vector<128x128xf32>
      %gt3A_537 = arith.cmpf ogt, %slice3A_534, %select_n3A_525 : vector<128x128xf32>
      %select_n3A_538 = arith.select %gt3A_537, %slice3A_534, %select_n3A_525 : vector<128x128xi1>, vector<128x128xf32>
      %select_n3A_539 = arith.select %gt3A_536, %select_n3A_530, %select_n3A_538 : vector<128x128xi1>, vector<128x128xf32>
      %broadcast_in_dim3A_540 = vector.shape_cast %slice3A_535 : vector<1x128xf32> to vector<1x128xf32>
      %broadcast_in_dim3A_541 = vector.broadcast %broadcast_in_dim3A_540 : vector<1x128xf32> to vector<128x128xf32>
      %select_n3A_542 = arith.select %gt3A_537, %broadcast_in_dim3A_541, %select_n3A_529 : vector<128x128xi1>, vector<128x128xf32>
      %select_n3A_543 = arith.select %gt3A_536, %select_n3A_533, %select_n3A_542 : vector<128x128xi1>, vector<128x128xf32>
      %select_n3A_544 = arith.select %gt3A_536, %slice3A_534, %select_n3A_530 : vector<128x128xi1>, vector<128x128xf32>
      %broadcast_in_dim3A_545 = vector.shape_cast %slice3A_535 : vector<1x128xf32> to vector<1x128xf32>
      %broadcast_in_dim3A_546 = vector.broadcast %broadcast_in_dim3A_545 : vector<1x128xf32> to vector<128x128xf32>
      %select_n3A_547 = arith.select %gt3A_536, %broadcast_in_dim3A_546, %select_n3A_533 : vector<128x128xi1>, vector<128x128xf32>
      %slice3A_548 = vector.extract_strided_slice %select_n3A {offsets = [0, 4736], sizes = [128, 128], strides = [1, 1]} : vector<128x8192xf32> to vector<128x128xf32>
      %slice3A_549 = vector.extract_strided_slice %get3A_17 {offsets = [0, 4736], sizes = [1, 128], strides = [1, 1]} : vector<1x8192xf32> to vector<1x128xf32>
      %gt3A_550 = arith.cmpf ogt, %slice3A_548, %select_n3A_544 : vector<128x128xf32>
      %gt3A_551 = arith.cmpf ogt, %slice3A_548, %select_n3A_539 : vector<128x128xf32>
      %select_n3A_552 = arith.select %gt3A_551, %slice3A_548, %select_n3A_539 : vector<128x128xi1>, vector<128x128xf32>
      %select_n3A_553 = arith.select %gt3A_550, %select_n3A_544, %select_n3A_552 : vector<128x128xi1>, vector<128x128xf32>
      %broadcast_in_dim3A_554 = vector.shape_cast %slice3A_549 : vector<1x128xf32> to vector<1x128xf32>
      %broadcast_in_dim3A_555 = vector.broadcast %broadcast_in_dim3A_554 : vector<1x128xf32> to vector<128x128xf32>
      %select_n3A_556 = arith.select %gt3A_551, %broadcast_in_dim3A_555, %select_n3A_543 : vector<128x128xi1>, vector<128x128xf32>
      %select_n3A_557 = arith.select %gt3A_550, %select_n3A_547, %select_n3A_556 : vector<128x128xi1>, vector<128x128xf32>
      %select_n3A_558 = arith.select %gt3A_550, %slice3A_548, %select_n3A_544 : vector<128x128xi1>, vector<128x128xf32>
      %broadcast_in_dim3A_559 = vector.shape_cast %slice3A_549 : vector<1x128xf32> to vector<1x128xf32>
      %broadcast_in_dim3A_560 = vector.broadcast %broadcast_in_dim3A_559 : vector<1x128xf32> to vector<128x128xf32>
      %select_n3A_561 = arith.select %gt3A_550, %broadcast_in_dim3A_560, %select_n3A_547 : vector<128x128xi1>, vector<128x128xf32>
      %slice3A_562 = vector.extract_strided_slice %select_n3A {offsets = [0, 4864], sizes = [128, 128], strides = [1, 1]} : vector<128x8192xf32> to vector<128x128xf32>
      %slice3A_563 = vector.extract_strided_slice %get3A_17 {offsets = [0, 4864], sizes = [1, 128], strides = [1, 1]} : vector<1x8192xf32> to vector<1x128xf32>
      %gt3A_564 = arith.cmpf ogt, %slice3A_562, %select_n3A_558 : vector<128x128xf32>
      %gt3A_565 = arith.cmpf ogt, %slice3A_562, %select_n3A_553 : vector<128x128xf32>
      %select_n3A_566 = arith.select %gt3A_565, %slice3A_562, %select_n3A_553 : vector<128x128xi1>, vector<128x128xf32>
      %select_n3A_567 = arith.select %gt3A_564, %select_n3A_558, %select_n3A_566 : vector<128x128xi1>, vector<128x128xf32>
      %broadcast_in_dim3A_568 = vector.shape_cast %slice3A_563 : vector<1x128xf32> to vector<1x128xf32>
      %broadcast_in_dim3A_569 = vector.broadcast %broadcast_in_dim3A_568 : vector<1x128xf32> to vector<128x128xf32>
      %select_n3A_570 = arith.select %gt3A_565, %broadcast_in_dim3A_569, %select_n3A_557 : vector<128x128xi1>, vector<128x128xf32>
      %select_n3A_571 = arith.select %gt3A_564, %select_n3A_561, %select_n3A_570 : vector<128x128xi1>, vector<128x128xf32>
      %select_n3A_572 = arith.select %gt3A_564, %slice3A_562, %select_n3A_558 : vector<128x128xi1>, vector<128x128xf32>
      %broadcast_in_dim3A_573 = vector.shape_cast %slice3A_563 : vector<1x128xf32> to vector<1x128xf32>
      %broadcast_in_dim3A_574 = vector.broadcast %broadcast_in_dim3A_573 : vector<1x128xf32> to vector<128x128xf32>
      %select_n3A_575 = arith.select %gt3A_564, %broadcast_in_dim3A_574, %select_n3A_561 : vector<128x128xi1>, vector<128x128xf32>
      %slice3A_576 = vector.extract_strided_slice %select_n3A {offsets = [0, 4992], sizes = [128, 128], strides = [1, 1]} : vector<128x8192xf32> to vector<128x128xf32>
      %slice3A_577 = vector.extract_strided_slice %get3A_17 {offsets = [0, 4992], sizes = [1, 128], strides = [1, 1]} : vector<1x8192xf32> to vector<1x128xf32>
      %gt3A_578 = arith.cmpf ogt, %slice3A_576, %select_n3A_572 : vector<128x128xf32>
      %gt3A_579 = arith.cmpf ogt, %slice3A_576, %select_n3A_567 : vector<128x128xf32>
      %select_n3A_580 = arith.select %gt3A_579, %slice3A_576, %select_n3A_567 : vector<128x128xi1>, vector<128x128xf32>
      %select_n3A_581 = arith.select %gt3A_578, %select_n3A_572, %select_n3A_580 : vector<128x128xi1>, vector<128x128xf32>
      %broadcast_in_dim3A_582 = vector.shape_cast %slice3A_577 : vector<1x128xf32> to vector<1x128xf32>
      %broadcast_in_dim3A_583 = vector.broadcast %broadcast_in_dim3A_582 : vector<1x128xf32> to vector<128x128xf32>
      %select_n3A_584 = arith.select %gt3A_579, %broadcast_in_dim3A_583, %select_n3A_571 : vector<128x128xi1>, vector<128x128xf32>
      %select_n3A_585 = arith.select %gt3A_578, %select_n3A_575, %select_n3A_584 : vector<128x128xi1>, vector<128x128xf32>
      %select_n3A_586 = arith.select %gt3A_578, %slice3A_576, %select_n3A_572 : vector<128x128xi1>, vector<128x128xf32>
      %broadcast_in_dim3A_587 = vector.shape_cast %slice3A_577 : vector<1x128xf32> to vector<1x128xf32>
      %broadcast_in_dim3A_588 = vector.broadcast %broadcast_in_dim3A_587 : vector<1x128xf32> to vector<128x128xf32>
      %select_n3A_589 = arith.select %gt3A_578, %broadcast_in_dim3A_588, %select_n3A_575 : vector<128x128xi1>, vector<128x128xf32>
      %slice3A_590 = vector.extract_strided_slice %select_n3A {offsets = [0, 5120], sizes = [128, 128], strides = [1, 1]} : vector<128x8192xf32> to vector<128x128xf32>
      %slice3A_591 = vector.extract_strided_slice %get3A_17 {offsets = [0, 5120], sizes = [1, 128], strides = [1, 1]} : vector<1x8192xf32> to vector<1x128xf32>
      %gt3A_592 = arith.cmpf ogt, %slice3A_590, %select_n3A_586 : vector<128x128xf32>
      %gt3A_593 = arith.cmpf ogt, %slice3A_590, %select_n3A_581 : vector<128x128xf32>
      %select_n3A_594 = arith.select %gt3A_593, %slice3A_590, %select_n3A_581 : vector<128x128xi1>, vector<128x128xf32>
      %select_n3A_595 = arith.select %gt3A_592, %select_n3A_586, %select_n3A_594 : vector<128x128xi1>, vector<128x128xf32>
      %broadcast_in_dim3A_596 = vector.shape_cast %slice3A_591 : vector<1x128xf32> to vector<1x128xf32>
      %broadcast_in_dim3A_597 = vector.broadcast %broadcast_in_dim3A_596 : vector<1x128xf32> to vector<128x128xf32>
      %select_n3A_598 = arith.select %gt3A_593, %broadcast_in_dim3A_597, %select_n3A_585 : vector<128x128xi1>, vector<128x128xf32>
      %select_n3A_599 = arith.select %gt3A_592, %select_n3A_589, %select_n3A_598 : vector<128x128xi1>, vector<128x128xf32>
      %select_n3A_600 = arith.select %gt3A_592, %slice3A_590, %select_n3A_586 : vector<128x128xi1>, vector<128x128xf32>
      %broadcast_in_dim3A_601 = vector.shape_cast %slice3A_591 : vector<1x128xf32> to vector<1x128xf32>
      %broadcast_in_dim3A_602 = vector.broadcast %broadcast_in_dim3A_601 : vector<1x128xf32> to vector<128x128xf32>
      %select_n3A_603 = arith.select %gt3A_592, %broadcast_in_dim3A_602, %select_n3A_589 : vector<128x128xi1>, vector<128x128xf32>
      %slice3A_604 = vector.extract_strided_slice %select_n3A {offsets = [0, 5248], sizes = [128, 128], strides = [1, 1]} : vector<128x8192xf32> to vector<128x128xf32>
      %slice3A_605 = vector.extract_strided_slice %get3A_17 {offsets = [0, 5248], sizes = [1, 128], strides = [1, 1]} : vector<1x8192xf32> to vector<1x128xf32>
      %gt3A_606 = arith.cmpf ogt, %slice3A_604, %select_n3A_600 : vector<128x128xf32>
      %gt3A_607 = arith.cmpf ogt, %slice3A_604, %select_n3A_595 : vector<128x128xf32>
      %select_n3A_608 = arith.select %gt3A_607, %slice3A_604, %select_n3A_595 : vector<128x128xi1>, vector<128x128xf32>
      %select_n3A_609 = arith.select %gt3A_606, %select_n3A_600, %select_n3A_608 : vector<128x128xi1>, vector<128x128xf32>
      %broadcast_in_dim3A_610 = vector.shape_cast %slice3A_605 : vector<1x128xf32> to vector<1x128xf32>
      %broadcast_in_dim3A_611 = vector.broadcast %broadcast_in_dim3A_610 : vector<1x128xf32> to vector<128x128xf32>
      %select_n3A_612 = arith.select %gt3A_607, %broadcast_in_dim3A_611, %select_n3A_599 : vector<128x128xi1>, vector<128x128xf32>
      %select_n3A_613 = arith.select %gt3A_606, %select_n3A_603, %select_n3A_612 : vector<128x128xi1>, vector<128x128xf32>
      %select_n3A_614 = arith.select %gt3A_606, %slice3A_604, %select_n3A_600 : vector<128x128xi1>, vector<128x128xf32>
      %broadcast_in_dim3A_615 = vector.shape_cast %slice3A_605 : vector<1x128xf32> to vector<1x128xf32>
      %broadcast_in_dim3A_616 = vector.broadcast %broadcast_in_dim3A_615 : vector<1x128xf32> to vector<128x128xf32>
      %select_n3A_617 = arith.select %gt3A_606, %broadcast_in_dim3A_616, %select_n3A_603 : vector<128x128xi1>, vector<128x128xf32>
      %slice3A_618 = vector.extract_strided_slice %select_n3A {offsets = [0, 5376], sizes = [128, 128], strides = [1, 1]} : vector<128x8192xf32> to vector<128x128xf32>
      %slice3A_619 = vector.extract_strided_slice %get3A_17 {offsets = [0, 5376], sizes = [1, 128], strides = [1, 1]} : vector<1x8192xf32> to vector<1x128xf32>
      %gt3A_620 = arith.cmpf ogt, %slice3A_618, %select_n3A_614 : vector<128x128xf32>
      %gt3A_621 = arith.cmpf ogt, %slice3A_618, %select_n3A_609 : vector<128x128xf32>
      %select_n3A_622 = arith.select %gt3A_621, %slice3A_618, %select_n3A_609 : vector<128x128xi1>, vector<128x128xf32>
      %select_n3A_623 = arith.select %gt3A_620, %select_n3A_614, %select_n3A_622 : vector<128x128xi1>, vector<128x128xf32>
      %broadcast_in_dim3A_624 = vector.shape_cast %slice3A_619 : vector<1x128xf32> to vector<1x128xf32>
      %broadcast_in_dim3A_625 = vector.broadcast %broadcast_in_dim3A_624 : vector<1x128xf32> to vector<128x128xf32>
      %select_n3A_626 = arith.select %gt3A_621, %broadcast_in_dim3A_625, %select_n3A_613 : vector<128x128xi1>, vector<128x128xf32>
      %select_n3A_627 = arith.select %gt3A_620, %select_n3A_617, %select_n3A_626 : vector<128x128xi1>, vector<128x128xf32>
      %select_n3A_628 = arith.select %gt3A_620, %slice3A_618, %select_n3A_614 : vector<128x128xi1>, vector<128x128xf32>
      %broadcast_in_dim3A_629 = vector.shape_cast %slice3A_619 : vector<1x128xf32> to vector<1x128xf32>
      %broadcast_in_dim3A_630 = vector.broadcast %broadcast_in_dim3A_629 : vector<1x128xf32> to vector<128x128xf32>
      %select_n3A_631 = arith.select %gt3A_620, %broadcast_in_dim3A_630, %select_n3A_617 : vector<128x128xi1>, vector<128x128xf32>
      %slice3A_632 = vector.extract_strided_slice %select_n3A {offsets = [0, 5504], sizes = [128, 128], strides = [1, 1]} : vector<128x8192xf32> to vector<128x128xf32>
      %slice3A_633 = vector.extract_strided_slice %get3A_17 {offsets = [0, 5504], sizes = [1, 128], strides = [1, 1]} : vector<1x8192xf32> to vector<1x128xf32>
      %gt3A_634 = arith.cmpf ogt, %slice3A_632, %select_n3A_628 : vector<128x128xf32>
      %gt3A_635 = arith.cmpf ogt, %slice3A_632, %select_n3A_623 : vector<128x128xf32>
      %select_n3A_636 = arith.select %gt3A_635, %slice3A_632, %select_n3A_623 : vector<128x128xi1>, vector<128x128xf32>
      %select_n3A_637 = arith.select %gt3A_634, %select_n3A_628, %select_n3A_636 : vector<128x128xi1>, vector<128x128xf32>
      %broadcast_in_dim3A_638 = vector.shape_cast %slice3A_633 : vector<1x128xf32> to vector<1x128xf32>
      %broadcast_in_dim3A_639 = vector.broadcast %broadcast_in_dim3A_638 : vector<1x128xf32> to vector<128x128xf32>
      %select_n3A_640 = arith.select %gt3A_635, %broadcast_in_dim3A_639, %select_n3A_627 : vector<128x128xi1>, vector<128x128xf32>
      %select_n3A_641 = arith.select %gt3A_634, %select_n3A_631, %select_n3A_640 : vector<128x128xi1>, vector<128x128xf32>
      %select_n3A_642 = arith.select %gt3A_634, %slice3A_632, %select_n3A_628 : vector<128x128xi1>, vector<128x128xf32>
      %broadcast_in_dim3A_643 = vector.shape_cast %slice3A_633 : vector<1x128xf32> to vector<1x128xf32>
      %broadcast_in_dim3A_644 = vector.broadcast %broadcast_in_dim3A_643 : vector<1x128xf32> to vector<128x128xf32>
      %select_n3A_645 = arith.select %gt3A_634, %broadcast_in_dim3A_644, %select_n3A_631 : vector<128x128xi1>, vector<128x128xf32>
      %slice3A_646 = vector.extract_strided_slice %select_n3A {offsets = [0, 5632], sizes = [128, 128], strides = [1, 1]} : vector<128x8192xf32> to vector<128x128xf32>
      %slice3A_647 = vector.extract_strided_slice %get3A_17 {offsets = [0, 5632], sizes = [1, 128], strides = [1, 1]} : vector<1x8192xf32> to vector<1x128xf32>
      %gt3A_648 = arith.cmpf ogt, %slice3A_646, %select_n3A_642 : vector<128x128xf32>
      %gt3A_649 = arith.cmpf ogt, %slice3A_646, %select_n3A_637 : vector<128x128xf32>
      %select_n3A_650 = arith.select %gt3A_649, %slice3A_646, %select_n3A_637 : vector<128x128xi1>, vector<128x128xf32>
      %select_n3A_651 = arith.select %gt3A_648, %select_n3A_642, %select_n3A_650 : vector<128x128xi1>, vector<128x128xf32>
      %broadcast_in_dim3A_652 = vector.shape_cast %slice3A_647 : vector<1x128xf32> to vector<1x128xf32>
      %broadcast_in_dim3A_653 = vector.broadcast %broadcast_in_dim3A_652 : vector<1x128xf32> to vector<128x128xf32>
      %select_n3A_654 = arith.select %gt3A_649, %broadcast_in_dim3A_653, %select_n3A_641 : vector<128x128xi1>, vector<128x128xf32>
      %select_n3A_655 = arith.select %gt3A_648, %select_n3A_645, %select_n3A_654 : vector<128x128xi1>, vector<128x128xf32>
      %select_n3A_656 = arith.select %gt3A_648, %slice3A_646, %select_n3A_642 : vector<128x128xi1>, vector<128x128xf32>
      %broadcast_in_dim3A_657 = vector.shape_cast %slice3A_647 : vector<1x128xf32> to vector<1x128xf32>
      %broadcast_in_dim3A_658 = vector.broadcast %broadcast_in_dim3A_657 : vector<1x128xf32> to vector<128x128xf32>
      %select_n3A_659 = arith.select %gt3A_648, %broadcast_in_dim3A_658, %select_n3A_645 : vector<128x128xi1>, vector<128x128xf32>
      %slice3A_660 = vector.extract_strided_slice %select_n3A {offsets = [0, 5760], sizes = [128, 128], strides = [1, 1]} : vector<128x8192xf32> to vector<128x128xf32>
      %slice3A_661 = vector.extract_strided_slice %get3A_17 {offsets = [0, 5760], sizes = [1, 128], strides = [1, 1]} : vector<1x8192xf32> to vector<1x128xf32>
      %gt3A_662 = arith.cmpf ogt, %slice3A_660, %select_n3A_656 : vector<128x128xf32>
      %gt3A_663 = arith.cmpf ogt, %slice3A_660, %select_n3A_651 : vector<128x128xf32>
      %select_n3A_664 = arith.select %gt3A_663, %slice3A_660, %select_n3A_651 : vector<128x128xi1>, vector<128x128xf32>
      %select_n3A_665 = arith.select %gt3A_662, %select_n3A_656, %select_n3A_664 : vector<128x128xi1>, vector<128x128xf32>
      %broadcast_in_dim3A_666 = vector.shape_cast %slice3A_661 : vector<1x128xf32> to vector<1x128xf32>
      %broadcast_in_dim3A_667 = vector.broadcast %broadcast_in_dim3A_666 : vector<1x128xf32> to vector<128x128xf32>
      %select_n3A_668 = arith.select %gt3A_663, %broadcast_in_dim3A_667, %select_n3A_655 : vector<128x128xi1>, vector<128x128xf32>
      %select_n3A_669 = arith.select %gt3A_662, %select_n3A_659, %select_n3A_668 : vector<128x128xi1>, vector<128x128xf32>
      %select_n3A_670 = arith.select %gt3A_662, %slice3A_660, %select_n3A_656 : vector<128x128xi1>, vector<128x128xf32>
      %broadcast_in_dim3A_671 = vector.shape_cast %slice3A_661 : vector<1x128xf32> to vector<1x128xf32>
      %broadcast_in_dim3A_672 = vector.broadcast %broadcast_in_dim3A_671 : vector<1x128xf32> to vector<128x128xf32>
      %select_n3A_673 = arith.select %gt3A_662, %broadcast_in_dim3A_672, %select_n3A_659 : vector<128x128xi1>, vector<128x128xf32>
      %slice3A_674 = vector.extract_strided_slice %select_n3A {offsets = [0, 5888], sizes = [128, 128], strides = [1, 1]} : vector<128x8192xf32> to vector<128x128xf32>
      %slice3A_675 = vector.extract_strided_slice %get3A_17 {offsets = [0, 5888], sizes = [1, 128], strides = [1, 1]} : vector<1x8192xf32> to vector<1x128xf32>
      %gt3A_676 = arith.cmpf ogt, %slice3A_674, %select_n3A_670 : vector<128x128xf32>
      %gt3A_677 = arith.cmpf ogt, %slice3A_674, %select_n3A_665 : vector<128x128xf32>
      %select_n3A_678 = arith.select %gt3A_677, %slice3A_674, %select_n3A_665 : vector<128x128xi1>, vector<128x128xf32>
      %select_n3A_679 = arith.select %gt3A_676, %select_n3A_670, %select_n3A_678 : vector<128x128xi1>, vector<128x128xf32>
      %broadcast_in_dim3A_680 = vector.shape_cast %slice3A_675 : vector<1x128xf32> to vector<1x128xf32>
      %broadcast_in_dim3A_681 = vector.broadcast %broadcast_in_dim3A_680 : vector<1x128xf32> to vector<128x128xf32>
      %select_n3A_682 = arith.select %gt3A_677, %broadcast_in_dim3A_681, %select_n3A_669 : vector<128x128xi1>, vector<128x128xf32>
      %select_n3A_683 = arith.select %gt3A_676, %select_n3A_673, %select_n3A_682 : vector<128x128xi1>, vector<128x128xf32>
      %select_n3A_684 = arith.select %gt3A_676, %slice3A_674, %select_n3A_670 : vector<128x128xi1>, vector<128x128xf32>
      %broadcast_in_dim3A_685 = vector.shape_cast %slice3A_675 : vector<1x128xf32> to vector<1x128xf32>
      %broadcast_in_dim3A_686 = vector.broadcast %broadcast_in_dim3A_685 : vector<1x128xf32> to vector<128x128xf32>
      %select_n3A_687 = arith.select %gt3A_676, %broadcast_in_dim3A_686, %select_n3A_673 : vector<128x128xi1>, vector<128x128xf32>
      %slice3A_688 = vector.extract_strided_slice %select_n3A {offsets = [0, 6016], sizes = [128, 128], strides = [1, 1]} : vector<128x8192xf32> to vector<128x128xf32>
      %slice3A_689 = vector.extract_strided_slice %get3A_17 {offsets = [0, 6016], sizes = [1, 128], strides = [1, 1]} : vector<1x8192xf32> to vector<1x128xf32>
      %gt3A_690 = arith.cmpf ogt, %slice3A_688, %select_n3A_684 : vector<128x128xf32>
      %gt3A_691 = arith.cmpf ogt, %slice3A_688, %select_n3A_679 : vector<128x128xf32>
      %select_n3A_692 = arith.select %gt3A_691, %slice3A_688, %select_n3A_679 : vector<128x128xi1>, vector<128x128xf32>
      %select_n3A_693 = arith.select %gt3A_690, %select_n3A_684, %select_n3A_692 : vector<128x128xi1>, vector<128x128xf32>
      %broadcast_in_dim3A_694 = vector.shape_cast %slice3A_689 : vector<1x128xf32> to vector<1x128xf32>
      %broadcast_in_dim3A_695 = vector.broadcast %broadcast_in_dim3A_694 : vector<1x128xf32> to vector<128x128xf32>
      %select_n3A_696 = arith.select %gt3A_691, %broadcast_in_dim3A_695, %select_n3A_683 : vector<128x128xi1>, vector<128x128xf32>
      %select_n3A_697 = arith.select %gt3A_690, %select_n3A_687, %select_n3A_696 : vector<128x128xi1>, vector<128x128xf32>
      %select_n3A_698 = arith.select %gt3A_690, %slice3A_688, %select_n3A_684 : vector<128x128xi1>, vector<128x128xf32>
      %broadcast_in_dim3A_699 = vector.shape_cast %slice3A_689 : vector<1x128xf32> to vector<1x128xf32>
      %broadcast_in_dim3A_700 = vector.broadcast %broadcast_in_dim3A_699 : vector<1x128xf32> to vector<128x128xf32>
      %select_n3A_701 = arith.select %gt3A_690, %broadcast_in_dim3A_700, %select_n3A_687 : vector<128x128xi1>, vector<128x128xf32>
      %slice3A_702 = vector.extract_strided_slice %select_n3A {offsets = [0, 6144], sizes = [128, 128], strides = [1, 1]} : vector<128x8192xf32> to vector<128x128xf32>
      %slice3A_703 = vector.extract_strided_slice %get3A_17 {offsets = [0, 6144], sizes = [1, 128], strides = [1, 1]} : vector<1x8192xf32> to vector<1x128xf32>
      %gt3A_704 = arith.cmpf ogt, %slice3A_702, %select_n3A_698 : vector<128x128xf32>
      %gt3A_705 = arith.cmpf ogt, %slice3A_702, %select_n3A_693 : vector<128x128xf32>
      %select_n3A_706 = arith.select %gt3A_705, %slice3A_702, %select_n3A_693 : vector<128x128xi1>, vector<128x128xf32>
      %select_n3A_707 = arith.select %gt3A_704, %select_n3A_698, %select_n3A_706 : vector<128x128xi1>, vector<128x128xf32>
      %broadcast_in_dim3A_708 = vector.shape_cast %slice3A_703 : vector<1x128xf32> to vector<1x128xf32>
      %broadcast_in_dim3A_709 = vector.broadcast %broadcast_in_dim3A_708 : vector<1x128xf32> to vector<128x128xf32>
      %select_n3A_710 = arith.select %gt3A_705, %broadcast_in_dim3A_709, %select_n3A_697 : vector<128x128xi1>, vector<128x128xf32>
      %select_n3A_711 = arith.select %gt3A_704, %select_n3A_701, %select_n3A_710 : vector<128x128xi1>, vector<128x128xf32>
      %select_n3A_712 = arith.select %gt3A_704, %slice3A_702, %select_n3A_698 : vector<128x128xi1>, vector<128x128xf32>
      %broadcast_in_dim3A_713 = vector.shape_cast %slice3A_703 : vector<1x128xf32> to vector<1x128xf32>
      %broadcast_in_dim3A_714 = vector.broadcast %broadcast_in_dim3A_713 : vector<1x128xf32> to vector<128x128xf32>
      %select_n3A_715 = arith.select %gt3A_704, %broadcast_in_dim3A_714, %select_n3A_701 : vector<128x128xi1>, vector<128x128xf32>
      %slice3A_716 = vector.extract_strided_slice %select_n3A {offsets = [0, 6272], sizes = [128, 128], strides = [1, 1]} : vector<128x8192xf32> to vector<128x128xf32>
      %slice3A_717 = vector.extract_strided_slice %get3A_17 {offsets = [0, 6272], sizes = [1, 128], strides = [1, 1]} : vector<1x8192xf32> to vector<1x128xf32>
      %gt3A_718 = arith.cmpf ogt, %slice3A_716, %select_n3A_712 : vector<128x128xf32>
      %gt3A_719 = arith.cmpf ogt, %slice3A_716, %select_n3A_707 : vector<128x128xf32>
      %select_n3A_720 = arith.select %gt3A_719, %slice3A_716, %select_n3A_707 : vector<128x128xi1>, vector<128x128xf32>
      %select_n3A_721 = arith.select %gt3A_718, %select_n3A_712, %select_n3A_720 : vector<128x128xi1>, vector<128x128xf32>
      %broadcast_in_dim3A_722 = vector.shape_cast %slice3A_717 : vector<1x128xf32> to vector<1x128xf32>
      %broadcast_in_dim3A_723 = vector.broadcast %broadcast_in_dim3A_722 : vector<1x128xf32> to vector<128x128xf32>
      %select_n3A_724 = arith.select %gt3A_719, %broadcast_in_dim3A_723, %select_n3A_711 : vector<128x128xi1>, vector<128x128xf32>
      %select_n3A_725 = arith.select %gt3A_718, %select_n3A_715, %select_n3A_724 : vector<128x128xi1>, vector<128x128xf32>
      %select_n3A_726 = arith.select %gt3A_718, %slice3A_716, %select_n3A_712 : vector<128x128xi1>, vector<128x128xf32>
      %broadcast_in_dim3A_727 = vector.shape_cast %slice3A_717 : vector<1x128xf32> to vector<1x128xf32>
      %broadcast_in_dim3A_728 = vector.broadcast %broadcast_in_dim3A_727 : vector<1x128xf32> to vector<128x128xf32>
      %select_n3A_729 = arith.select %gt3A_718, %broadcast_in_dim3A_728, %select_n3A_715 : vector<128x128xi1>, vector<128x128xf32>
      %slice3A_730 = vector.extract_strided_slice %select_n3A {offsets = [0, 6400], sizes = [128, 128], strides = [1, 1]} : vector<128x8192xf32> to vector<128x128xf32>
      %slice3A_731 = vector.extract_strided_slice %get3A_17 {offsets = [0, 6400], sizes = [1, 128], strides = [1, 1]} : vector<1x8192xf32> to vector<1x128xf32>
      %gt3A_732 = arith.cmpf ogt, %slice3A_730, %select_n3A_726 : vector<128x128xf32>
      %gt3A_733 = arith.cmpf ogt, %slice3A_730, %select_n3A_721 : vector<128x128xf32>
      %select_n3A_734 = arith.select %gt3A_733, %slice3A_730, %select_n3A_721 : vector<128x128xi1>, vector<128x128xf32>
      %select_n3A_735 = arith.select %gt3A_732, %select_n3A_726, %select_n3A_734 : vector<128x128xi1>, vector<128x128xf32>
      %broadcast_in_dim3A_736 = vector.shape_cast %slice3A_731 : vector<1x128xf32> to vector<1x128xf32>
      %broadcast_in_dim3A_737 = vector.broadcast %broadcast_in_dim3A_736 : vector<1x128xf32> to vector<128x128xf32>
      %select_n3A_738 = arith.select %gt3A_733, %broadcast_in_dim3A_737, %select_n3A_725 : vector<128x128xi1>, vector<128x128xf32>
      %select_n3A_739 = arith.select %gt3A_732, %select_n3A_729, %select_n3A_738 : vector<128x128xi1>, vector<128x128xf32>
      %select_n3A_740 = arith.select %gt3A_732, %slice3A_730, %select_n3A_726 : vector<128x128xi1>, vector<128x128xf32>
      %broadcast_in_dim3A_741 = vector.shape_cast %slice3A_731 : vector<1x128xf32> to vector<1x128xf32>
      %broadcast_in_dim3A_742 = vector.broadcast %broadcast_in_dim3A_741 : vector<1x128xf32> to vector<128x128xf32>
      %select_n3A_743 = arith.select %gt3A_732, %broadcast_in_dim3A_742, %select_n3A_729 : vector<128x128xi1>, vector<128x128xf32>
      %slice3A_744 = vector.extract_strided_slice %select_n3A {offsets = [0, 6528], sizes = [128, 128], strides = [1, 1]} : vector<128x8192xf32> to vector<128x128xf32>
      %slice3A_745 = vector.extract_strided_slice %get3A_17 {offsets = [0, 6528], sizes = [1, 128], strides = [1, 1]} : vector<1x8192xf32> to vector<1x128xf32>
      %gt3A_746 = arith.cmpf ogt, %slice3A_744, %select_n3A_740 : vector<128x128xf32>
      %gt3A_747 = arith.cmpf ogt, %slice3A_744, %select_n3A_735 : vector<128x128xf32>
      %select_n3A_748 = arith.select %gt3A_747, %slice3A_744, %select_n3A_735 : vector<128x128xi1>, vector<128x128xf32>
      %select_n3A_749 = arith.select %gt3A_746, %select_n3A_740, %select_n3A_748 : vector<128x128xi1>, vector<128x128xf32>
      %broadcast_in_dim3A_750 = vector.shape_cast %slice3A_745 : vector<1x128xf32> to vector<1x128xf32>
      %broadcast_in_dim3A_751 = vector.broadcast %broadcast_in_dim3A_750 : vector<1x128xf32> to vector<128x128xf32>
      %select_n3A_752 = arith.select %gt3A_747, %broadcast_in_dim3A_751, %select_n3A_739 : vector<128x128xi1>, vector<128x128xf32>
      %select_n3A_753 = arith.select %gt3A_746, %select_n3A_743, %select_n3A_752 : vector<128x128xi1>, vector<128x128xf32>
      %select_n3A_754 = arith.select %gt3A_746, %slice3A_744, %select_n3A_740 : vector<128x128xi1>, vector<128x128xf32>
      %broadcast_in_dim3A_755 = vector.shape_cast %slice3A_745 : vector<1x128xf32> to vector<1x128xf32>
      %broadcast_in_dim3A_756 = vector.broadcast %broadcast_in_dim3A_755 : vector<1x128xf32> to vector<128x128xf32>
      %select_n3A_757 = arith.select %gt3A_746, %broadcast_in_dim3A_756, %select_n3A_743 : vector<128x128xi1>, vector<128x128xf32>
      %slice3A_758 = vector.extract_strided_slice %select_n3A {offsets = [0, 6656], sizes = [128, 128], strides = [1, 1]} : vector<128x8192xf32> to vector<128x128xf32>
      %slice3A_759 = vector.extract_strided_slice %get3A_17 {offsets = [0, 6656], sizes = [1, 128], strides = [1, 1]} : vector<1x8192xf32> to vector<1x128xf32>
      %gt3A_760 = arith.cmpf ogt, %slice3A_758, %select_n3A_754 : vector<128x128xf32>
      %gt3A_761 = arith.cmpf ogt, %slice3A_758, %select_n3A_749 : vector<128x128xf32>
      %select_n3A_762 = arith.select %gt3A_761, %slice3A_758, %select_n3A_749 : vector<128x128xi1>, vector<128x128xf32>
      %select_n3A_763 = arith.select %gt3A_760, %select_n3A_754, %select_n3A_762 : vector<128x128xi1>, vector<128x128xf32>
      %broadcast_in_dim3A_764 = vector.shape_cast %slice3A_759 : vector<1x128xf32> to vector<1x128xf32>
      %broadcast_in_dim3A_765 = vector.broadcast %broadcast_in_dim3A_764 : vector<1x128xf32> to vector<128x128xf32>
      %select_n3A_766 = arith.select %gt3A_761, %broadcast_in_dim3A_765, %select_n3A_753 : vector<128x128xi1>, vector<128x128xf32>
      %select_n3A_767 = arith.select %gt3A_760, %select_n3A_757, %select_n3A_766 : vector<128x128xi1>, vector<128x128xf32>
      %select_n3A_768 = arith.select %gt3A_760, %slice3A_758, %select_n3A_754 : vector<128x128xi1>, vector<128x128xf32>
      %broadcast_in_dim3A_769 = vector.shape_cast %slice3A_759 : vector<1x128xf32> to vector<1x128xf32>
      %broadcast_in_dim3A_770 = vector.broadcast %broadcast_in_dim3A_769 : vector<1x128xf32> to vector<128x128xf32>
      %select_n3A_771 = arith.select %gt3A_760, %broadcast_in_dim3A_770, %select_n3A_757 : vector<128x128xi1>, vector<128x128xf32>
      %slice3A_772 = vector.extract_strided_slice %select_n3A {offsets = [0, 6784], sizes = [128, 128], strides = [1, 1]} : vector<128x8192xf32> to vector<128x128xf32>
      %slice3A_773 = vector.extract_strided_slice %get3A_17 {offsets = [0, 6784], sizes = [1, 128], strides = [1, 1]} : vector<1x8192xf32> to vector<1x128xf32>
      %gt3A_774 = arith.cmpf ogt, %slice3A_772, %select_n3A_768 : vector<128x128xf32>
      %gt3A_775 = arith.cmpf ogt, %slice3A_772, %select_n3A_763 : vector<128x128xf32>
      %select_n3A_776 = arith.select %gt3A_775, %slice3A_772, %select_n3A_763 : vector<128x128xi1>, vector<128x128xf32>
      %select_n3A_777 = arith.select %gt3A_774, %select_n3A_768, %select_n3A_776 : vector<128x128xi1>, vector<128x128xf32>
      %broadcast_in_dim3A_778 = vector.shape_cast %slice3A_773 : vector<1x128xf32> to vector<1x128xf32>
      %broadcast_in_dim3A_779 = vector.broadcast %broadcast_in_dim3A_778 : vector<1x128xf32> to vector<128x128xf32>
      %select_n3A_780 = arith.select %gt3A_775, %broadcast_in_dim3A_779, %select_n3A_767 : vector<128x128xi1>, vector<128x128xf32>
      %select_n3A_781 = arith.select %gt3A_774, %select_n3A_771, %select_n3A_780 : vector<128x128xi1>, vector<128x128xf32>
      %select_n3A_782 = arith.select %gt3A_774, %slice3A_772, %select_n3A_768 : vector<128x128xi1>, vector<128x128xf32>
      %broadcast_in_dim3A_783 = vector.shape_cast %slice3A_773 : vector<1x128xf32> to vector<1x128xf32>
      %broadcast_in_dim3A_784 = vector.broadcast %broadcast_in_dim3A_783 : vector<1x128xf32> to vector<128x128xf32>
      %select_n3A_785 = arith.select %gt3A_774, %broadcast_in_dim3A_784, %select_n3A_771 : vector<128x128xi1>, vector<128x128xf32>
      %slice3A_786 = vector.extract_strided_slice %select_n3A {offsets = [0, 6912], sizes = [128, 128], strides = [1, 1]} : vector<128x8192xf32> to vector<128x128xf32>
      %slice3A_787 = vector.extract_strided_slice %get3A_17 {offsets = [0, 6912], sizes = [1, 128], strides = [1, 1]} : vector<1x8192xf32> to vector<1x128xf32>
      %gt3A_788 = arith.cmpf ogt, %slice3A_786, %select_n3A_782 : vector<128x128xf32>
      %gt3A_789 = arith.cmpf ogt, %slice3A_786, %select_n3A_777 : vector<128x128xf32>
      %select_n3A_790 = arith.select %gt3A_789, %slice3A_786, %select_n3A_777 : vector<128x128xi1>, vector<128x128xf32>
      %select_n3A_791 = arith.select %gt3A_788, %select_n3A_782, %select_n3A_790 : vector<128x128xi1>, vector<128x128xf32>
      %broadcast_in_dim3A_792 = vector.shape_cast %slice3A_787 : vector<1x128xf32> to vector<1x128xf32>
      %broadcast_in_dim3A_793 = vector.broadcast %broadcast_in_dim3A_792 : vector<1x128xf32> to vector<128x128xf32>
      %select_n3A_794 = arith.select %gt3A_789, %broadcast_in_dim3A_793, %select_n3A_781 : vector<128x128xi1>, vector<128x128xf32>
      %select_n3A_795 = arith.select %gt3A_788, %select_n3A_785, %select_n3A_794 : vector<128x128xi1>, vector<128x128xf32>
      %select_n3A_796 = arith.select %gt3A_788, %slice3A_786, %select_n3A_782 : vector<128x128xi1>, vector<128x128xf32>
      %broadcast_in_dim3A_797 = vector.shape_cast %slice3A_787 : vector<1x128xf32> to vector<1x128xf32>
      %broadcast_in_dim3A_798 = vector.broadcast %broadcast_in_dim3A_797 : vector<1x128xf32> to vector<128x128xf32>
      %select_n3A_799 = arith.select %gt3A_788, %broadcast_in_dim3A_798, %select_n3A_785 : vector<128x128xi1>, vector<128x128xf32>
      %slice3A_800 = vector.extract_strided_slice %select_n3A {offsets = [0, 7040], sizes = [128, 128], strides = [1, 1]} : vector<128x8192xf32> to vector<128x128xf32>
      %slice3A_801 = vector.extract_strided_slice %get3A_17 {offsets = [0, 7040], sizes = [1, 128], strides = [1, 1]} : vector<1x8192xf32> to vector<1x128xf32>
      %gt3A_802 = arith.cmpf ogt, %slice3A_800, %select_n3A_796 : vector<128x128xf32>
      %gt3A_803 = arith.cmpf ogt, %slice3A_800, %select_n3A_791 : vector<128x128xf32>
      %select_n3A_804 = arith.select %gt3A_803, %slice3A_800, %select_n3A_791 : vector<128x128xi1>, vector<128x128xf32>
      %select_n3A_805 = arith.select %gt3A_802, %select_n3A_796, %select_n3A_804 : vector<128x128xi1>, vector<128x128xf32>
      %broadcast_in_dim3A_806 = vector.shape_cast %slice3A_801 : vector<1x128xf32> to vector<1x128xf32>
      %broadcast_in_dim3A_807 = vector.broadcast %broadcast_in_dim3A_806 : vector<1x128xf32> to vector<128x128xf32>
      %select_n3A_808 = arith.select %gt3A_803, %broadcast_in_dim3A_807, %select_n3A_795 : vector<128x128xi1>, vector<128x128xf32>
      %select_n3A_809 = arith.select %gt3A_802, %select_n3A_799, %select_n3A_808 : vector<128x128xi1>, vector<128x128xf32>
      %select_n3A_810 = arith.select %gt3A_802, %slice3A_800, %select_n3A_796 : vector<128x128xi1>, vector<128x128xf32>
      %broadcast_in_dim3A_811 = vector.shape_cast %slice3A_801 : vector<1x128xf32> to vector<1x128xf32>
      %broadcast_in_dim3A_812 = vector.broadcast %broadcast_in_dim3A_811 : vector<1x128xf32> to vector<128x128xf32>
      %select_n3A_813 = arith.select %gt3A_802, %broadcast_in_dim3A_812, %select_n3A_799 : vector<128x128xi1>, vector<128x128xf32>
      %slice3A_814 = vector.extract_strided_slice %select_n3A {offsets = [0, 7168], sizes = [128, 128], strides = [1, 1]} : vector<128x8192xf32> to vector<128x128xf32>
      %slice3A_815 = vector.extract_strided_slice %get3A_17 {offsets = [0, 7168], sizes = [1, 128], strides = [1, 1]} : vector<1x8192xf32> to vector<1x128xf32>
      %gt3A_816 = arith.cmpf ogt, %slice3A_814, %select_n3A_810 : vector<128x128xf32>
      %gt3A_817 = arith.cmpf ogt, %slice3A_814, %select_n3A_805 : vector<128x128xf32>
      %select_n3A_818 = arith.select %gt3A_817, %slice3A_814, %select_n3A_805 : vector<128x128xi1>, vector<128x128xf32>
      %select_n3A_819 = arith.select %gt3A_816, %select_n3A_810, %select_n3A_818 : vector<128x128xi1>, vector<128x128xf32>
      %broadcast_in_dim3A_820 = vector.shape_cast %slice3A_815 : vector<1x128xf32> to vector<1x128xf32>
      %broadcast_in_dim3A_821 = vector.broadcast %broadcast_in_dim3A_820 : vector<1x128xf32> to vector<128x128xf32>
      %select_n3A_822 = arith.select %gt3A_817, %broadcast_in_dim3A_821, %select_n3A_809 : vector<128x128xi1>, vector<128x128xf32>
      %select_n3A_823 = arith.select %gt3A_816, %select_n3A_813, %select_n3A_822 : vector<128x128xi1>, vector<128x128xf32>
      %select_n3A_824 = arith.select %gt3A_816, %slice3A_814, %select_n3A_810 : vector<128x128xi1>, vector<128x128xf32>
      %broadcast_in_dim3A_825 = vector.shape_cast %slice3A_815 : vector<1x128xf32> to vector<1x128xf32>
      %broadcast_in_dim3A_826 = vector.broadcast %broadcast_in_dim3A_825 : vector<1x128xf32> to vector<128x128xf32>
      %select_n3A_827 = arith.select %gt3A_816, %broadcast_in_dim3A_826, %select_n3A_813 : vector<128x128xi1>, vector<128x128xf32>
      %slice3A_828 = vector.extract_strided_slice %select_n3A {offsets = [0, 7296], sizes = [128, 128], strides = [1, 1]} : vector<128x8192xf32> to vector<128x128xf32>
      %slice3A_829 = vector.extract_strided_slice %get3A_17 {offsets = [0, 7296], sizes = [1, 128], strides = [1, 1]} : vector<1x8192xf32> to vector<1x128xf32>
      %gt3A_830 = arith.cmpf ogt, %slice3A_828, %select_n3A_824 : vector<128x128xf32>
      %gt3A_831 = arith.cmpf ogt, %slice3A_828, %select_n3A_819 : vector<128x128xf32>
      %select_n3A_832 = arith.select %gt3A_831, %slice3A_828, %select_n3A_819 : vector<128x128xi1>, vector<128x128xf32>
      %select_n3A_833 = arith.select %gt3A_830, %select_n3A_824, %select_n3A_832 : vector<128x128xi1>, vector<128x128xf32>
      %broadcast_in_dim3A_834 = vector.shape_cast %slice3A_829 : vector<1x128xf32> to vector<1x128xf32>
      %broadcast_in_dim3A_835 = vector.broadcast %broadcast_in_dim3A_834 : vector<1x128xf32> to vector<128x128xf32>
      %select_n3A_836 = arith.select %gt3A_831, %broadcast_in_dim3A_835, %select_n3A_823 : vector<128x128xi1>, vector<128x128xf32>
      %select_n3A_837 = arith.select %gt3A_830, %select_n3A_827, %select_n3A_836 : vector<128x128xi1>, vector<128x128xf32>
      %select_n3A_838 = arith.select %gt3A_830, %slice3A_828, %select_n3A_824 : vector<128x128xi1>, vector<128x128xf32>
      %broadcast_in_dim3A_839 = vector.shape_cast %slice3A_829 : vector<1x128xf32> to vector<1x128xf32>
      %broadcast_in_dim3A_840 = vector.broadcast %broadcast_in_dim3A_839 : vector<1x128xf32> to vector<128x128xf32>
      %select_n3A_841 = arith.select %gt3A_830, %broadcast_in_dim3A_840, %select_n3A_827 : vector<128x128xi1>, vector<128x128xf32>
      %slice3A_842 = vector.extract_strided_slice %select_n3A {offsets = [0, 7424], sizes = [128, 128], strides = [1, 1]} : vector<128x8192xf32> to vector<128x128xf32>
      %slice3A_843 = vector.extract_strided_slice %get3A_17 {offsets = [0, 7424], sizes = [1, 128], strides = [1, 1]} : vector<1x8192xf32> to vector<1x128xf32>
      %gt3A_844 = arith.cmpf ogt, %slice3A_842, %select_n3A_838 : vector<128x128xf32>
      %gt3A_845 = arith.cmpf ogt, %slice3A_842, %select_n3A_833 : vector<128x128xf32>
      %select_n3A_846 = arith.select %gt3A_845, %slice3A_842, %select_n3A_833 : vector<128x128xi1>, vector<128x128xf32>
      %select_n3A_847 = arith.select %gt3A_844, %select_n3A_838, %select_n3A_846 : vector<128x128xi1>, vector<128x128xf32>
      %broadcast_in_dim3A_848 = vector.shape_cast %slice3A_843 : vector<1x128xf32> to vector<1x128xf32>
      %broadcast_in_dim3A_849 = vector.broadcast %broadcast_in_dim3A_848 : vector<1x128xf32> to vector<128x128xf32>
      %select_n3A_850 = arith.select %gt3A_845, %broadcast_in_dim3A_849, %select_n3A_837 : vector<128x128xi1>, vector<128x128xf32>
      %select_n3A_851 = arith.select %gt3A_844, %select_n3A_841, %select_n3A_850 : vector<128x128xi1>, vector<128x128xf32>
      %select_n3A_852 = arith.select %gt3A_844, %slice3A_842, %select_n3A_838 : vector<128x128xi1>, vector<128x128xf32>
      %broadcast_in_dim3A_853 = vector.shape_cast %slice3A_843 : vector<1x128xf32> to vector<1x128xf32>
      %broadcast_in_dim3A_854 = vector.broadcast %broadcast_in_dim3A_853 : vector<1x128xf32> to vector<128x128xf32>
      %select_n3A_855 = arith.select %gt3A_844, %broadcast_in_dim3A_854, %select_n3A_841 : vector<128x128xi1>, vector<128x128xf32>
      %slice3A_856 = vector.extract_strided_slice %select_n3A {offsets = [0, 7552], sizes = [128, 128], strides = [1, 1]} : vector<128x8192xf32> to vector<128x128xf32>
      %slice3A_857 = vector.extract_strided_slice %get3A_17 {offsets = [0, 7552], sizes = [1, 128], strides = [1, 1]} : vector<1x8192xf32> to vector<1x128xf32>
      %gt3A_858 = arith.cmpf ogt, %slice3A_856, %select_n3A_852 : vector<128x128xf32>
      %gt3A_859 = arith.cmpf ogt, %slice3A_856, %select_n3A_847 : vector<128x128xf32>
      %select_n3A_860 = arith.select %gt3A_859, %slice3A_856, %select_n3A_847 : vector<128x128xi1>, vector<128x128xf32>
      %select_n3A_861 = arith.select %gt3A_858, %select_n3A_852, %select_n3A_860 : vector<128x128xi1>, vector<128x128xf32>
      %broadcast_in_dim3A_862 = vector.shape_cast %slice3A_857 : vector<1x128xf32> to vector<1x128xf32>
      %broadcast_in_dim3A_863 = vector.broadcast %broadcast_in_dim3A_862 : vector<1x128xf32> to vector<128x128xf32>
      %select_n3A_864 = arith.select %gt3A_859, %broadcast_in_dim3A_863, %select_n3A_851 : vector<128x128xi1>, vector<128x128xf32>
      %select_n3A_865 = arith.select %gt3A_858, %select_n3A_855, %select_n3A_864 : vector<128x128xi1>, vector<128x128xf32>
      %select_n3A_866 = arith.select %gt3A_858, %slice3A_856, %select_n3A_852 : vector<128x128xi1>, vector<128x128xf32>
      %broadcast_in_dim3A_867 = vector.shape_cast %slice3A_857 : vector<1x128xf32> to vector<1x128xf32>
      %broadcast_in_dim3A_868 = vector.broadcast %broadcast_in_dim3A_867 : vector<1x128xf32> to vector<128x128xf32>
      %select_n3A_869 = arith.select %gt3A_858, %broadcast_in_dim3A_868, %select_n3A_855 : vector<128x128xi1>, vector<128x128xf32>
      %slice3A_870 = vector.extract_strided_slice %select_n3A {offsets = [0, 7680], sizes = [128, 128], strides = [1, 1]} : vector<128x8192xf32> to vector<128x128xf32>
      %slice3A_871 = vector.extract_strided_slice %get3A_17 {offsets = [0, 7680], sizes = [1, 128], strides = [1, 1]} : vector<1x8192xf32> to vector<1x128xf32>
      %gt3A_872 = arith.cmpf ogt, %slice3A_870, %select_n3A_866 : vector<128x128xf32>
      %gt3A_873 = arith.cmpf ogt, %slice3A_870, %select_n3A_861 : vector<128x128xf32>
      %select_n3A_874 = arith.select %gt3A_873, %slice3A_870, %select_n3A_861 : vector<128x128xi1>, vector<128x128xf32>
      %select_n3A_875 = arith.select %gt3A_872, %select_n3A_866, %select_n3A_874 : vector<128x128xi1>, vector<128x128xf32>
      %broadcast_in_dim3A_876 = vector.shape_cast %slice3A_871 : vector<1x128xf32> to vector<1x128xf32>
      %broadcast_in_dim3A_877 = vector.broadcast %broadcast_in_dim3A_876 : vector<1x128xf32> to vector<128x128xf32>
      %select_n3A_878 = arith.select %gt3A_873, %broadcast_in_dim3A_877, %select_n3A_865 : vector<128x128xi1>, vector<128x128xf32>
      %select_n3A_879 = arith.select %gt3A_872, %select_n3A_869, %select_n3A_878 : vector<128x128xi1>, vector<128x128xf32>
      %select_n3A_880 = arith.select %gt3A_872, %slice3A_870, %select_n3A_866 : vector<128x128xi1>, vector<128x128xf32>
      %broadcast_in_dim3A_881 = vector.shape_cast %slice3A_871 : vector<1x128xf32> to vector<1x128xf32>
      %broadcast_in_dim3A_882 = vector.broadcast %broadcast_in_dim3A_881 : vector<1x128xf32> to vector<128x128xf32>
      %select_n3A_883 = arith.select %gt3A_872, %broadcast_in_dim3A_882, %select_n3A_869 : vector<128x128xi1>, vector<128x128xf32>
      %slice3A_884 = vector.extract_strided_slice %select_n3A {offsets = [0, 7808], sizes = [128, 128], strides = [1, 1]} : vector<128x8192xf32> to vector<128x128xf32>
      %slice3A_885 = vector.extract_strided_slice %get3A_17 {offsets = [0, 7808], sizes = [1, 128], strides = [1, 1]} : vector<1x8192xf32> to vector<1x128xf32>
      %gt3A_886 = arith.cmpf ogt, %slice3A_884, %select_n3A_880 : vector<128x128xf32>
      %gt3A_887 = arith.cmpf ogt, %slice3A_884, %select_n3A_875 : vector<128x128xf32>
      %select_n3A_888 = arith.select %gt3A_887, %slice3A_884, %select_n3A_875 : vector<128x128xi1>, vector<128x128xf32>
      %select_n3A_889 = arith.select %gt3A_886, %select_n3A_880, %select_n3A_888 : vector<128x128xi1>, vector<128x128xf32>
      %broadcast_in_dim3A_890 = vector.shape_cast %slice3A_885 : vector<1x128xf32> to vector<1x128xf32>
      %broadcast_in_dim3A_891 = vector.broadcast %broadcast_in_dim3A_890 : vector<1x128xf32> to vector<128x128xf32>
      %select_n3A_892 = arith.select %gt3A_887, %broadcast_in_dim3A_891, %select_n3A_879 : vector<128x128xi1>, vector<128x128xf32>
      %select_n3A_893 = arith.select %gt3A_886, %select_n3A_883, %select_n3A_892 : vector<128x128xi1>, vector<128x128xf32>
      %select_n3A_894 = arith.select %gt3A_886, %slice3A_884, %select_n3A_880 : vector<128x128xi1>, vector<128x128xf32>
      %broadcast_in_dim3A_895 = vector.shape_cast %slice3A_885 : vector<1x128xf32> to vector<1x128xf32>
      %broadcast_in_dim3A_896 = vector.broadcast %broadcast_in_dim3A_895 : vector<1x128xf32> to vector<128x128xf32>
      %select_n3A_897 = arith.select %gt3A_886, %broadcast_in_dim3A_896, %select_n3A_883 : vector<128x128xi1>, vector<128x128xf32>
      %slice3A_898 = vector.extract_strided_slice %select_n3A {offsets = [0, 7936], sizes = [128, 128], strides = [1, 1]} : vector<128x8192xf32> to vector<128x128xf32>
      %slice3A_899 = vector.extract_strided_slice %get3A_17 {offsets = [0, 7936], sizes = [1, 128], strides = [1, 1]} : vector<1x8192xf32> to vector<1x128xf32>
      %gt3A_900 = arith.cmpf ogt, %slice3A_898, %select_n3A_894 : vector<128x128xf32>
      %gt3A_901 = arith.cmpf ogt, %slice3A_898, %select_n3A_889 : vector<128x128xf32>
      %select_n3A_902 = arith.select %gt3A_901, %slice3A_898, %select_n3A_889 : vector<128x128xi1>, vector<128x128xf32>
      %select_n3A_903 = arith.select %gt3A_900, %select_n3A_894, %select_n3A_902 : vector<128x128xi1>, vector<128x128xf32>
      %broadcast_in_dim3A_904 = vector.shape_cast %slice3A_899 : vector<1x128xf32> to vector<1x128xf32>
      %broadcast_in_dim3A_905 = vector.broadcast %broadcast_in_dim3A_904 : vector<1x128xf32> to vector<128x128xf32>
      %select_n3A_906 = arith.select %gt3A_901, %broadcast_in_dim3A_905, %select_n3A_893 : vector<128x128xi1>, vector<128x128xf32>
      %select_n3A_907 = arith.select %gt3A_900, %select_n3A_897, %select_n3A_906 : vector<128x128xi1>, vector<128x128xf32>
      %select_n3A_908 = arith.select %gt3A_900, %slice3A_898, %select_n3A_894 : vector<128x128xi1>, vector<128x128xf32>
      %broadcast_in_dim3A_909 = vector.shape_cast %slice3A_899 : vector<1x128xf32> to vector<1x128xf32>
      %broadcast_in_dim3A_910 = vector.broadcast %broadcast_in_dim3A_909 : vector<1x128xf32> to vector<128x128xf32>
      %select_n3A_911 = arith.select %gt3A_900, %broadcast_in_dim3A_910, %select_n3A_897 : vector<128x128xi1>, vector<128x128xf32>
      %slice3A_912 = vector.extract_strided_slice %select_n3A {offsets = [0, 8064], sizes = [128, 128], strides = [1, 1]} : vector<128x8192xf32> to vector<128x128xf32>
      %slice3A_913 = vector.extract_strided_slice %get3A_17 {offsets = [0, 8064], sizes = [1, 128], strides = [1, 1]} : vector<1x8192xf32> to vector<1x128xf32>
      %gt3A_914 = arith.cmpf ogt, %slice3A_912, %select_n3A_908 : vector<128x128xf32>
      %gt3A_915 = arith.cmpf ogt, %slice3A_912, %select_n3A_903 : vector<128x128xf32>
      %select_n3A_916 = arith.select %gt3A_915, %slice3A_912, %select_n3A_903 : vector<128x128xi1>, vector<128x128xf32>
      %select_n3A_917 = arith.select %gt3A_914, %select_n3A_908, %select_n3A_916 : vector<128x128xi1>, vector<128x128xf32>
      %broadcast_in_dim3A_918 = vector.shape_cast %slice3A_913 : vector<1x128xf32> to vector<1x128xf32>
      %broadcast_in_dim3A_919 = vector.broadcast %broadcast_in_dim3A_918 : vector<1x128xf32> to vector<128x128xf32>
      %select_n3A_920 = arith.select %gt3A_915, %broadcast_in_dim3A_919, %select_n3A_907 : vector<128x128xi1>, vector<128x128xf32>
      %select_n3A_921 = arith.select %gt3A_914, %select_n3A_911, %select_n3A_920 : vector<128x128xi1>, vector<128x128xf32>
      %select_n3A_922 = arith.select %gt3A_914, %slice3A_912, %select_n3A_908 : vector<128x128xi1>, vector<128x128xf32>
      %broadcast_in_dim3A_923 = vector.shape_cast %slice3A_913 : vector<1x128xf32> to vector<1x128xf32>
      %broadcast_in_dim3A_924 = vector.broadcast %broadcast_in_dim3A_923 : vector<1x128xf32> to vector<128x128xf32>
      %select_n3A_925 = arith.select %gt3A_914, %broadcast_in_dim3A_924, %select_n3A_911 : vector<128x128xi1>, vector<128x128xf32>
      %concatenate3A = tpu.concatenate %select_n3A_922, %select_n3A_917 in 1 : vector<128x128xf32>, vector<128x128xf32> -> vector<128x256xf32>
      %concatenate3A_926 = tpu.concatenate %select_n3A_925, %select_n3A_921 in 1 : vector<128x128xf32>, vector<128x128xf32> -> vector<128x256xf32>
      %reduce_max3A = arith.constant dense<0xFF800000> : vector<128xf32>
      %reduce_max3A_927 = vector.multi_reduction <maximumf>, %concatenate3A, %reduce_max3A [1] : vector<128x256xf32> to vector<128xf32>
      %broadcast_in_dim3A_928 = vector.shape_cast %reduce_max3A_927 : vector<128xf32> to vector<128x1xf32>
      %eq3A_929 = vector.broadcast %broadcast_in_dim3A_928 : vector<128x1xf32> to vector<128x256xf32>
      %eq3A_930 = arith.cmpf oeq, %concatenate3A, %eq3A_929 : vector<128x256xf32>
      %jit3A_931 = arith.constant 1.000000e+09 : f32
      %broadcast_in_dim3A_932 = vector.broadcast %jit3A_931 : f32 to vector<128x256xf32>
      %select_n3A_933 = arith.select %eq3A_930, %concatenate3A_926, %broadcast_in_dim3A_932 : vector<128x256xi1>, vector<128x256xf32>
      %reduce_min3A = arith.constant dense<0x7F800000> : vector<128xf32>
      %reduce_min3A_934 = vector.multi_reduction <minimumf>, %select_n3A_933, %reduce_min3A [1] : vector<128x256xf32> to vector<128xf32>
      %broadcast_in_dim3A_935 = vector.shape_cast %reduce_min3A_934 : vector<128xf32> to vector<128x1xf32>
      %eq3A_936 = vector.broadcast %broadcast_in_dim3A_935 : vector<128x1xf32> to vector<128x256xf32>
      %eq3A_937 = arith.cmpf oeq, %concatenate3A_926, %eq3A_936 : vector<128x256xf32>
      %jit3A_938 = arith.constant -1.000000e+00 : f32
      %broadcast_in_dim3A_939 = vector.broadcast %jit3A_938 : f32 to vector<128x256xf32>
      %select_n3A_940 = arith.select %eq3A_937, %broadcast_in_dim3A_939, %concatenate3A : vector<128x256xi1>, vector<128x256xf32>
      %reduce_max3A_941 = arith.constant dense<0xFF800000> : vector<128xf32>
      %reduce_max3A_942 = vector.multi_reduction <maximumf>, %select_n3A_940, %reduce_max3A_941 [1] : vector<128x256xf32> to vector<128xf32>
      %broadcast_in_dim3A_943 = vector.shape_cast %reduce_max3A_942 : vector<128xf32> to vector<128x1xf32>
      %eq3A_944 = vector.broadcast %broadcast_in_dim3A_943 : vector<128x1xf32> to vector<128x256xf32>
      %eq3A_945 = arith.cmpf oeq, %select_n3A_940, %eq3A_944 : vector<128x256xf32>
      %jit3A_946 = arith.constant 1.000000e+09 : f32
      %broadcast_in_dim3A_947 = vector.broadcast %jit3A_946 : f32 to vector<128x256xf32>
      %select_n3A_948 = arith.select %eq3A_945, %concatenate3A_926, %broadcast_in_dim3A_947 : vector<128x256xi1>, vector<128x256xf32>
      %reduce_min3A_949 = arith.constant dense<0x7F800000> : vector<128xf32>
      %reduce_min3A_950 = vector.multi_reduction <minimumf>, %select_n3A_948, %reduce_min3A_949 [1] : vector<128x256xf32> to vector<128xf32>
      %broadcast_in_dim3A_951 = vector.shape_cast %reduce_min3A_950 : vector<128xf32> to vector<128x1xf32>
      %eq3A_952 = vector.broadcast %broadcast_in_dim3A_951 : vector<128x1xf32> to vector<128x256xf32>
      %eq3A_953 = arith.cmpf oeq, %concatenate3A_926, %eq3A_952 : vector<128x256xf32>
      %jit3A_954 = arith.constant -1.000000e+00 : f32
      %broadcast_in_dim3A_955 = vector.broadcast %jit3A_954 : f32 to vector<128x256xf32>
      %select_n3A_956 = arith.select %eq3A_953, %broadcast_in_dim3A_955, %select_n3A_940 : vector<128x256xi1>, vector<128x256xf32>
      %reduce_max3A_957 = arith.constant dense<0xFF800000> : vector<128xf32>
      %reduce_max3A_958 = vector.multi_reduction <maximumf>, %select_n3A_956, %reduce_max3A_957 [1] : vector<128x256xf32> to vector<128xf32>
      %broadcast_in_dim3A_959 = vector.shape_cast %reduce_max3A_958 : vector<128xf32> to vector<128x1xf32>
      %eq3A_960 = vector.broadcast %broadcast_in_dim3A_959 : vector<128x1xf32> to vector<128x256xf32>
      %eq3A_961 = arith.cmpf oeq, %select_n3A_956, %eq3A_960 : vector<128x256xf32>
      %jit3A_962 = arith.constant 1.000000e+09 : f32
      %broadcast_in_dim3A_963 = vector.broadcast %jit3A_962 : f32 to vector<128x256xf32>
      %select_n3A_964 = arith.select %eq3A_961, %concatenate3A_926, %broadcast_in_dim3A_963 : vector<128x256xi1>, vector<128x256xf32>
      %reduce_min3A_965 = arith.constant dense<0x7F800000> : vector<128xf32>
      %reduce_min3A_966 = vector.multi_reduction <minimumf>, %select_n3A_964, %reduce_min3A_965 [1] : vector<128x256xf32> to vector<128xf32>
      %broadcast_in_dim3A_967 = vector.shape_cast %reduce_min3A_966 : vector<128xf32> to vector<128x1xf32>
      %eq3A_968 = vector.broadcast %broadcast_in_dim3A_967 : vector<128x1xf32> to vector<128x256xf32>
      %eq3A_969 = arith.cmpf oeq, %concatenate3A_926, %eq3A_968 : vector<128x256xf32>
      %jit3A_970 = arith.constant -1.000000e+00 : f32
      %broadcast_in_dim3A_971 = vector.broadcast %jit3A_970 : f32 to vector<128x256xf32>
      %select_n3A_972 = arith.select %eq3A_969, %broadcast_in_dim3A_971, %select_n3A_956 : vector<128x256xi1>, vector<128x256xf32>
      %reduce_max3A_973 = arith.constant dense<0xFF800000> : vector<128xf32>
      %reduce_max3A_974 = vector.multi_reduction <maximumf>, %select_n3A_972, %reduce_max3A_973 [1] : vector<128x256xf32> to vector<128xf32>
      %broadcast_in_dim3A_975 = vector.shape_cast %reduce_max3A_974 : vector<128xf32> to vector<128x1xf32>
      %eq3A_976 = vector.broadcast %broadcast_in_dim3A_975 : vector<128x1xf32> to vector<128x256xf32>
      %eq3A_977 = arith.cmpf oeq, %select_n3A_972, %eq3A_976 : vector<128x256xf32>
      %jit3A_978 = arith.constant 1.000000e+09 : f32
      %broadcast_in_dim3A_979 = vector.broadcast %jit3A_978 : f32 to vector<128x256xf32>
      %select_n3A_980 = arith.select %eq3A_977, %concatenate3A_926, %broadcast_in_dim3A_979 : vector<128x256xi1>, vector<128x256xf32>
      %reduce_min3A_981 = arith.constant dense<0x7F800000> : vector<128xf32>
      %reduce_min3A_982 = vector.multi_reduction <minimumf>, %select_n3A_980, %reduce_min3A_981 [1] : vector<128x256xf32> to vector<128xf32>
      %broadcast_in_dim3A_983 = vector.shape_cast %reduce_min3A_982 : vector<128xf32> to vector<128x1xf32>
      %eq3A_984 = vector.broadcast %broadcast_in_dim3A_983 : vector<128x1xf32> to vector<128x256xf32>
      %eq3A_985 = arith.cmpf oeq, %concatenate3A_926, %eq3A_984 : vector<128x256xf32>
      %jit3A_986 = arith.constant -1.000000e+00 : f32
      %broadcast_in_dim3A_987 = vector.broadcast %jit3A_986 : f32 to vector<128x256xf32>
      %select_n3A_988 = arith.select %eq3A_985, %broadcast_in_dim3A_987, %select_n3A_972 : vector<128x256xi1>, vector<128x256xf32>
      %reduce_max3A_989 = arith.constant dense<0xFF800000> : vector<128xf32>
      %reduce_max3A_990 = vector.multi_reduction <maximumf>, %select_n3A_988, %reduce_max3A_989 [1] : vector<128x256xf32> to vector<128xf32>
      %broadcast_in_dim3A_991 = vector.shape_cast %reduce_max3A_990 : vector<128xf32> to vector<128x1xf32>
      %eq3A_992 = vector.broadcast %broadcast_in_dim3A_991 : vector<128x1xf32> to vector<128x256xf32>
      %eq3A_993 = arith.cmpf oeq, %select_n3A_988, %eq3A_992 : vector<128x256xf32>
      %jit3A_994 = arith.constant 1.000000e+09 : f32
      %broadcast_in_dim3A_995 = vector.broadcast %jit3A_994 : f32 to vector<128x256xf32>
      %select_n3A_996 = arith.select %eq3A_993, %concatenate3A_926, %broadcast_in_dim3A_995 : vector<128x256xi1>, vector<128x256xf32>
      %reduce_min3A_997 = arith.constant dense<0x7F800000> : vector<128xf32>
      %reduce_min3A_998 = vector.multi_reduction <minimumf>, %select_n3A_996, %reduce_min3A_997 [1] : vector<128x256xf32> to vector<128xf32>
      %broadcast_in_dim3A_999 = vector.shape_cast %reduce_min3A_998 : vector<128xf32> to vector<128x1xf32>
      %mul3A_1000 = arith.constant 8192 : i32
      %mul3A_1001 = arith.muli %arg1, %mul3A_1000 : i32
      %convert_element_type3A_1002 = arith.sitofp %mul3A_1001 : i32 to f32
      %broadcast_in_dim3A_1003 = arith.constant -1.000000e+00 : f32
      %broadcast_in_dim3A_1004 = vector.broadcast %broadcast_in_dim3A_1003 : f32 to vector<128x1xf32>
      %broadcast_in_dim3A_1005 = arith.constant 1.000000e+09 : f32
      %broadcast_in_dim3A_1006 = vector.broadcast %broadcast_in_dim3A_1005 : f32 to vector<128x1xf32>
      %get3A_1007 = arith.constant 0 : index
      %get3A_1008 = arith.constant 0 : index
      %get3A_1009 = vector.load %arg9[%get3A_1007, %get3A_1008] : memref<128x8xf32, #tpu.memory_space<vmem>>, vector<128x8xf32>
      %concatenate3A_1010 = tpu.concatenate %get3A_1009, %broadcast_in_dim3A_928, %broadcast_in_dim3A_943, %broadcast_in_dim3A_959, %broadcast_in_dim3A_975, %broadcast_in_dim3A_991, %broadcast_in_dim3A_1004, %broadcast_in_dim3A_1004, %broadcast_in_dim3A_1004 in 1 : vector<128x8xf32>, vector<128x1xf32>, vector<128x1xf32>, vector<128x1xf32>, vector<128x1xf32>, vector<128x1xf32>, vector<128x1xf32>, vector<128x1xf32>, vector<128x1xf32> -> vector<128x16xf32>
      %get3A_1011 = arith.constant 0 : index
      %get3A_1012 = arith.constant 0 : index
      %get3A_1013 = vector.load %arg10[%get3A_1011, %get3A_1012] : memref<128x8xf32, #tpu.memory_space<vmem>>, vector<128x8xf32>
      %add3A = vector.broadcast %convert_element_type3A_1002 : f32 to vector<128x1xf32>
      %add3A_1014 = arith.addf %broadcast_in_dim3A_935, %add3A : vector<128x1xf32>
      %add3A_1015 = vector.broadcast %convert_element_type3A_1002 : f32 to vector<128x1xf32>
      %add3A_1016 = arith.addf %broadcast_in_dim3A_951, %add3A_1015 : vector<128x1xf32>
      %add3A_1017 = vector.broadcast %convert_element_type3A_1002 : f32 to vector<128x1xf32>
      %add3A_1018 = arith.addf %broadcast_in_dim3A_967, %add3A_1017 : vector<128x1xf32>
      %add3A_1019 = vector.broadcast %convert_element_type3A_1002 : f32 to vector<128x1xf32>
      %add3A_1020 = arith.addf %broadcast_in_dim3A_983, %add3A_1019 : vector<128x1xf32>
      %add3A_1021 = vector.broadcast %convert_element_type3A_1002 : f32 to vector<128x1xf32>
      %add3A_1022 = arith.addf %broadcast_in_dim3A_999, %add3A_1021 : vector<128x1xf32>
      %concatenate3A_1023 = tpu.concatenate %get3A_1013, %add3A_1014, %add3A_1016, %add3A_1018, %add3A_1020, %add3A_1022, %broadcast_in_dim3A_1006, %broadcast_in_dim3A_1006, %broadcast_in_dim3A_1006 in 1 : vector<128x8xf32>, vector<128x1xf32>, vector<128x1xf32>, vector<128x1xf32>, vector<128x1xf32>, vector<128x1xf32>, vector<128x1xf32>, vector<128x1xf32>, vector<128x1xf32> -> vector<128x16xf32>
      %reduce_max3A_1024 = arith.constant dense<0xFF800000> : vector<128xf32>
      %reduce_max3A_1025 = vector.multi_reduction <maximumf>, %concatenate3A_1010, %reduce_max3A_1024 [1] : vector<128x16xf32> to vector<128xf32>
      %broadcast_in_dim3A_1026 = vector.shape_cast %reduce_max3A_1025 : vector<128xf32> to vector<128x1xf32>
      %eq3A_1027 = vector.broadcast %broadcast_in_dim3A_1026 : vector<128x1xf32> to vector<128x16xf32>
      %eq3A_1028 = arith.cmpf oeq, %concatenate3A_1010, %eq3A_1027 : vector<128x16xf32>
      %jit3A_1029 = arith.constant 1.000000e+09 : f32
      %broadcast_in_dim3A_1030 = vector.broadcast %jit3A_1029 : f32 to vector<128x16xf32>
      %select_n3A_1031 = arith.select %eq3A_1028, %concatenate3A_1023, %broadcast_in_dim3A_1030 : vector<128x16xi1>, vector<128x16xf32>
      %reduce_min3A_1032 = arith.constant dense<0x7F800000> : vector<128xf32>
      %reduce_min3A_1033 = vector.multi_reduction <minimumf>, %select_n3A_1031, %reduce_min3A_1032 [1] : vector<128x16xf32> to vector<128xf32>
      %broadcast_in_dim3A_1034 = vector.shape_cast %reduce_min3A_1033 : vector<128xf32> to vector<128x1xf32>
      %eq3A_1035 = vector.broadcast %broadcast_in_dim3A_1034 : vector<128x1xf32> to vector<128x16xf32>
      %eq3A_1036 = arith.cmpf oeq, %concatenate3A_1023, %eq3A_1035 : vector<128x16xf32>
      %jit3A_1037 = arith.constant -1.000000e+00 : f32
      %broadcast_in_dim3A_1038 = vector.broadcast %jit3A_1037 : f32 to vector<128x16xf32>
      %select_n3A_1039 = arith.select %eq3A_1036, %broadcast_in_dim3A_1038, %concatenate3A_1010 : vector<128x16xi1>, vector<128x16xf32>
      %reduce_max3A_1040 = arith.constant dense<0xFF800000> : vector<128xf32>
      %reduce_max3A_1041 = vector.multi_reduction <maximumf>, %select_n3A_1039, %reduce_max3A_1040 [1] : vector<128x16xf32> to vector<128xf32>
      %broadcast_in_dim3A_1042 = vector.shape_cast %reduce_max3A_1041 : vector<128xf32> to vector<128x1xf32>
      %eq3A_1043 = vector.broadcast %broadcast_in_dim3A_1042 : vector<128x1xf32> to vector<128x16xf32>
      %eq3A_1044 = arith.cmpf oeq, %select_n3A_1039, %eq3A_1043 : vector<128x16xf32>
      %jit3A_1045 = arith.constant 1.000000e+09 : f32
      %broadcast_in_dim3A_1046 = vector.broadcast %jit3A_1045 : f32 to vector<128x16xf32>
      %select_n3A_1047 = arith.select %eq3A_1044, %concatenate3A_1023, %broadcast_in_dim3A_1046 : vector<128x16xi1>, vector<128x16xf32>
      %reduce_min3A_1048 = arith.constant dense<0x7F800000> : vector<128xf32>
      %reduce_min3A_1049 = vector.multi_reduction <minimumf>, %select_n3A_1047, %reduce_min3A_1048 [1] : vector<128x16xf32> to vector<128xf32>
      %broadcast_in_dim3A_1050 = vector.shape_cast %reduce_min3A_1049 : vector<128xf32> to vector<128x1xf32>
      %eq3A_1051 = vector.broadcast %broadcast_in_dim3A_1050 : vector<128x1xf32> to vector<128x16xf32>
      %eq3A_1052 = arith.cmpf oeq, %concatenate3A_1023, %eq3A_1051 : vector<128x16xf32>
      %jit3A_1053 = arith.constant -1.000000e+00 : f32
      %broadcast_in_dim3A_1054 = vector.broadcast %jit3A_1053 : f32 to vector<128x16xf32>
      %select_n3A_1055 = arith.select %eq3A_1052, %broadcast_in_dim3A_1054, %select_n3A_1039 : vector<128x16xi1>, vector<128x16xf32>
      %reduce_max3A_1056 = arith.constant dense<0xFF800000> : vector<128xf32>
      %reduce_max3A_1057 = vector.multi_reduction <maximumf>, %select_n3A_1055, %reduce_max3A_1056 [1] : vector<128x16xf32> to vector<128xf32>
      %broadcast_in_dim3A_1058 = vector.shape_cast %reduce_max3A_1057 : vector<128xf32> to vector<128x1xf32>
      %eq3A_1059 = vector.broadcast %broadcast_in_dim3A_1058 : vector<128x1xf32> to vector<128x16xf32>
      %eq3A_1060 = arith.cmpf oeq, %select_n3A_1055, %eq3A_1059 : vector<128x16xf32>
      %jit3A_1061 = arith.constant 1.000000e+09 : f32
      %broadcast_in_dim3A_1062 = vector.broadcast %jit3A_1061 : f32 to vector<128x16xf32>
      %select_n3A_1063 = arith.select %eq3A_1060, %concatenate3A_1023, %broadcast_in_dim3A_1062 : vector<128x16xi1>, vector<128x16xf32>
      %reduce_min3A_1064 = arith.constant dense<0x7F800000> : vector<128xf32>
      %reduce_min3A_1065 = vector.multi_reduction <minimumf>, %select_n3A_1063, %reduce_min3A_1064 [1] : vector<128x16xf32> to vector<128xf32>
      %broadcast_in_dim3A_1066 = vector.shape_cast %reduce_min3A_1065 : vector<128xf32> to vector<128x1xf32>
      %eq3A_1067 = vector.broadcast %broadcast_in_dim3A_1066 : vector<128x1xf32> to vector<128x16xf32>
      %eq3A_1068 = arith.cmpf oeq, %concatenate3A_1023, %eq3A_1067 : vector<128x16xf32>
      %jit3A_1069 = arith.constant -1.000000e+00 : f32
      %broadcast_in_dim3A_1070 = vector.broadcast %jit3A_1069 : f32 to vector<128x16xf32>
      %select_n3A_1071 = arith.select %eq3A_1068, %broadcast_in_dim3A_1070, %select_n3A_1055 : vector<128x16xi1>, vector<128x16xf32>
      %reduce_max3A_1072 = arith.constant dense<0xFF800000> : vector<128xf32>
      %reduce_max3A_1073 = vector.multi_reduction <maximumf>, %select_n3A_1071, %reduce_max3A_1072 [1] : vector<128x16xf32> to vector<128xf32>
      %broadcast_in_dim3A_1074 = vector.shape_cast %reduce_max3A_1073 : vector<128xf32> to vector<128x1xf32>
      %eq3A_1075 = vector.broadcast %broadcast_in_dim3A_1074 : vector<128x1xf32> to vector<128x16xf32>
      %eq3A_1076 = arith.cmpf oeq, %select_n3A_1071, %eq3A_1075 : vector<128x16xf32>
      %jit3A_1077 = arith.constant 1.000000e+09 : f32
      %broadcast_in_dim3A_1078 = vector.broadcast %jit3A_1077 : f32 to vector<128x16xf32>
      %select_n3A_1079 = arith.select %eq3A_1076, %concatenate3A_1023, %broadcast_in_dim3A_1078 : vector<128x16xi1>, vector<128x16xf32>
      %reduce_min3A_1080 = arith.constant dense<0x7F800000> : vector<128xf32>
      %reduce_min3A_1081 = vector.multi_reduction <minimumf>, %select_n3A_1079, %reduce_min3A_1080 [1] : vector<128x16xf32> to vector<128xf32>
      %broadcast_in_dim3A_1082 = vector.shape_cast %reduce_min3A_1081 : vector<128xf32> to vector<128x1xf32>
      %eq3A_1083 = vector.broadcast %broadcast_in_dim3A_1082 : vector<128x1xf32> to vector<128x16xf32>
      %eq3A_1084 = arith.cmpf oeq, %concatenate3A_1023, %eq3A_1083 : vector<128x16xf32>
      %jit3A_1085 = arith.constant -1.000000e+00 : f32
      %broadcast_in_dim3A_1086 = vector.broadcast %jit3A_1085 : f32 to vector<128x16xf32>
      %select_n3A_1087 = arith.select %eq3A_1084, %broadcast_in_dim3A_1086, %select_n3A_1071 : vector<128x16xi1>, vector<128x16xf32>
      %reduce_max3A_1088 = arith.constant dense<0xFF800000> : vector<128xf32>
      %reduce_max3A_1089 = vector.multi_reduction <maximumf>, %select_n3A_1087, %reduce_max3A_1088 [1] : vector<128x16xf32> to vector<128xf32>
      %broadcast_in_dim3A_1090 = vector.shape_cast %reduce_max3A_1089 : vector<128xf32> to vector<128x1xf32>
      %eq3A_1091 = vector.broadcast %broadcast_in_dim3A_1090 : vector<128x1xf32> to vector<128x16xf32>
      %eq3A_1092 = arith.cmpf oeq, %select_n3A_1087, %eq3A_1091 : vector<128x16xf32>
      %jit3A_1093 = arith.constant 1.000000e+09 : f32
      %broadcast_in_dim3A_1094 = vector.broadcast %jit3A_1093 : f32 to vector<128x16xf32>
      %select_n3A_1095 = arith.select %eq3A_1092, %concatenate3A_1023, %broadcast_in_dim3A_1094 : vector<128x16xi1>, vector<128x16xf32>
      %reduce_min3A_1096 = arith.constant dense<0x7F800000> : vector<128xf32>
      %reduce_min3A_1097 = vector.multi_reduction <minimumf>, %select_n3A_1095, %reduce_min3A_1096 [1] : vector<128x16xf32> to vector<128xf32>
      %broadcast_in_dim3A_1098 = vector.shape_cast %reduce_min3A_1097 : vector<128xf32> to vector<128x1xf32>
      %ge3A = vector.broadcast %broadcast_in_dim3A_1090 : vector<128x1xf32> to vector<128x8192xf32>
      %ge3A_1099 = arith.cmpf oge, %select_n3A, %ge3A : vector<128x8192xf32>
      %jit3A_1100 = arith.constant 1.000000e+00 : f32
      %jit3A_1101 = arith.constant 0.000000e+00 : f32
      %broadcast_in_dim3A_1102 = vector.broadcast %jit3A_1100 : f32 to vector<128x8192xf32>
      %broadcast_in_dim3A_1103 = vector.broadcast %jit3A_1101 : f32 to vector<128x8192xf32>
      %select_n3A_1104 = arith.select %ge3A_1099, %broadcast_in_dim3A_1102, %broadcast_in_dim3A_1103 : vector<128x8192xi1>, vector<128x8192xf32>
      %reduce_sum3A_1105 = arith.constant dense<0.000000e+00> : vector<128xf32>
      %reduce_sum3A_1106 = vector.multi_reduction <add>, %select_n3A_1104, %reduce_sum3A_1105 [1] : vector<128x8192xf32> to vector<128xf32>
      %broadcast_in_dim3A_1107 = vector.shape_cast %reduce_sum3A_1106 : vector<128xf32> to vector<128x1xf32>
      %ge3A_1108 = vector.broadcast %broadcast_in_dim3A_1090 : vector<128x1xf32> to vector<128x256xf32>
      %ge3A_1109 = arith.cmpf oge, %concatenate3A, %ge3A_1108 : vector<128x256xf32>
      %jit3A_1110 = arith.constant 1.000000e+00 : f32
      %jit3A_1111 = arith.constant 0.000000e+00 : f32
      %broadcast_in_dim3A_1112 = vector.broadcast %jit3A_1110 : f32 to vector<128x256xf32>
      %broadcast_in_dim3A_1113 = vector.broadcast %jit3A_1111 : f32 to vector<128x256xf32>
      %select_n3A_1114 = arith.select %ge3A_1109, %broadcast_in_dim3A_1112, %broadcast_in_dim3A_1113 : vector<128x256xi1>, vector<128x256xf32>
      %reduce_sum3A_1115 = arith.constant dense<0.000000e+00> : vector<128xf32>
      %reduce_sum3A_1116 = vector.multi_reduction <add>, %select_n3A_1114, %reduce_sum3A_1115 [1] : vector<128x256xf32> to vector<128xf32>
      %broadcast_in_dim3A_1117 = vector.shape_cast %reduce_sum3A_1116 : vector<128xf32> to vector<128x1xf32>
      %sub3A_1118 = arith.subf %broadcast_in_dim3A_1107, %broadcast_in_dim3A_1117 : vector<128x1xf32>
      %reduce_max3A_1119 = vector.shape_cast %sub3A_1118 : vector<128x1xf32> to vector<1x128x1xf32>
      %reduce_max3A_1120 = arith.constant dense<0xFF800000> : vector<1xf32>
      %reduce_max3A_1121 = vector.multi_reduction <maximumf>, %reduce_max3A_1119, %reduce_max3A_1120 [1, 2] : vector<1x128x1xf32> to vector<1xf32>
      %reduce_max3A_1122 = vector.shape_cast %reduce_max3A_1121 : vector<1xf32> to vector<1x1x1xf32>
      %reduce_max3A_1123 = vector.extract %reduce_max3A_1122[0, 0, 0] : f32 from vector<1x1x1xf32>
      %eq3A_1124 = arith.constant 0.000000e+00 : f32
      %eq3A_1125 = arith.cmpf oeq, %reduce_max3A_1123, %eq3A_1124 : f32
      %convert_element_type3A_1126 = arith.extui %eq3A_1125 : i1 to i32
      %cond3A_1127 = arith.constant 0 : i32
      %cond3A_1128 = arith.cmpi ne, %convert_element_type3A_1126, %cond3A_1127 : i32
      scf.if %cond3A_1128 {
        %broadcast_in_dim3A_1133 = arith.constant -1.000000e+00 : f32
        %broadcast_in_dim3A_1134 = vector.broadcast %broadcast_in_dim3A_1133 : f32 to vector<128x1xf32>
        %broadcast_in_dim3A_1135 = arith.constant 1.000000e+09 : f32
        %broadcast_in_dim3A_1136 = vector.broadcast %broadcast_in_dim3A_1135 : f32 to vector<128x1xf32>
        %concatenate3A_1137 = tpu.concatenate %broadcast_in_dim3A_1026, %broadcast_in_dim3A_1042, %broadcast_in_dim3A_1058, %broadcast_in_dim3A_1074, %broadcast_in_dim3A_1090, %broadcast_in_dim3A_1134, %broadcast_in_dim3A_1134, %broadcast_in_dim3A_1134 in 1 : vector<128x1xf32>, vector<128x1xf32>, vector<128x1xf32>, vector<128x1xf32>, vector<128x1xf32>, vector<128x1xf32>, vector<128x1xf32>, vector<128x1xf32> -> vector<128x8xf32>
        %swap3A_1138 = arith.constant 0 : index
        %swap3A_1139 = arith.constant 0 : index
        %swap3A_1140 = vector.load %arg9[%swap3A_1138, %swap3A_1139] : memref<128x8xf32, #tpu.memory_space<vmem>>, vector<128x8xf32>
        tpu.vector_store %arg9[%swap3A_1138, %swap3A_1139], %concatenate3A_1137 {strides = array<i32>} : memref<128x8xf32, #tpu.memory_space<vmem>>, vector<128x8xf32>,
        %concatenate3A_1141 = tpu.concatenate %broadcast_in_dim3A_1034, %broadcast_in_dim3A_1050, %broadcast_in_dim3A_1066, %broadcast_in_dim3A_1082, %broadcast_in_dim3A_1098, %broadcast_in_dim3A_1136, %broadcast_in_dim3A_1136, %broadcast_in_dim3A_1136 in 1 : vector<128x1xf32>, vector<128x1xf32>, vector<128x1xf32>, vector<128x1xf32>, vector<128x1xf32>, vector<128x1xf32>, vector<128x1xf32>, vector<128x1xf32> -> vector<128x8xf32>
        %swap3A_1142 = arith.constant 0 : index
        %swap3A_1143 = arith.constant 0 : index
        %swap3A_1144 = vector.load %arg10[%swap3A_1142, %swap3A_1143] : memref<128x8xf32, #tpu.memory_space<vmem>>, vector<128x8xf32>
        tpu.vector_store %arg10[%swap3A_1142, %swap3A_1143], %concatenate3A_1141 {strides = array<i32>} : memref<128x8xf32, #tpu.memory_space<vmem>>, vector<128x8xf32>,
      } else {
      }
      %ne3A = arith.constant 0.000000e+00 : f32
      %ne3A_1129 = arith.cmpf one, %reduce_max3A_1123, %ne3A : f32
      %convert_element_type3A_1130 = arith.extui %ne3A_1129 : i1 to i32
      %cond3A_1131 = arith.constant 0 : i32
      %cond3A_1132 = arith.cmpi ne, %convert_element_type3A_1130, %cond3A_1131 : i32
      scf.if %cond3A_1132 {
        %broadcast_in_dim3A_1133 = vector.shape_cast %get3A_17 : vector<1x8192xf32> to vector<1x8192xf32>
        %broadcast_in_dim3A_1134 = vector.broadcast %broadcast_in_dim3A_1133 : vector<1x8192xf32> to vector<128x8192xf32>
        %reduce_max3A_1135 = arith.constant dense<0xFF800000> : vector<128xf32>
        %reduce_max3A_1136 = vector.multi_reduction <maximumf>, %select_n3A, %reduce_max3A_1135 [1] : vector<128x8192xf32> to vector<128xf32>
        %broadcast_in_dim3A_1137 = vector.shape_cast %reduce_max3A_1136 : vector<128xf32> to vector<128x1xf32>
        %eq3A_1138 = vector.broadcast %broadcast_in_dim3A_1137 : vector<128x1xf32> to vector<128x8192xf32>
        %eq3A_1139 = arith.cmpf oeq, %select_n3A, %eq3A_1138 : vector<128x8192xf32>
        %jit3A_1140 = arith.constant 1.000000e+09 : f32
        %broadcast_in_dim3A_1141 = vector.broadcast %jit3A_1140 : f32 to vector<128x8192xf32>
        %select_n3A_1142 = arith.select %eq3A_1139, %broadcast_in_dim3A_1134, %broadcast_in_dim3A_1141 : vector<128x8192xi1>, vector<128x8192xf32>
        %reduce_min3A_1143 = arith.constant dense<0x7F800000> : vector<128xf32>
        %reduce_min3A_1144 = vector.multi_reduction <minimumf>, %select_n3A_1142, %reduce_min3A_1143 [1] : vector<128x8192xf32> to vector<128xf32>
        %broadcast_in_dim3A_1145 = vector.shape_cast %reduce_min3A_1144 : vector<128xf32> to vector<128x1xf32>
        %eq3A_1146 = vector.broadcast %broadcast_in_dim3A_1145 : vector<128x1xf32> to vector<128x8192xf32>
        %eq3A_1147 = arith.cmpf oeq, %broadcast_in_dim3A_1134, %eq3A_1146 : vector<128x8192xf32>
        %jit3A_1148 = arith.constant -1.000000e+00 : f32
        %broadcast_in_dim3A_1149 = vector.broadcast %jit3A_1148 : f32 to vector<128x8192xf32>
        %select_n3A_1150 = arith.select %eq3A_1147, %broadcast_in_dim3A_1149, %select_n3A : vector<128x8192xi1>, vector<128x8192xf32>
        %reduce_max3A_1151 = arith.constant dense<0xFF800000> : vector<128xf32>
        %reduce_max3A_1152 = vector.multi_reduction <maximumf>, %select_n3A_1150, %reduce_max3A_1151 [1] : vector<128x8192xf32> to vector<128xf32>
        %broadcast_in_dim3A_1153 = vector.shape_cast %reduce_max3A_1152 : vector<128xf32> to vector<128x1xf32>
        %eq3A_1154 = vector.broadcast %broadcast_in_dim3A_1153 : vector<128x1xf32> to vector<128x8192xf32>
        %eq3A_1155 = arith.cmpf oeq, %select_n3A_1150, %eq3A_1154 : vector<128x8192xf32>
        %jit3A_1156 = arith.constant 1.000000e+09 : f32
        %broadcast_in_dim3A_1157 = vector.broadcast %jit3A_1156 : f32 to vector<128x8192xf32>
        %select_n3A_1158 = arith.select %eq3A_1155, %broadcast_in_dim3A_1134, %broadcast_in_dim3A_1157 : vector<128x8192xi1>, vector<128x8192xf32>
        %reduce_min3A_1159 = arith.constant dense<0x7F800000> : vector<128xf32>
        %reduce_min3A_1160 = vector.multi_reduction <minimumf>, %select_n3A_1158, %reduce_min3A_1159 [1] : vector<128x8192xf32> to vector<128xf32>
        %broadcast_in_dim3A_1161 = vector.shape_cast %reduce_min3A_1160 : vector<128xf32> to vector<128x1xf32>
        %eq3A_1162 = vector.broadcast %broadcast_in_dim3A_1161 : vector<128x1xf32> to vector<128x8192xf32>
        %eq3A_1163 = arith.cmpf oeq, %broadcast_in_dim3A_1134, %eq3A_1162 : vector<128x8192xf32>
        %jit3A_1164 = arith.constant -1.000000e+00 : f32
        %broadcast_in_dim3A_1165 = vector.broadcast %jit3A_1164 : f32 to vector<128x8192xf32>
        %select_n3A_1166 = arith.select %eq3A_1163, %broadcast_in_dim3A_1165, %select_n3A_1150 : vector<128x8192xi1>, vector<128x8192xf32>
        %reduce_max3A_1167 = arith.constant dense<0xFF800000> : vector<128xf32>
        %reduce_max3A_1168 = vector.multi_reduction <maximumf>, %select_n3A_1166, %reduce_max3A_1167 [1] : vector<128x8192xf32> to vector<128xf32>
        %broadcast_in_dim3A_1169 = vector.shape_cast %reduce_max3A_1168 : vector<128xf32> to vector<128x1xf32>
        %eq3A_1170 = vector.broadcast %broadcast_in_dim3A_1169 : vector<128x1xf32> to vector<128x8192xf32>
        %eq3A_1171 = arith.cmpf oeq, %select_n3A_1166, %eq3A_1170 : vector<128x8192xf32>
        %jit3A_1172 = arith.constant 1.000000e+09 : f32
        %broadcast_in_dim3A_1173 = vector.broadcast %jit3A_1172 : f32 to vector<128x8192xf32>
        %select_n3A_1174 = arith.select %eq3A_1171, %broadcast_in_dim3A_1134, %broadcast_in_dim3A_1173 : vector<128x8192xi1>, vector<128x8192xf32>
        %reduce_min3A_1175 = arith.constant dense<0x7F800000> : vector<128xf32>
        %reduce_min3A_1176 = vector.multi_reduction <minimumf>, %select_n3A_1174, %reduce_min3A_1175 [1] : vector<128x8192xf32> to vector<128xf32>
        %broadcast_in_dim3A_1177 = vector.shape_cast %reduce_min3A_1176 : vector<128xf32> to vector<128x1xf32>
        %eq3A_1178 = vector.broadcast %broadcast_in_dim3A_1177 : vector<128x1xf32> to vector<128x8192xf32>
        %eq3A_1179 = arith.cmpf oeq, %broadcast_in_dim3A_1134, %eq3A_1178 : vector<128x8192xf32>
        %jit3A_1180 = arith.constant -1.000000e+00 : f32
        %broadcast_in_dim3A_1181 = vector.broadcast %jit3A_1180 : f32 to vector<128x8192xf32>
        %select_n3A_1182 = arith.select %eq3A_1179, %broadcast_in_dim3A_1181, %select_n3A_1166 : vector<128x8192xi1>, vector<128x8192xf32>
        %reduce_max3A_1183 = arith.constant dense<0xFF800000> : vector<128xf32>
        %reduce_max3A_1184 = vector.multi_reduction <maximumf>, %select_n3A_1182, %reduce_max3A_1183 [1] : vector<128x8192xf32> to vector<128xf32>
        %broadcast_in_dim3A_1185 = vector.shape_cast %reduce_max3A_1184 : vector<128xf32> to vector<128x1xf32>
        %eq3A_1186 = vector.broadcast %broadcast_in_dim3A_1185 : vector<128x1xf32> to vector<128x8192xf32>
        %eq3A_1187 = arith.cmpf oeq, %select_n3A_1182, %eq3A_1186 : vector<128x8192xf32>
        %jit3A_1188 = arith.constant 1.000000e+09 : f32
        %broadcast_in_dim3A_1189 = vector.broadcast %jit3A_1188 : f32 to vector<128x8192xf32>
        %select_n3A_1190 = arith.select %eq3A_1187, %broadcast_in_dim3A_1134, %broadcast_in_dim3A_1189 : vector<128x8192xi1>, vector<128x8192xf32>
        %reduce_min3A_1191 = arith.constant dense<0x7F800000> : vector<128xf32>
        %reduce_min3A_1192 = vector.multi_reduction <minimumf>, %select_n3A_1190, %reduce_min3A_1191 [1] : vector<128x8192xf32> to vector<128xf32>
        %broadcast_in_dim3A_1193 = vector.shape_cast %reduce_min3A_1192 : vector<128xf32> to vector<128x1xf32>
        %eq3A_1194 = vector.broadcast %broadcast_in_dim3A_1193 : vector<128x1xf32> to vector<128x8192xf32>
        %eq3A_1195 = arith.cmpf oeq, %broadcast_in_dim3A_1134, %eq3A_1194 : vector<128x8192xf32>
        %jit3A_1196 = arith.constant -1.000000e+00 : f32
        %broadcast_in_dim3A_1197 = vector.broadcast %jit3A_1196 : f32 to vector<128x8192xf32>
        %select_n3A_1198 = arith.select %eq3A_1195, %broadcast_in_dim3A_1197, %select_n3A_1182 : vector<128x8192xi1>, vector<128x8192xf32>
        %reduce_max3A_1199 = arith.constant dense<0xFF800000> : vector<128xf32>
        %reduce_max3A_1200 = vector.multi_reduction <maximumf>, %select_n3A_1198, %reduce_max3A_1199 [1] : vector<128x8192xf32> to vector<128xf32>
        %broadcast_in_dim3A_1201 = vector.shape_cast %reduce_max3A_1200 : vector<128xf32> to vector<128x1xf32>
        %eq3A_1202 = vector.broadcast %broadcast_in_dim3A_1201 : vector<128x1xf32> to vector<128x8192xf32>
        %eq3A_1203 = arith.cmpf oeq, %select_n3A_1198, %eq3A_1202 : vector<128x8192xf32>
        %jit3A_1204 = arith.constant 1.000000e+09 : f32
        %broadcast_in_dim3A_1205 = vector.broadcast %jit3A_1204 : f32 to vector<128x8192xf32>
        %select_n3A_1206 = arith.select %eq3A_1203, %broadcast_in_dim3A_1134, %broadcast_in_dim3A_1205 : vector<128x8192xi1>, vector<128x8192xf32>
        %reduce_min3A_1207 = arith.constant dense<0x7F800000> : vector<128xf32>
        %reduce_min3A_1208 = vector.multi_reduction <minimumf>, %select_n3A_1206, %reduce_min3A_1207 [1] : vector<128x8192xf32> to vector<128xf32>
        %broadcast_in_dim3A_1209 = vector.shape_cast %reduce_min3A_1208 : vector<128xf32> to vector<128x1xf32>
        %mul3A_1210 = arith.constant 8192 : i32
        %mul3A_1211 = arith.muli %arg1, %mul3A_1210 : i32
        %convert_element_type3A_1212 = arith.sitofp %mul3A_1211 : i32 to f32
        %broadcast_in_dim3A_1213 = arith.constant -1.000000e+00 : f32
        %broadcast_in_dim3A_1214 = vector.broadcast %broadcast_in_dim3A_1213 : f32 to vector<128x1xf32>
        %broadcast_in_dim3A_1215 = arith.constant 1.000000e+09 : f32
        %broadcast_in_dim3A_1216 = vector.broadcast %broadcast_in_dim3A_1215 : f32 to vector<128x1xf32>
        %get3A_1217 = arith.constant 0 : index
        %get3A_1218 = arith.constant 0 : index
        %get3A_1219 = vector.load %arg9[%get3A_1217, %get3A_1218] : memref<128x8xf32, #tpu.memory_space<vmem>>, vector<128x8xf32>
        %concatenate3A_1220 = tpu.concatenate %get3A_1219, %broadcast_in_dim3A_1137, %broadcast_in_dim3A_1153, %broadcast_in_dim3A_1169, %broadcast_in_dim3A_1185, %broadcast_in_dim3A_1201, %broadcast_in_dim3A_1214, %broadcast_in_dim3A_1214, %broadcast_in_dim3A_1214 in 1 : vector<128x8xf32>, vector<128x1xf32>, vector<128x1xf32>, vector<128x1xf32>, vector<128x1xf32>, vector<128x1xf32>, vector<128x1xf32>, vector<128x1xf32>, vector<128x1xf32> -> vector<128x16xf32>
        %get3A_1221 = arith.constant 0 : index
        %get3A_1222 = arith.constant 0 : index
        %get3A_1223 = vector.load %arg10[%get3A_1221, %get3A_1222] : memref<128x8xf32, #tpu.memory_space<vmem>>, vector<128x8xf32>
        %add3A_1224 = vector.broadcast %convert_element_type3A_1212 : f32 to vector<128x1xf32>
        %add3A_1225 = arith.addf %broadcast_in_dim3A_1145, %add3A_1224 : vector<128x1xf32>
        %add3A_1226 = vector.broadcast %convert_element_type3A_1212 : f32 to vector<128x1xf32>
        %add3A_1227 = arith.addf %broadcast_in_dim3A_1161, %add3A_1226 : vector<128x1xf32>
        %add3A_1228 = vector.broadcast %convert_element_type3A_1212 : f32 to vector<128x1xf32>
        %add3A_1229 = arith.addf %broadcast_in_dim3A_1177, %add3A_1228 : vector<128x1xf32>
        %add3A_1230 = vector.broadcast %convert_element_type3A_1212 : f32 to vector<128x1xf32>
        %add3A_1231 = arith.addf %broadcast_in_dim3A_1193, %add3A_1230 : vector<128x1xf32>
        %add3A_1232 = vector.broadcast %convert_element_type3A_1212 : f32 to vector<128x1xf32>
        %add3A_1233 = arith.addf %broadcast_in_dim3A_1209, %add3A_1232 : vector<128x1xf32>
        %concatenate3A_1234 = tpu.concatenate %get3A_1223, %add3A_1225, %add3A_1227, %add3A_1229, %add3A_1231, %add3A_1233, %broadcast_in_dim3A_1216, %broadcast_in_dim3A_1216, %broadcast_in_dim3A_1216 in 1 : vector<128x8xf32>, vector<128x1xf32>, vector<128x1xf32>, vector<128x1xf32>, vector<128x1xf32>, vector<128x1xf32>, vector<128x1xf32>, vector<128x1xf32>, vector<128x1xf32> -> vector<128x16xf32>
        %reduce_max3A_1235 = arith.constant dense<0xFF800000> : vector<128xf32>
        %reduce_max3A_1236 = vector.multi_reduction <maximumf>, %concatenate3A_1220, %reduce_max3A_1235 [1] : vector<128x16xf32> to vector<128xf32>
        %broadcast_in_dim3A_1237 = vector.shape_cast %reduce_max3A_1236 : vector<128xf32> to vector<128x1xf32>
        %eq3A_1238 = vector.broadcast %broadcast_in_dim3A_1237 : vector<128x1xf32> to vector<128x16xf32>
        %eq3A_1239 = arith.cmpf oeq, %concatenate3A_1220, %eq3A_1238 : vector<128x16xf32>
        %jit3A_1240 = arith.constant 1.000000e+09 : f32
        %broadcast_in_dim3A_1241 = vector.broadcast %jit3A_1240 : f32 to vector<128x16xf32>
        %select_n3A_1242 = arith.select %eq3A_1239, %concatenate3A_1234, %broadcast_in_dim3A_1241 : vector<128x16xi1>, vector<128x16xf32>
        %reduce_min3A_1243 = arith.constant dense<0x7F800000> : vector<128xf32>
        %reduce_min3A_1244 = vector.multi_reduction <minimumf>, %select_n3A_1242, %reduce_min3A_1243 [1] : vector<128x16xf32> to vector<128xf32>
        %broadcast_in_dim3A_1245 = vector.shape_cast %reduce_min3A_1244 : vector<128xf32> to vector<128x1xf32>
        %eq3A_1246 = vector.broadcast %broadcast_in_dim3A_1245 : vector<128x1xf32> to vector<128x16xf32>
        %eq3A_1247 = arith.cmpf oeq, %concatenate3A_1234, %eq3A_1246 : vector<128x16xf32>
        %jit3A_1248 = arith.constant -1.000000e+00 : f32
        %broadcast_in_dim3A_1249 = vector.broadcast %jit3A_1248 : f32 to vector<128x16xf32>
        %select_n3A_1250 = arith.select %eq3A_1247, %broadcast_in_dim3A_1249, %concatenate3A_1220 : vector<128x16xi1>, vector<128x16xf32>
        %reduce_max3A_1251 = arith.constant dense<0xFF800000> : vector<128xf32>
        %reduce_max3A_1252 = vector.multi_reduction <maximumf>, %select_n3A_1250, %reduce_max3A_1251 [1] : vector<128x16xf32> to vector<128xf32>
        %broadcast_in_dim3A_1253 = vector.shape_cast %reduce_max3A_1252 : vector<128xf32> to vector<128x1xf32>
        %eq3A_1254 = vector.broadcast %broadcast_in_dim3A_1253 : vector<128x1xf32> to vector<128x16xf32>
        %eq3A_1255 = arith.cmpf oeq, %select_n3A_1250, %eq3A_1254 : vector<128x16xf32>
        %jit3A_1256 = arith.constant 1.000000e+09 : f32
        %broadcast_in_dim3A_1257 = vector.broadcast %jit3A_1256 : f32 to vector<128x16xf32>
        %select_n3A_1258 = arith.select %eq3A_1255, %concatenate3A_1234, %broadcast_in_dim3A_1257 : vector<128x16xi1>, vector<128x16xf32>
        %reduce_min3A_1259 = arith.constant dense<0x7F800000> : vector<128xf32>
        %reduce_min3A_1260 = vector.multi_reduction <minimumf>, %select_n3A_1258, %reduce_min3A_1259 [1] : vector<128x16xf32> to vector<128xf32>
        %broadcast_in_dim3A_1261 = vector.shape_cast %reduce_min3A_1260 : vector<128xf32> to vector<128x1xf32>
        %eq3A_1262 = vector.broadcast %broadcast_in_dim3A_1261 : vector<128x1xf32> to vector<128x16xf32>
        %eq3A_1263 = arith.cmpf oeq, %concatenate3A_1234, %eq3A_1262 : vector<128x16xf32>
        %jit3A_1264 = arith.constant -1.000000e+00 : f32
        %broadcast_in_dim3A_1265 = vector.broadcast %jit3A_1264 : f32 to vector<128x16xf32>
        %select_n3A_1266 = arith.select %eq3A_1263, %broadcast_in_dim3A_1265, %select_n3A_1250 : vector<128x16xi1>, vector<128x16xf32>
        %reduce_max3A_1267 = arith.constant dense<0xFF800000> : vector<128xf32>
        %reduce_max3A_1268 = vector.multi_reduction <maximumf>, %select_n3A_1266, %reduce_max3A_1267 [1] : vector<128x16xf32> to vector<128xf32>
        %broadcast_in_dim3A_1269 = vector.shape_cast %reduce_max3A_1268 : vector<128xf32> to vector<128x1xf32>
        %eq3A_1270 = vector.broadcast %broadcast_in_dim3A_1269 : vector<128x1xf32> to vector<128x16xf32>
        %eq3A_1271 = arith.cmpf oeq, %select_n3A_1266, %eq3A_1270 : vector<128x16xf32>
        %jit3A_1272 = arith.constant 1.000000e+09 : f32
        %broadcast_in_dim3A_1273 = vector.broadcast %jit3A_1272 : f32 to vector<128x16xf32>
        %select_n3A_1274 = arith.select %eq3A_1271, %concatenate3A_1234, %broadcast_in_dim3A_1273 : vector<128x16xi1>, vector<128x16xf32>
        %reduce_min3A_1275 = arith.constant dense<0x7F800000> : vector<128xf32>
        %reduce_min3A_1276 = vector.multi_reduction <minimumf>, %select_n3A_1274, %reduce_min3A_1275 [1] : vector<128x16xf32> to vector<128xf32>
        %broadcast_in_dim3A_1277 = vector.shape_cast %reduce_min3A_1276 : vector<128xf32> to vector<128x1xf32>
        %eq3A_1278 = vector.broadcast %broadcast_in_dim3A_1277 : vector<128x1xf32> to vector<128x16xf32>
        %eq3A_1279 = arith.cmpf oeq, %concatenate3A_1234, %eq3A_1278 : vector<128x16xf32>
        %jit3A_1280 = arith.constant -1.000000e+00 : f32
        %broadcast_in_dim3A_1281 = vector.broadcast %jit3A_1280 : f32 to vector<128x16xf32>
        %select_n3A_1282 = arith.select %eq3A_1279, %broadcast_in_dim3A_1281, %select_n3A_1266 : vector<128x16xi1>, vector<128x16xf32>
        %reduce_max3A_1283 = arith.constant dense<0xFF800000> : vector<128xf32>
        %reduce_max3A_1284 = vector.multi_reduction <maximumf>, %select_n3A_1282, %reduce_max3A_1283 [1] : vector<128x16xf32> to vector<128xf32>
        %broadcast_in_dim3A_1285 = vector.shape_cast %reduce_max3A_1284 : vector<128xf32> to vector<128x1xf32>
        %eq3A_1286 = vector.broadcast %broadcast_in_dim3A_1285 : vector<128x1xf32> to vector<128x16xf32>
        %eq3A_1287 = arith.cmpf oeq, %select_n3A_1282, %eq3A_1286 : vector<128x16xf32>
        %jit3A_1288 = arith.constant 1.000000e+09 : f32
        %broadcast_in_dim3A_1289 = vector.broadcast %jit3A_1288 : f32 to vector<128x16xf32>
        %select_n3A_1290 = arith.select %eq3A_1287, %concatenate3A_1234, %broadcast_in_dim3A_1289 : vector<128x16xi1>, vector<128x16xf32>
        %reduce_min3A_1291 = arith.constant dense<0x7F800000> : vector<128xf32>
        %reduce_min3A_1292 = vector.multi_reduction <minimumf>, %select_n3A_1290, %reduce_min3A_1291 [1] : vector<128x16xf32> to vector<128xf32>
        %broadcast_in_dim3A_1293 = vector.shape_cast %reduce_min3A_1292 : vector<128xf32> to vector<128x1xf32>
        %eq3A_1294 = vector.broadcast %broadcast_in_dim3A_1293 : vector<128x1xf32> to vector<128x16xf32>
        %eq3A_1295 = arith.cmpf oeq, %concatenate3A_1234, %eq3A_1294 : vector<128x16xf32>
        %jit3A_1296 = arith.constant -1.000000e+00 : f32
        %broadcast_in_dim3A_1297 = vector.broadcast %jit3A_1296 : f32 to vector<128x16xf32>
        %select_n3A_1298 = arith.select %eq3A_1295, %broadcast_in_dim3A_1297, %select_n3A_1282 : vector<128x16xi1>, vector<128x16xf32>
        %reduce_max3A_1299 = arith.constant dense<0xFF800000> : vector<128xf32>
        %reduce_max3A_1300 = vector.multi_reduction <maximumf>, %select_n3A_1298, %reduce_max3A_1299 [1] : vector<128x16xf32> to vector<128xf32>
        %broadcast_in_dim3A_1301 = vector.shape_cast %reduce_max3A_1300 : vector<128xf32> to vector<128x1xf32>
        %eq3A_1302 = vector.broadcast %broadcast_in_dim3A_1301 : vector<128x1xf32> to vector<128x16xf32>
        %eq3A_1303 = arith.cmpf oeq, %select_n3A_1298, %eq3A_1302 : vector<128x16xf32>
        %jit3A_1304 = arith.constant 1.000000e+09 : f32
        %broadcast_in_dim3A_1305 = vector.broadcast %jit3A_1304 : f32 to vector<128x16xf32>
        %select_n3A_1306 = arith.select %eq3A_1303, %concatenate3A_1234, %broadcast_in_dim3A_1305 : vector<128x16xi1>, vector<128x16xf32>
        %reduce_min3A_1307 = arith.constant dense<0x7F800000> : vector<128xf32>
        %reduce_min3A_1308 = vector.multi_reduction <minimumf>, %select_n3A_1306, %reduce_min3A_1307 [1] : vector<128x16xf32> to vector<128xf32>
        %broadcast_in_dim3A_1309 = vector.shape_cast %reduce_min3A_1308 : vector<128xf32> to vector<128x1xf32>
        %broadcast_in_dim3A_1310 = arith.constant -1.000000e+00 : f32
        %broadcast_in_dim3A_1311 = vector.broadcast %broadcast_in_dim3A_1310 : f32 to vector<128x1xf32>
        %broadcast_in_dim3A_1312 = arith.constant 1.000000e+09 : f32
        %broadcast_in_dim3A_1313 = vector.broadcast %broadcast_in_dim3A_1312 : f32 to vector<128x1xf32>
        %concatenate3A_1314 = tpu.concatenate %broadcast_in_dim3A_1237, %broadcast_in_dim3A_1253, %broadcast_in_dim3A_1269, %broadcast_in_dim3A_1285, %broadcast_in_dim3A_1301, %broadcast_in_dim3A_1311, %broadcast_in_dim3A_1311, %broadcast_in_dim3A_1311 in 1 : vector<128x1xf32>, vector<128x1xf32>, vector<128x1xf32>, vector<128x1xf32>, vector<128x1xf32>, vector<128x1xf32>, vector<128x1xf32>, vector<128x1xf32> -> vector<128x8xf32>
        %swap3A_1315 = arith.constant 0 : index
        %swap3A_1316 = arith.constant 0 : index
        %swap3A_1317 = vector.load %arg9[%swap3A_1315, %swap3A_1316] : memref<128x8xf32, #tpu.memory_space<vmem>>, vector<128x8xf32>
        tpu.vector_store %arg9[%swap3A_1315, %swap3A_1316], %concatenate3A_1314 {strides = array<i32>} : memref<128x8xf32, #tpu.memory_space<vmem>>, vector<128x8xf32>,
        %concatenate3A_1318 = tpu.concatenate %broadcast_in_dim3A_1245, %broadcast_in_dim3A_1261, %broadcast_in_dim3A_1277, %broadcast_in_dim3A_1293, %broadcast_in_dim3A_1309, %broadcast_in_dim3A_1313, %broadcast_in_dim3A_1313, %broadcast_in_dim3A_1313 in 1 : vector<128x1xf32>, vector<128x1xf32>, vector<128x1xf32>, vector<128x1xf32>, vector<128x1xf32>, vector<128x1xf32>, vector<128x1xf32>, vector<128x1xf32> -> vector<128x8xf32>
        %swap3A_1319 = arith.constant 0 : index
        %swap3A_1320 = arith.constant 0 : index
        %swap3A_1321 = vector.load %arg10[%swap3A_1319, %swap3A_1320] : memref<128x8xf32, #tpu.memory_space<vmem>>, vector<128x8xf32>
        tpu.vector_store %arg10[%swap3A_1319, %swap3A_1320], %concatenate3A_1318 {strides = array<i32>} : memref<128x8xf32, #tpu.memory_space<vmem>>, vector<128x8xf32>,
      } else {
      }
    } else {
    }
    %eq3A_11 = arith.constant 12 : i32
    %eq3A_12 = arith.cmpi eq, %arg1, %eq3A_11 : i32
    %convert_element_type3A_13 = arith.extui %eq3A_12 : i1 to i32
    %cond3A_14 = arith.constant 0 : i32
    %cond3A_15 = arith.cmpi ne, %convert_element_type3A_13, %cond3A_14 : i32
    scf.if %cond3A_15 {
      %iota3A = tpu.iota {dimensions = array<i32: 1>} : vector<128x8xi32>
      %get3A = arith.constant 0 : index
      %get3A_16 = arith.constant 0 : index
      %get3A_17 = vector.load %arg9[%get3A, %get3A_16] : memref<128x8xf32, #tpu.memory_space<vmem>>, vector<128x8xf32>
      %get3A_18 = arith.constant 0 : index
      %get3A_19 = arith.constant 0 : index
      %get3A_20 = vector.load %arg10[%get3A_18, %get3A_19] : memref<128x8xf32, #tpu.memory_space<vmem>>, vector<128x8xf32>
      %convert_element_type3A_21 = arith.fptosi %get3A_20 : vector<128x8xf32> to vector<128x8xi32>
      %lt3A_22 = arith.constant 5 : i32
      %lt3A_23 = vector.broadcast %lt3A_22 : i32 to vector<128x8xi32>
      %lt3A_24 = arith.cmpi slt, %iota3A, %lt3A_23 : vector<128x8xi32>
      %jit3A = arith.constant 0.000000e+00 : f32
      %broadcast_in_dim3A = vector.broadcast %jit3A : f32 to vector<128x8xf32>
      %select_n3A = arith.select %lt3A_24, %get3A_17, %broadcast_in_dim3A : vector<128x8xi1>, vector<128x8xf32>
      %reduce_sum3A = arith.constant dense<0.000000e+00> : vector<128xf32>
      %reduce_sum3A_25 = vector.multi_reduction <add>, %select_n3A, %reduce_sum3A [1] : vector<128x8xf32> to vector<128xf32>
      %broadcast_in_dim3A_26 = vector.shape_cast %reduce_sum3A_25 : vector<128xf32> to vector<128x1xf32>
      %add3A = arith.constant 1.000000e-10 : f32
      %add3A_27 = vector.broadcast %add3A : f32 to vector<128x1xf32>
      %add3A_28 = arith.addf %broadcast_in_dim3A_26, %add3A_27 : vector<128x1xf32>
      %div3A = vector.broadcast %add3A_28 : vector<128x1xf32> to vector<128x8xf32>
      %div3A_29 = arith.divf %get3A_17, %div3A : vector<128x8xf32>
      %get3A_30 = arith.constant 0 : index
      %get3A_31 = arith.constant 0 : index
      %get3A_32 = memref.load %arg4[%get3A_30, %get3A_31] : memref<1x1xf32, #tpu.memory_space<smem>>
      %get3A_33 = arith.constant 0 : index
      %get3A_34 = arith.constant 0 : index
      %get3A_35 = memref.load %arg5[%get3A_33, %get3A_34] : memref<1x1xf32, #tpu.memory_space<smem>>
      %get3A_36 = arith.constant 0 : index
      %get3A_37 = arith.constant 0 : index
      %get3A_38 = memref.load %arg6[%get3A_36, %get3A_37] : memref<1x1xf32, #tpu.memory_space<smem>>
      %get3A_39 = arith.constant 0 : index
      %get3A_40 = arith.constant 0 : index
      %get3A_41 = vector.load %arg11[%get3A_39, %get3A_40] : memref<128x1xf32, #tpu.memory_space<vmem>>, vector<128x1xf32>
      %neg3A = arith.constant 0.000000e+00 : f32
      %neg3A_42 = vector.broadcast %neg3A : f32 to vector<128x1xf32>
      %neg3A_43 = arith.subf %neg3A_42, %get3A_41 : vector<128x1xf32>
      %sub3A = vector.broadcast %get3A_35 : f32 to vector<128x1xf32>
      %sub3A_44 = arith.subf %neg3A_43, %sub3A : vector<128x1xf32>
      %mul3A = vector.broadcast %get3A_32 : f32 to vector<128x1xf32>
      %mul3A_45 = arith.mulf %mul3A, %sub3A_44 : vector<128x1xf32>
      %abs3A = math.absf %mul3A_45 : vector<128x1xf32>
      %neg3A_46 = arith.constant 0.000000e+00 : f32
      %neg3A_47 = vector.broadcast %neg3A_46 : f32 to vector<128x1xf32>
      %neg3A_48 = arith.subf %neg3A_47, %abs3A : vector<128x1xf32>
      %exp3A = math.exp %neg3A_48 : vector<128x1xf32>
      %ge3A = arith.constant 0.000000e+00 : f32
      %ge3A_49 = vector.broadcast %ge3A : f32 to vector<128x1xf32>
      %ge3A_50 = arith.cmpf oge, %mul3A_45, %ge3A_49 : vector<128x1xf32>
      %add3A_51 = arith.constant 1.000000e+00 : f32
      %add3A_52 = vector.broadcast %add3A_51 : f32 to vector<128x1xf32>
      %add3A_53 = arith.addf %add3A_52, %exp3A : vector<128x1xf32>
      %div3A_54 = arith.constant 1.000000e+00 : f32
      %div3A_55 = vector.broadcast %div3A_54 : f32 to vector<128x1xf32>
      %div3A_56 = arith.divf %div3A_55, %add3A_53 : vector<128x1xf32>
      %add3A_57 = arith.constant 1.000000e+00 : f32
      %add3A_58 = vector.broadcast %add3A_57 : f32 to vector<128x1xf32>
      %add3A_59 = arith.addf %add3A_58, %exp3A : vector<128x1xf32>
      %div3A_60 = arith.divf %exp3A, %add3A_59 : vector<128x1xf32>
      %select_n3A_61 = arith.select %ge3A_50, %div3A_56, %div3A_60 : vector<128x1xi1>, vector<128x1xf32>
      %mul3A_62 = vector.broadcast %get3A_38 : f32 to vector<128x1xf32>
      %mul3A_63 = arith.mulf %mul3A_62, %select_n3A_61 : vector<128x1xf32>
      %get3A_64 = arith.constant 0 : index
      %get3A_65 = arith.constant 0 : index
      %get3A_66 = vector.load %arg2[%get3A_64, %get3A_65] : memref<128x1xi32, #tpu.memory_space<vmem>>, vector<128x1xi32>
      %eq3A_67 = arith.constant 103 : i32
      %eq3A_68 = vector.broadcast %eq3A_67 : i32 to vector<128x1xi32>
      %eq3A_69 = arith.cmpi eq, %get3A_66, %eq3A_68 : vector<128x1xi32>
      %lt3A_70 = arith.constant 5 : i32
      %lt3A_71 = vector.broadcast %lt3A_70 : i32 to vector<128x8xi32>
      %lt3A_72 = arith.cmpi slt, %iota3A, %lt3A_71 : vector<128x8xi32>
      %mul3A_73 = vector.broadcast %mul3A_63 : vector<128x1xf32> to vector<128x8xf32>
      %mul3A_74 = arith.mulf %mul3A_73, %div3A_29 : vector<128x8xf32>
      %eq3A_75 = arith.constant 5 : i32
      %eq3A_76 = vector.broadcast %eq3A_75 : i32 to vector<128x8xi32>
      %eq3A_77 = arith.cmpi eq, %iota3A, %eq3A_76 : vector<128x8xi32>
      %sub3A_78 = arith.constant 1.000000e+00 : f32
      %sub3A_79 = vector.broadcast %sub3A_78 : f32 to vector<128x1xf32>
      %sub3A_80 = arith.subf %sub3A_79, %mul3A_63 : vector<128x1xf32>
      %jit3A_81 = arith.constant 0.000000e+00 : f32
      %broadcast_in_dim3A_82 = vector.shape_cast %sub3A_80 : vector<128x1xf32> to vector<128x1xf32>
      %broadcast_in_dim3A_83 = vector.broadcast %broadcast_in_dim3A_82 : vector<128x1xf32> to vector<128x8xf32>
      %broadcast_in_dim3A_84 = vector.broadcast %jit3A_81 : f32 to vector<128x8xf32>
      %select_n3A_85 = arith.select %eq3A_77, %broadcast_in_dim3A_83, %broadcast_in_dim3A_84 : vector<128x8xi1>, vector<128x8xf32>
      %select_n3A_86 = arith.select %lt3A_72, %mul3A_74, %select_n3A_85 : vector<128x8xi1>, vector<128x8xf32>
      %eq3A_87 = arith.constant 0 : i32
      %eq3A_88 = vector.broadcast %eq3A_87 : i32 to vector<128x8xi32>
      %eq3A_89 = arith.cmpi eq, %iota3A, %eq3A_88 : vector<128x8xi32>
      %jit3A_90 = arith.constant 1.000000e+00 : f32
      %jit3A_91 = arith.constant 0.000000e+00 : f32
      %broadcast_in_dim3A_92 = vector.broadcast %jit3A_90 : f32 to vector<128x8xf32>
      %broadcast_in_dim3A_93 = vector.broadcast %jit3A_91 : f32 to vector<128x8xf32>
      %select_n3A_94 = arith.select %eq3A_89, %broadcast_in_dim3A_92, %broadcast_in_dim3A_93 : vector<128x8xi1>, vector<128x8xf32>
      %broadcast_in_dim3A_95 = vector.shape_cast %eq3A_69 : vector<128x1xi1> to vector<128x1xi1>
      %broadcast_in_dim3A_96 = vector.broadcast %broadcast_in_dim3A_95 : vector<128x1xi1> to vector<128x8xi1>
      %select_n3A_97 = arith.select %broadcast_in_dim3A_96, %select_n3A_86, %select_n3A_94 : vector<128x8xi1>, vector<128x8xf32>
      %swap3A = arith.constant 0 : index
      %swap3A_98 = arith.constant 0 : index
      %swap3A_99 = vector.load %arg8[%swap3A, %swap3A_98] : memref<128x8xf32, #tpu.memory_space<vmem>>, vector<128x8xf32>
      tpu.vector_store %arg8[%swap3A, %swap3A_98], %select_n3A_97 {strides = array<i32>} : memref<128x8xf32, #tpu.memory_space<vmem>>, vector<128x8xf32>,
      %lt3A_100 = arith.constant 5 : i32
      %lt3A_101 = vector.broadcast %lt3A_100 : i32 to vector<128x8xi32>
      %lt3A_102 = arith.cmpi slt, %iota3A, %lt3A_101 : vector<128x8xi32>
      %eq3A_103 = arith.constant 5 : i32
      %eq3A_104 = vector.broadcast %eq3A_103 : i32 to vector<128x8xi32>
      %eq3A_105 = arith.cmpi eq, %iota3A, %eq3A_104 : vector<128x8xi32>
      %jit3A_106 = arith.constant 103 : i32
      %jit3A_107 = arith.constant 0 : i32
      %broadcast_in_dim3A_108 = vector.broadcast %jit3A_106 : i32 to vector<128x8xi32>
      %broadcast_in_dim3A_109 = vector.broadcast %jit3A_107 : i32 to vector<128x8xi32>
      %select_n3A_110 = arith.select %eq3A_105, %broadcast_in_dim3A_108, %broadcast_in_dim3A_109 : vector<128x8xi1>, vector<128x8xi32>
      %select_n3A_111 = arith.select %lt3A_102, %convert_element_type3A_21, %select_n3A_110 : vector<128x8xi1>, vector<128x8xi32>
      %eq3A_112 = arith.constant 0 : i32
      %eq3A_113 = vector.broadcast %eq3A_112 : i32 to vector<128x8xi32>
      %eq3A_114 = arith.cmpi eq, %iota3A, %eq3A_113 : vector<128x8xi32>
      %jit3A_115 = arith.constant 0 : i32
      %broadcast_in_dim3A_116 = vector.shape_cast %get3A_66 : vector<128x1xi32> to vector<128x1xi32>
      %broadcast_in_dim3A_117 = vector.broadcast %broadcast_in_dim3A_116 : vector<128x1xi32> to vector<128x8xi32>
      %broadcast_in_dim3A_118 = vector.broadcast %jit3A_115 : i32 to vector<128x8xi32>
      %select_n3A_119 = arith.select %eq3A_114, %broadcast_in_dim3A_117, %broadcast_in_dim3A_118 : vector<128x8xi1>, vector<128x8xi32>
      %broadcast_in_dim3A_120 = vector.shape_cast %eq3A_69 : vector<128x1xi1> to vector<128x1xi1>
      %broadcast_in_dim3A_121 = vector.broadcast %broadcast_in_dim3A_120 : vector<128x1xi1> to vector<128x8xi1>
      %select_n3A_122 = arith.select %broadcast_in_dim3A_121, %select_n3A_111, %select_n3A_119 : vector<128x8xi1>, vector<128x8xi32>
      %swap3A_123 = arith.constant 0 : index
      %swap3A_124 = arith.constant 0 : index
      %swap3A_125 = vector.load %arg7[%swap3A_123, %swap3A_124] : memref<128x8xi32, #tpu.memory_space<vmem>>, vector<128x8xi32>
      tpu.vector_store %arg7[%swap3A_123, %swap3A_124], %select_n3A_122 {strides = array<i32>} : memref<128x8xi32, #tpu.memory_space<vmem>>, vector<128x8xi32>,
    } else {
    }
    return
  }
  func.func @transform_0(%arg0: i32, %arg1: i32) -> (i32, i32) {
    %c0_i32 = arith.constant 0 : i32
    %c0_i32_0 = arith.constant 0 : i32
    return %arg0, %c0_i32 : i32, i32
  }
  func.func @transform_1(%arg0: i32, %arg1: i32) -> (i32, i32) {
    %c0_i32 = arith.constant 0 : i32
    return %arg0, %arg1 : i32, i32
  }
  func.func @transform_2(%arg0: i32, %arg1: i32) -> (i32, i32) {
    %c0_i32 = arith.constant 0 : i32
    %c0_i32_0 = arith.constant 0 : i32
    %c0_i32_1 = arith.constant 0 : i32
    return %c0_i32, %c0_i32_0 : i32, i32
  }
  func.func @transform_3(%arg0: i32, %arg1: i32) -> (i32, i32) {
    %c0_i32 = arith.constant 0 : i32
    %c0_i32_0 = arith.constant 0 : i32
    %c0_i32_1 = arith.constant 0 : i32
    return %c0_i32, %c0_i32_0 : i32, i32
  }
  func.func @transform_4(%arg0: i32, %arg1: i32) -> (i32, i32) {
    %c0_i32 = arith.constant 0 : i32
    %c0_i32_0 = arith.constant 0 : i32
    %c0_i32_1 = arith.constant 0 : i32
    return %c0_i32, %c0_i32_0 : i32, i32
  }
  func.func @transform_5(%arg0: i32, %arg1: i32) -> (i32, i32) {
    %c0_i32 = arith.constant 0 : i32
    %c0_i32_0 = arith.constant 0 : i32
    return %arg0, %c0_i32 : i32, i32
  }
  func.func @transform_6(%arg0: i32, %arg1: i32) -> (i32, i32) {
    %c0_i32 = arith.constant 0 : i32
    %c0_i32_0 = arith.constant 0 : i32
    return %arg0, %c0_i32 : i32, i32
  }
}

</mosaic_0001>

<sc_bundles>
// kernel: kernel.4.cloned.1.call-start
scs
__scs_entry_jumppad:
0x0: {  	(pc) =	sbr.rel $0x88, $3  }
0x1: {  	(tag) =	ssettag $0x0;
	lr =	simm.s32 $0x1  }
0x2: {  	[smem:$0x3F9B] =	sst lr;
	_ =	strace $0xD0000000  }
0x3: {  	_ = 	snop  }
0x4: {  	_ = 	snop  }
0x5: {  	_ = 	snop  }
0x6: {  	_ = 	snop  }
0x7: {  	_ = 	snop  }
__scs_overlays_trampoline_lowered:
0x8: {  	[smem:$0x3FAA] =	sst s0  }
0x9: {  	[smem:$0x3FAB] =	sst s1  }
0xa: {  	[smem:$0x3FAC] =	sst s2  }
0xb: {  	[smem:$0x3FAD] =	sst s3  }
0xc: {  	[smem:$0x3FAE] =	sst s4  }
0xd: {  	[smem:$0x3FAF] =	sst s5  }
0xe: {  	[smem:$0x3FB0] =	sst s6  }
0xf: {  	[smem:$0x3FB1] =	sst s7  }
0x10: {  	[smem:$0x3FB2] =	sst s8  }
0x11: {  	[smem:$0x3FB3] =	sst s9;
	s0 =	simm.s32 @!p0 $0x0  }
0x12: {  	s1 =	sld [smem:$0x3F99];
	s0 =	simm.s32 @p0 $0x1  }
0x13: {  	[smem:$0x3FB4] =	sst s0;
	s0 =	simm.s32 @!p1 $0x0  }
0x14: {  	s2 =	sld [smem:$0x3F98];
	s0 =	simm.s32 @p1 $0x1  }
0x15: {  	[smem:$0x3FB5] =	sst s0;
	s0 =	simm.s32 @!p2 $0x0  }
0x16: {  	s3 =	sld [smem:$0x3FDB];
	s0 =	simm.s32 @p2 $0x1  }
0x17: {  	s4 =	simm.s32 $0x1BF5;
	[smem:$0x3FB7] =	sst s0  }
0x18: {  	s0 =	sld [smem:$0x3F9A];
	_ =	swait.ge [sflag:s4], $0x0  }
0x19: {  	s7 =	sld [smem:$0x3F9B]  }
0x1a: {  	s8 =	sadd.s32 $0xFFFFE003, lr  }
0x1b: {  	s9 =	sadd.s32 $0xFFFFFEF7, lr;
	s5 =	simm.s32 $0xFFFFFFFF;
	p2 =	slt.u32 s8, $0xFFFFF086  }
0x1c: {  	p1 =	slt.u32 s9, $0xF7A;
	s5 =	simm.s32 @!p2 $0x0  }
0x1d: {  	s5 =	simm.s32 @p1 $0x1;
	p0 =	seq.s32 s7, s2  }
0x1e: {  	s7 =	smul.u32 @!p0 $0xF7A, s2;
	p2 =	seq.s32 @!p0 s5, $0x0  }
0x1f: {  	s9 =	smul.u32 $0xF7A, s1;
	s8 =	simm.s32 @!p0 $0x1BF5;
	p2 =	por !p2, p0  }
0x20: {  	[sflag:s8] =	ssyncset.s32 @!p0 $0xFFFFF086;
	s6 =	sadd.s32 @!p0 s3, s7;
	s7 =	simm.s32 @!p0 $0x108  }
0x21: {  	s3 =	sadd.s32 s3, s9;
	s6 =	sadd.s32 @!p0 $0x88, s6;
	s7 =	simm.s32 @p2 $0x1082  }
0x22: {  	[simem:s7], [sflag:s8] =	dma.local @!p0 [hbm:s6], $0xF7A  }
0x23: {  	s9 =	sor.u32 $0xD0000000, s2;
	s6 =	simm.s32 $0x108;
	_ =	swait.ge @!p0 [sflag:s8], $0x0  }
0x24: {  	s3 =	sadd.s32 $0x88, s3;
	s6 =	simm.s32 @!p1 $0x1082;
	[sflag:s4] =	ssyncset.s32 $0xFFFFF086  }
0x25: {  	[simem:s6], [sflag:s4] =	dma.local [hbm:s3], $0xF7A  }
0x26: {  	[smem:$0x3F9B] =	sst s1;
	(tag) =	ssettag s2;
	_ =	strace s9  }
0x27: {  	s1 =	sld [smem:$0x3FAB]  }
0x28: {  	s2 =	sld [smem:$0x3FAC]  }
0x29: {  	s4 =	sld [smem:$0x3FAE]  }
0x2a: {  	p0 =	seq.s32 s5, $0x0;
	s5 =	sld [smem:$0x3FAF]  }
0x2b: {  	s6 =	sld [smem:$0x3FB0]  }
0x2c: {  	s7 =	sld [smem:$0x3FB1]  }
0x2d: {  	s3 =	simm.s32 $0x108;
	s8 =	sld [smem:$0x3FB2]  }
0x2e: {  	s3 =	simm.s32 @!p0 $0x1082;
	s9 =	sld [smem:$0x3FB3]  }
0x2f: {  	lr =	sadd.s32 s0, s3;
	s0 =	sld [smem:$0x3FAA]  }
0x30: {  	s3 =	sld [smem:$0x3FAD]  }
0x31: {  	[smem:$0x3FB6] =	sst s10  }
0x32: {  	s10 =	sld [smem:$0x3FB4];
	_ =	sdelay $0x3  }
0x33: {  	p0 =	seq.s32 s10, $0x1;
	s10 =	sld [smem:$0x3FB6];
	_ =	sdelay $0x3  }
0x34: {  	[smem:$0x3FB6] =	sst s10  }
0x35: {  	s10 =	sld [smem:$0x3FB5];
	_ =	sdelay $0x3  }
0x36: {  	p1 =	seq.s32 s10, $0x1;
	s10 =	sld [smem:$0x3FB6];
	_ =	sdelay $0x3  }
0x37: {  	[smem:$0x3FB6] =	sst s10  }
0x38: {  	s10 =	sld [smem:$0x3FB7]  }
0x39: {  	_ = 	snop;
	(pc) =	sbr.ind lr, $3  }
0x3a: {  	_ = 	snop  }
0x3b: {  	_ = 	snop  }
0x3c: {  	p2 =	seq.s32 s10, $0x1;
	s10 =	sld [smem:$0x3FB6]  }
0x3d: {  	_ =	shalt  }
0x3e: {  	_ =	shalt  }
0x3f: {  	_ =	shalt  }
0x40: {  	_ =	shalt  }
0x41: {  	_ =	shalt  }
0x42: {  	_ =	shalt  }
0x43: {  	_ =	shalt  }
0x44: {  	_ =	shalt  }
0x45: {  	_ =	shalt  }
0x46: {  	_ =	shalt  }
0x47: {  	_ =	shalt  }
0x48: {  	_ =	shalt  }
0x49: {  	_ =	shalt  }
0x4a: {  	_ =	shalt  }
0x4b: {  	_ =	shalt  }
0x4c: {  	_ =	shalt  }
0x4d: {  	_ =	shalt  }
0x4e: {  	_ =	shalt  }
0x4f: {  	_ =	shalt  }
0x50: {  	_ =	shalt  }
0x51: {  	_ =	shalt  }
0x52: {  	_ =	shalt  }
0x53: {  	_ =	shalt  }
0x54: {  	_ =	shalt  }
0x55: {  	_ =	shalt  }
0x56: {  	_ =	shalt  }
0x57: {  	_ =	shalt  }
0x58: {  	_ =	shalt  }
0x59: {  	_ =	shalt  }
0x5a: {  	_ =	shalt  }
0x5b: {  	_ =	shalt  }
0x5c: {  	_ =	shalt  }
0x5d: {  	_ =	shalt  }
0x5e: {  	_ =	shalt  }
0x5f: {  	_ =	shalt  }
0x60: {  	_ =	shalt  }
0x61: {  	_ =	shalt  }
0x62: {  	_ =	shalt  }
0x63: {  	_ =	shalt  }
0x64: {  	_ =	shalt  }
0x65: {  	_ =	shalt  }
0x66: {  	_ =	shalt  }
0x67: {  	_ =	shalt  }
0x68: {  	_ =	shalt  }
0x69: {  	_ =	shalt  }
0x6a: {  	_ =	shalt  }
0x6b: {  	_ =	shalt  }
0x6c: {  	_ =	shalt  }
0x6d: {  	_ =	shalt  }
0x6e: {  	_ =	shalt  }
0x6f: {  	_ =	shalt  }
0x70: {  	_ =	shalt  }
0x71: {  	_ =	shalt  }
0x72: {  	_ =	shalt  }
0x73: {  	_ =	shalt  }
0x74: {  	_ =	shalt  }
0x75: {  	_ =	shalt  }
0x76: {  	_ =	shalt  }
0x77: {  	_ =	shalt  }
0x78: {  	_ =	shalt  }
0x79: {  	_ =	shalt  }
0x7a: {  	_ =	shalt  }
0x7b: {  	_ =	shalt  }
0x7c: {  	_ =	shalt  }
0x7d: {  	_ =	shalt  }
0x7e: {  	_ =	shalt  }
0x7f: {  	_ =	shalt  }
0x80: {  	_ =	shalt  }
0x81: {  	_ =	shalt  }
0x82: {  	_ =	shalt  }
0x83: {  	_ =	shalt  }
0x84: {  	_ =	shalt  }
0x85: {  	_ =	shalt  }
0x86: {  	_ =	shalt  }
0x87: {  	_ =	shalt  }
.Lfunc_end0:
.L_simem_size_0:
called_computation_lowered:
.L_overlay_start_0:
0x88: {  	s2 =	sld [smem:$0x3FD9]  }
0x89: {  	s3 =	sld [smem:$0x3FFE];
	_ =	sdelay $0x1  }
0x8a: {  	s1 =	srdreg.scid  }
0x8b: {  	s0 =	sand.u32 $0x1, s1  }
0x8c: {  	s17 =	sshll.u32 s0, $0xA;
	s2 =	sadd.s32 s3, s2  }
0x8d: {  	s2 =	sadd.s32 s2, s17  }
0x8e: {  	[smem:$0x3FC2] =	sst s2  }
0x8f: {  	_ = 	snop  }
0x90: {  	s2 =	sld [smem:$0x3FC7]  }
0x91: {  	s18 =	sld [smem:$0x3FD0];
	(tm) =	ssettm $0x1  }
0x92: {  	s4 =	sld [smem:$0x3FFB];
	_ =	sdelay $0x3  }
0x93: {  	_ =	strace s4  }
0x94: {  	s4 =	sld [smem:$0x3FFC];
	_ =	sdelay $0x3  }
0x95: {  	_ =	strace s4  }
0x96: {  	s4 =	sld [smem:$0x3FFD];
	_ =	sdelay $0x3  }
0x97: {  	_ =	strace s4  }
0x98: {  	_ =	strace $0x8FFFFFFF  }
0x99: {  	s19 =	sld [smem:$0x3FDB];
	_ =	sdelay $0x1  }
0x9a: {  	s5 =	simm.s32 $_scs_section_size  }
0x9b: {  	s6 =	simm.s32 $_size__tile_overlayer_lowered;
	s7 =	simm.s32 $_tile_overlayer_lowered  }
0x9c: {  	s22 =	simm.s32 $0x1BFF;
	s21 =	sshll.u32 s7, $0x1;
	s4 =	sadd.s32 s5, s19  }
0x9d: {  	s8 =	simm.s32 $0x0;
	s20 =	sshll.u32 s6, $0x1;
	s6 =	sadd.s32 s21, s4  }
0x9e: {  	[timem:s8], [sflag:s22] =	dma.local [hbm:s6], s20  }
0x9f: {  	_ =	swait.ge [sflag:s22], s20  }
0xa0: {  	s5 =	ssub.s32 $0x0, s20;
	[sflag:s22] =	ssyncset.done $0x0  }
0xa1: {  	[sflag:s22] =	ssyncadd.s32 s5;
	_ =	sdelay $0x1  }
0xa2: {  	s23 =	simm.s32 $0x1B8B  }
0xa3: {  	_ =	swait.ge [sflag:s23], $0x1  }
0xa4: {  	[sflag:s23] =	ssyncset.done $0x0  }
0xa5: {  	s25 =	simm.s32 $0x1B8E;
	s24 =	sld [smem:$0x3FFE];
	[sflag:s23] =	ssyncadd.s32 $0xFFFFFFFF  }
0xa6: {  	s26 =	simm.s32 $execute0_lowered;
	[smem:$0x3FD2] =	sst s25  }
0xa7: {  	s6 =	sshll.u32 s26, $0x1;
	_ =	strace $0x80000046;
	[dreg:$0x1] =	wrdreg $0xFFFFFFFF  }
0xa8: {  	s28 =	simm.s32 $_size_execute0_lowered;
	s4 =	sadd.s32 s4, s6;
	[dreg:$0x0] =	wrdreg $0x0  }
0xa9: {  	s6 =	sshll.u32 s28, $0x1;
	[dreg:$0x2] =	wrdreg s4  }
0xaa: {  	[dreg:$0x3] =	wrdreg s6  }
0xab: {  	[dreg:$0x4] =	wrdreg $0xC0  }
0xac: {  	_ =	task [dreg:s8], $0x5FFFF  }
0xad: {  	[dreg:$0x1] =	wrdreg $0xFFFFFFFF  }
0xae: {  	[dreg:$0x0] =	wrdreg $0x60  }
0xaf: {  	[dreg:$0x2] =	wrdreg s2  }
0xb0: {  	[dreg:$0x3] =	wrdreg s24  }
0xb1: {  	[dreg:$0x4] =	wrdreg s18  }
0xb2: {  	[dreg:$0x5] =	wrdreg $0x9  }
0xb3: {  	_ =	task.clear_ibuf [dreg:s8], $0x6FFFF;
	_ =	strace $0x90000046  }
0xb4: {  	s29 =	simm.s32 $0x9;
	_ =	strace $0x80000048  }
0xb5: {  	_ =	swait.ge [sflag:s29], $0x1  }
0xb6: {  	[sflag:s29] =	ssyncadd.s32 $0xFFFFFFFF  }
0xb7: {  	_ =	strace $0x90000048  }
0xb8: {  	_ =	sfence  }
0xb9: {  	s30 =	sld [smem:$0x0];
	_ =	sdelay $0x2  }
0xba: {  	s31 =	sshll.u32 s1, $0xD;
	s1 =	sshrl.u32 s1, $0x2  }
0xbb: {  	s3 =	sand.u32 $0x4000, s31;
	s1 =	sadd.s32 s1, s30  }
0xbc: {  	s0 =	sor.u32 s3, s0;
	s1 =	sshll.u32 s1, $0x11  }
0xbd: {  	s0 =	sor.u32 s1, s0  }
0xbe: {  	s0 =	sadd.s32 $0x8F2B, s0  }
0xbf: {  	[sflag:s0] =	ssyncadd.remote.s32 $0x1  }
0xc0: {  	_ =	sfence.sel $0xFFFF  }
0xc1: {  	[dreg:$0x0] =	wrdreg $0xFFFFFFFF;
	(pc) =	sbr.abs _section_cstart, $3  }
0xc2: {  	[dreg:$0x1] =	wrdreg $0xFFFFFFFF  }
0xc3: {  	_ =	task.clear_ibuf [dreg:s8], $0x2FFFF;
	_ =	strace $0x9FFFFFFF  }
0xc4: {  	(tm) =	ssettm $0x7FFFFFFF  }
0xc5: {  	_ =	shalt  }
tec
execute0_lowered:
.L_overlay_start_1:
0x0: {  	(tag) =	ssettag $0x1  }
0x1: {  	s1 =	rddreg [dreg:$0x0]  }
0x2: {  	s4 =	rddreg [dreg:$0x1]  }
0x3: {  	s6 =	rddreg [dreg:$0x2]  }
0x4: {  	s0 =	rddreg [dreg:$0x3];
	s5 =	srdreg.scid  }
0x5: {  	s2 =	stileid.u32;
	s3 =	simm.s32 $0x0;
	s11 =	simm.s32 $0x8100  }
0x6: {  	s12 =	simm.s32 $0x1;
	s13 =	simm.s32 $0x9100;
	s14 =	simm.s32 $0x40  }
0x7: {  	s15 =	simm.s32 $0xA100;
	s16 =	simm.s32 $0x60;
	s17 =	simm.s32 $0xB100  }
0x8: {  	s18 =	simm.s32 $0x80;
	s19 =	simm.s32 $0xC100;
	s20 =	simm.s32 $0xA0  }
0x9: {  	s21 =	simm.s32 $0xD100;
	s22 =	simm.s32 $0xC0;
	s23 =	simm.s32 $0xE100  }
0xa: {  	s24 =	simm.s32 $0xE0;
	s25 =	simm.s32 $0xF100;
	s26 =	simm.s32 $0x10100  }
0xb: {  	s5 =	sand.u32 $0x1, s5;
	s7 =	sshll.u32 s2, $0x1;
	[smem:$0x7FF] =	sst s3  }
0xc: {  	s28 =	simm.s32 $0x0;
	s7 =	sor.u32 s5, s7;
	_ =	strace $0x80000047  }
0xd: {  	s5 =	ssub.s32 $0x2, s5;
	s8 =	sshll.u32 s7, $0x5;
	s9 =	sshll.u32 s7, $0xC  }
0xe: {  	s10 =	sshrl.u32 s5, $0x1;
	s7 =	sshll.u32 s7, $0x9;
	s8 =	sadd.s32 s8, s4  }
0xf: {  	s9 =	sadd.s32 s9, s4;
	s10 =	ssub.s32 s5, s10;
	s6 =	sadd.s32 s6, s7  }
0x10: {  	s4 =	sadd.s32 $0x600, s8;
	s5 =	sadd.s32 $0xA00, s9;
	s7 =	smax.u32 s10, $0x1  }
0x11: {  	s8 =	simm.s32 $0x2;
	s9 =	simm.s32 $0x100;
	s10 =	simm.s32 $0x20  }
.LBB2_1:
0x12: {  	[tilespmem:s3], [sflag:$0x2] =	stream.linear.gather [hbm4b:s4+s3], $0x100, $0x38;
	[tilespmem:$0x11100] =	vst v63  }
0x13: {  	_ =	swait.ge [sflag:s8], $0x100  }
0x14: {  	[sflag:s8] =	ssyncset.done $0x0  }
0x15: {  	[sflag:s8] =	ssyncadd.s32 $0xFFFFFF00  }
0x16: {  	[tilespmem:s9], [sflag:$0x2] =	stream.linear.gather [hbm4b:s5+s3], $0x8000, $0x38;
	[tilespmem:$0x11100] =	vst v63  }
0x17: {  	_ =	swait.ge [sflag:s8], $0x8000  }
0x18: {  	[sflag:s8] =	ssyncset.done $0x0  }
0x19: {  	[sflag:s8] =	ssyncadd.s32 $0xFFFF8000  }
0x1a: {  	[tilespmem:s11], [sflag:$0x1] =	stream.indirect.gather [hbm4b:s1+s10], $0x80, s3, s10, $0xb8;
	[tilespmem:$0x11100] =	vst v63  }
0x1b: {  	_ =	swait.ge [sflag:s12], $0x1000  }
0x1c: {  	[sflag:s12] =	ssyncset.done $0x0  }
0x1d: {  	[sflag:s12] =	ssyncadd.s32 $0xFFFFF000  }
0x1e: {  	[tilespmem:s13], [sflag:$0x1] =	stream.indirect.gather [hbm4b:s1+s10], $0x80, s10, s10, $0xb8;
	[tilespmem:$0x11100] =	vst v63  }
0x1f: {  	_ =	swait.ge [sflag:s12], $0x1000  }
0x20: {  	[sflag:s12] =	ssyncset.done $0x0  }
0x21: {  	[sflag:s12] =	ssyncadd.s32 $0xFFFFF000  }
0x22: {  	[tilespmem:s15], [sflag:$0x1] =	stream.indirect.gather [hbm4b:s1+s10], $0x80, s14, s10, $0xb8;
	[tilespmem:$0x11100] =	vst v63  }
0x23: {  	_ =	swait.ge [sflag:s12], $0x1000  }
0x24: {  	[sflag:s12] =	ssyncset.done $0x0  }
0x25: {  	[sflag:s12] =	ssyncadd.s32 $0xFFFFF000  }
0x26: {  	[tilespmem:s17], [sflag:$0x1] =	stream.indirect.gather [hbm4b:s1+s10], $0x80, s16, s10, $0xb8;
	[tilespmem:$0x11100] =	vst v63  }
0x27: {  	_ =	swait.ge [sflag:s12], $0x1000  }
0x28: {  	[sflag:s12] =	ssyncset.done $0x0  }
0x29: {  	[sflag:s12] =	ssyncadd.s32 $0xFFFFF000  }
0x2a: {  	[tilespmem:s19], [sflag:$0x1] =	stream.indirect.gather [hbm4b:s1+s10], $0x80, s18, s10, $0xb8;
	[tilespmem:$0x11100] =	vst v63  }
0x2b: {  	_ =	swait.ge [sflag:s12], $0x1000  }
0x2c: {  	[sflag:s12] =	ssyncset.done $0x0  }
0x2d: {  	[sflag:s12] =	ssyncadd.s32 $0xFFFFF000  }
0x2e: {  	[tilespmem:s21], [sflag:$0x1] =	stream.indirect.gather [hbm4b:s1+s10], $0x80, s20, s10, $0xb8;
	[tilespmem:$0x11100] =	vst v63  }
0x2f: {  	_ =	swait.ge [sflag:s12], $0x1000  }
0x30: {  	[sflag:s12] =	ssyncset.done $0x0  }
0x31: {  	[sflag:s12] =	ssyncadd.s32 $0xFFFFF000  }
0x32: {  	[tilespmem:s23], [sflag:$0x1] =	stream.indirect.gather [hbm4b:s1+s10], $0x80, s22, s10, $0xb8;
	[tilespmem:$0x11100] =	vst v63  }
0x33: {  	_ =	swait.ge [sflag:s12], $0x1000  }
0x34: {  	[sflag:s12] =	ssyncset.done $0x0  }
0x35: {  	[sflag:s12] =	ssyncadd.s32 $0xFFFFF000  }
0x36: {  	[tilespmem:s25], [sflag:$0x1] =	stream.indirect.gather [hbm4b:s1+s10], $0x80, s24, s10, $0xb8;
	[tilespmem:$0x11100] =	vst v63  }
0x37: {  	_ =	swait.ge [sflag:s12], $0x1000  }
0x38: {  	[sflag:s12] =	ssyncset.done $0x0  }
0x39: {  	s29 =	simm.s32 $0x0;
	[sflag:s12] =	ssyncadd.s32 $0xFFFFF000  }
0x3a: {  	v0 =	vld [tilespmem:s29+$0x170]  }
0x3b: {  	v1 =	vld [tilespmem:s29+$0x8170]  }
0x3c: {  	v2 =	vld [tilespmem:s29+$0x1170]  }
0x3d: {  	v3 =	vld [tilespmem:s29+$0x9170]  }
0x3e: {  	v4 =	vld [tilespmem:s29+$0x2170]  }
0x3f: {  	v5 =	vld [tilespmem:s29+$0xA170]  }
0x40: {  	v6 =	vld [tilespmem:s29+$0x3170]  }
0x41: {  	v7 =	vld [tilespmem:s29+$0xB170]  }
0x42: {  	v8 =	vld [tilespmem:s29+$0x4170]  }
0x43: {  	v55 =	vld [tilespmem:s29+$0x100]  }
0x44: {  	v52 =	vld [tilespmem:s29+$0x1100]  }
0x45: {  	v9 =	vld [tilespmem:s29+$0x120]  }
0x46: {  	v10 =	vld [tilespmem:s29+$0x1120]  }
0x47: {  	v11 =	vld [tilespmem:s29+$0x9120]  }
0x48: {  	v12 =	vld [tilespmem:s29+$0x130]  }
0x49: {  	v13 =	vld [tilespmem:s29+$0x8130]  }
0x4a: {  	v14 =	vld [tilespmem:s29+$0x1130]  }
0x4b: {  	v15 =	vld [tilespmem:s29+$0x9130]  }
0x4c: {  	v16 =	vld [tilespmem:s29+$0x140]  }
0x4d: {  	v17 =	vld [tilespmem:s29+$0x8140]  }
0x4e: {  	v18 =	vld [tilespmem:s29+$0x1140]  }
0x4f: {  	v19 =	vld [tilespmem:s29+$0x9140]  }
0x50: {  	v20 =	vld [tilespmem:s29+$0x150]  }
0x51: {  	v21 =	vld [tilespmem:s29+$0x8150]  }
0x52: {  	v22 =	vld [tilespmem:s29+$0x1150]  }
0x53: {  	v23 =	vld [tilespmem:s29+$0x9150]  }
0x54: {  	v24 =	vld [tilespmem:s29+$0x160]  }
0x55: {  	v25 =	vld [tilespmem:s29+$0x8160]  }
0x56: {  	v26 =	vld [tilespmem:s29+$0x1160]  }
0x57: {  	v27 =	vld [tilespmem:s29+$0x9160]  }
0x58: {  	v28 =	vld [tilespmem:s29+$0x2100]  }
0x59: {  	v29 =	vld [tilespmem:s29+$0xA100]  }
0x5a: {  	v30 =	vld [tilespmem:s29+$0x2110]  }
0x5b: {  	v31 =	vld [tilespmem:s29+$0xA110]  }
0x5c: {  	v32 =	vld [tilespmem:s29+$0x2120]  }
0x5d: {  	v33 =	vld [tilespmem:s29+$0xA120]  }
0x5e: {  	v34 =	vld [tilespmem:s29+$0x2130]  }
0x5f: {  	v35 =	vld [tilespmem:s29+$0xA130]  }
0x60: {  	v36 =	vld [tilespmem:s29+$0x2140]  }
0x61: {  	v37 =	vld [tilespmem:s29+$0xA140]  }
0x62: {  	v38 =	vld [tilespmem:s29+$0x2150]  }
0x63: {  	v39 =	vld [tilespmem:s29+$0xA150]  }
0x64: {  	v40 =	vld [tilespmem:s29+$0x2160]  }
0x65: {  	v41 =	vld [tilespmem:s29+$0xA160]  }
0x66: {  	v42 =	vld [tilespmem:s29+$0x3100]  }
0x67: {  	v43 =	vld [tilespmem:s29+$0xB100]  }
0x68: {  	v44 =	vld [tilespmem:s29+$0x3110]  }
0x69: {  	v45 =	vld [tilespmem:s29+$0xB110]  }
0x6a: {  	v46 =	vld [tilespmem:s29+$0x3120];
	v0 =	vmul.f32 v1, v0;
	v1 =	vmul.f32 v3, v2  }
0x6b: {  	v2 =	vld [tilespmem:s29+$0xC170]  }
0x6c: {  	v3 =	vld [tilespmem:s29+$0x5170];
	v0 =	vadd.f32 v1, v0;
	v1 =	vmul.f32 v5, v4  }
0x6d: {  	v4 =	vld [tilespmem:s29+$0xD170]  }
0x6e: {  	v5 =	vld [tilespmem:s29+$0x6170];
	v0 =	vadd.f32 v1, v0;
	v1 =	vmul.f32 v7, v6  }
0x6f: {  	v6 =	vld [tilespmem:s29+$0xE170]  }
0x70: {  	v7 =	vld [tilespmem:s29+$0x7170];
	v0 =	vadd.f32 v1, v0;
	v1 =	vmul.f32 v2, v8  }
0x71: {  	v2 =	vld [tilespmem:s29+$0xF170]  }
0x72: {  	v47 =	vld [tilespmem:s29+$0xB120];
	v0 =	vadd.f32 v1, v0;
	v1 =	vmul.f32 v4, v3  }
0x73: {  	v48 =	vld [tilespmem:s29+$0x3130]  }
0x74: {  	v49 =	vld [tilespmem:s29+$0xB130];
	v0 =	vadd.f32 v1, v0;
	v1 =	vmul.f32 v6, v5  }
0x75: {  	v50 =	vld [tilespmem:s29+$0x3140]  }
0x76: {  	v51 =	vld [tilespmem:s29+$0xB140];
	v0 =	vadd.f32 v1, v0;
	v1 =	vmul.f32 v2, v7  }
0x77: {  	v63 =	vld [tilespmem:s29+$0x3150]  }
0x78: {  	v58 =	vld [tilespmem:s29+$0xB150];
	v0 =	vadd.f32 v1, v0  }
0x79: {  	v62 =	vld [tilespmem:s29+$0x3160]  }
0x7a: {  	[tilespmem:s29+$0x10170] =	vst v0;
	v0 =	vld [tilespmem:s29+$0x4110]  }
0x7b: {  	v59 =	vld [tilespmem:s29+$0xB160]  }
0x7c: {  	v60 =	vld [tilespmem:s29+$0x5120]  }
0x7d: {  	v56 =	vld [tilespmem:s29+$0x4100]  }
0x7e: {  	v57 =	vld [tilespmem:s29+$0xC100]  }
0x7f: {  	[tilespmem:$0x1FEC0] =	vst v0;
	v0 =	vld [tilespmem:s29+$0xC110]  }
0x80: {  	v61 =	vld [tilespmem:s29+$0xC120]  }
0x81: {  	[tilespmem:$0x1FF30] =	vst v60;
	v60 =	vld [tilespmem:s29+$0xD120]  }
0x82: {  	v54 =	vld [tilespmem:s29+$0x5110]  }
0x83: {  	v53 =	vld [tilespmem:s29+$0xD110]  }
0x84: {  	[tilespmem:$0x1FED0] =	vst v0;
	v0 =	vld [tilespmem:s29+$0x4120]  }
0x85: {  	v23 =	vmul.f32 v23, v22;
	v22 =	vld [tilespmem:s29+$0xE140]  }
0x86: {  	[tilespmem:$0x1FF40] =	vst v60;
	v60 =	vld [tilespmem:s29+$0x5130]  }
0x87: {  	v8 =	vld [tilespmem:s29+$0x8100]  }
0x88: {  	v4 =	vld [tilespmem:s29+$0x8110]  }
0x89: {  	[tilespmem:$0x1FEE0] =	vst v0;
	v0 =	vld [tilespmem:s29+$0x4130]  }
0x8a: {  	v3 =	vld [tilespmem:s29+$0x9110]  }
0x8b: {  	v5 =	vld [tilespmem:s29+$0x9100]  }
0x8c: {  	v6 =	vld [tilespmem:s29+$0x110]  }
0x8d: {  	[tilespmem:$0x1FF90] =	vst v60;
	v60 =	vld [tilespmem:s29+$0xD130]  }
0x8e: {  	[tilespmem:$0x1FEF0] =	vst v0;
	v0 =	vld [tilespmem:s29+$0xC130]  }
0x8f: {  	v7 =	vld [tilespmem:s29+$0x1110]  }
0x90: {  	v2 =	vld [tilespmem:s29+$0x8120]  }
0x91: {  	v1 =	vld [tilespmem:s29+$0x5100]  }
0x92: {  	[tilespmem:$0x1FFA0] =	vst v60;
	v60 =	vld [tilespmem:s29+$0x5140]  }
0x93: {  	[tilespmem:$0x1FF00] =	vst v0;
	v0 =	vld [tilespmem:s29+$0x4140]  }
0x94: {  	v5 =	vmul.f32 v5, v52;
	v52 =	vld [tilespmem:s29+$0xD160]  }
0x95: {  	v4 =	vmul.f32 v4, v6;
	v6 =	vld [tilespmem:s29+$0x6100]  }
0x96: {  	v3 =	vmul.f32 v3, v7;
	v2 =	vmul.f32 v2, v9;
	v9 =	vld [tilespmem:s29+$0xE100]  }
0x97: {  	v7 =	vmul.f32 v11, v10;
	v10 =	vmul.f32 v13, v12;
	v12 =	vld [tilespmem:s29+$0x6110]  }
0x98: {  	v8 =	vmul.f32 v8, v55;
	[tilespmem:$0x1FF10] =	vst v0;
	v0 =	vld [tilespmem:s29+$0xC140]  }
0x99: {  	v11 =	vmul.f32 v15, v14;
	v14 =	vld [tilespmem:s29+$0xE110]  }
0x9a: {  	v5 =	vadd.f32 v5, v8;
	v8 =	vmul.f32 v17, v16;
	v16 =	vld [tilespmem:s29+$0x6120]  }
0x9b: {  	v17 =	vld [tilespmem:s29+$0xE130]  }
0x9c: {  	v13 =	vmul.f32 v19, v18;
	v19 =	vld [tilespmem:s29+$0x6150]  }
0x9d: {  	[tilespmem:$0x1FF20] =	vst v0;
	v0 =	vld [tilespmem:s29+$0x4150]  }
0x9e: {  	v8 =	vadd.f32 v13, v8;
	v13 =	vld [tilespmem:s29+$0x6130]  }
0x9f: {  	v3 =	vadd.f32 v3, v4;
	v4 =	vmul.f32 v21, v20;
	v20 =	vld [tilespmem:s29+$0x6140]  }
0xa0: {  	v10 =	vadd.f32 v11, v10;
	v11 =	vmul.f32 v29, v28;
	v29 =	vmul.f32 v35, v34;
	v35 =	vld [tilespmem:s29+$0x6160]  }
0xa1: {  	v28 =	vmul.f32 v31, v30;
	v31 =	vmul.f32 v39, v38;
	v38 =	vld [tilespmem:s29+$0xE160]  }
0xa2: {  	[tilespmem:$0x1FF50] =	vst v0;
	v0 =	vld [tilespmem:s29+$0xC150]  }
0xa3: {  	v55 =	vmul.f32 v27, v26;
	v39 =	vld [tilespmem:s29+$0x7100]  }
0xa4: {  	v2 =	vadd.f32 v7, v2;
	v7 =	vmul.f32 v25, v24;
	v30 =	vmul.f32 v37, v36;
	[tilespmem:$0x1FFB0] =	vst v60;
	v60 =	vld [tilespmem:s29+$0xD140]  }
0xa5: {  	v36 =	vmul.f32 v49, v48;
	v48 =	vld [tilespmem:s29+$0x7130];
	v5 =	vadd.f32 v11, v5;
	v11 =	vmul.f32 v33, v32  }
0xa6: {  	v37 =	vmul.f32 v51, v50;
	v51 =	vld [tilespmem:s29+$0xF130]  }
0xa7: {  	v7 =	vadd.f32 v55, v7;
	v2 =	vadd.f32 v11, v2;
	v11 =	vmul.f32 v41, v40;
	[tilespmem:$0x1FF60] =	vst v0;
	v0 =	vld [tilespmem:s29+$0x4160]  }
0xa8: {  	v32 =	vmul.f32 v43, v42;
	v42 =	vmul.f32 v59, v62;
	v59 =	vld [tilespmem:$0x1FFA0]  }
0xa9: {  	v3 =	vadd.f32 v28, v3;
	[tilespmem:$0x1FFC0] =	vst v60;
	v60 =	vld [tilespmem:s29+$0x5150];
	v7 =	vadd.f32 v11, v7;
	v11 =	vmul.f32 v45, v44  }
0xaa: {  	v41 =	vld [tilespmem:s29+$0xF100]  }
0xab: {  	v5 =	vadd.f32 v32, v5;
	v3 =	vadd.f32 v11, v3;
	v11 =	vmul.f32 v57, v56;
	v43 =	vld [tilespmem:$0x1FED0]  }
0xac: {  	[tilespmem:$0x1FF70] =	vst v0;
	v0 =	vld [tilespmem:s29+$0xC160]  }
0xad: {  	v5 =	vadd.f32 v11, v5;
	v11 =	vld [tilespmem:$0x1FEC0]  }
0xae: {  	[tilespmem:$0x1FFD0] =	vst v60;
	v60 =	vld [tilespmem:s29+$0xD150]  }
0xaf: {  	v44 =	vld [tilespmem:$0x1FEE0]  }
0xb0: {  	v34 =	vmul.f32 v47, v46;
	v46 =	vld [tilespmem:$0x1FEF0]  }
0xb1: {  	[tilespmem:$0x1FF80] =	vst v0;
	v0 =	vld [tilespmem:s29+$0xD100]  }
0xb2: {  	v4 =	vadd.f32 v23, v4;
	v47 =	vld [tilespmem:$0x1FF00]  }
0xb3: {  	v55 =	vld [tilespmem:$0x1FF50]  }
0xb4: {  	v10 =	vadd.f32 v29, v10;
	v4 =	vadd.f32 v31, v4;
	v56 =	vld [tilespmem:$0x1FF60]  }
0xb5: {  	v2 =	vadd.f32 v34, v2;
	v45 =	vld [tilespmem:s29+$0xF110];
	v11 =	vmul.f32 v43, v11;
	v15 =	vmul.f32 v61, v44  }
0xb6: {  	v10 =	vadd.f32 v36, v10;
	v40 =	vmul.f32 v58, v63;
	[tilespmem:$0x1FFE0] =	vst v60;
	v60 =	vld [tilespmem:s29+$0x5160];
	v0 =	vmul.f32 v0, v1  }
0xb7: {  	v3 =	vadd.f32 v11, v3;
	v2 =	vadd.f32 v15, v2;
	v15 =	vmul.f32 v47, v46;
	v1 =	vld [tilespmem:s29+$0x7110]  }
0xb8: {  	v11 =	vld [tilespmem:s29+$0xF120];
	v0 =	vadd.f32 v0, v5;
	v5 =	vmul.f32 v9, v6;
	v9 =	vmul.f32 v53, v54  }
0xb9: {  	v4 =	vadd.f32 v40, v4;
	v49 =	vld [tilespmem:$0x1FF10];
	v10 =	vadd.f32 v15, v10;
	v15 =	vmul.f32 v56, v55  }
0xba: {  	v50 =	vld [tilespmem:$0x1FF20];
	v3 =	vadd.f32 v9, v3;
	v9 =	vmul.f32 v14, v12  }
0xbb: {  	v15 =	vadd.f32 v15, v4;
	v4 =	vld [tilespmem:$0x1FFC0];
	v0 =	vadd.f32 v5, v0;
	v5 =	vmul.f32 v41, v39  }
0xbc: {  	v6 =	vld [tilespmem:s29+$0x7120];
	v1 =	vmul.f32 v45, v1;
	v3 =	vadd.f32 v9, v3  }
0xbd: {  	v53 =	vld [tilespmem:$0x1FF30];
	v0 =	vadd.f32 v5, v0  }
0xbe: {  	v1 =	vadd.f32 v1, v3;
	v3 =	vld [tilespmem:$0x1FFB0]  }
0xbf: {  	v8 =	vadd.f32 v30, v8;
	[tilespmem:s29+$0x10100] =	vst v0;
	v0 =	vld [tilespmem:$0x1FF90]  }
0xc0: {  	v54 =	vld [tilespmem:$0x1FF40]  }
0xc1: {  	v8 =	vadd.f32 v37, v8;
	[tilespmem:$0x1FFF0] =	vst v60;
	v60 =	vld [tilespmem:s29+$0xE120];
	v25 =	vmul.f32 v50, v49  }
0xc2: {  	v57 =	vld [tilespmem:$0x1FF70]  }
0xc3: {  	v8 =	vadd.f32 v25, v8;
	v58 =	vld [tilespmem:$0x1FF80];
	v3 =	vmul.f32 v4, v3  }
0xc4: {  	v0 =	vmul.f32 v59, v0;
	v4 =	vmul.f32 v11, v6;
	v6 =	vld [tilespmem:$0x1FFE0]  }
0xc5: {  	v14 =	vmul.f32 v54, v53;
	[tilespmem:s29+$0x10110] =	vst v1;
	v1 =	vadd.f32 v3, v8;
	v3 =	vld [tilespmem:$0x1FFD0]  }
0xc6: {  	v0 =	vadd.f32 v0, v10;
	v10 =	vld [tilespmem:$0x1FFF0]  }
0xc7: {  	v33 =	vld [tilespmem:s29+$0xE150];
	v60 =	vmul.f32 v60, v16;
	v2 =	vadd.f32 v14, v2  }
0xc8: {  	v7 =	vadd.f32 v42, v7;
	v25 =	vmul.f32 v58, v57;
	v5 =	vld [tilespmem:s29+$0x7140]  }
0xc9: {  	v9 =	vld [tilespmem:s29+$0xF140];
	v2 =	vadd.f32 v60, v2  }
0xca: {  	v62 =	vld [tilespmem:s29+$0xF150];
	v7 =	vadd.f32 v25, v7;
	v8 =	vmul.f32 v17, v13;
	v6 =	vmul.f32 v6, v3  }
0xcb: {  	v61 =	vld [tilespmem:s29+$0x7150];
	v11 =	vmul.f32 v22, v20;
	v63 =	vadd.f32 v4, v2;
	v10 =	vmul.f32 v52, v10  }
0xcc: {  	v4 =	vld [tilespmem:s29+$0xF160];
	v0 =	vadd.f32 v8, v0;
	v8 =	vmul.f32 v51, v48;
	v6 =	vadd.f32 v6, v15  }
0xcd: {  	s31 =	simm.s32 $0x80;
	v3 =	vld [tilespmem:s29+$0x7160];
	v7 =	vadd.f32 v10, v7;
	v10 =	vadd.f32 v11, v1;
	v1 =	vmul.f32 v33, v19  }
0xce: {  	v9 =	vmul.f32 v9, v5;
	v2 =	vld [tilespmem:s31+$0x170];
	[tilespmem:s29+$0x10120] =	vst v63;
	v8 =	vadd.f32 v8, v0;
	v11 =	vmul.f32 v38, v35  }
0xcf: {  	v5 =	vld [tilespmem:s31+$0x8170];
	v1 =	vadd.f32 v1, v6  }
0xd0: {  	s30 =	simm.s32 $0x400;
	v6 =	vld [tilespmem:s31+$0x1170];
	v0 =	vadd.f32 v11, v7;
	[tilespmem:s29+$0x10130] =	vst v8;
	v7 =	vadd.f32 v9, v10;
	v8 =	vmul.f32 v62, v61  }
.LBB2_2:
0xd1: {  	p0 =	sne.s32 s30, $0x3E00;
	v9 =	vld [tilespmem:s31+$0x9170]  }
0xd2: {  	v10 =	vld [tilespmem:s31+$0x2170];
	[tilespmem:s29+$0x10140] =	vst v7;
	v1 =	vadd.f32 v8, v1;
	v3 =	vmul.f32 v4, v3  }
0xd3: {  	v4 =	vld [tilespmem:s31+$0xA170]  }
0xd4: {  	v7 =	vld [tilespmem:s31+$0x3170];
	[tilespmem:s29+$0x10150] =	vst v1;
	v0 =	vadd.f32 v3, v0  }
0xd5: {  	v1 =	vld [tilespmem:s31+$0xB170]  }
0xd6: {  	v2 =	vmul.f32 v5, v2;
	v3 =	vmul.f32 v9, v6;
	v5 =	vld [tilespmem:s31+$0x4170];
	[tilespmem:s29+$0x10160] =	vst v0;
	s29 =	smov.u32 s31  }
0xd7: {  	v0 =	vld [tilespmem:s29+$0xC170]  }
0xd8: {  	v2 =	vadd.f32 v3, v2;
	v3 =	vmul.f32 v4, v10;
	v4 =	vld [tilespmem:s29+$0x5170]  }
0xd9: {  	v6 =	vld [tilespmem:s29+$0xD170]  }
0xda: {  	v2 =	vadd.f32 v3, v2;
	v1 =	vmul.f32 v1, v7;
	v3 =	vld [tilespmem:s29+$0x6170]  }
0xdb: {  	v7 =	vld [tilespmem:s29+$0xE170]  }
0xdc: {  	v1 =	vadd.f32 v1, v2;
	v0 =	vmul.f32 v0, v5;
	v2 =	vld [tilespmem:s29+$0x7170]  }
0xdd: {  	v5 =	vld [tilespmem:s29+$0xF170]  }
0xde: {  	v8 =	vld [tilespmem:s29+$0x100];
	v0 =	vadd.f32 v0, v1;
	v1 =	vmul.f32 v6, v4  }
0xdf: {  	v4 =	vld [tilespmem:s29+$0x8100]  }
0xe0: {  	v6 =	vld [tilespmem:s29+$0x1100];
	v0 =	vadd.f32 v1, v0;
	v1 =	vmul.f32 v7, v3  }
0xe1: {  	v3 =	vld [tilespmem:s29+$0x9100]  }
0xe2: {  	v7 =	vld [tilespmem:s29+$0x110];
	v0 =	vadd.f32 v1, v0;
	v1 =	vmul.f32 v5, v2  }
0xe3: {  	v2 =	vld [tilespmem:s29+$0x8110]  }
0xe4: {  	v4 =	vmul.f32 v4, v8;
	v5 =	vld [tilespmem:s29+$0x1110];
	v0 =	vadd.f32 v1, v0  }
0xe5: {  	v1 =	vld [tilespmem:s29+$0x9110]  }
0xe6: {  	v3 =	vmul.f32 v3, v6;
	v6 =	vld [tilespmem:s29+$0x120];
	[tilespmem:s29+$0x10170] =	vst v0  }
0xe7: {  	v0 =	vld [tilespmem:s29+$0x8120]  }
0xe8: {  	v3 =	vadd.f32 v3, v4;
	v2 =	vmul.f32 v2, v7;
	v4 =	vld [tilespmem:s29+$0x1120]  }
0xe9: {  	v7 =	vld [tilespmem:s29+$0x9120]  }
0xea: {  	v1 =	vmul.f32 v1, v5;
	v5 =	vld [tilespmem:s29+$0x130]  }
0xeb: {  	v8 =	vld [tilespmem:s29+$0x8130]  }
0xec: {  	v1 =	vadd.f32 v1, v2;
	v0 =	vmul.f32 v0, v6;
	v2 =	vld [tilespmem:s29+$0x1130]  }
0xed: {  	v6 =	vld [tilespmem:s29+$0x9130]  }
0xee: {  	v4 =	vmul.f32 v7, v4;
	v7 =	vld [tilespmem:s29+$0x140]  }
0xef: {  	v9 =	vld [tilespmem:s29+$0x8140]  }
0xf0: {  	v0 =	vadd.f32 v4, v0;
	v4 =	vmul.f32 v8, v5;
	v5 =	vld [tilespmem:s29+$0x1140]  }
0xf1: {  	v8 =	vld [tilespmem:s29+$0x9140]  }
0xf2: {  	v2 =	vmul.f32 v6, v2;
	v6 =	vld [tilespmem:s29+$0x150]  }
0xf3: {  	v10 =	vld [tilespmem:s29+$0x8150]  }
0xf4: {  	v2 =	vadd.f32 v2, v4;
	v4 =	vmul.f32 v9, v7;
	v7 =	vld [tilespmem:s29+$0x1150]  }
0xf5: {  	v9 =	vld [tilespmem:s29+$0x9150]  }
0xf6: {  	v5 =	vmul.f32 v8, v5;
	v8 =	vld [tilespmem:s29+$0x160]  }
0xf7: {  	v11 =	vld [tilespmem:s29+$0x8160]  }
0xf8: {  	v4 =	vadd.f32 v5, v4;
	v5 =	vmul.f32 v10, v6;
	v6 =	vld [tilespmem:s29+$0x1160]  }
0xf9: {  	v10 =	vld [tilespmem:s29+$0x9160]  }
0xfa: {  	v12 =	vld [tilespmem:s29+$0x2100];
	v7 =	vmul.f32 v9, v7  }
0xfb: {  	v9 =	vld [tilespmem:s29+$0xA100]  }
0xfc: {  	v13 =	vld [tilespmem:s29+$0x2110];
	v5 =	vadd.f32 v7, v5;
	v7 =	vmul.f32 v11, v8  }
0xfd: {  	v8 =	vld [tilespmem:s29+$0xA110]  }
0xfe: {  	v11 =	vld [tilespmem:s29+$0x2120];
	v6 =	vmul.f32 v10, v6  }
0xff: {  	v10 =	vld [tilespmem:s29+$0xA120]  }
0x100: {  	v9 =	vmul.f32 v9, v12;
	v12 =	vld [tilespmem:s29+$0x2130];
	v6 =	vadd.f32 v6, v7  }
0x101: {  	v7 =	vld [tilespmem:s29+$0xA130]  }
0x102: {  	v3 =	vadd.f32 v9, v3;
	v8 =	vmul.f32 v8, v13;
	v9 =	vld [tilespmem:s29+$0x2140]  }
0x103: {  	v13 =	vld [tilespmem:s29+$0xA140]  }
0x104: {  	v1 =	vadd.f32 v8, v1;
	v8 =	vmul.f32 v10, v11;
	v10 =	vld [tilespmem:s29+$0x2150]  }
0x105: {  	v11 =	vld [tilespmem:s29+$0xA150]  }
0x106: {  	v0 =	vadd.f32 v8, v0;
	v7 =	vmul.f32 v7, v12;
	v8 =	vld [tilespmem:s29+$0x2160]  }
0x107: {  	v12 =	vld [tilespmem:s29+$0xA160]  }
0x108: {  	v14 =	vld [tilespmem:s29+$0x3100];
	v2 =	vadd.f32 v7, v2;
	v7 =	vmul.f32 v13, v9  }
0x109: {  	v9 =	vld [tilespmem:s29+$0xB100]  }
0x10a: {  	v13 =	vld [tilespmem:s29+$0x3110];
	v4 =	vadd.f32 v7, v4;
	v7 =	vmul.f32 v11, v10  }
0x10b: {  	v10 =	vld [tilespmem:s29+$0xB110]  }
0x10c: {  	v11 =	vld [tilespmem:s29+$0x3120];
	v5 =	vadd.f32 v7, v5;
	v7 =	vmul.f32 v12, v8  }
0x10d: {  	v8 =	vld [tilespmem:s29+$0xB120]  }
0x10e: {  	v9 =	vmul.f32 v9, v14;
	v12 =	vld [tilespmem:s29+$0x3130];
	v6 =	vadd.f32 v7, v6  }
0x10f: {  	v7 =	vld [tilespmem:s29+$0xB130]  }
0x110: {  	v3 =	vadd.f32 v9, v3;
	v9 =	vmul.f32 v10, v13;
	v10 =	vld [tilespmem:s29+$0x3140]  }
0x111: {  	v13 =	vld [tilespmem:s29+$0xB140]  }
0x112: {  	v1 =	vadd.f32 v9, v1;
	v8 =	vmul.f32 v8, v11;
	v9 =	vld [tilespmem:s29+$0x3150]  }
0x113: {  	v11 =	vld [tilespmem:s29+$0xB150]  }
0x114: {  	v0 =	vadd.f32 v8, v0;
	v7 =	vmul.f32 v7, v12;
	v8 =	vld [tilespmem:s29+$0x3160]  }
0x115: {  	v12 =	vld [tilespmem:s29+$0xB160]  }
0x116: {  	v14 =	vld [tilespmem:s29+$0x4100];
	v2 =	vadd.f32 v7, v2;
	v7 =	vmul.f32 v13, v10  }
0x117: {  	v10 =	vld [tilespmem:s29+$0xC100]  }
0x118: {  	v13 =	vld [tilespmem:s29+$0x4110];
	v4 =	vadd.f32 v7, v4;
	v7 =	vmul.f32 v11, v9  }
0x119: {  	v9 =	vld [tilespmem:s29+$0xC110]  }
0x11a: {  	v11 =	vld [tilespmem:s29+$0x4120];
	v5 =	vadd.f32 v7, v5;
	v7 =	vmul.f32 v12, v8  }
0x11b: {  	v8 =	vld [tilespmem:s29+$0xC120]  }
0x11c: {  	v10 =	vmul.f32 v10, v14;
	v12 =	vld [tilespmem:s29+$0x4130];
	v6 =	vadd.f32 v7, v6  }
0x11d: {  	v7 =	vld [tilespmem:s29+$0xC130]  }
0x11e: {  	v3 =	vadd.f32 v10, v3;
	v9 =	vmul.f32 v9, v13;
	v10 =	vld [tilespmem:s29+$0x4140]  }
0x11f: {  	v13 =	vld [tilespmem:s29+$0xC140]  }
0x120: {  	v1 =	vadd.f32 v9, v1;
	v8 =	vmul.f32 v8, v11;
	v9 =	vld [tilespmem:s29+$0x4150]  }
0x121: {  	v11 =	vld [tilespmem:s29+$0xC150]  }
0x122: {  	v0 =	vadd.f32 v8, v0;
	v7 =	vmul.f32 v7, v12;
	v8 =	vld [tilespmem:s29+$0x4160]  }
0x123: {  	v12 =	vld [tilespmem:s29+$0xC160]  }
0x124: {  	v14 =	vld [tilespmem:s29+$0x5100];
	v2 =	vadd.f32 v7, v2;
	v7 =	vmul.f32 v13, v10  }
0x125: {  	v10 =	vld [tilespmem:s29+$0xD100]  }
0x126: {  	v13 =	vld [tilespmem:s29+$0x5110];
	v4 =	vadd.f32 v7, v4;
	v7 =	vmul.f32 v11, v9  }
0x127: {  	v9 =	vld [tilespmem:s29+$0xD110]  }
0x128: {  	v11 =	vld [tilespmem:s29+$0x5120];
	v5 =	vadd.f32 v7, v5;
	v7 =	vmul.f32 v12, v8  }
0x129: {  	v8 =	vld [tilespmem:s29+$0xD120]  }
0x12a: {  	v10 =	vmul.f32 v10, v14;
	v12 =	vld [tilespmem:s29+$0x5130];
	v6 =	vadd.f32 v7, v6  }
0x12b: {  	v7 =	vld [tilespmem:s29+$0xD130]  }
0x12c: {  	v3 =	vadd.f32 v10, v3;
	v9 =	vmul.f32 v9, v13;
	v10 =	vld [tilespmem:s29+$0x5140]  }
0x12d: {  	v13 =	vld [tilespmem:s29+$0xD140]  }
0x12e: {  	v1 =	vadd.f32 v9, v1;
	v8 =	vmul.f32 v8, v11;
	v9 =	vld [tilespmem:s29+$0x5150]  }
0x12f: {  	v11 =	vld [tilespmem:s29+$0xD150]  }
0x130: {  	v0 =	vadd.f32 v8, v0;
	v7 =	vmul.f32 v7, v12;
	v8 =	vld [tilespmem:s29+$0x5160]  }
0x131: {  	v12 =	vld [tilespmem:s29+$0xD160]  }
0x132: {  	v14 =	vld [tilespmem:s29+$0x6100];
	v2 =	vadd.f32 v7, v2;
	v7 =	vmul.f32 v13, v10  }
0x133: {  	v10 =	vld [tilespmem:s29+$0xE100]  }
0x134: {  	v13 =	vld [tilespmem:s29+$0x6110];
	v4 =	vadd.f32 v7, v4;
	v7 =	vmul.f32 v11, v9  }
0x135: {  	v9 =	vld [tilespmem:s29+$0xE110]  }
0x136: {  	v11 =	vld [tilespmem:s29+$0x6120];
	v5 =	vadd.f32 v7, v5;
	v7 =	vmul.f32 v12, v8  }
0x137: {  	v8 =	vld [tilespmem:s29+$0xE120]  }
0x138: {  	v10 =	vmul.f32 v10, v14;
	v12 =	vld [tilespmem:s29+$0x6130];
	v6 =	vadd.f32 v7, v6  }
0x139: {  	v7 =	vld [tilespmem:s29+$0xE130]  }
0x13a: {  	v3 =	vadd.f32 v10, v3;
	v9 =	vmul.f32 v9, v13;
	v10 =	vld [tilespmem:s29+$0x6140]  }
0x13b: {  	v13 =	vld [tilespmem:s29+$0xE140]  }
0x13c: {  	v9 =	vadd.f32 v9, v1;
	v1 =	vmul.f32 v8, v11;
	v8 =	vld [tilespmem:s29+$0x6150]  }
0x13d: {  	v11 =	vld [tilespmem:s29+$0xE150]  }
0x13e: {  	v14 =	vadd.f32 v1, v0;
	v0 =	vmul.f32 v7, v12;
	v7 =	vld [tilespmem:s29+$0x6160]  }
0x13f: {  	v12 =	vld [tilespmem:s29+$0xE160]  }
0x140: {  	v15 =	vld [tilespmem:s29+$0x7100];
	v16 =	vadd.f32 v0, v2;
	v0 =	vmul.f32 v13, v10  }
0x141: {  	v2 =	vld [tilespmem:s29+$0xF100]  }
0x142: {  	v10 =	vld [tilespmem:s29+$0x7110];
	v13 =	vadd.f32 v0, v4;
	v0 =	vmul.f32 v11, v8  }
0x143: {  	v4 =	vld [tilespmem:s29+$0xF110]  }
0x144: {  	v8 =	vld [tilespmem:s29+$0x7120];
	v1 =	vadd.f32 v0, v5;
	v0 =	vmul.f32 v12, v7  }
0x145: {  	v5 =	vld [tilespmem:s29+$0xF120]  }
0x146: {  	v2 =	vmul.f32 v2, v15;
	v7 =	vld [tilespmem:s29+$0x7130];
	v0 =	vadd.f32 v0, v6  }
0x147: {  	v6 =	vld [tilespmem:s29+$0xF130]  }
0x148: {  	v2 =	vadd.f32 v2, v3;
	v3 =	vmul.f32 v4, v10;
	v10 =	vld [tilespmem:s29+$0x7140]  }
0x149: {  	v11 =	vld [tilespmem:s29+$0xF140]  }
0x14a: {  	[tilespmem:s29+$0x10100] =	vst v2;
	v2 =	vadd.f32 v3, v9;
	v3 =	vmul.f32 v5, v8;
	v8 =	vld [tilespmem:s29+$0x7150]  }
0x14b: {  	v9 =	vld [tilespmem:s29+$0xF150]  }
.Ltmp0:
0x14c: {  	[tilespmem:s29+$0x10110] =	vst v2;
	v5 =	vadd.f32 v3, v14;
	v6 =	vmul.f32 v6, v7;
	v3 =	vld [tilespmem:s29+$0x7160];
	(pc) =	sbr.rel @p0 .LBB2_2-.Ltmp0, $4  }
0x14d: {  	s31 =	sshra.s32 s30, $0x2;
	v4 =	vld [tilespmem:s29+$0xF160]  }
0x14e: {  	v2 =	vld [tilespmem:s31+$0x170];
	[tilespmem:s29+$0x10120] =	vst v5;
	v7 =	vadd.f32 v6, v16;
	v10 =	vmul.f32 v11, v10  }
0x14f: {  	v5 =	vld [tilespmem:s31+$0x8170]  }
0x150: {  	s30 =	sadd.s32 $0x200, s30;
	v6 =	vld [tilespmem:s31+$0x1170];
	[tilespmem:s29+$0x10130] =	vst v7;
	v7 =	vadd.f32 v10, v13;
	v8 =	vmul.f32 v9, v8  }
0x151: {  	v9 =	vld [tilespmem:s31+$0x9170]  }
0x152: {  	v10 =	vld [tilespmem:s31+$0x2170];
	[tilespmem:s29+$0x10140] =	vst v7;
	v1 =	vadd.f32 v8, v1;
	v3 =	vmul.f32 v4, v3  }
0x153: {  	v7 =	vld [tilespmem:s31+$0xA170]  }
0x154: {  	v37 =	vld [tilespmem:s31+$0x3170];
	[tilespmem:s29+$0x10150] =	vst v1;
	v0 =	vadd.f32 v3, v0  }
0x155: {  	v1 =	vld [tilespmem:s31+$0xB170]  }
0x156: {  	v38 =	vld [tilespmem:s31+$0x4170];
	[tilespmem:s29+$0x10160] =	vst v0  }
0x157: {  	v41 =	vld [tilespmem:s31+$0xC170]  }
0x158: {  	v42 =	vld [tilespmem:s31+$0x5170]  }
0x159: {  	v44 =	vld [tilespmem:s31+$0xD170]  }
0x15a: {  	v45 =	vld [tilespmem:s31+$0x6170]  }
0x15b: {  	v46 =	vld [tilespmem:s31+$0xE170]  }
0x15c: {  	v47 =	vld [tilespmem:s31+$0x7170]  }
0x15d: {  	v60 =	vld [tilespmem:s31+$0xF170]  }
0x15e: {  	v58 =	vld [tilespmem:s31+$0x100]  }
0x15f: {  	v52 =	vld [tilespmem:s31+$0x8100]  }
0x160: {  	v51 =	vld [tilespmem:s31+$0x1100]  }
0x161: {  	v40 =	vmul.f32 v9, v6;
	v6 =	vld [tilespmem:s31+$0x9100]  }
0x162: {  	v8 =	vld [tilespmem:s31+$0x110]  }
0x163: {  	v39 =	vmul.f32 v5, v2;
	v5 =	vld [tilespmem:s31+$0x8110]  }
0x164: {  	v4 =	vld [tilespmem:s31+$0x1110]  }
0x165: {  	v3 =	vld [tilespmem:s31+$0x9110]  }
0x166: {  	v9 =	vld [tilespmem:s31+$0x120]  }
0x167: {  	v2 =	vld [tilespmem:s31+$0x8120]  }
0x168: {  	v11 =	vld [tilespmem:s31+$0x9120]  }
0x169: {  	v12 =	vld [tilespmem:s31+$0x130]  }
0x16a: {  	v13 =	vld [tilespmem:s31+$0x8130]  }
0x16b: {  	v14 =	vld [tilespmem:s31+$0x1130]  }
0x16c: {  	v15 =	vld [tilespmem:s31+$0x9130]  }
0x16d: {  	v16 =	vld [tilespmem:s31+$0x140]  }
0x16e: {  	v17 =	vld [tilespmem:s31+$0x8140]  }
0x16f: {  	v18 =	vld [tilespmem:s31+$0x1140]  }
0x170: {  	v19 =	vld [tilespmem:s31+$0x9140]  }
0x171: {  	v20 =	vld [tilespmem:s31+$0x150]  }
0x172: {  	v21 =	vld [tilespmem:s31+$0x8150]  }
0x173: {  	v22 =	vld [tilespmem:s31+$0x1150]  }
0x174: {  	v23 =	vld [tilespmem:s31+$0x9150]  }
0x175: {  	v24 =	vld [tilespmem:s31+$0x160]  }
0x176: {  	v25 =	vld [tilespmem:s31+$0x8160]  }
0x177: {  	v26 =	vld [tilespmem:s31+$0x1160]  }
0x178: {  	v27 =	vld [tilespmem:s31+$0x9160]  }
0x179: {  	v28 =	vld [tilespmem:s31+$0x2100]  }
0x17a: {  	v29 =	vld [tilespmem:s31+$0xA100]  }
0x17b: {  	v30 =	vld [tilespmem:s31+$0x2110]  }
0x17c: {  	v31 =	vld [tilespmem:s31+$0xA110]  }
0x17d: {  	v32 =	vld [tilespmem:s31+$0x2120]  }
0x17e: {  	v33 =	vld [tilespmem:s31+$0xA120]  }
0x17f: {  	v34 =	vld [tilespmem:s31+$0x2130]  }
0x180: {  	v35 =	vld [tilespmem:s31+$0xA130]  }
0x181: {  	v36 =	vld [tilespmem:s31+$0x2140]  }
0x182: {  	v48 =	vld [tilespmem:s31+$0x3130]  }
0x183: {  	v49 =	vld [tilespmem:s31+$0xB130]  }
0x184: {  	v59 =	vld [tilespmem:s31+$0xB140]  }
0x185: {  	v53 =	vld [tilespmem:s31+$0xB150]  }
0x186: {  	v54 =	vld [tilespmem:s31+$0x3160]  }
0x187: {  	v56 =	vld [tilespmem:s31+$0x4100]  }
0x188: {  	v57 =	vld [tilespmem:s31+$0xC100]  }
0x189: {  	v50 =	vld [tilespmem:s31+$0x4120]  }
0x18a: {  	v43 =	vmul.f32 v7, v10;
	v10 =	vld [tilespmem:s31+$0x1120]  }
0x18b: {  	v0 =	vadd.f32 v40, v39;
	v39 =	vld [tilespmem:s31+$0xA150]  }
0x18c: {  	v40 =	vld [tilespmem:s31+$0x2160]  }
0x18d: {  	v7 =	vld [tilespmem:s31+$0x4110]  }
0x18e: {  	v1 =	vmul.f32 v1, v37;
	v37 =	vld [tilespmem:s31+$0xA140]  }
0x18f: {  	v0 =	vadd.f32 v43, v0;
	v43 =	vld [tilespmem:s31+$0xB100]  }
0x190: {  	v55 =	vmul.f32 v41, v38;
	v38 =	vld [tilespmem:s31+$0x2150]  }
0x191: {  	v41 =	vld [tilespmem:s31+$0xA160]  }
0x192: {  	v61 =	vmul.f32 v44, v42;
	v42 =	vld [tilespmem:s31+$0x3100]  }
0x193: {  	v44 =	vld [tilespmem:s31+$0x3110]  }
0x194: {  	v62 =	vmul.f32 v46, v45;
	v45 =	vld [tilespmem:s31+$0xB110]  }
0x195: {  	v46 =	vld [tilespmem:s31+$0x3120]  }
0x196: {  	v63 =	vmul.f32 v60, v47;
	v47 =	vld [tilespmem:s31+$0xB120]  }
0x197: {  	v60 =	vld [tilespmem:s31+$0x3150]  }
0x198: {  	v0 =	vadd.f32 v1, v0;
	[tilespmem:$0x1FD90] =	vst v50;
	v50 =	vld [tilespmem:s31+$0xC130]  }
0x199: {  	v1 =	vld [tilespmem:s31+$0x5100]  }
0x19a: {  	v6 =	vmul.f32 v6, v51;
	v51 =	vld [tilespmem:s31+$0x6100];
	v0 =	vadd.f32 v55, v0  }
0x19b: {  	v3 =	vmul.f32 v3, v4;
	v4 =	vld [tilespmem:s31+$0xE100]  }
0x19c: {  	v2 =	vmul.f32 v2, v9;
	v9 =	vld [tilespmem:s31+$0x6110];
	v0 =	vadd.f32 v61, v0  }
0x19d: {  	v19 =	vmul.f32 v19, v18;
	v18 =	vld [tilespmem:s31+$0xE140]  }
0x19e: {  	v21 =	vmul.f32 v21, v20;
	v20 =	vld [tilespmem:s31+$0x6150];
	v0 =	vadd.f32 v62, v0  }
0x19f: {  	v23 =	vmul.f32 v23, v22;
	v22 =	vld [tilespmem:s31+$0xE160]  }
0x1a0: {  	v0 =	vadd.f32 v63, v0;
	v63 =	vld [tilespmem:s31+$0xC120]  }
0x1a1: {  	v27 =	vmul.f32 v27, v26;
	v26 =	vld [tilespmem:s31+$0xF120]  }
0x1a2: {  	v35 =	vmul.f32 v35, v34;
	v34 =	vld [tilespmem:s31+$0x7140]  }
0x1a3: {  	[tilespmem:$0x1FD80] =	vst v7;
	v7 =	vld [tilespmem:s31+$0x4130]  }
0x1a4: {  	v52 =	vmul.f32 v52, v58;
	v58 =	vmul.f32 v11, v10;
	v11 =	vld [tilespmem:s31+$0xE110]  }
0x1a5: {  	v5 =	vmul.f32 v5, v8;
	[tilespmem:$0x1FDA0] =	vst v63;
	v63 =	vld [tilespmem:s31+$0x4140]  }
0x1a6: {  	v55 =	vld [tilespmem:s31+$0xB160]  }
0x1a7: {  	v3 =	vadd.f32 v3, v5;
	v5 =	vmul.f32 v13, v12;
	v13 =	vld [tilespmem:s31+$0x6120]  }
0x1a8: {  	v6 =	vadd.f32 v6, v52;
	v52 =	vmul.f32 v15, v14;
	v15 =	vld [tilespmem:s31+$0xE120]  }
0x1a9: {  	v10 =	vadd.f32 v23, v21;
	v21 =	vld [tilespmem:s31+$0x6140]  }
0x1aa: {  	v25 =	vmul.f32 v25, v24;
	[tilespmem:$0x1FDD0] =	vst v63;
	v63 =	vld [tilespmem:s31+$0xC150]  }
0x1ab: {  	v23 =	vld [tilespmem:s31+$0xE150]  }
0x1ac: {  	v12 =	vadd.f32 v27, v25;
	v25 =	vld [tilespmem:s31+$0x6160]  }
0x1ad: {  	v2 =	vadd.f32 v58, v2;
	v58 =	vmul.f32 v17, v16;
	v17 =	vld [tilespmem:s31+$0x6130]  }
0x1ae: {  	v61 =	vld [tilespmem:s31+$0xC110]  }
0x1af: {  	v31 =	vmul.f32 v31, v30;
	[tilespmem:$0x1FE00] =	vst v63;
	v63 =	vld [tilespmem:s31+$0x5120]  }
0x1b0: {  	v5 =	vadd.f32 v52, v5;
	v52 =	vld [tilespmem:s31+$0xF100]  }
0x1b1: {  	v3 =	vadd.f32 v31, v3;
	v31 =	vld [tilespmem:s31+$0xF130]  }
0x1b2: {  	[tilespmem:$0x1FDC0] =	vst v50;
	v50 =	vld [tilespmem:s31+$0x4150]  }
0x1b3: {  	v8 =	vadd.f32 v19, v58;
	v19 =	vld [tilespmem:s31+$0xE130]  }
0x1b4: {  	v42 =	vmul.f32 v43, v42;
	[tilespmem:$0x1FE30] =	vst v63;
	v63 =	vld [tilespmem:s31+$0xD120]  }
0x1b5: {  	v43 =	vmul.f32 v45, v44;
	v44 =	vmul.f32 v47, v46;
	v47 =	vld [tilespmem:s31+$0x7100]  }
0x1b6: {  	v46 =	vmul.f32 v57, v56;
	v56 =	vld [tilespmem:s31+$0xF110]  }
0x1b7: {  	v57 =	vld [tilespmem:$0x1FD90]  }
0x1b8: {  	v62 =	vld [tilespmem:s31+$0x3140]  }
0x1b9: {  	[tilespmem:$0x1FE40] =	vst v63;
	v63 =	vld [tilespmem:s31+$0x5130]  }
0x1ba: {  	[tilespmem:$0x1FDB0] =	vst v7;
	v7 =	vld [tilespmem:s31+$0xC140]  }
0x1bb: {  	v45 =	vmul.f32 v49, v48;
	v49 =	vmul.f32 v53, v60;
	v60 =	vld [tilespmem:$0x1FDC0]  }
0x1bc: {  	v53 =	vmul.f32 v55, v54;
	v54 =	vld [tilespmem:s31+$0x7110]  }
0x1bd: {  	v37 =	vmul.f32 v37, v36;
	v55 =	vld [tilespmem:$0x1FD80]  }
0x1be: {  	[tilespmem:$0x1FE50] =	vst v63;
	v63 =	vld [tilespmem:s31+$0xD130]  }
0x1bf: {  	v8 =	vadd.f32 v37, v8;
	v37 =	vld [tilespmem:s31+$0xF140]  }
0x1c0: {  	[tilespmem:$0x1FDF0] =	vst v50;
	v50 =	vld [tilespmem:s31+$0xC160]  }
0x1c1: {  	[tilespmem:s31+$0x10170] =	vst v0;
	v0 =	vld [tilespmem:s31+$0xD100]  }
0x1c2: {  	[tilespmem:$0x1FDE0] =	vst v7;
	v7 =	vld [tilespmem:s31+$0x4160]  }
0x1c3: {  	[tilespmem:$0x1FE60] =	vst v63;
	v63 =	vld [tilespmem:s31+$0x5140]  }
0x1c4: {  	v48 =	vmul.f32 v59, v62;
	v59 =	vld [tilespmem:$0x1FDB0]  }
0x1c5: {  	v33 =	vmul.f32 v33, v32;
	v62 =	vld [tilespmem:s31+$0x7130]  }
0x1c6: {  	v29 =	vmul.f32 v29, v28;
	v5 =	vadd.f32 v35, v5;
	v35 =	vld [tilespmem:$0x1FDF0]  }
0x1c7: {  	v2 =	vadd.f32 v33, v2;
	v33 =	vld [tilespmem:$0x1FDE0]  }
0x1c8: {  	v6 =	vadd.f32 v29, v6;
	[tilespmem:$0x1FE70] =	vst v63;
	v63 =	vld [tilespmem:s31+$0xD140]  }
0x1c9: {  	v58 =	vld [tilespmem:$0x1FDA0]  }
0x1ca: {  	v39 =	vmul.f32 v39, v38;
	v6 =	vadd.f32 v42, v6;
	[tilespmem:$0x1FE20] =	vst v50;
	v50 =	vld [tilespmem:s31+$0x5110]  }
0x1cb: {  	[tilespmem:$0x1FE10] =	vst v7;
	v7 =	vld [tilespmem:s31+$0xD110]  }
0x1cc: {  	v10 =	vadd.f32 v39, v10;
	v6 =	vadd.f32 v46, v6;
	v0 =	vmul.f32 v0, v1;
	v39 =	vld [tilespmem:$0x1FE20]  }
0x1cd: {  	[tilespmem:$0x1FE80] =	vst v63;
	v63 =	vld [tilespmem:s31+$0x5150]  }
0x1ce: {  	v0 =	vadd.f32 v0, v6;
	v6 =	vld [tilespmem:s31+$0x7120]  }
0x1cf: {  	v38 =	vld [tilespmem:$0x1FE10]  }
0x1d0: {  	v32 =	vld [tilespmem:$0x1FDD0]  }
0x1d1: {  	v36 =	vld [tilespmem:$0x1FE00]  }
0x1d2: {  	v41 =	vmul.f32 v41, v40;
	[tilespmem:$0x1FE90] =	vst v63;
	v63 =	vld [tilespmem:s31+$0xD150]  }
0x1d3: {  	v40 =	vld [tilespmem:$0x1FE30]  }
0x1d4: {  	v4 =	vmul.f32 v4, v51;
	v12 =	vadd.f32 v41, v12;
	v3 =	vadd.f32 v43, v3;
	v41 =	vld [tilespmem:$0x1FE40]  }
0x1d5: {  	v30 =	vmul.f32 v11, v9;
	v2 =	vadd.f32 v44, v2;
	v5 =	vadd.f32 v45, v5;
	v43 =	vld [tilespmem:$0x1FE50]  }
0x1d6: {  	v12 =	vadd.f32 v53, v12;
	v53 =	vmul.f32 v15, v13;
	v14 =	vmul.f32 v61, v55;
	v44 =	vld [tilespmem:$0x1FE60]  }
0x1d7: {  	v10 =	vadd.f32 v49, v10;
	v61 =	vmul.f32 v52, v47;
	v1 =	vmul.f32 v56, v54;
	[tilespmem:$0x1FEA0] =	vst v63;
	v63 =	vld [tilespmem:s31+$0x5160]  }
0x1d8: {  	v8 =	vadd.f32 v48, v8;
	v54 =	vmul.f32 v19, v17;
	v28 =	vmul.f32 v60, v59;
	v46 =	vld [tilespmem:$0x1FE70]  }
0x1d9: {  	v3 =	vadd.f32 v14, v3;
	v59 =	vmul.f32 v23, v20;
	v14 =	vmul.f32 v58, v57;
	v47 =	vld [tilespmem:$0x1FE80]  }
0x1da: {  	v9 =	vmul.f32 v31, v62;
	v5 =	vadd.f32 v28, v5;
	v0 =	vadd.f32 v4, v0;
	v49 =	vld [tilespmem:$0x1FE90]  }
0x1db: {  	v57 =	vmul.f32 v18, v21;
	v7 =	vmul.f32 v7, v50;
	v2 =	vadd.f32 v14, v2;
	v50 =	vld [tilespmem:$0x1FEA0]  }
0x1dc: {  	v0 =	vadd.f32 v61, v0;
	v11 =	vmul.f32 v33, v32;
	v16 =	vmul.f32 v41, v40;
	[tilespmem:$0x1FEB0] =	vst v63;
	v63 =	vld [tilespmem:s31+$0xD160]  }
0x1dd: {  	v6 =	vmul.f32 v26, v6;
	v3 =	vadd.f32 v7, v3;
	v14 =	vmul.f32 v36, v35;
	v51 =	vld [tilespmem:$0x1FEB0]  }
0x1de: {  	v45 =	vld [tilespmem:s31+$0x7150];
	v8 =	vadd.f32 v11, v8;
	v11 =	vmul.f32 v39, v38;
	v2 =	vadd.f32 v16, v2  }
0x1df: {  	v55 =	vld [tilespmem:s31+$0x7160];
	v3 =	vadd.f32 v30, v3;
	v42 =	vadd.f32 v14, v10;
	v10 =	vmul.f32 v44, v43  }
0x1e0: {  	v48 =	vld [tilespmem:s31+$0xF150];
	v11 =	vadd.f32 v11, v12;
	v2 =	vadd.f32 v53, v2;
	v12 =	vmul.f32 v47, v46  }
0x1e1: {  	v58 =	vld [tilespmem:s31+$0xF160];
	v1 =	vadd.f32 v1, v3;
	v5 =	vadd.f32 v10, v5;
	v10 =	vmul.f32 v50, v49  }
0x1e2: {  	v2 =	vadd.f32 v6, v2;
	v52 =	vadd.f32 v12, v8;
	v16 =	vmul.f32 v63, v51  }
0x1e3: {  	v60 =	vmul.f32 v22, v25;
	[tilespmem:s31+$0x10100] =	vst v0;
	v5 =	vadd.f32 v54, v5;
	v0 =	vadd.f32 v10, v42  }
0x1e4: {  	v4 =	vmul.f32 v37, v34;
	[tilespmem:s31+$0x10110] =	vst v1;
	v1 =	vadd.f32 v57, v52;
	v56 =	vadd.f32 v16, v11  }
0x1e5: {  	v3 =	vmul.f32 v48, v45;
	v5 =	vadd.f32 v9, v5;
	v0 =	vadd.f32 v59, v0  }
0x1e6: {  	v62 =	vmul.f32 v58, v55;
	[tilespmem:s31+$0x10120] =	vst v2;
	v1 =	vadd.f32 v4, v1;
	v61 =	vadd.f32 v60, v56  }
0x1e7: {  	[tilespmem:s31+$0x10130] =	vst v5;
	v0 =	vadd.f32 v3, v0  }
0x1e8: {  	s28 =	sadd.s32 $0x1, s28;
	[tilespmem:s31+$0x10140] =	vst v1;
	v63 =	vadd.f32 v62, v61  }
0x1e9: {  	p0 =	sne.s32 s28, s7;
	[tilespmem:s31+$0x10150] =	vst v0  }
.Ltmp1:
0x1ea: {  	[tilespmem:s31+$0x10160] =	vst v63;
	(pc) =	sbr.rel @p0 .LBB2_1-.Ltmp1, $4  }
0x1eb: {  	[hbm4b:s6+s3] =	stream.linear.scatter [tilespmem:s26], [sflag:$0x2], $0x1000, $0x38;
	[tilespmem:$0x11100] =	vst v63  }
0x1ec: {  	_ =	swait.ge [sflag:s8], $0x1000  }
0x1ed: {  	[sflag:s8] =	ssyncset.done $0x0  }
0x1ee: {  	[sflag:s8] =	ssyncadd.s32 $0xFFFFF000  }
0x1ef: {  	_ =	sfence.sel $0x180000  }
0x1f0: {  	[bflag:$0x0] =	sbarrier.arrive $0xFFFF  }
0x1f1: {  	p0 =	sne.s32 s2, $0x0;
	_ =	strace $0x90000047  }
0x1f2: {  	s0 =	sadd.s32 @!p0 $0x100000, s0;
	[bflag:$0x2] =	sbarrier.arrive $0xFFFF  }
0x1f3: {  	[sflag:s0] =	ssyncadd.tile.s32 @!p0 $0x1;
	_ =	shalt  }
.Lfunc_end2:
_tile_overlayer_lowered:
.L_overlay_start_2:
0x1f4: {  	(tag) =	ssettag $0x2  }
0x1f5: {  	s0 =	rddreg [dreg:$0x0];
	s2 =	stileid.u32  }
0x1f6: {  	s1 =	rddreg [dreg:$0x1];
	p0 =	sne.s32 s2, $0x0  }
0x1f7: {  	s3 =	rddreg [dreg:$0x2];
	[bflag:$0x3] =	sbarrier.arrive $0xFFFF;
	s2 =	simm.s32 @!p0 $0x1C02  }
0x1f8: {  	[timem:s3], [sflag:s2] =	dma.local @!p0 [hbm:s0], s1  }
0x1f9: {  	s0 =	simm.s32 @!p0 $0x2  }
0x1fa: {  	_ =	swait.ge @!p0 [sflag:s0], s1  }
0x1fb: {  	s1 =	ssub.s32 @!p0 $0x0, s1;
	[sflag:s0] =	ssyncset.done @!p0 $0x0  }
0x1fc: {  	[sflag:s0] =	ssyncadd.s32 @!p0 s1  }
0x1fd: {  	[bflag:$0x3] =	sbarrier.arrive $0xFFFF  }
0x1fe: {  	_ =	shalt  }

</sc_bundles>
